<compile_context>
chip_gen: v7x
topology: tpu7x:2x2x1
jax: 0.10.2.dev20260603
libtpu: 0.0.44.dev20260713+nightly
codegen_flags: <defaults>
</compile_context>

<pallas_src>
import jax
import jax.numpy as jnp
from jax import lax
from jax.experimental import pallas as pl
from jax.experimental.pallas import tpu as pltpu

NUM_NODES = 50000
STEP_SIZE = 2048
N_GRAD = 1000000
GPAD = 1 << 20
N_EDGES = 1600000
TOT = N_EDGES + 2 * STEP_SIZE
LOGN = 21
SPAD = 1 << LOGN
RB = 512
NBLK = SPAD // (RB * 128)
LOGM = 16

I32 = jnp.int32
F32 = jnp.float32


def _keys_body(g_ref, key_ref, npos_ref):
    x = g_ref[...]
    b = lax.bitcast_convert_type(x, I32)
    key = b ^ jnp.bitwise_and(jnp.right_shift(b, 31), I32(0x7FFFFFFF))
    key_ref[...] = key
    cnt = jnp.sum(jnp.where(key > I32(0), F32(1.0), F32(0.0)))
    npos_ref[0, 0, 0] = cnt


def _make_keys(gpad2d):
    return pl.pallas_call(
        _keys_body,
        grid=(8,),
        in_specs=[pl.BlockSpec((128, 1024), lambda i: (i, I32(0)))],
        out_specs=[
            pl.BlockSpec((128, 1024), lambda i: (i, I32(0))),
            pl.BlockSpec((1, 1, 1), lambda i: (i, I32(0), I32(0)), memory_space=pltpu.SMEM),
        ],
        out_shape=[
            jax.ShapeDtypeStruct((1024, 1024), I32),
            jax.ShapeDtypeStruct((8, 1, 1), F32),
        ],
    )(gpad2d)



def _cmpex(key, w, amt, jbits, coord, dir_asc, axis):
    lo = jnp.bitwise_and(lax.shift_right_logical(coord, jbits), I32(1)) == I32(0)
    sz = I32(key.shape[axis])
    pm = pltpu.roll(key, sz - amt, axis=axis)
    pp = pltpu.roll(key, amt, axis=axis)
    p = jnp.where(lo, pm, pp)
    wm = pltpu.roll(w, sz - amt, axis=axis)
    wp = pltpu.roll(w, amt, axis=axis)
    pw = jnp.where(lo, wm, wp)
    take_min = lo == dir_asc
    cmp_ = (key < p) | ((key == p) & lo)
    cha = cmp_ == take_min
    return jnp.where(cha, key, p), jnp.where(cha, w, pw)


def _run_level_stages(key, w, k, jhi, dir_asc, lane, sub):
    if jhi >= 7:
        def sbody(jkw):
            j, kk, ww = jkw
            amt = lax.shift_left(I32(1), j - I32(7))
            kk, ww = _cmpex(kk, ww, amt, j - I32(7), sub, dir_asc, 0)
            return (j - I32(1), kk, ww)
        _, key, w = lax.while_loop(lambda jkw: jkw[0] >= I32(7), sbody,
                                   (I32(jhi), key, w))
    jl = min(jhi, 6)
    def lbody(jkw):
        j, kk, ww = jkw
        amt = lax.shift_left(I32(1), j)
        kk, ww = _cmpex(kk, ww, amt, j, lane, dir_asc, 1)
        return (j - I32(1), kk, ww)
    _, key, w = lax.while_loop(lambda jkw: jkw[0] >= I32(0), lbody,
                               (I32(jl), key, w))
    return key, w


def _local_sort_body(k_ref, w_ref, ok_ref, ow_ref):
    b = pl.program_id(0)
    key = k_ref[...]
    w = w_ref[...]
    shape = key.shape
    lane = lax.broadcasted_iota(I32, shape, 1)
    sub = lax.broadcasted_iota(I32, shape, 0)
    for k in range(1, LOGM + 1):
        if k <= 6:
            dirbit = jnp.bitwise_and(lax.shift_right_logical(lane, I32(k)), I32(1))
        elif k < LOGM:
            dirbit = jnp.bitwise_and(lax.shift_right_logical(sub, I32(k - 7)), I32(1))
        else:
            dirbit = jnp.broadcast_to(jnp.bitwise_and(b, I32(1)), shape)
        dir_asc = dirbit == I32(0)
        key, w = _run_level_stages(key, w, k, k - 1, dir_asc, lane, sub)
    ok_ref[...] = key
    ow_ref[...] = w


def _finish_body_factory(k):
    def _finish_body(k_ref, w_ref, ok_ref, ow_ref):
        b = pl.program_id(0)
        key = k_ref[...]
        w = w_ref[...]
        shape = key.shape
        lane = lax.broadcasted_iota(I32, shape, 1)
        sub = lax.broadcasted_iota(I32, shape, 0)
        dirbit = jnp.bitwise_and(lax.shift_right_logical(b, I32(k - LOGM)), I32(1))
        dir_asc = jnp.broadcast_to(dirbit, shape) == I32(0)
        key, w = _run_level_stages(key, w, k, 15, dir_asc, lane, sub)
        ok_ref[...] = key
        ow_ref[...] = w
    return _finish_body


def _pair_body_factory(k, j):
    def _pair_body(k_ref, w_ref, ok_ref, ow_ref):
        g = pl.program_id(0)
        a = k_ref[0, 0]
        bb = k_ref[0, 1]
        wa = w_ref[0, 0]
        wb = w_ref[0, 1]
        dirbit = jnp.bitwise_and(
            lax.shift_right_logical(g, I32(k - j - 1)), I32(1))
        dir_asc = jnp.broadcast_to(dirbit, a.shape) == I32(0)
        cha = ((a < bb) | (a == bb)) == dir_asc
        ok_ref[0, 0] = jnp.where(cha, a, bb)
        ok_ref[0, 1] = jnp.where(cha, bb, a)
        ow_ref[0, 0] = jnp.where(cha, wa, wb)
        ow_ref[0, 1] = jnp.where(cha, wb, wa)
    return _pair_body


def _bitonic_sort(key2d, w2d):
    blk = pl.BlockSpec((RB, 128), lambda i: (i, I32(0)))
    shp = [jax.ShapeDtypeStruct((SPAD // 128, 128), I32),
           jax.ShapeDtypeStruct((SPAD // 128, 128), F32)]
    key2d, w2d = pl.pallas_call(
        _local_sort_body, grid=(NBLK,),
        in_specs=[blk, blk], out_specs=[blk, blk], out_shape=shp,
    )(key2d, w2d)
    nrows = SPAD // 128
    for k in range(LOGM + 1, LOGN + 1):
        for j in range(k - 1, LOGM - 1, -1):
            db = 1 << (j - LOGM)
            half = db * RB
            G = nrows // (2 * half)
            k4 = key2d.reshape(G, 2, half, 128)
            w4 = w2d.reshape(G, 2, half, 128)
            pblk = pl.BlockSpec((1, 2, RB, 128), lambda g, i: (g, I32(0), i, I32(0)))
            k4, w4 = pl.pallas_call(
                _pair_body_factory(k, j), grid=(G, db),
                in_specs=[pblk, pblk], out_specs=[pblk, pblk],
                out_shape=[jax.ShapeDtypeStruct((G, 2, half, 128), I32),
                           jax.ShapeDtypeStruct((G, 2, half, 128), F32)],
            )(k4, w4)
            key2d = k4.reshape(nrows, 128)
            w2d = w4.reshape(nrows, 128)
        key2d, w2d = pl.pallas_call(
            _finish_body_factory(k), grid=(NBLK,),
            in_specs=[blk, blk], out_specs=[blk, blk], out_shape=shp,
        )(key2d, w2d)
    return key2d, w2d


def kernel(gradient, block_edge_index, edge_index, edge_weight, step_size):
    gpad = jnp.concatenate(
        [gradient, jnp.full((GPAD - N_GRAD,), -jnp.inf, F32)]).reshape(1024, 1024)
    keys2d, npos_part = _make_keys(gpad)
    key = keys2d.reshape(GPAD)
    n_pos = jnp.sum(npos_part).astype(jnp.int64)

    topv, topi = lax.top_k(gradient, STEP_SIZE)

    flip_ei = block_edge_index[:, topi]
    fsrc = flip_ei[0].astype(jnp.uint32)
    fdst = flip_ei[1].astype(jnp.uint32)
    fw = jnp.asarray(step_size // STEP_SIZE).astype(F32)
    esrc = edge_index[0].astype(jnp.uint32)
    edst = edge_index[1].astype(jnp.uint32)
    NN = jnp.uint32(NUM_NODES)
    ids = jnp.concatenate([esrc * NN + edst, fsrc * NN + fdst, fdst * NN + fsrc])
    w = jnp.concatenate([edge_weight.astype(F32),
                         jnp.full((2 * STEP_SIZE,), 1.0, F32) * fw])

    skey = (ids ^ jnp.uint32(0x80000000)).astype(I32)
    skey_p = jnp.concatenate(
        [skey, jnp.full((SPAD - TOT,), I32(0x7FFFFFFF))]).reshape(SPAD // 128, 128)
    w_p = jnp.concatenate(
        [w, jnp.zeros((SPAD - TOT,), F32)]).reshape(SPAD // 128, 128)
    skey_s2d, w_s2d = _bitonic_sort(skey_p, w_p)
    ids_s = (skey_s2d.reshape(SPAD).astype(jnp.uint32)
             ^ jnp.uint32(0x80000000))[:TOT]
    w_s = w_s2d.reshape(SPAD)[:TOT]

    newrun = jnp.concatenate([jnp.array([True]), ids_s[1:] != ids_s[:-1]])
    S = jnp.cumsum(w_s)
    run_id = jnp.cumsum(newrun.astype(I32)) - I32(1)
    nruns = run_id[-1] + I32(1)
    pos = jnp.arange(TOT, dtype=I32)
    run_starts = jnp.full((TOT,), TOT, I32).at[
        jnp.where(newrun, run_id, I32(TOT))].min(pos, mode='drop')
    valid = pos < nruns
    rs = jnp.where(valid, run_starts, I32(0))
    next_start = jnp.where(pos + I32(1) < nruns, jnp.roll(run_starts, -1),
                           I32(TOT))
    end_idx = jnp.where(valid, next_start - I32(1), I32(0))
    summed = jnp.where(valid, S[end_idx] - jnp.where(rs > I32(0),
                                                     S[rs - I32(1)], 0.0),
                       0.0).astype(F32)
    id_k = ids_s[rs]
    PAD = jnp.iinfo(jnp.int64).min
    rep_src = jnp.where(valid, (id_k // NUM_NODES).astype(jnp.int64), PAD)
    rep_dst = jnp.where(valid, (id_k % NUM_NODES).astype(jnp.int64), PAD)
    final_w = jnp.where(jnp.isclose(summed, 1.0), summed, 0.0)
    return final_w, rep_src, rep_dst, topv, flip_ei, n_pos

# --- scband reference (transcript-rebuilt; emitter-appended) ---
"""Pipeline reference for scband-prbcdattack-8993661518272 (READ-ONLY COPY).

The authoritative reference and input builder live on the scoring server;
editing this copy changes nothing except your own understanding.
"""

import jax
jax.config.update('jax_enable_x64', True)
import jax.numpy as jnp
import numpy as np

NUM_NODES = 50000
BLOCK_SIZE = 1000000
N_EDGES = 1600000
STEP_SIZE = 2048


def setup_inputs(seed: int = 0) -> dict:
    key = jax.random.key(seed)
    k1, k2, k3 = jax.random.split(key, 3)
    gradient = jax.random.normal(k1, (BLOCK_SIZE,), dtype=jnp.float32)
    block_edge_index = jax.random.randint(k2, (2, BLOCK_SIZE), 0, NUM_NODES, dtype=jnp.int64)
    edge_index = jax.random.randint(k3, (2, N_EDGES), 0, NUM_NODES, dtype=jnp.int64)
    edge_weight = jnp.ones((N_EDGES,), dtype=jnp.float32)
    return {
        'gradient': gradient,
        'block_edge_index': block_edge_index,
        'edge_index': edge_index,
        'edge_weight': edge_weight,
        'step_size': STEP_SIZE,
    }


def reference(gradient, block_edge_index, edge_index, edge_weight, step_size):
    # GRBCDAttack._update: greedy top-k edge flip based on gradient
    # 1) topk over block gradient
    topv, topi = jax.lax.top_k(gradient, STEP_SIZE)
    # 2) gather flipped edges from the random block
    flip_ei = block_edge_index[:, topi]
    # 3) to_undirected(reduce='mean'): add reversed copies, weights stay 1.0
    flip_ei_full = jnp.concatenate([flip_ei, flip_ei[::-1, :]], axis=1)
    flip_w_full = jnp.ones((2 * STEP_SIZE,), dtype=jnp.float32) * (step_size // STEP_SIZE)
    # 4) concat with existing graph and coalesce(reduce='sum')
    comb_ei = jnp.concatenate([edge_index, flip_ei_full], axis=1)
    comb_w = jnp.concatenate([edge_weight, flip_w_full])
    ids = comb_ei[0] * NUM_NODES + comb_ei[1]
    order = jnp.argsort(ids)
    ids_s = ids[order]
    w_s = comb_w[order]
    src_s = comb_ei[0][order]
    dst_s = comb_ei[1][order]
    new_run = jnp.concatenate([jnp.array([True]), ids_s[1:] != ids_s[:-1]])
    run_id = jnp.cumsum(new_run) - 1
    total = ids.shape[0]
    summed = jax.ops.segment_sum(w_s, run_id, num_segments=total)
    rep_src = jax.ops.segment_max(src_s, run_id, num_segments=total)
    rep_dst = jax.ops.segment_max(dst_s, run_id, num_segments=total)
    # 5) keep only edges with coalesced weight == 1 (isclose mask); padded
    #    segments have weight 0 so they are masked out too (static shapes)
    is_one = jnp.isclose(summed, 1.0)
    final_w = jnp.where(is_one, summed, 0.0)
    n_pos = jnp.sum(gradient > 0)
    return final_w, rep_src, rep_dst, topv, flip_ei, n_pos

if __name__ == "__main__":
    import jax
    _d = setup_inputs()
    print(jax.jit(kernel)(*tuple(_d.values())))

</pallas_src>

<mosaic_0001>
module attributes {stable_mosaic.version = 14 : i64} {
  func.func @_keys_body(%arg0: i32, %arg1: memref<128x1024xf32, #tpu.memory_space<vmem>>, %arg2: memref<128x1024xi32, #tpu.memory_space<vmem>>, %arg3: memref<1x1x1xf32, #tpu.memory_space<smem>>) attributes {dimension_semantics = [#tpu.dimension_semantics<arbitrary>], iteration_bounds = array<i64: 8>, scalar_prefetch = 0 : i64, scratch_operands = 0 : i64, tpu.core_type = #tpu.core_type<tc>, window_params = [{transform_indices = @transform_0, window_bounds = array<i64: 128, 1024>}, {transform_indices = @transform_1, window_bounds = array<i64: 128, 1024>}, {transform_indices = @transform_2, window_bounds = array<i64: 1, 1, 1>}]} {
    %get3A = arith.constant 0 : index
    %get3A_0 = arith.constant 0 : index
    %get3A_1 = vector.load %arg1[%get3A, %get3A_0] : memref<128x1024xf32, #tpu.memory_space<vmem>>, vector<128x1024xf32>
    %bitcast_convert_type3A = tpu.bitcast %get3A_1 : vector<128x1024xf32> -> vector<128x1024xi32>
    %shift_right_arithmetic3A = arith.constant 31 : i32
    %shift_right_arithmetic3A_2 = vector.broadcast %shift_right_arithmetic3A : i32 to vector<128x1024xi32>
    %shift_right_arithmetic3A_3 = arith.shrsi %bitcast_convert_type3A, %shift_right_arithmetic3A_2 : vector<128x1024xi32>
    %and3A = arith.constant 2147483647 : i32
    %and3A_4 = vector.broadcast %and3A : i32 to vector<128x1024xi32>
    %and3A_5 = arith.andi %shift_right_arithmetic3A_3, %and3A_4 : vector<128x1024xi32>
    %xor3A = arith.xori %bitcast_convert_type3A, %and3A_5 : vector<128x1024xi32>
    %swap3A = arith.constant 0 : index
    %swap3A_6 = arith.constant 0 : index
    %swap3A_7 = vector.load %arg2[%swap3A, %swap3A_6] : memref<128x1024xi32, #tpu.memory_space<vmem>>, vector<128x1024xi32>
    tpu.vector_store %arg2[%swap3A, %swap3A_6], %xor3A {strides = array<i32>} : memref<128x1024xi32, #tpu.memory_space<vmem>>, vector<128x1024xi32>,
    %gt3A = arith.constant 0 : i32
    %gt3A_8 = vector.broadcast %gt3A : i32 to vector<128x1024xi32>
    %gt3A_9 = arith.cmpi sgt, %xor3A, %gt3A_8 : vector<128x1024xi32>
    %jit3A = arith.constant 1.000000e+00 : f32
    %jit3A_10 = arith.constant 0.000000e+00 : f32
    %broadcast_in_dim3A = vector.broadcast %jit3A : f32 to vector<128x1024xf32>
    %broadcast_in_dim3A_11 = vector.broadcast %jit3A_10 : f32 to vector<128x1024xf32>
    %select_n3A = arith.select %gt3A_9, %broadcast_in_dim3A, %broadcast_in_dim3A_11 : vector<128x1024xi1>, vector<128x1024xf32>
    %reduce_sum3A = vector.shape_cast %select_n3A : vector<128x1024xf32> to vector<1x128x1024xf32>
    %reduce_sum3A_12 = arith.constant dense<0.000000e+00> : vector<1xf32>
    %reduce_sum3A_13 = vector.multi_reduction <add>, %reduce_sum3A, %reduce_sum3A_12 [1, 2] : vector<1x128x1024xf32> to vector<1xf32>
    %reduce_sum3A_14 = vector.shape_cast %reduce_sum3A_13 : vector<1xf32> to vector<1x1x1xf32>
    %reduce_sum3A_15 = vector.extract %reduce_sum3A_14[0, 0, 0] : f32 from vector<1x1x1xf32>
    %swap3A_16 = arith.constant 0 : index
    %swap3A_17 = arith.constant 0 : index
    %swap3A_18 = arith.constant 0 : index
    %swap3A_19 = memref.load %arg3[%swap3A_16, %swap3A_17, %swap3A_18] : memref<1x1x1xf32, #tpu.memory_space<smem>>
    memref.store %reduce_sum3A_15, %arg3[%swap3A_16, %swap3A_17, %swap3A_18] : memref<1x1x1xf32, #tpu.memory_space<smem>>
    return
  }
  func.func @transform_0(%arg0: i32) -> (i32, i32) {
    %c0_i32 = arith.constant 0 : i32
    %c0_i32_0 = arith.constant 0 : i32
    return %arg0, %c0_i32 : i32, i32
  }
  func.func @transform_1(%arg0: i32) -> (i32, i32) {
    %c0_i32 = arith.constant 0 : i32
    %c0_i32_0 = arith.constant 0 : i32
    return %arg0, %c0_i32 : i32, i32
  }
  func.func @transform_2(%arg0: i32) -> (i32, i32, i32) {
    %c0_i32 = arith.constant 0 : i32
    %c0_i32_0 = arith.constant 0 : i32
    %c0_i32_1 = arith.constant 0 : i32
    return %arg0, %c0_i32, %c0_i32_0 : i32, i32, i32
  }
}

module attributes {stable_mosaic.version = 14 : i64} {
  func.func @_local_sort_body(%arg0: i32, %arg1: memref<512x128xi32, #tpu.memory_space<vmem>>, %arg2: memref<512x128xf32, #tpu.memory_space<vmem>>, %arg3: memref<512x128xi32, #tpu.memory_space<vmem>>, %arg4: memref<512x128xf32, #tpu.memory_space<vmem>>) attributes {dimension_semantics = [#tpu.dimension_semantics<arbitrary>], iteration_bounds = array<i64: 32>, scalar_prefetch = 0 : i64, scratch_operands = 0 : i64, tpu.core_type = #tpu.core_type<tc>, window_params = [{transform_indices = @transform_0, window_bounds = array<i64: 512, 128>}, {transform_indices = @transform_1, window_bounds = array<i64: 512, 128>}, {transform_indices = @transform_2, window_bounds = array<i64: 512, 128>}, {transform_indices = @transform_3, window_bounds = array<i64: 512, 128>}]} {
    %get3A = arith.constant 0 : index
    %get3A_0 = arith.constant 0 : index
    %get3A_1 = vector.load %arg1[%get3A, %get3A_0] : memref<512x128xi32, #tpu.memory_space<vmem>>, vector<512x128xi32>
    %get3A_2 = arith.constant 0 : index
    %get3A_3 = arith.constant 0 : index
    %get3A_4 = vector.load %arg2[%get3A_2, %get3A_3] : memref<512x128xf32, #tpu.memory_space<vmem>>, vector<512x128xf32>
    %iota3A = tpu.iota {dimensions = array<i32: 1>} : vector<512x128xi32>
    %iota3A_5 = tpu.iota {dimensions = array<i32: 0>} : vector<512x128xi32>
    %shift_right_logical3A = arith.constant 1 : i32
    %shift_right_logical3A_6 = vector.broadcast %shift_right_logical3A : i32 to vector<512x128xi32>
    %shift_right_logical3A_7 = arith.shrui %iota3A, %shift_right_logical3A_6 : vector<512x128xi32>
    %and3A = arith.constant 1 : i32
    %and3A_8 = vector.broadcast %and3A : i32 to vector<512x128xi32>
    %and3A_9 = arith.andi %shift_right_logical3A_7, %and3A_8 : vector<512x128xi32>
    %eq3A = arith.constant 0 : i32
    %eq3A_10 = vector.broadcast %eq3A : i32 to vector<512x128xi32>
    %eq3A_11 = arith.cmpi eq, %and3A_9, %eq3A_10 : vector<512x128xi32>
    %while3A = arith.constant 0 : i32
    %while3A_12:3 = scf.while (%while3A_197 = %while3A, %while3A_198 = %get3A_1, %while3A_199 = %get3A_4) : (i32, vector<512x128xi32>, vector<512x128xf32>) -> (i32, vector<512x128xi32>, vector<512x128xf32>) {
      %ge3A = arith.constant 0 : i32
      %ge3A_200 = arith.cmpi sge, %while3A_197, %ge3A : i32
      scf.condition(%ge3A_200) %while3A_197, %while3A_198, %while3A_199 : i32, vector<512x128xi32>, vector<512x128xf32>
    } do {
    ^bb0(%while3A_197: i32, %while3A_198: vector<512x128xi32>, %while3A_199: vector<512x128xf32>):
      %shift_left3A = arith.constant 1 : i32
      %shift_left3A_200 = arith.shli %shift_left3A, %while3A_197 : i32
      %shift_right_logical3A_201 = vector.broadcast %while3A_197 : i32 to vector<512x128xi32>
      %shift_right_logical3A_202 = arith.shrui %iota3A, %shift_right_logical3A_201 : vector<512x128xi32>
      %and3A_203 = arith.constant 1 : i32
      %and3A_204 = vector.broadcast %and3A_203 : i32 to vector<512x128xi32>
      %and3A_205 = arith.andi %shift_right_logical3A_202, %and3A_204 : vector<512x128xi32>
      %eq3A_206 = arith.constant 0 : i32
      %eq3A_207 = vector.broadcast %eq3A_206 : i32 to vector<512x128xi32>
      %eq3A_208 = arith.cmpi eq, %and3A_205, %eq3A_207 : vector<512x128xi32>
      %sub3A = arith.constant 128 : i32
      %sub3A_209 = arith.subi %sub3A, %shift_left3A_200 : i32
      %roll3A = tpu.dynamic_rotate %while3A_198 by %sub3A_209 dim 1 : vector<512x128xi32>, i32 -> vector<512x128xi32>
      %roll3A_210 = tpu.dynamic_rotate %while3A_198 by %shift_left3A_200 dim 1 : vector<512x128xi32>, i32 -> vector<512x128xi32>
      %select_n3A = arith.select %eq3A_208, %roll3A, %roll3A_210 : vector<512x128xi1>, vector<512x128xi32>
      %sub3A_211 = arith.constant 128 : i32
      %sub3A_212 = arith.subi %sub3A_211, %shift_left3A_200 : i32
      %roll3A_213 = tpu.dynamic_rotate %while3A_199 by %sub3A_212 dim 1 : vector<512x128xf32>, i32 -> vector<512x128xf32>
      %roll3A_214 = tpu.dynamic_rotate %while3A_199 by %shift_left3A_200 dim 1 : vector<512x128xf32>, i32 -> vector<512x128xf32>
      %select_n3A_215 = arith.select %eq3A_208, %roll3A_213, %roll3A_214 : vector<512x128xi1>, vector<512x128xf32>
      %eq3A_216 = arith.xori %eq3A_208, %eq3A_11 : vector<512x128xi1>
      %eq3A_217 = arith.constant dense<true> : vector<512x128xi1>
      %eq3A_218 = arith.xori %eq3A_216, %eq3A_217 : vector<512x128xi1>
      %lt3A = arith.cmpi slt, %while3A_198, %select_n3A : vector<512x128xi32>
      %eq3A_219 = arith.cmpi eq, %while3A_198, %select_n3A : vector<512x128xi32>
      %and3A_220 = arith.andi %eq3A_219, %eq3A_208 : vector<512x128xi1>
      %or3A = arith.ori %lt3A, %and3A_220 : vector<512x128xi1>
      %eq3A_221 = arith.xori %or3A, %eq3A_218 : vector<512x128xi1>
      %eq3A_222 = arith.constant dense<true> : vector<512x128xi1>
      %eq3A_223 = arith.xori %eq3A_221, %eq3A_222 : vector<512x128xi1>
      %select_n3A_224 = arith.select %eq3A_223, %while3A_198, %select_n3A : vector<512x128xi1>, vector<512x128xi32>
      %select_n3A_225 = arith.select %eq3A_223, %while3A_199, %select_n3A_215 : vector<512x128xi1>, vector<512x128xf32>
      %sub3A_226 = arith.constant 1 : i32
      %sub3A_227 = arith.subi %while3A_197, %sub3A_226 : i32
      scf.yield %sub3A_227, %select_n3A_224, %select_n3A_225 : i32, vector<512x128xi32>, vector<512x128xf32>
    }
    %shift_right_logical3A_13 = arith.constant 2 : i32
    %shift_right_logical3A_14 = vector.broadcast %shift_right_logical3A_13 : i32 to vector<512x128xi32>
    %shift_right_logical3A_15 = arith.shrui %iota3A, %shift_right_logical3A_14 : vector<512x128xi32>
    %and3A_16 = arith.constant 1 : i32
    %and3A_17 = vector.broadcast %and3A_16 : i32 to vector<512x128xi32>
    %and3A_18 = arith.andi %shift_right_logical3A_15, %and3A_17 : vector<512x128xi32>
    %eq3A_19 = arith.constant 0 : i32
    %eq3A_20 = vector.broadcast %eq3A_19 : i32 to vector<512x128xi32>
    %eq3A_21 = arith.cmpi eq, %and3A_18, %eq3A_20 : vector<512x128xi32>
    %while3A_22 = arith.constant 1 : i32
    %while3A_23:3 = scf.while (%while3A_197 = %while3A_22, %while3A_198 = %while3A_12#1, %while3A_199 = %while3A_12#2) : (i32, vector<512x128xi32>, vector<512x128xf32>) -> (i32, vector<512x128xi32>, vector<512x128xf32>) {
      %ge3A = arith.constant 0 : i32
      %ge3A_200 = arith.cmpi sge, %while3A_197, %ge3A : i32
      scf.condition(%ge3A_200) %while3A_197, %while3A_198, %while3A_199 : i32, vector<512x128xi32>, vector<512x128xf32>
    } do {
    ^bb0(%while3A_197: i32, %while3A_198: vector<512x128xi32>, %while3A_199: vector<512x128xf32>):
      %shift_left3A = arith.constant 1 : i32
      %shift_left3A_200 = arith.shli %shift_left3A, %while3A_197 : i32
      %shift_right_logical3A_201 = vector.broadcast %while3A_197 : i32 to vector<512x128xi32>
      %shift_right_logical3A_202 = arith.shrui %iota3A, %shift_right_logical3A_201 : vector<512x128xi32>
      %and3A_203 = arith.constant 1 : i32
      %and3A_204 = vector.broadcast %and3A_203 : i32 to vector<512x128xi32>
      %and3A_205 = arith.andi %shift_right_logical3A_202, %and3A_204 : vector<512x128xi32>
      %eq3A_206 = arith.constant 0 : i32
      %eq3A_207 = vector.broadcast %eq3A_206 : i32 to vector<512x128xi32>
      %eq3A_208 = arith.cmpi eq, %and3A_205, %eq3A_207 : vector<512x128xi32>
      %sub3A = arith.constant 128 : i32
      %sub3A_209 = arith.subi %sub3A, %shift_left3A_200 : i32
      %roll3A = tpu.dynamic_rotate %while3A_198 by %sub3A_209 dim 1 : vector<512x128xi32>, i32 -> vector<512x128xi32>
      %roll3A_210 = tpu.dynamic_rotate %while3A_198 by %shift_left3A_200 dim 1 : vector<512x128xi32>, i32 -> vector<512x128xi32>
      %select_n3A = arith.select %eq3A_208, %roll3A, %roll3A_210 : vector<512x128xi1>, vector<512x128xi32>
      %sub3A_211 = arith.constant 128 : i32
      %sub3A_212 = arith.subi %sub3A_211, %shift_left3A_200 : i32
      %roll3A_213 = tpu.dynamic_rotate %while3A_199 by %sub3A_212 dim 1 : vector<512x128xf32>, i32 -> vector<512x128xf32>
      %roll3A_214 = tpu.dynamic_rotate %while3A_199 by %shift_left3A_200 dim 1 : vector<512x128xf32>, i32 -> vector<512x128xf32>
      %select_n3A_215 = arith.select %eq3A_208, %roll3A_213, %roll3A_214 : vector<512x128xi1>, vector<512x128xf32>
      %eq3A_216 = arith.xori %eq3A_208, %eq3A_21 : vector<512x128xi1>
      %eq3A_217 = arith.constant dense<true> : vector<512x128xi1>
      %eq3A_218 = arith.xori %eq3A_216, %eq3A_217 : vector<512x128xi1>
      %lt3A = arith.cmpi slt, %while3A_198, %select_n3A : vector<512x128xi32>
      %eq3A_219 = arith.cmpi eq, %while3A_198, %select_n3A : vector<512x128xi32>
      %and3A_220 = arith.andi %eq3A_219, %eq3A_208 : vector<512x128xi1>
      %or3A = arith.ori %lt3A, %and3A_220 : vector<512x128xi1>
      %eq3A_221 = arith.xori %or3A, %eq3A_218 : vector<512x128xi1>
      %eq3A_222 = arith.constant dense<true> : vector<512x128xi1>
      %eq3A_223 = arith.xori %eq3A_221, %eq3A_222 : vector<512x128xi1>
      %select_n3A_224 = arith.select %eq3A_223, %while3A_198, %select_n3A : vector<512x128xi1>, vector<512x128xi32>
      %select_n3A_225 = arith.select %eq3A_223, %while3A_199, %select_n3A_215 : vector<512x128xi1>, vector<512x128xf32>
      %sub3A_226 = arith.constant 1 : i32
      %sub3A_227 = arith.subi %while3A_197, %sub3A_226 : i32
      scf.yield %sub3A_227, %select_n3A_224, %select_n3A_225 : i32, vector<512x128xi32>, vector<512x128xf32>
    }
    %shift_right_logical3A_24 = arith.constant 3 : i32
    %shift_right_logical3A_25 = vector.broadcast %shift_right_logical3A_24 : i32 to vector<512x128xi32>
    %shift_right_logical3A_26 = arith.shrui %iota3A, %shift_right_logical3A_25 : vector<512x128xi32>
    %and3A_27 = arith.constant 1 : i32
    %and3A_28 = vector.broadcast %and3A_27 : i32 to vector<512x128xi32>
    %and3A_29 = arith.andi %shift_right_logical3A_26, %and3A_28 : vector<512x128xi32>
    %eq3A_30 = arith.constant 0 : i32
    %eq3A_31 = vector.broadcast %eq3A_30 : i32 to vector<512x128xi32>
    %eq3A_32 = arith.cmpi eq, %and3A_29, %eq3A_31 : vector<512x128xi32>
    %while3A_33 = arith.constant 2 : i32
    %while3A_34:3 = scf.while (%while3A_197 = %while3A_33, %while3A_198 = %while3A_23#1, %while3A_199 = %while3A_23#2) : (i32, vector<512x128xi32>, vector<512x128xf32>) -> (i32, vector<512x128xi32>, vector<512x128xf32>) {
      %ge3A = arith.constant 0 : i32
      %ge3A_200 = arith.cmpi sge, %while3A_197, %ge3A : i32
      scf.condition(%ge3A_200) %while3A_197, %while3A_198, %while3A_199 : i32, vector<512x128xi32>, vector<512x128xf32>
    } do {
    ^bb0(%while3A_197: i32, %while3A_198: vector<512x128xi32>, %while3A_199: vector<512x128xf32>):
      %shift_left3A = arith.constant 1 : i32
      %shift_left3A_200 = arith.shli %shift_left3A, %while3A_197 : i32
      %shift_right_logical3A_201 = vector.broadcast %while3A_197 : i32 to vector<512x128xi32>
      %shift_right_logical3A_202 = arith.shrui %iota3A, %shift_right_logical3A_201 : vector<512x128xi32>
      %and3A_203 = arith.constant 1 : i32
      %and3A_204 = vector.broadcast %and3A_203 : i32 to vector<512x128xi32>
      %and3A_205 = arith.andi %shift_right_logical3A_202, %and3A_204 : vector<512x128xi32>
      %eq3A_206 = arith.constant 0 : i32
      %eq3A_207 = vector.broadcast %eq3A_206 : i32 to vector<512x128xi32>
      %eq3A_208 = arith.cmpi eq, %and3A_205, %eq3A_207 : vector<512x128xi32>
      %sub3A = arith.constant 128 : i32
      %sub3A_209 = arith.subi %sub3A, %shift_left3A_200 : i32
      %roll3A = tpu.dynamic_rotate %while3A_198 by %sub3A_209 dim 1 : vector<512x128xi32>, i32 -> vector<512x128xi32>
      %roll3A_210 = tpu.dynamic_rotate %while3A_198 by %shift_left3A_200 dim 1 : vector<512x128xi32>, i32 -> vector<512x128xi32>
      %select_n3A = arith.select %eq3A_208, %roll3A, %roll3A_210 : vector<512x128xi1>, vector<512x128xi32>
      %sub3A_211 = arith.constant 128 : i32
      %sub3A_212 = arith.subi %sub3A_211, %shift_left3A_200 : i32
      %roll3A_213 = tpu.dynamic_rotate %while3A_199 by %sub3A_212 dim 1 : vector<512x128xf32>, i32 -> vector<512x128xf32>
      %roll3A_214 = tpu.dynamic_rotate %while3A_199 by %shift_left3A_200 dim 1 : vector<512x128xf32>, i32 -> vector<512x128xf32>
      %select_n3A_215 = arith.select %eq3A_208, %roll3A_213, %roll3A_214 : vector<512x128xi1>, vector<512x128xf32>
      %eq3A_216 = arith.xori %eq3A_208, %eq3A_32 : vector<512x128xi1>
      %eq3A_217 = arith.constant dense<true> : vector<512x128xi1>
      %eq3A_218 = arith.xori %eq3A_216, %eq3A_217 : vector<512x128xi1>
      %lt3A = arith.cmpi slt, %while3A_198, %select_n3A : vector<512x128xi32>
      %eq3A_219 = arith.cmpi eq, %while3A_198, %select_n3A : vector<512x128xi32>
      %and3A_220 = arith.andi %eq3A_219, %eq3A_208 : vector<512x128xi1>
      %or3A = arith.ori %lt3A, %and3A_220 : vector<512x128xi1>
      %eq3A_221 = arith.xori %or3A, %eq3A_218 : vector<512x128xi1>
      %eq3A_222 = arith.constant dense<true> : vector<512x128xi1>
      %eq3A_223 = arith.xori %eq3A_221, %eq3A_222 : vector<512x128xi1>
      %select_n3A_224 = arith.select %eq3A_223, %while3A_198, %select_n3A : vector<512x128xi1>, vector<512x128xi32>
      %select_n3A_225 = arith.select %eq3A_223, %while3A_199, %select_n3A_215 : vector<512x128xi1>, vector<512x128xf32>
      %sub3A_226 = arith.constant 1 : i32
      %sub3A_227 = arith.subi %while3A_197, %sub3A_226 : i32
      scf.yield %sub3A_227, %select_n3A_224, %select_n3A_225 : i32, vector<512x128xi32>, vector<512x128xf32>
    }
    %shift_right_logical3A_35 = arith.constant 4 : i32
    %shift_right_logical3A_36 = vector.broadcast %shift_right_logical3A_35 : i32 to vector<512x128xi32>
    %shift_right_logical3A_37 = arith.shrui %iota3A, %shift_right_logical3A_36 : vector<512x128xi32>
    %and3A_38 = arith.constant 1 : i32
    %and3A_39 = vector.broadcast %and3A_38 : i32 to vector<512x128xi32>
    %and3A_40 = arith.andi %shift_right_logical3A_37, %and3A_39 : vector<512x128xi32>
    %eq3A_41 = arith.constant 0 : i32
    %eq3A_42 = vector.broadcast %eq3A_41 : i32 to vector<512x128xi32>
    %eq3A_43 = arith.cmpi eq, %and3A_40, %eq3A_42 : vector<512x128xi32>
    %while3A_44 = arith.constant 3 : i32
    %while3A_45:3 = scf.while (%while3A_197 = %while3A_44, %while3A_198 = %while3A_34#1, %while3A_199 = %while3A_34#2) : (i32, vector<512x128xi32>, vector<512x128xf32>) -> (i32, vector<512x128xi32>, vector<512x128xf32>) {
      %ge3A = arith.constant 0 : i32
      %ge3A_200 = arith.cmpi sge, %while3A_197, %ge3A : i32
      scf.condition(%ge3A_200) %while3A_197, %while3A_198, %while3A_199 : i32, vector<512x128xi32>, vector<512x128xf32>
    } do {
    ^bb0(%while3A_197: i32, %while3A_198: vector<512x128xi32>, %while3A_199: vector<512x128xf32>):
      %shift_left3A = arith.constant 1 : i32
      %shift_left3A_200 = arith.shli %shift_left3A, %while3A_197 : i32
      %shift_right_logical3A_201 = vector.broadcast %while3A_197 : i32 to vector<512x128xi32>
      %shift_right_logical3A_202 = arith.shrui %iota3A, %shift_right_logical3A_201 : vector<512x128xi32>
      %and3A_203 = arith.constant 1 : i32
      %and3A_204 = vector.broadcast %and3A_203 : i32 to vector<512x128xi32>
      %and3A_205 = arith.andi %shift_right_logical3A_202, %and3A_204 : vector<512x128xi32>
      %eq3A_206 = arith.constant 0 : i32
      %eq3A_207 = vector.broadcast %eq3A_206 : i32 to vector<512x128xi32>
      %eq3A_208 = arith.cmpi eq, %and3A_205, %eq3A_207 : vector<512x128xi32>
      %sub3A = arith.constant 128 : i32
      %sub3A_209 = arith.subi %sub3A, %shift_left3A_200 : i32
      %roll3A = tpu.dynamic_rotate %while3A_198 by %sub3A_209 dim 1 : vector<512x128xi32>, i32 -> vector<512x128xi32>
      %roll3A_210 = tpu.dynamic_rotate %while3A_198 by %shift_left3A_200 dim 1 : vector<512x128xi32>, i32 -> vector<512x128xi32>
      %select_n3A = arith.select %eq3A_208, %roll3A, %roll3A_210 : vector<512x128xi1>, vector<512x128xi32>
      %sub3A_211 = arith.constant 128 : i32
      %sub3A_212 = arith.subi %sub3A_211, %shift_left3A_200 : i32
      %roll3A_213 = tpu.dynamic_rotate %while3A_199 by %sub3A_212 dim 1 : vector<512x128xf32>, i32 -> vector<512x128xf32>
      %roll3A_214 = tpu.dynamic_rotate %while3A_199 by %shift_left3A_200 dim 1 : vector<512x128xf32>, i32 -> vector<512x128xf32>
      %select_n3A_215 = arith.select %eq3A_208, %roll3A_213, %roll3A_214 : vector<512x128xi1>, vector<512x128xf32>
      %eq3A_216 = arith.xori %eq3A_208, %eq3A_43 : vector<512x128xi1>
      %eq3A_217 = arith.constant dense<true> : vector<512x128xi1>
      %eq3A_218 = arith.xori %eq3A_216, %eq3A_217 : vector<512x128xi1>
      %lt3A = arith.cmpi slt, %while3A_198, %select_n3A : vector<512x128xi32>
      %eq3A_219 = arith.cmpi eq, %while3A_198, %select_n3A : vector<512x128xi32>
      %and3A_220 = arith.andi %eq3A_219, %eq3A_208 : vector<512x128xi1>
      %or3A = arith.ori %lt3A, %and3A_220 : vector<512x128xi1>
      %eq3A_221 = arith.xori %or3A, %eq3A_218 : vector<512x128xi1>
      %eq3A_222 = arith.constant dense<true> : vector<512x128xi1>
      %eq3A_223 = arith.xori %eq3A_221, %eq3A_222 : vector<512x128xi1>
      %select_n3A_224 = arith.select %eq3A_223, %while3A_198, %select_n3A : vector<512x128xi1>, vector<512x128xi32>
      %select_n3A_225 = arith.select %eq3A_223, %while3A_199, %select_n3A_215 : vector<512x128xi1>, vector<512x128xf32>
      %sub3A_226 = arith.constant 1 : i32
      %sub3A_227 = arith.subi %while3A_197, %sub3A_226 : i32
      scf.yield %sub3A_227, %select_n3A_224, %select_n3A_225 : i32, vector<512x128xi32>, vector<512x128xf32>
    }
    %shift_right_logical3A_46 = arith.constant 5 : i32
    %shift_right_logical3A_47 = vector.broadcast %shift_right_logical3A_46 : i32 to vector<512x128xi32>
    %shift_right_logical3A_48 = arith.shrui %iota3A, %shift_right_logical3A_47 : vector<512x128xi32>
    %and3A_49 = arith.constant 1 : i32
    %and3A_50 = vector.broadcast %and3A_49 : i32 to vector<512x128xi32>
    %and3A_51 = arith.andi %shift_right_logical3A_48, %and3A_50 : vector<512x128xi32>
    %eq3A_52 = arith.constant 0 : i32
    %eq3A_53 = vector.broadcast %eq3A_52 : i32 to vector<512x128xi32>
    %eq3A_54 = arith.cmpi eq, %and3A_51, %eq3A_53 : vector<512x128xi32>
    %while3A_55 = arith.constant 4 : i32
    %while3A_56:3 = scf.while (%while3A_197 = %while3A_55, %while3A_198 = %while3A_45#1, %while3A_199 = %while3A_45#2) : (i32, vector<512x128xi32>, vector<512x128xf32>) -> (i32, vector<512x128xi32>, vector<512x128xf32>) {
      %ge3A = arith.constant 0 : i32
      %ge3A_200 = arith.cmpi sge, %while3A_197, %ge3A : i32
      scf.condition(%ge3A_200) %while3A_197, %while3A_198, %while3A_199 : i32, vector<512x128xi32>, vector<512x128xf32>
    } do {
    ^bb0(%while3A_197: i32, %while3A_198: vector<512x128xi32>, %while3A_199: vector<512x128xf32>):
      %shift_left3A = arith.constant 1 : i32
      %shift_left3A_200 = arith.shli %shift_left3A, %while3A_197 : i32
      %shift_right_logical3A_201 = vector.broadcast %while3A_197 : i32 to vector<512x128xi32>
      %shift_right_logical3A_202 = arith.shrui %iota3A, %shift_right_logical3A_201 : vector<512x128xi32>
      %and3A_203 = arith.constant 1 : i32
      %and3A_204 = vector.broadcast %and3A_203 : i32 to vector<512x128xi32>
      %and3A_205 = arith.andi %shift_right_logical3A_202, %and3A_204 : vector<512x128xi32>
      %eq3A_206 = arith.constant 0 : i32
      %eq3A_207 = vector.broadcast %eq3A_206 : i32 to vector<512x128xi32>
      %eq3A_208 = arith.cmpi eq, %and3A_205, %eq3A_207 : vector<512x128xi32>
      %sub3A = arith.constant 128 : i32
      %sub3A_209 = arith.subi %sub3A, %shift_left3A_200 : i32
      %roll3A = tpu.dynamic_rotate %while3A_198 by %sub3A_209 dim 1 : vector<512x128xi32>, i32 -> vector<512x128xi32>
      %roll3A_210 = tpu.dynamic_rotate %while3A_198 by %shift_left3A_200 dim 1 : vector<512x128xi32>, i32 -> vector<512x128xi32>
      %select_n3A = arith.select %eq3A_208, %roll3A, %roll3A_210 : vector<512x128xi1>, vector<512x128xi32>
      %sub3A_211 = arith.constant 128 : i32
      %sub3A_212 = arith.subi %sub3A_211, %shift_left3A_200 : i32
      %roll3A_213 = tpu.dynamic_rotate %while3A_199 by %sub3A_212 dim 1 : vector<512x128xf32>, i32 -> vector<512x128xf32>
      %roll3A_214 = tpu.dynamic_rotate %while3A_199 by %shift_left3A_200 dim 1 : vector<512x128xf32>, i32 -> vector<512x128xf32>
      %select_n3A_215 = arith.select %eq3A_208, %roll3A_213, %roll3A_214 : vector<512x128xi1>, vector<512x128xf32>
      %eq3A_216 = arith.xori %eq3A_208, %eq3A_54 : vector<512x128xi1>
      %eq3A_217 = arith.constant dense<true> : vector<512x128xi1>
      %eq3A_218 = arith.xori %eq3A_216, %eq3A_217 : vector<512x128xi1>
      %lt3A = arith.cmpi slt, %while3A_198, %select_n3A : vector<512x128xi32>
      %eq3A_219 = arith.cmpi eq, %while3A_198, %select_n3A : vector<512x128xi32>
      %and3A_220 = arith.andi %eq3A_219, %eq3A_208 : vector<512x128xi1>
      %or3A = arith.ori %lt3A, %and3A_220 : vector<512x128xi1>
      %eq3A_221 = arith.xori %or3A, %eq3A_218 : vector<512x128xi1>
      %eq3A_222 = arith.constant dense<true> : vector<512x128xi1>
      %eq3A_223 = arith.xori %eq3A_221, %eq3A_222 : vector<512x128xi1>
      %select_n3A_224 = arith.select %eq3A_223, %while3A_198, %select_n3A : vector<512x128xi1>, vector<512x128xi32>
      %select_n3A_225 = arith.select %eq3A_223, %while3A_199, %select_n3A_215 : vector<512x128xi1>, vector<512x128xf32>
      %sub3A_226 = arith.constant 1 : i32
      %sub3A_227 = arith.subi %while3A_197, %sub3A_226 : i32
      scf.yield %sub3A_227, %select_n3A_224, %select_n3A_225 : i32, vector<512x128xi32>, vector<512x128xf32>
    }
    %shift_right_logical3A_57 = arith.constant 6 : i32
    %shift_right_logical3A_58 = vector.broadcast %shift_right_logical3A_57 : i32 to vector<512x128xi32>
    %shift_right_logical3A_59 = arith.shrui %iota3A, %shift_right_logical3A_58 : vector<512x128xi32>
    %and3A_60 = arith.constant 1 : i32
    %and3A_61 = vector.broadcast %and3A_60 : i32 to vector<512x128xi32>
    %and3A_62 = arith.andi %shift_right_logical3A_59, %and3A_61 : vector<512x128xi32>
    %eq3A_63 = arith.constant 0 : i32
    %eq3A_64 = vector.broadcast %eq3A_63 : i32 to vector<512x128xi32>
    %eq3A_65 = arith.cmpi eq, %and3A_62, %eq3A_64 : vector<512x128xi32>
    %while3A_66 = arith.constant 5 : i32
    %while3A_67:3 = scf.while (%while3A_197 = %while3A_66, %while3A_198 = %while3A_56#1, %while3A_199 = %while3A_56#2) : (i32, vector<512x128xi32>, vector<512x128xf32>) -> (i32, vector<512x128xi32>, vector<512x128xf32>) {
      %ge3A = arith.constant 0 : i32
      %ge3A_200 = arith.cmpi sge, %while3A_197, %ge3A : i32
      scf.condition(%ge3A_200) %while3A_197, %while3A_198, %while3A_199 : i32, vector<512x128xi32>, vector<512x128xf32>
    } do {
    ^bb0(%while3A_197: i32, %while3A_198: vector<512x128xi32>, %while3A_199: vector<512x128xf32>):
      %shift_left3A = arith.constant 1 : i32
      %shift_left3A_200 = arith.shli %shift_left3A, %while3A_197 : i32
      %shift_right_logical3A_201 = vector.broadcast %while3A_197 : i32 to vector<512x128xi32>
      %shift_right_logical3A_202 = arith.shrui %iota3A, %shift_right_logical3A_201 : vector<512x128xi32>
      %and3A_203 = arith.constant 1 : i32
      %and3A_204 = vector.broadcast %and3A_203 : i32 to vector<512x128xi32>
      %and3A_205 = arith.andi %shift_right_logical3A_202, %and3A_204 : vector<512x128xi32>
      %eq3A_206 = arith.constant 0 : i32
      %eq3A_207 = vector.broadcast %eq3A_206 : i32 to vector<512x128xi32>
      %eq3A_208 = arith.cmpi eq, %and3A_205, %eq3A_207 : vector<512x128xi32>
      %sub3A = arith.constant 128 : i32
      %sub3A_209 = arith.subi %sub3A, %shift_left3A_200 : i32
      %roll3A = tpu.dynamic_rotate %while3A_198 by %sub3A_209 dim 1 : vector<512x128xi32>, i32 -> vector<512x128xi32>
      %roll3A_210 = tpu.dynamic_rotate %while3A_198 by %shift_left3A_200 dim 1 : vector<512x128xi32>, i32 -> vector<512x128xi32>
      %select_n3A = arith.select %eq3A_208, %roll3A, %roll3A_210 : vector<512x128xi1>, vector<512x128xi32>
      %sub3A_211 = arith.constant 128 : i32
      %sub3A_212 = arith.subi %sub3A_211, %shift_left3A_200 : i32
      %roll3A_213 = tpu.dynamic_rotate %while3A_199 by %sub3A_212 dim 1 : vector<512x128xf32>, i32 -> vector<512x128xf32>
      %roll3A_214 = tpu.dynamic_rotate %while3A_199 by %shift_left3A_200 dim 1 : vector<512x128xf32>, i32 -> vector<512x128xf32>
      %select_n3A_215 = arith.select %eq3A_208, %roll3A_213, %roll3A_214 : vector<512x128xi1>, vector<512x128xf32>
      %eq3A_216 = arith.xori %eq3A_208, %eq3A_65 : vector<512x128xi1>
      %eq3A_217 = arith.constant dense<true> : vector<512x128xi1>
      %eq3A_218 = arith.xori %eq3A_216, %eq3A_217 : vector<512x128xi1>
      %lt3A = arith.cmpi slt, %while3A_198, %select_n3A : vector<512x128xi32>
      %eq3A_219 = arith.cmpi eq, %while3A_198, %select_n3A : vector<512x128xi32>
      %and3A_220 = arith.andi %eq3A_219, %eq3A_208 : vector<512x128xi1>
      %or3A = arith.ori %lt3A, %and3A_220 : vector<512x128xi1>
      %eq3A_221 = arith.xori %or3A, %eq3A_218 : vector<512x128xi1>
      %eq3A_222 = arith.constant dense<true> : vector<512x128xi1>
      %eq3A_223 = arith.xori %eq3A_221, %eq3A_222 : vector<512x128xi1>
      %select_n3A_224 = arith.select %eq3A_223, %while3A_198, %select_n3A : vector<512x128xi1>, vector<512x128xi32>
      %select_n3A_225 = arith.select %eq3A_223, %while3A_199, %select_n3A_215 : vector<512x128xi1>, vector<512x128xf32>
      %sub3A_226 = arith.constant 1 : i32
      %sub3A_227 = arith.subi %while3A_197, %sub3A_226 : i32
      scf.yield %sub3A_227, %select_n3A_224, %select_n3A_225 : i32, vector<512x128xi32>, vector<512x128xf32>
    }
    %shift_right_logical3A_68 = arith.constant 0 : i32
    %shift_right_logical3A_69 = vector.broadcast %shift_right_logical3A_68 : i32 to vector<512x128xi32>
    %shift_right_logical3A_70 = arith.shrui %iota3A_5, %shift_right_logical3A_69 : vector<512x128xi32>
    %and3A_71 = arith.constant 1 : i32
    %and3A_72 = vector.broadcast %and3A_71 : i32 to vector<512x128xi32>
    %and3A_73 = arith.andi %shift_right_logical3A_70, %and3A_72 : vector<512x128xi32>
    %eq3A_74 = arith.constant 0 : i32
    %eq3A_75 = vector.broadcast %eq3A_74 : i32 to vector<512x128xi32>
    %eq3A_76 = arith.cmpi eq, %and3A_73, %eq3A_75 : vector<512x128xi32>
    %while3A_77 = arith.constant 6 : i32
    %while3A_78:3 = scf.while (%while3A_197 = %while3A_77, %while3A_198 = %while3A_67#1, %while3A_199 = %while3A_67#2) : (i32, vector<512x128xi32>, vector<512x128xf32>) -> (i32, vector<512x128xi32>, vector<512x128xf32>) {
      %ge3A = arith.constant 0 : i32
      %ge3A_200 = arith.cmpi sge, %while3A_197, %ge3A : i32
      scf.condition(%ge3A_200) %while3A_197, %while3A_198, %while3A_199 : i32, vector<512x128xi32>, vector<512x128xf32>
    } do {
    ^bb0(%while3A_197: i32, %while3A_198: vector<512x128xi32>, %while3A_199: vector<512x128xf32>):
      %shift_left3A = arith.constant 1 : i32
      %shift_left3A_200 = arith.shli %shift_left3A, %while3A_197 : i32
      %shift_right_logical3A_201 = vector.broadcast %while3A_197 : i32 to vector<512x128xi32>
      %shift_right_logical3A_202 = arith.shrui %iota3A, %shift_right_logical3A_201 : vector<512x128xi32>
      %and3A_203 = arith.constant 1 : i32
      %and3A_204 = vector.broadcast %and3A_203 : i32 to vector<512x128xi32>
      %and3A_205 = arith.andi %shift_right_logical3A_202, %and3A_204 : vector<512x128xi32>
      %eq3A_206 = arith.constant 0 : i32
      %eq3A_207 = vector.broadcast %eq3A_206 : i32 to vector<512x128xi32>
      %eq3A_208 = arith.cmpi eq, %and3A_205, %eq3A_207 : vector<512x128xi32>
      %sub3A = arith.constant 128 : i32
      %sub3A_209 = arith.subi %sub3A, %shift_left3A_200 : i32
      %roll3A = tpu.dynamic_rotate %while3A_198 by %sub3A_209 dim 1 : vector<512x128xi32>, i32 -> vector<512x128xi32>
      %roll3A_210 = tpu.dynamic_rotate %while3A_198 by %shift_left3A_200 dim 1 : vector<512x128xi32>, i32 -> vector<512x128xi32>
      %select_n3A = arith.select %eq3A_208, %roll3A, %roll3A_210 : vector<512x128xi1>, vector<512x128xi32>
      %sub3A_211 = arith.constant 128 : i32
      %sub3A_212 = arith.subi %sub3A_211, %shift_left3A_200 : i32
      %roll3A_213 = tpu.dynamic_rotate %while3A_199 by %sub3A_212 dim 1 : vector<512x128xf32>, i32 -> vector<512x128xf32>
      %roll3A_214 = tpu.dynamic_rotate %while3A_199 by %shift_left3A_200 dim 1 : vector<512x128xf32>, i32 -> vector<512x128xf32>
      %select_n3A_215 = arith.select %eq3A_208, %roll3A_213, %roll3A_214 : vector<512x128xi1>, vector<512x128xf32>
      %eq3A_216 = arith.xori %eq3A_208, %eq3A_76 : vector<512x128xi1>
      %eq3A_217 = arith.constant dense<true> : vector<512x128xi1>
      %eq3A_218 = arith.xori %eq3A_216, %eq3A_217 : vector<512x128xi1>
      %lt3A = arith.cmpi slt, %while3A_198, %select_n3A : vector<512x128xi32>
      %eq3A_219 = arith.cmpi eq, %while3A_198, %select_n3A : vector<512x128xi32>
      %and3A_220 = arith.andi %eq3A_219, %eq3A_208 : vector<512x128xi1>
      %or3A = arith.ori %lt3A, %and3A_220 : vector<512x128xi1>
      %eq3A_221 = arith.xori %or3A, %eq3A_218 : vector<512x128xi1>
      %eq3A_222 = arith.constant dense<true> : vector<512x128xi1>
      %eq3A_223 = arith.xori %eq3A_221, %eq3A_222 : vector<512x128xi1>
      %select_n3A_224 = arith.select %eq3A_223, %while3A_198, %select_n3A : vector<512x128xi1>, vector<512x128xi32>
      %select_n3A_225 = arith.select %eq3A_223, %while3A_199, %select_n3A_215 : vector<512x128xi1>, vector<512x128xf32>
      %sub3A_226 = arith.constant 1 : i32
      %sub3A_227 = arith.subi %while3A_197, %sub3A_226 : i32
      scf.yield %sub3A_227, %select_n3A_224, %select_n3A_225 : i32, vector<512x128xi32>, vector<512x128xf32>
    }
    %shift_right_logical3A_79 = arith.constant 1 : i32
    %shift_right_logical3A_80 = vector.broadcast %shift_right_logical3A_79 : i32 to vector<512x128xi32>
    %shift_right_logical3A_81 = arith.shrui %iota3A_5, %shift_right_logical3A_80 : vector<512x128xi32>
    %and3A_82 = arith.constant 1 : i32
    %and3A_83 = vector.broadcast %and3A_82 : i32 to vector<512x128xi32>
    %and3A_84 = arith.andi %shift_right_logical3A_81, %and3A_83 : vector<512x128xi32>
    %eq3A_85 = arith.constant 0 : i32
    %eq3A_86 = vector.broadcast %eq3A_85 : i32 to vector<512x128xi32>
    %eq3A_87 = arith.cmpi eq, %and3A_84, %eq3A_86 : vector<512x128xi32>
    %while3A_88 = arith.constant 7 : i32
    %while3A_89:3 = scf.while (%while3A_197 = %while3A_88, %while3A_198 = %while3A_78#1, %while3A_199 = %while3A_78#2) : (i32, vector<512x128xi32>, vector<512x128xf32>) -> (i32, vector<512x128xi32>, vector<512x128xf32>) {
      %ge3A = arith.constant 7 : i32
      %ge3A_200 = arith.cmpi sge, %while3A_197, %ge3A : i32
      scf.condition(%ge3A_200) %while3A_197, %while3A_198, %while3A_199 : i32, vector<512x128xi32>, vector<512x128xf32>
    } do {
    ^bb0(%while3A_197: i32, %while3A_198: vector<512x128xi32>, %while3A_199: vector<512x128xf32>):
      %sub3A = arith.constant 7 : i32
      %sub3A_200 = arith.subi %while3A_197, %sub3A : i32
      %shift_left3A = arith.constant 1 : i32
      %shift_left3A_201 = arith.shli %shift_left3A, %sub3A_200 : i32
      %sub3A_202 = arith.constant 7 : i32
      %sub3A_203 = arith.subi %while3A_197, %sub3A_202 : i32
      %shift_right_logical3A_204 = vector.broadcast %sub3A_203 : i32 to vector<512x128xi32>
      %shift_right_logical3A_205 = arith.shrui %iota3A_5, %shift_right_logical3A_204 : vector<512x128xi32>
      %and3A_206 = arith.constant 1 : i32
      %and3A_207 = vector.broadcast %and3A_206 : i32 to vector<512x128xi32>
      %and3A_208 = arith.andi %shift_right_logical3A_205, %and3A_207 : vector<512x128xi32>
      %eq3A_209 = arith.constant 0 : i32
      %eq3A_210 = vector.broadcast %eq3A_209 : i32 to vector<512x128xi32>
      %eq3A_211 = arith.cmpi eq, %and3A_208, %eq3A_210 : vector<512x128xi32>
      %sub3A_212 = arith.constant 512 : i32
      %sub3A_213 = arith.subi %sub3A_212, %shift_left3A_201 : i32
      %roll3A = tpu.dynamic_rotate %while3A_198 by %sub3A_213 dim 0 : vector<512x128xi32>, i32 -> vector<512x128xi32>
      %roll3A_214 = tpu.dynamic_rotate %while3A_198 by %shift_left3A_201 dim 0 : vector<512x128xi32>, i32 -> vector<512x128xi32>
      %select_n3A = arith.select %eq3A_211, %roll3A, %roll3A_214 : vector<512x128xi1>, vector<512x128xi32>
      %sub3A_215 = arith.constant 512 : i32
      %sub3A_216 = arith.subi %sub3A_215, %shift_left3A_201 : i32
      %roll3A_217 = tpu.dynamic_rotate %while3A_199 by %sub3A_216 dim 0 : vector<512x128xf32>, i32 -> vector<512x128xf32>
      %roll3A_218 = tpu.dynamic_rotate %while3A_199 by %shift_left3A_201 dim 0 : vector<512x128xf32>, i32 -> vector<512x128xf32>
      %select_n3A_219 = arith.select %eq3A_211, %roll3A_217, %roll3A_218 : vector<512x128xi1>, vector<512x128xf32>
      %eq3A_220 = arith.xori %eq3A_211, %eq3A_87 : vector<512x128xi1>
      %eq3A_221 = arith.constant dense<true> : vector<512x128xi1>
      %eq3A_222 = arith.xori %eq3A_220, %eq3A_221 : vector<512x128xi1>
      %lt3A = arith.cmpi slt, %while3A_198, %select_n3A : vector<512x128xi32>
      %eq3A_223 = arith.cmpi eq, %while3A_198, %select_n3A : vector<512x128xi32>
      %and3A_224 = arith.andi %eq3A_223, %eq3A_211 : vector<512x128xi1>
      %or3A = arith.ori %lt3A, %and3A_224 : vector<512x128xi1>
      %eq3A_225 = arith.xori %or3A, %eq3A_222 : vector<512x128xi1>
      %eq3A_226 = arith.constant dense<true> : vector<512x128xi1>
      %eq3A_227 = arith.xori %eq3A_225, %eq3A_226 : vector<512x128xi1>
      %select_n3A_228 = arith.select %eq3A_227, %while3A_198, %select_n3A : vector<512x128xi1>, vector<512x128xi32>
      %select_n3A_229 = arith.select %eq3A_227, %while3A_199, %select_n3A_219 : vector<512x128xi1>, vector<512x128xf32>
      %sub3A_230 = arith.constant 1 : i32
      %sub3A_231 = arith.subi %while3A_197, %sub3A_230 : i32
      scf.yield %sub3A_231, %select_n3A_228, %select_n3A_229 : i32, vector<512x128xi32>, vector<512x128xf32>
    }
    %while3A_90 = arith.constant 6 : i32
    %while3A_91:3 = scf.while (%while3A_197 = %while3A_90, %while3A_198 = %while3A_89#1, %while3A_199 = %while3A_89#2) : (i32, vector<512x128xi32>, vector<512x128xf32>) -> (i32, vector<512x128xi32>, vector<512x128xf32>) {
      %ge3A = arith.constant 0 : i32
      %ge3A_200 = arith.cmpi sge, %while3A_197, %ge3A : i32
      scf.condition(%ge3A_200) %while3A_197, %while3A_198, %while3A_199 : i32, vector<512x128xi32>, vector<512x128xf32>
    } do {
    ^bb0(%while3A_197: i32, %while3A_198: vector<512x128xi32>, %while3A_199: vector<512x128xf32>):
      %shift_left3A = arith.constant 1 : i32
      %shift_left3A_200 = arith.shli %shift_left3A, %while3A_197 : i32
      %shift_right_logical3A_201 = vector.broadcast %while3A_197 : i32 to vector<512x128xi32>
      %shift_right_logical3A_202 = arith.shrui %iota3A, %shift_right_logical3A_201 : vector<512x128xi32>
      %and3A_203 = arith.constant 1 : i32
      %and3A_204 = vector.broadcast %and3A_203 : i32 to vector<512x128xi32>
      %and3A_205 = arith.andi %shift_right_logical3A_202, %and3A_204 : vector<512x128xi32>
      %eq3A_206 = arith.constant 0 : i32
      %eq3A_207 = vector.broadcast %eq3A_206 : i32 to vector<512x128xi32>
      %eq3A_208 = arith.cmpi eq, %and3A_205, %eq3A_207 : vector<512x128xi32>
      %sub3A = arith.constant 128 : i32
      %sub3A_209 = arith.subi %sub3A, %shift_left3A_200 : i32
      %roll3A = tpu.dynamic_rotate %while3A_198 by %sub3A_209 dim 1 : vector<512x128xi32>, i32 -> vector<512x128xi32>
      %roll3A_210 = tpu.dynamic_rotate %while3A_198 by %shift_left3A_200 dim 1 : vector<512x128xi32>, i32 -> vector<512x128xi32>
      %select_n3A = arith.select %eq3A_208, %roll3A, %roll3A_210 : vector<512x128xi1>, vector<512x128xi32>
      %sub3A_211 = arith.constant 128 : i32
      %sub3A_212 = arith.subi %sub3A_211, %shift_left3A_200 : i32
      %roll3A_213 = tpu.dynamic_rotate %while3A_199 by %sub3A_212 dim 1 : vector<512x128xf32>, i32 -> vector<512x128xf32>
      %roll3A_214 = tpu.dynamic_rotate %while3A_199 by %shift_left3A_200 dim 1 : vector<512x128xf32>, i32 -> vector<512x128xf32>
      %select_n3A_215 = arith.select %eq3A_208, %roll3A_213, %roll3A_214 : vector<512x128xi1>, vector<512x128xf32>
      %eq3A_216 = arith.xori %eq3A_208, %eq3A_87 : vector<512x128xi1>
      %eq3A_217 = arith.constant dense<true> : vector<512x128xi1>
      %eq3A_218 = arith.xori %eq3A_216, %eq3A_217 : vector<512x128xi1>
      %lt3A = arith.cmpi slt, %while3A_198, %select_n3A : vector<512x128xi32>
      %eq3A_219 = arith.cmpi eq, %while3A_198, %select_n3A : vector<512x128xi32>
      %and3A_220 = arith.andi %eq3A_219, %eq3A_208 : vector<512x128xi1>
      %or3A = arith.ori %lt3A, %and3A_220 : vector<512x128xi1>
      %eq3A_221 = arith.xori %or3A, %eq3A_218 : vector<512x128xi1>
      %eq3A_222 = arith.constant dense<true> : vector<512x128xi1>
      %eq3A_223 = arith.xori %eq3A_221, %eq3A_222 : vector<512x128xi1>
      %select_n3A_224 = arith.select %eq3A_223, %while3A_198, %select_n3A : vector<512x128xi1>, vector<512x128xi32>
      %select_n3A_225 = arith.select %eq3A_223, %while3A_199, %select_n3A_215 : vector<512x128xi1>, vector<512x128xf32>
      %sub3A_226 = arith.constant 1 : i32
      %sub3A_227 = arith.subi %while3A_197, %sub3A_226 : i32
      scf.yield %sub3A_227, %select_n3A_224, %select_n3A_225 : i32, vector<512x128xi32>, vector<512x128xf32>
    }
    %shift_right_logical3A_92 = arith.constant 2 : i32
    %shift_right_logical3A_93 = vector.broadcast %shift_right_logical3A_92 : i32 to vector<512x128xi32>
    %shift_right_logical3A_94 = arith.shrui %iota3A_5, %shift_right_logical3A_93 : vector<512x128xi32>
    %and3A_95 = arith.constant 1 : i32
    %and3A_96 = vector.broadcast %and3A_95 : i32 to vector<512x128xi32>
    %and3A_97 = arith.andi %shift_right_logical3A_94, %and3A_96 : vector<512x128xi32>
    %eq3A_98 = arith.constant 0 : i32
    %eq3A_99 = vector.broadcast %eq3A_98 : i32 to vector<512x128xi32>
    %eq3A_100 = arith.cmpi eq, %and3A_97, %eq3A_99 : vector<512x128xi32>
    %while3A_101 = arith.constant 8 : i32
    %while3A_102:3 = scf.while (%while3A_197 = %while3A_101, %while3A_198 = %while3A_91#1, %while3A_199 = %while3A_91#2) : (i32, vector<512x128xi32>, vector<512x128xf32>) -> (i32, vector<512x128xi32>, vector<512x128xf32>) {
      %ge3A = arith.constant 7 : i32
      %ge3A_200 = arith.cmpi sge, %while3A_197, %ge3A : i32
      scf.condition(%ge3A_200) %while3A_197, %while3A_198, %while3A_199 : i32, vector<512x128xi32>, vector<512x128xf32>
    } do {
    ^bb0(%while3A_197: i32, %while3A_198: vector<512x128xi32>, %while3A_199: vector<512x128xf32>):
      %sub3A = arith.constant 7 : i32
      %sub3A_200 = arith.subi %while3A_197, %sub3A : i32
      %shift_left3A = arith.constant 1 : i32
      %shift_left3A_201 = arith.shli %shift_left3A, %sub3A_200 : i32
      %sub3A_202 = arith.constant 7 : i32
      %sub3A_203 = arith.subi %while3A_197, %sub3A_202 : i32
      %shift_right_logical3A_204 = vector.broadcast %sub3A_203 : i32 to vector<512x128xi32>
      %shift_right_logical3A_205 = arith.shrui %iota3A_5, %shift_right_logical3A_204 : vector<512x128xi32>
      %and3A_206 = arith.constant 1 : i32
      %and3A_207 = vector.broadcast %and3A_206 : i32 to vector<512x128xi32>
      %and3A_208 = arith.andi %shift_right_logical3A_205, %and3A_207 : vector<512x128xi32>
      %eq3A_209 = arith.constant 0 : i32
      %eq3A_210 = vector.broadcast %eq3A_209 : i32 to vector<512x128xi32>
      %eq3A_211 = arith.cmpi eq, %and3A_208, %eq3A_210 : vector<512x128xi32>
      %sub3A_212 = arith.constant 512 : i32
      %sub3A_213 = arith.subi %sub3A_212, %shift_left3A_201 : i32
      %roll3A = tpu.dynamic_rotate %while3A_198 by %sub3A_213 dim 0 : vector<512x128xi32>, i32 -> vector<512x128xi32>
      %roll3A_214 = tpu.dynamic_rotate %while3A_198 by %shift_left3A_201 dim 0 : vector<512x128xi32>, i32 -> vector<512x128xi32>
      %select_n3A = arith.select %eq3A_211, %roll3A, %roll3A_214 : vector<512x128xi1>, vector<512x128xi32>
      %sub3A_215 = arith.constant 512 : i32
      %sub3A_216 = arith.subi %sub3A_215, %shift_left3A_201 : i32
      %roll3A_217 = tpu.dynamic_rotate %while3A_199 by %sub3A_216 dim 0 : vector<512x128xf32>, i32 -> vector<512x128xf32>
      %roll3A_218 = tpu.dynamic_rotate %while3A_199 by %shift_left3A_201 dim 0 : vector<512x128xf32>, i32 -> vector<512x128xf32>
      %select_n3A_219 = arith.select %eq3A_211, %roll3A_217, %roll3A_218 : vector<512x128xi1>, vector<512x128xf32>
      %eq3A_220 = arith.xori %eq3A_211, %eq3A_100 : vector<512x128xi1>
      %eq3A_221 = arith.constant dense<true> : vector<512x128xi1>
      %eq3A_222 = arith.xori %eq3A_220, %eq3A_221 : vector<512x128xi1>
      %lt3A = arith.cmpi slt, %while3A_198, %select_n3A : vector<512x128xi32>
      %eq3A_223 = arith.cmpi eq, %while3A_198, %select_n3A : vector<512x128xi32>
      %and3A_224 = arith.andi %eq3A_223, %eq3A_211 : vector<512x128xi1>
      %or3A = arith.ori %lt3A, %and3A_224 : vector<512x128xi1>
      %eq3A_225 = arith.xori %or3A, %eq3A_222 : vector<512x128xi1>
      %eq3A_226 = arith.constant dense<true> : vector<512x128xi1>
      %eq3A_227 = arith.xori %eq3A_225, %eq3A_226 : vector<512x128xi1>
      %select_n3A_228 = arith.select %eq3A_227, %while3A_198, %select_n3A : vector<512x128xi1>, vector<512x128xi32>
      %select_n3A_229 = arith.select %eq3A_227, %while3A_199, %select_n3A_219 : vector<512x128xi1>, vector<512x128xf32>
      %sub3A_230 = arith.constant 1 : i32
      %sub3A_231 = arith.subi %while3A_197, %sub3A_230 : i32
      scf.yield %sub3A_231, %select_n3A_228, %select_n3A_229 : i32, vector<512x128xi32>, vector<512x128xf32>
    }
    %while3A_103 = arith.constant 6 : i32
    %while3A_104:3 = scf.while (%while3A_197 = %while3A_103, %while3A_198 = %while3A_102#1, %while3A_199 = %while3A_102#2) : (i32, vector<512x128xi32>, vector<512x128xf32>) -> (i32, vector<512x128xi32>, vector<512x128xf32>) {
      %ge3A = arith.constant 0 : i32
      %ge3A_200 = arith.cmpi sge, %while3A_197, %ge3A : i32
      scf.condition(%ge3A_200) %while3A_197, %while3A_198, %while3A_199 : i32, vector<512x128xi32>, vector<512x128xf32>
    } do {
    ^bb0(%while3A_197: i32, %while3A_198: vector<512x128xi32>, %while3A_199: vector<512x128xf32>):
      %shift_left3A = arith.constant 1 : i32
      %shift_left3A_200 = arith.shli %shift_left3A, %while3A_197 : i32
      %shift_right_logical3A_201 = vector.broadcast %while3A_197 : i32 to vector<512x128xi32>
      %shift_right_logical3A_202 = arith.shrui %iota3A, %shift_right_logical3A_201 : vector<512x128xi32>
      %and3A_203 = arith.constant 1 : i32
      %and3A_204 = vector.broadcast %and3A_203 : i32 to vector<512x128xi32>
      %and3A_205 = arith.andi %shift_right_logical3A_202, %and3A_204 : vector<512x128xi32>
      %eq3A_206 = arith.constant 0 : i32
      %eq3A_207 = vector.broadcast %eq3A_206 : i32 to vector<512x128xi32>
      %eq3A_208 = arith.cmpi eq, %and3A_205, %eq3A_207 : vector<512x128xi32>
      %sub3A = arith.constant 128 : i32
      %sub3A_209 = arith.subi %sub3A, %shift_left3A_200 : i32
      %roll3A = tpu.dynamic_rotate %while3A_198 by %sub3A_209 dim 1 : vector<512x128xi32>, i32 -> vector<512x128xi32>
      %roll3A_210 = tpu.dynamic_rotate %while3A_198 by %shift_left3A_200 dim 1 : vector<512x128xi32>, i32 -> vector<512x128xi32>
      %select_n3A = arith.select %eq3A_208, %roll3A, %roll3A_210 : vector<512x128xi1>, vector<512x128xi32>
      %sub3A_211 = arith.constant 128 : i32
      %sub3A_212 = arith.subi %sub3A_211, %shift_left3A_200 : i32
      %roll3A_213 = tpu.dynamic_rotate %while3A_199 by %sub3A_212 dim 1 : vector<512x128xf32>, i32 -> vector<512x128xf32>
      %roll3A_214 = tpu.dynamic_rotate %while3A_199 by %shift_left3A_200 dim 1 : vector<512x128xf32>, i32 -> vector<512x128xf32>
      %select_n3A_215 = arith.select %eq3A_208, %roll3A_213, %roll3A_214 : vector<512x128xi1>, vector<512x128xf32>
      %eq3A_216 = arith.xori %eq3A_208, %eq3A_100 : vector<512x128xi1>
      %eq3A_217 = arith.constant dense<true> : vector<512x128xi1>
      %eq3A_218 = arith.xori %eq3A_216, %eq3A_217 : vector<512x128xi1>
      %lt3A = arith.cmpi slt, %while3A_198, %select_n3A : vector<512x128xi32>
      %eq3A_219 = arith.cmpi eq, %while3A_198, %select_n3A : vector<512x128xi32>
      %and3A_220 = arith.andi %eq3A_219, %eq3A_208 : vector<512x128xi1>
      %or3A = arith.ori %lt3A, %and3A_220 : vector<512x128xi1>
      %eq3A_221 = arith.xori %or3A, %eq3A_218 : vector<512x128xi1>
      %eq3A_222 = arith.constant dense<true> : vector<512x128xi1>
      %eq3A_223 = arith.xori %eq3A_221, %eq3A_222 : vector<512x128xi1>
      %select_n3A_224 = arith.select %eq3A_223, %while3A_198, %select_n3A : vector<512x128xi1>, vector<512x128xi32>
      %select_n3A_225 = arith.select %eq3A_223, %while3A_199, %select_n3A_215 : vector<512x128xi1>, vector<512x128xf32>
      %sub3A_226 = arith.constant 1 : i32
      %sub3A_227 = arith.subi %while3A_197, %sub3A_226 : i32
      scf.yield %sub3A_227, %select_n3A_224, %select_n3A_225 : i32, vector<512x128xi32>, vector<512x128xf32>
    }
    %shift_right_logical3A_105 = arith.constant 3 : i32
    %shift_right_logical3A_106 = vector.broadcast %shift_right_logical3A_105 : i32 to vector<512x128xi32>
    %shift_right_logical3A_107 = arith.shrui %iota3A_5, %shift_right_logical3A_106 : vector<512x128xi32>
    %and3A_108 = arith.constant 1 : i32
    %and3A_109 = vector.broadcast %and3A_108 : i32 to vector<512x128xi32>
    %and3A_110 = arith.andi %shift_right_logical3A_107, %and3A_109 : vector<512x128xi32>
    %eq3A_111 = arith.constant 0 : i32
    %eq3A_112 = vector.broadcast %eq3A_111 : i32 to vector<512x128xi32>
    %eq3A_113 = arith.cmpi eq, %and3A_110, %eq3A_112 : vector<512x128xi32>
    %while3A_114 = arith.constant 9 : i32
    %while3A_115:3 = scf.while (%while3A_197 = %while3A_114, %while3A_198 = %while3A_104#1, %while3A_199 = %while3A_104#2) : (i32, vector<512x128xi32>, vector<512x128xf32>) -> (i32, vector<512x128xi32>, vector<512x128xf32>) {
      %ge3A = arith.constant 7 : i32
      %ge3A_200 = arith.cmpi sge, %while3A_197, %ge3A : i32
      scf.condition(%ge3A_200) %while3A_197, %while3A_198, %while3A_199 : i32, vector<512x128xi32>, vector<512x128xf32>
    } do {
    ^bb0(%while3A_197: i32, %while3A_198: vector<512x128xi32>, %while3A_199: vector<512x128xf32>):
      %sub3A = arith.constant 7 : i32
      %sub3A_200 = arith.subi %while3A_197, %sub3A : i32
      %shift_left3A = arith.constant 1 : i32
      %shift_left3A_201 = arith.shli %shift_left3A, %sub3A_200 : i32
      %sub3A_202 = arith.constant 7 : i32
      %sub3A_203 = arith.subi %while3A_197, %sub3A_202 : i32
      %shift_right_logical3A_204 = vector.broadcast %sub3A_203 : i32 to vector<512x128xi32>
      %shift_right_logical3A_205 = arith.shrui %iota3A_5, %shift_right_logical3A_204 : vector<512x128xi32>
      %and3A_206 = arith.constant 1 : i32
      %and3A_207 = vector.broadcast %and3A_206 : i32 to vector<512x128xi32>
      %and3A_208 = arith.andi %shift_right_logical3A_205, %and3A_207 : vector<512x128xi32>
      %eq3A_209 = arith.constant 0 : i32
      %eq3A_210 = vector.broadcast %eq3A_209 : i32 to vector<512x128xi32>
      %eq3A_211 = arith.cmpi eq, %and3A_208, %eq3A_210 : vector<512x128xi32>
      %sub3A_212 = arith.constant 512 : i32
      %sub3A_213 = arith.subi %sub3A_212, %shift_left3A_201 : i32
      %roll3A = tpu.dynamic_rotate %while3A_198 by %sub3A_213 dim 0 : vector<512x128xi32>, i32 -> vector<512x128xi32>
      %roll3A_214 = tpu.dynamic_rotate %while3A_198 by %shift_left3A_201 dim 0 : vector<512x128xi32>, i32 -> vector<512x128xi32>
      %select_n3A = arith.select %eq3A_211, %roll3A, %roll3A_214 : vector<512x128xi1>, vector<512x128xi32>
      %sub3A_215 = arith.constant 512 : i32
      %sub3A_216 = arith.subi %sub3A_215, %shift_left3A_201 : i32
      %roll3A_217 = tpu.dynamic_rotate %while3A_199 by %sub3A_216 dim 0 : vector<512x128xf32>, i32 -> vector<512x128xf32>
      %roll3A_218 = tpu.dynamic_rotate %while3A_199 by %shift_left3A_201 dim 0 : vector<512x128xf32>, i32 -> vector<512x128xf32>
      %select_n3A_219 = arith.select %eq3A_211, %roll3A_217, %roll3A_218 : vector<512x128xi1>, vector<512x128xf32>
      %eq3A_220 = arith.xori %eq3A_211, %eq3A_113 : vector<512x128xi1>
      %eq3A_221 = arith.constant dense<true> : vector<512x128xi1>
      %eq3A_222 = arith.xori %eq3A_220, %eq3A_221 : vector<512x128xi1>
      %lt3A = arith.cmpi slt, %while3A_198, %select_n3A : vector<512x128xi32>
      %eq3A_223 = arith.cmpi eq, %while3A_198, %select_n3A : vector<512x128xi32>
      %and3A_224 = arith.andi %eq3A_223, %eq3A_211 : vector<512x128xi1>
      %or3A = arith.ori %lt3A, %and3A_224 : vector<512x128xi1>
      %eq3A_225 = arith.xori %or3A, %eq3A_222 : vector<512x128xi1>
      %eq3A_226 = arith.constant dense<true> : vector<512x128xi1>
      %eq3A_227 = arith.xori %eq3A_225, %eq3A_226 : vector<512x128xi1>
      %select_n3A_228 = arith.select %eq3A_227, %while3A_198, %select_n3A : vector<512x128xi1>, vector<512x128xi32>
      %select_n3A_229 = arith.select %eq3A_227, %while3A_199, %select_n3A_219 : vector<512x128xi1>, vector<512x128xf32>
      %sub3A_230 = arith.constant 1 : i32
      %sub3A_231 = arith.subi %while3A_197, %sub3A_230 : i32
      scf.yield %sub3A_231, %select_n3A_228, %select_n3A_229 : i32, vector<512x128xi32>, vector<512x128xf32>
    }
    %while3A_116 = arith.constant 6 : i32
    %while3A_117:3 = scf.while (%while3A_197 = %while3A_116, %while3A_198 = %while3A_115#1, %while3A_199 = %while3A_115#2) : (i32, vector<512x128xi32>, vector<512x128xf32>) -> (i32, vector<512x128xi32>, vector<512x128xf32>) {
      %ge3A = arith.constant 0 : i32
      %ge3A_200 = arith.cmpi sge, %while3A_197, %ge3A : i32
      scf.condition(%ge3A_200) %while3A_197, %while3A_198, %while3A_199 : i32, vector<512x128xi32>, vector<512x128xf32>
    } do {
    ^bb0(%while3A_197: i32, %while3A_198: vector<512x128xi32>, %while3A_199: vector<512x128xf32>):
      %shift_left3A = arith.constant 1 : i32
      %shift_left3A_200 = arith.shli %shift_left3A, %while3A_197 : i32
      %shift_right_logical3A_201 = vector.broadcast %while3A_197 : i32 to vector<512x128xi32>
      %shift_right_logical3A_202 = arith.shrui %iota3A, %shift_right_logical3A_201 : vector<512x128xi32>
      %and3A_203 = arith.constant 1 : i32
      %and3A_204 = vector.broadcast %and3A_203 : i32 to vector<512x128xi32>
      %and3A_205 = arith.andi %shift_right_logical3A_202, %and3A_204 : vector<512x128xi32>
      %eq3A_206 = arith.constant 0 : i32
      %eq3A_207 = vector.broadcast %eq3A_206 : i32 to vector<512x128xi32>
      %eq3A_208 = arith.cmpi eq, %and3A_205, %eq3A_207 : vector<512x128xi32>
      %sub3A = arith.constant 128 : i32
      %sub3A_209 = arith.subi %sub3A, %shift_left3A_200 : i32
      %roll3A = tpu.dynamic_rotate %while3A_198 by %sub3A_209 dim 1 : vector<512x128xi32>, i32 -> vector<512x128xi32>
      %roll3A_210 = tpu.dynamic_rotate %while3A_198 by %shift_left3A_200 dim 1 : vector<512x128xi32>, i32 -> vector<512x128xi32>
      %select_n3A = arith.select %eq3A_208, %roll3A, %roll3A_210 : vector<512x128xi1>, vector<512x128xi32>
      %sub3A_211 = arith.constant 128 : i32
      %sub3A_212 = arith.subi %sub3A_211, %shift_left3A_200 : i32
      %roll3A_213 = tpu.dynamic_rotate %while3A_199 by %sub3A_212 dim 1 : vector<512x128xf32>, i32 -> vector<512x128xf32>
      %roll3A_214 = tpu.dynamic_rotate %while3A_199 by %shift_left3A_200 dim 1 : vector<512x128xf32>, i32 -> vector<512x128xf32>
      %select_n3A_215 = arith.select %eq3A_208, %roll3A_213, %roll3A_214 : vector<512x128xi1>, vector<512x128xf32>
      %eq3A_216 = arith.xori %eq3A_208, %eq3A_113 : vector<512x128xi1>
      %eq3A_217 = arith.constant dense<true> : vector<512x128xi1>
      %eq3A_218 = arith.xori %eq3A_216, %eq3A_217 : vector<512x128xi1>
      %lt3A = arith.cmpi slt, %while3A_198, %select_n3A : vector<512x128xi32>
      %eq3A_219 = arith.cmpi eq, %while3A_198, %select_n3A : vector<512x128xi32>
      %and3A_220 = arith.andi %eq3A_219, %eq3A_208 : vector<512x128xi1>
      %or3A = arith.ori %lt3A, %and3A_220 : vector<512x128xi1>
      %eq3A_221 = arith.xori %or3A, %eq3A_218 : vector<512x128xi1>
      %eq3A_222 = arith.constant dense<true> : vector<512x128xi1>
      %eq3A_223 = arith.xori %eq3A_221, %eq3A_222 : vector<512x128xi1>
      %select_n3A_224 = arith.select %eq3A_223, %while3A_198, %select_n3A : vector<512x128xi1>, vector<512x128xi32>
      %select_n3A_225 = arith.select %eq3A_223, %while3A_199, %select_n3A_215 : vector<512x128xi1>, vector<512x128xf32>
      %sub3A_226 = arith.constant 1 : i32
      %sub3A_227 = arith.subi %while3A_197, %sub3A_226 : i32
      scf.yield %sub3A_227, %select_n3A_224, %select_n3A_225 : i32, vector<512x128xi32>, vector<512x128xf32>
    }
    %shift_right_logical3A_118 = arith.constant 4 : i32
    %shift_right_logical3A_119 = vector.broadcast %shift_right_logical3A_118 : i32 to vector<512x128xi32>
    %shift_right_logical3A_120 = arith.shrui %iota3A_5, %shift_right_logical3A_119 : vector<512x128xi32>
    %and3A_121 = arith.constant 1 : i32
    %and3A_122 = vector.broadcast %and3A_121 : i32 to vector<512x128xi32>
    %and3A_123 = arith.andi %shift_right_logical3A_120, %and3A_122 : vector<512x128xi32>
    %eq3A_124 = arith.constant 0 : i32
    %eq3A_125 = vector.broadcast %eq3A_124 : i32 to vector<512x128xi32>
    %eq3A_126 = arith.cmpi eq, %and3A_123, %eq3A_125 : vector<512x128xi32>
    %while3A_127 = arith.constant 10 : i32
    %while3A_128:3 = scf.while (%while3A_197 = %while3A_127, %while3A_198 = %while3A_117#1, %while3A_199 = %while3A_117#2) : (i32, vector<512x128xi32>, vector<512x128xf32>) -> (i32, vector<512x128xi32>, vector<512x128xf32>) {
      %ge3A = arith.constant 7 : i32
      %ge3A_200 = arith.cmpi sge, %while3A_197, %ge3A : i32
      scf.condition(%ge3A_200) %while3A_197, %while3A_198, %while3A_199 : i32, vector<512x128xi32>, vector<512x128xf32>
    } do {
    ^bb0(%while3A_197: i32, %while3A_198: vector<512x128xi32>, %while3A_199: vector<512x128xf32>):
      %sub3A = arith.constant 7 : i32
      %sub3A_200 = arith.subi %while3A_197, %sub3A : i32
      %shift_left3A = arith.constant 1 : i32
      %shift_left3A_201 = arith.shli %shift_left3A, %sub3A_200 : i32
      %sub3A_202 = arith.constant 7 : i32
      %sub3A_203 = arith.subi %while3A_197, %sub3A_202 : i32
      %shift_right_logical3A_204 = vector.broadcast %sub3A_203 : i32 to vector<512x128xi32>
      %shift_right_logical3A_205 = arith.shrui %iota3A_5, %shift_right_logical3A_204 : vector<512x128xi32>
      %and3A_206 = arith.constant 1 : i32
      %and3A_207 = vector.broadcast %and3A_206 : i32 to vector<512x128xi32>
      %and3A_208 = arith.andi %shift_right_logical3A_205, %and3A_207 : vector<512x128xi32>
      %eq3A_209 = arith.constant 0 : i32
      %eq3A_210 = vector.broadcast %eq3A_209 : i32 to vector<512x128xi32>
      %eq3A_211 = arith.cmpi eq, %and3A_208, %eq3A_210 : vector<512x128xi32>
      %sub3A_212 = arith.constant 512 : i32
      %sub3A_213 = arith.subi %sub3A_212, %shift_left3A_201 : i32
      %roll3A = tpu.dynamic_rotate %while3A_198 by %sub3A_213 dim 0 : vector<512x128xi32>, i32 -> vector<512x128xi32>
      %roll3A_214 = tpu.dynamic_rotate %while3A_198 by %shift_left3A_201 dim 0 : vector<512x128xi32>, i32 -> vector<512x128xi32>
      %select_n3A = arith.select %eq3A_211, %roll3A, %roll3A_214 : vector<512x128xi1>, vector<512x128xi32>
      %sub3A_215 = arith.constant 512 : i32
      %sub3A_216 = arith.subi %sub3A_215, %shift_left3A_201 : i32
      %roll3A_217 = tpu.dynamic_rotate %while3A_199 by %sub3A_216 dim 0 : vector<512x128xf32>, i32 -> vector<512x128xf32>
      %roll3A_218 = tpu.dynamic_rotate %while3A_199 by %shift_left3A_201 dim 0 : vector<512x128xf32>, i32 -> vector<512x128xf32>
      %select_n3A_219 = arith.select %eq3A_211, %roll3A_217, %roll3A_218 : vector<512x128xi1>, vector<512x128xf32>
      %eq3A_220 = arith.xori %eq3A_211, %eq3A_126 : vector<512x128xi1>
      %eq3A_221 = arith.constant dense<true> : vector<512x128xi1>
      %eq3A_222 = arith.xori %eq3A_220, %eq3A_221 : vector<512x128xi1>
      %lt3A = arith.cmpi slt, %while3A_198, %select_n3A : vector<512x128xi32>
      %eq3A_223 = arith.cmpi eq, %while3A_198, %select_n3A : vector<512x128xi32>
      %and3A_224 = arith.andi %eq3A_223, %eq3A_211 : vector<512x128xi1>
      %or3A = arith.ori %lt3A, %and3A_224 : vector<512x128xi1>
      %eq3A_225 = arith.xori %or3A, %eq3A_222 : vector<512x128xi1>
      %eq3A_226 = arith.constant dense<true> : vector<512x128xi1>
      %eq3A_227 = arith.xori %eq3A_225, %eq3A_226 : vector<512x128xi1>
      %select_n3A_228 = arith.select %eq3A_227, %while3A_198, %select_n3A : vector<512x128xi1>, vector<512x128xi32>
      %select_n3A_229 = arith.select %eq3A_227, %while3A_199, %select_n3A_219 : vector<512x128xi1>, vector<512x128xf32>
      %sub3A_230 = arith.constant 1 : i32
      %sub3A_231 = arith.subi %while3A_197, %sub3A_230 : i32
      scf.yield %sub3A_231, %select_n3A_228, %select_n3A_229 : i32, vector<512x128xi32>, vector<512x128xf32>
    }
    %while3A_129 = arith.constant 6 : i32
    %while3A_130:3 = scf.while (%while3A_197 = %while3A_129, %while3A_198 = %while3A_128#1, %while3A_199 = %while3A_128#2) : (i32, vector<512x128xi32>, vector<512x128xf32>) -> (i32, vector<512x128xi32>, vector<512x128xf32>) {
      %ge3A = arith.constant 0 : i32
      %ge3A_200 = arith.cmpi sge, %while3A_197, %ge3A : i32
      scf.condition(%ge3A_200) %while3A_197, %while3A_198, %while3A_199 : i32, vector<512x128xi32>, vector<512x128xf32>
    } do {
    ^bb0(%while3A_197: i32, %while3A_198: vector<512x128xi32>, %while3A_199: vector<512x128xf32>):
      %shift_left3A = arith.constant 1 : i32
      %shift_left3A_200 = arith.shli %shift_left3A, %while3A_197 : i32
      %shift_right_logical3A_201 = vector.broadcast %while3A_197 : i32 to vector<512x128xi32>
      %shift_right_logical3A_202 = arith.shrui %iota3A, %shift_right_logical3A_201 : vector<512x128xi32>
      %and3A_203 = arith.constant 1 : i32
      %and3A_204 = vector.broadcast %and3A_203 : i32 to vector<512x128xi32>
      %and3A_205 = arith.andi %shift_right_logical3A_202, %and3A_204 : vector<512x128xi32>
      %eq3A_206 = arith.constant 0 : i32
      %eq3A_207 = vector.broadcast %eq3A_206 : i32 to vector<512x128xi32>
      %eq3A_208 = arith.cmpi eq, %and3A_205, %eq3A_207 : vector<512x128xi32>
      %sub3A = arith.constant 128 : i32
      %sub3A_209 = arith.subi %sub3A, %shift_left3A_200 : i32
      %roll3A = tpu.dynamic_rotate %while3A_198 by %sub3A_209 dim 1 : vector<512x128xi32>, i32 -> vector<512x128xi32>
      %roll3A_210 = tpu.dynamic_rotate %while3A_198 by %shift_left3A_200 dim 1 : vector<512x128xi32>, i32 -> vector<512x128xi32>
      %select_n3A = arith.select %eq3A_208, %roll3A, %roll3A_210 : vector<512x128xi1>, vector<512x128xi32>
      %sub3A_211 = arith.constant 128 : i32
      %sub3A_212 = arith.subi %sub3A_211, %shift_left3A_200 : i32
      %roll3A_213 = tpu.dynamic_rotate %while3A_199 by %sub3A_212 dim 1 : vector<512x128xf32>, i32 -> vector<512x128xf32>
      %roll3A_214 = tpu.dynamic_rotate %while3A_199 by %shift_left3A_200 dim 1 : vector<512x128xf32>, i32 -> vector<512x128xf32>
      %select_n3A_215 = arith.select %eq3A_208, %roll3A_213, %roll3A_214 : vector<512x128xi1>, vector<512x128xf32>
      %eq3A_216 = arith.xori %eq3A_208, %eq3A_126 : vector<512x128xi1>
      %eq3A_217 = arith.constant dense<true> : vector<512x128xi1>
      %eq3A_218 = arith.xori %eq3A_216, %eq3A_217 : vector<512x128xi1>
      %lt3A = arith.cmpi slt, %while3A_198, %select_n3A : vector<512x128xi32>
      %eq3A_219 = arith.cmpi eq, %while3A_198, %select_n3A : vector<512x128xi32>
      %and3A_220 = arith.andi %eq3A_219, %eq3A_208 : vector<512x128xi1>
      %or3A = arith.ori %lt3A, %and3A_220 : vector<512x128xi1>
      %eq3A_221 = arith.xori %or3A, %eq3A_218 : vector<512x128xi1>
      %eq3A_222 = arith.constant dense<true> : vector<512x128xi1>
      %eq3A_223 = arith.xori %eq3A_221, %eq3A_222 : vector<512x128xi1>
      %select_n3A_224 = arith.select %eq3A_223, %while3A_198, %select_n3A : vector<512x128xi1>, vector<512x128xi32>
      %select_n3A_225 = arith.select %eq3A_223, %while3A_199, %select_n3A_215 : vector<512x128xi1>, vector<512x128xf32>
      %sub3A_226 = arith.constant 1 : i32
      %sub3A_227 = arith.subi %while3A_197, %sub3A_226 : i32
      scf.yield %sub3A_227, %select_n3A_224, %select_n3A_225 : i32, vector<512x128xi32>, vector<512x128xf32>
    }
    %shift_right_logical3A_131 = arith.constant 5 : i32
    %shift_right_logical3A_132 = vector.broadcast %shift_right_logical3A_131 : i32 to vector<512x128xi32>
    %shift_right_logical3A_133 = arith.shrui %iota3A_5, %shift_right_logical3A_132 : vector<512x128xi32>
    %and3A_134 = arith.constant 1 : i32
    %and3A_135 = vector.broadcast %and3A_134 : i32 to vector<512x128xi32>
    %and3A_136 = arith.andi %shift_right_logical3A_133, %and3A_135 : vector<512x128xi32>
    %eq3A_137 = arith.constant 0 : i32
    %eq3A_138 = vector.broadcast %eq3A_137 : i32 to vector<512x128xi32>
    %eq3A_139 = arith.cmpi eq, %and3A_136, %eq3A_138 : vector<512x128xi32>
    %while3A_140 = arith.constant 11 : i32
    %while3A_141:3 = scf.while (%while3A_197 = %while3A_140, %while3A_198 = %while3A_130#1, %while3A_199 = %while3A_130#2) : (i32, vector<512x128xi32>, vector<512x128xf32>) -> (i32, vector<512x128xi32>, vector<512x128xf32>) {
      %ge3A = arith.constant 7 : i32
      %ge3A_200 = arith.cmpi sge, %while3A_197, %ge3A : i32
      scf.condition(%ge3A_200) %while3A_197, %while3A_198, %while3A_199 : i32, vector<512x128xi32>, vector<512x128xf32>
    } do {
    ^bb0(%while3A_197: i32, %while3A_198: vector<512x128xi32>, %while3A_199: vector<512x128xf32>):
      %sub3A = arith.constant 7 : i32
      %sub3A_200 = arith.subi %while3A_197, %sub3A : i32
      %shift_left3A = arith.constant 1 : i32
      %shift_left3A_201 = arith.shli %shift_left3A, %sub3A_200 : i32
      %sub3A_202 = arith.constant 7 : i32
      %sub3A_203 = arith.subi %while3A_197, %sub3A_202 : i32
      %shift_right_logical3A_204 = vector.broadcast %sub3A_203 : i32 to vector<512x128xi32>
      %shift_right_logical3A_205 = arith.shrui %iota3A_5, %shift_right_logical3A_204 : vector<512x128xi32>
      %and3A_206 = arith.constant 1 : i32
      %and3A_207 = vector.broadcast %and3A_206 : i32 to vector<512x128xi32>
      %and3A_208 = arith.andi %shift_right_logical3A_205, %and3A_207 : vector<512x128xi32>
      %eq3A_209 = arith.constant 0 : i32
      %eq3A_210 = vector.broadcast %eq3A_209 : i32 to vector<512x128xi32>
      %eq3A_211 = arith.cmpi eq, %and3A_208, %eq3A_210 : vector<512x128xi32>
      %sub3A_212 = arith.constant 512 : i32
      %sub3A_213 = arith.subi %sub3A_212, %shift_left3A_201 : i32
      %roll3A = tpu.dynamic_rotate %while3A_198 by %sub3A_213 dim 0 : vector<512x128xi32>, i32 -> vector<512x128xi32>
      %roll3A_214 = tpu.dynamic_rotate %while3A_198 by %shift_left3A_201 dim 0 : vector<512x128xi32>, i32 -> vector<512x128xi32>
      %select_n3A = arith.select %eq3A_211, %roll3A, %roll3A_214 : vector<512x128xi1>, vector<512x128xi32>
      %sub3A_215 = arith.constant 512 : i32
      %sub3A_216 = arith.subi %sub3A_215, %shift_left3A_201 : i32
      %roll3A_217 = tpu.dynamic_rotate %while3A_199 by %sub3A_216 dim 0 : vector<512x128xf32>, i32 -> vector<512x128xf32>
      %roll3A_218 = tpu.dynamic_rotate %while3A_199 by %shift_left3A_201 dim 0 : vector<512x128xf32>, i32 -> vector<512x128xf32>
      %select_n3A_219 = arith.select %eq3A_211, %roll3A_217, %roll3A_218 : vector<512x128xi1>, vector<512x128xf32>
      %eq3A_220 = arith.xori %eq3A_211, %eq3A_139 : vector<512x128xi1>
      %eq3A_221 = arith.constant dense<true> : vector<512x128xi1>
      %eq3A_222 = arith.xori %eq3A_220, %eq3A_221 : vector<512x128xi1>
      %lt3A = arith.cmpi slt, %while3A_198, %select_n3A : vector<512x128xi32>
      %eq3A_223 = arith.cmpi eq, %while3A_198, %select_n3A : vector<512x128xi32>
      %and3A_224 = arith.andi %eq3A_223, %eq3A_211 : vector<512x128xi1>
      %or3A = arith.ori %lt3A, %and3A_224 : vector<512x128xi1>
      %eq3A_225 = arith.xori %or3A, %eq3A_222 : vector<512x128xi1>
      %eq3A_226 = arith.constant dense<true> : vector<512x128xi1>
      %eq3A_227 = arith.xori %eq3A_225, %eq3A_226 : vector<512x128xi1>
      %select_n3A_228 = arith.select %eq3A_227, %while3A_198, %select_n3A : vector<512x128xi1>, vector<512x128xi32>
      %select_n3A_229 = arith.select %eq3A_227, %while3A_199, %select_n3A_219 : vector<512x128xi1>, vector<512x128xf32>
      %sub3A_230 = arith.constant 1 : i32
      %sub3A_231 = arith.subi %while3A_197, %sub3A_230 : i32
      scf.yield %sub3A_231, %select_n3A_228, %select_n3A_229 : i32, vector<512x128xi32>, vector<512x128xf32>
    }
    %while3A_142 = arith.constant 6 : i32
    %while3A_143:3 = scf.while (%while3A_197 = %while3A_142, %while3A_198 = %while3A_141#1, %while3A_199 = %while3A_141#2) : (i32, vector<512x128xi32>, vector<512x128xf32>) -> (i32, vector<512x128xi32>, vector<512x128xf32>) {
      %ge3A = arith.constant 0 : i32
      %ge3A_200 = arith.cmpi sge, %while3A_197, %ge3A : i32
      scf.condition(%ge3A_200) %while3A_197, %while3A_198, %while3A_199 : i32, vector<512x128xi32>, vector<512x128xf32>
    } do {
    ^bb0(%while3A_197: i32, %while3A_198: vector<512x128xi32>, %while3A_199: vector<512x128xf32>):
      %shift_left3A = arith.constant 1 : i32
      %shift_left3A_200 = arith.shli %shift_left3A, %while3A_197 : i32
      %shift_right_logical3A_201 = vector.broadcast %while3A_197 : i32 to vector<512x128xi32>
      %shift_right_logical3A_202 = arith.shrui %iota3A, %shift_right_logical3A_201 : vector<512x128xi32>
      %and3A_203 = arith.constant 1 : i32
      %and3A_204 = vector.broadcast %and3A_203 : i32 to vector<512x128xi32>
      %and3A_205 = arith.andi %shift_right_logical3A_202, %and3A_204 : vector<512x128xi32>
      %eq3A_206 = arith.constant 0 : i32
      %eq3A_207 = vector.broadcast %eq3A_206 : i32 to vector<512x128xi32>
      %eq3A_208 = arith.cmpi eq, %and3A_205, %eq3A_207 : vector<512x128xi32>
      %sub3A = arith.constant 128 : i32
      %sub3A_209 = arith.subi %sub3A, %shift_left3A_200 : i32
      %roll3A = tpu.dynamic_rotate %while3A_198 by %sub3A_209 dim 1 : vector<512x128xi32>, i32 -> vector<512x128xi32>
      %roll3A_210 = tpu.dynamic_rotate %while3A_198 by %shift_left3A_200 dim 1 : vector<512x128xi32>, i32 -> vector<512x128xi32>
      %select_n3A = arith.select %eq3A_208, %roll3A, %roll3A_210 : vector<512x128xi1>, vector<512x128xi32>
      %sub3A_211 = arith.constant 128 : i32
      %sub3A_212 = arith.subi %sub3A_211, %shift_left3A_200 : i32
      %roll3A_213 = tpu.dynamic_rotate %while3A_199 by %sub3A_212 dim 1 : vector<512x128xf32>, i32 -> vector<512x128xf32>
      %roll3A_214 = tpu.dynamic_rotate %while3A_199 by %shift_left3A_200 dim 1 : vector<512x128xf32>, i32 -> vector<512x128xf32>
      %select_n3A_215 = arith.select %eq3A_208, %roll3A_213, %roll3A_214 : vector<512x128xi1>, vector<512x128xf32>
      %eq3A_216 = arith.xori %eq3A_208, %eq3A_139 : vector<512x128xi1>
      %eq3A_217 = arith.constant dense<true> : vector<512x128xi1>
      %eq3A_218 = arith.xori %eq3A_216, %eq3A_217 : vector<512x128xi1>
      %lt3A = arith.cmpi slt, %while3A_198, %select_n3A : vector<512x128xi32>
      %eq3A_219 = arith.cmpi eq, %while3A_198, %select_n3A : vector<512x128xi32>
      %and3A_220 = arith.andi %eq3A_219, %eq3A_208 : vector<512x128xi1>
      %or3A = arith.ori %lt3A, %and3A_220 : vector<512x128xi1>
      %eq3A_221 = arith.xori %or3A, %eq3A_218 : vector<512x128xi1>
      %eq3A_222 = arith.constant dense<true> : vector<512x128xi1>
      %eq3A_223 = arith.xori %eq3A_221, %eq3A_222 : vector<512x128xi1>
      %select_n3A_224 = arith.select %eq3A_223, %while3A_198, %select_n3A : vector<512x128xi1>, vector<512x128xi32>
      %select_n3A_225 = arith.select %eq3A_223, %while3A_199, %select_n3A_215 : vector<512x128xi1>, vector<512x128xf32>
      %sub3A_226 = arith.constant 1 : i32
      %sub3A_227 = arith.subi %while3A_197, %sub3A_226 : i32
      scf.yield %sub3A_227, %select_n3A_224, %select_n3A_225 : i32, vector<512x128xi32>, vector<512x128xf32>
    }
    %shift_right_logical3A_144 = arith.constant 6 : i32
    %shift_right_logical3A_145 = vector.broadcast %shift_right_logical3A_144 : i32 to vector<512x128xi32>
    %shift_right_logical3A_146 = arith.shrui %iota3A_5, %shift_right_logical3A_145 : vector<512x128xi32>
    %and3A_147 = arith.constant 1 : i32
    %and3A_148 = vector.broadcast %and3A_147 : i32 to vector<512x128xi32>
    %and3A_149 = arith.andi %shift_right_logical3A_146, %and3A_148 : vector<512x128xi32>
    %eq3A_150 = arith.constant 0 : i32
    %eq3A_151 = vector.broadcast %eq3A_150 : i32 to vector<512x128xi32>
    %eq3A_152 = arith.cmpi eq, %and3A_149, %eq3A_151 : vector<512x128xi32>
    %while3A_153 = arith.constant 12 : i32
    %while3A_154:3 = scf.while (%while3A_197 = %while3A_153, %while3A_198 = %while3A_143#1, %while3A_199 = %while3A_143#2) : (i32, vector<512x128xi32>, vector<512x128xf32>) -> (i32, vector<512x128xi32>, vector<512x128xf32>) {
      %ge3A = arith.constant 7 : i32
      %ge3A_200 = arith.cmpi sge, %while3A_197, %ge3A : i32
      scf.condition(%ge3A_200) %while3A_197, %while3A_198, %while3A_199 : i32, vector<512x128xi32>, vector<512x128xf32>
    } do {
    ^bb0(%while3A_197: i32, %while3A_198: vector<512x128xi32>, %while3A_199: vector<512x128xf32>):
      %sub3A = arith.constant 7 : i32
      %sub3A_200 = arith.subi %while3A_197, %sub3A : i32
      %shift_left3A = arith.constant 1 : i32
      %shift_left3A_201 = arith.shli %shift_left3A, %sub3A_200 : i32
      %sub3A_202 = arith.constant 7 : i32
      %sub3A_203 = arith.subi %while3A_197, %sub3A_202 : i32
      %shift_right_logical3A_204 = vector.broadcast %sub3A_203 : i32 to vector<512x128xi32>
      %shift_right_logical3A_205 = arith.shrui %iota3A_5, %shift_right_logical3A_204 : vector<512x128xi32>
      %and3A_206 = arith.constant 1 : i32
      %and3A_207 = vector.broadcast %and3A_206 : i32 to vector<512x128xi32>
      %and3A_208 = arith.andi %shift_right_logical3A_205, %and3A_207 : vector<512x128xi32>
      %eq3A_209 = arith.constant 0 : i32
      %eq3A_210 = vector.broadcast %eq3A_209 : i32 to vector<512x128xi32>
      %eq3A_211 = arith.cmpi eq, %and3A_208, %eq3A_210 : vector<512x128xi32>
      %sub3A_212 = arith.constant 512 : i32
      %sub3A_213 = arith.subi %sub3A_212, %shift_left3A_201 : i32
      %roll3A = tpu.dynamic_rotate %while3A_198 by %sub3A_213 dim 0 : vector<512x128xi32>, i32 -> vector<512x128xi32>
      %roll3A_214 = tpu.dynamic_rotate %while3A_198 by %shift_left3A_201 dim 0 : vector<512x128xi32>, i32 -> vector<512x128xi32>
      %select_n3A = arith.select %eq3A_211, %roll3A, %roll3A_214 : vector<512x128xi1>, vector<512x128xi32>
      %sub3A_215 = arith.constant 512 : i32
      %sub3A_216 = arith.subi %sub3A_215, %shift_left3A_201 : i32
      %roll3A_217 = tpu.dynamic_rotate %while3A_199 by %sub3A_216 dim 0 : vector<512x128xf32>, i32 -> vector<512x128xf32>
      %roll3A_218 = tpu.dynamic_rotate %while3A_199 by %shift_left3A_201 dim 0 : vector<512x128xf32>, i32 -> vector<512x128xf32>
      %select_n3A_219 = arith.select %eq3A_211, %roll3A_217, %roll3A_218 : vector<512x128xi1>, vector<512x128xf32>
      %eq3A_220 = arith.xori %eq3A_211, %eq3A_152 : vector<512x128xi1>
      %eq3A_221 = arith.constant dense<true> : vector<512x128xi1>
      %eq3A_222 = arith.xori %eq3A_220, %eq3A_221 : vector<512x128xi1>
      %lt3A = arith.cmpi slt, %while3A_198, %select_n3A : vector<512x128xi32>
      %eq3A_223 = arith.cmpi eq, %while3A_198, %select_n3A : vector<512x128xi32>
      %and3A_224 = arith.andi %eq3A_223, %eq3A_211 : vector<512x128xi1>
      %or3A = arith.ori %lt3A, %and3A_224 : vector<512x128xi1>
      %eq3A_225 = arith.xori %or3A, %eq3A_222 : vector<512x128xi1>
      %eq3A_226 = arith.constant dense<true> : vector<512x128xi1>
      %eq3A_227 = arith.xori %eq3A_225, %eq3A_226 : vector<512x128xi1>
      %select_n3A_228 = arith.select %eq3A_227, %while3A_198, %select_n3A : vector<512x128xi1>, vector<512x128xi32>
      %select_n3A_229 = arith.select %eq3A_227, %while3A_199, %select_n3A_219 : vector<512x128xi1>, vector<512x128xf32>
      %sub3A_230 = arith.constant 1 : i32
      %sub3A_231 = arith.subi %while3A_197, %sub3A_230 : i32
      scf.yield %sub3A_231, %select_n3A_228, %select_n3A_229 : i32, vector<512x128xi32>, vector<512x128xf32>
    }
    %while3A_155 = arith.constant 6 : i32
    %while3A_156:3 = scf.while (%while3A_197 = %while3A_155, %while3A_198 = %while3A_154#1, %while3A_199 = %while3A_154#2) : (i32, vector<512x128xi32>, vector<512x128xf32>) -> (i32, vector<512x128xi32>, vector<512x128xf32>) {
      %ge3A = arith.constant 0 : i32
      %ge3A_200 = arith.cmpi sge, %while3A_197, %ge3A : i32
      scf.condition(%ge3A_200) %while3A_197, %while3A_198, %while3A_199 : i32, vector<512x128xi32>, vector<512x128xf32>
    } do {
    ^bb0(%while3A_197: i32, %while3A_198: vector<512x128xi32>, %while3A_199: vector<512x128xf32>):
      %shift_left3A = arith.constant 1 : i32
      %shift_left3A_200 = arith.shli %shift_left3A, %while3A_197 : i32
      %shift_right_logical3A_201 = vector.broadcast %while3A_197 : i32 to vector<512x128xi32>
      %shift_right_logical3A_202 = arith.shrui %iota3A, %shift_right_logical3A_201 : vector<512x128xi32>
      %and3A_203 = arith.constant 1 : i32
      %and3A_204 = vector.broadcast %and3A_203 : i32 to vector<512x128xi32>
      %and3A_205 = arith.andi %shift_right_logical3A_202, %and3A_204 : vector<512x128xi32>
      %eq3A_206 = arith.constant 0 : i32
      %eq3A_207 = vector.broadcast %eq3A_206 : i32 to vector<512x128xi32>
      %eq3A_208 = arith.cmpi eq, %and3A_205, %eq3A_207 : vector<512x128xi32>
      %sub3A = arith.constant 128 : i32
      %sub3A_209 = arith.subi %sub3A, %shift_left3A_200 : i32
      %roll3A = tpu.dynamic_rotate %while3A_198 by %sub3A_209 dim 1 : vector<512x128xi32>, i32 -> vector<512x128xi32>
      %roll3A_210 = tpu.dynamic_rotate %while3A_198 by %shift_left3A_200 dim 1 : vector<512x128xi32>, i32 -> vector<512x128xi32>
      %select_n3A = arith.select %eq3A_208, %roll3A, %roll3A_210 : vector<512x128xi1>, vector<512x128xi32>
      %sub3A_211 = arith.constant 128 : i32
      %sub3A_212 = arith.subi %sub3A_211, %shift_left3A_200 : i32
      %roll3A_213 = tpu.dynamic_rotate %while3A_199 by %sub3A_212 dim 1 : vector<512x128xf32>, i32 -> vector<512x128xf32>
      %roll3A_214 = tpu.dynamic_rotate %while3A_199 by %shift_left3A_200 dim 1 : vector<512x128xf32>, i32 -> vector<512x128xf32>
      %select_n3A_215 = arith.select %eq3A_208, %roll3A_213, %roll3A_214 : vector<512x128xi1>, vector<512x128xf32>
      %eq3A_216 = arith.xori %eq3A_208, %eq3A_152 : vector<512x128xi1>
      %eq3A_217 = arith.constant dense<true> : vector<512x128xi1>
      %eq3A_218 = arith.xori %eq3A_216, %eq3A_217 : vector<512x128xi1>
      %lt3A = arith.cmpi slt, %while3A_198, %select_n3A : vector<512x128xi32>
      %eq3A_219 = arith.cmpi eq, %while3A_198, %select_n3A : vector<512x128xi32>
      %and3A_220 = arith.andi %eq3A_219, %eq3A_208 : vector<512x128xi1>
      %or3A = arith.ori %lt3A, %and3A_220 : vector<512x128xi1>
      %eq3A_221 = arith.xori %or3A, %eq3A_218 : vector<512x128xi1>
      %eq3A_222 = arith.constant dense<true> : vector<512x128xi1>
      %eq3A_223 = arith.xori %eq3A_221, %eq3A_222 : vector<512x128xi1>
      %select_n3A_224 = arith.select %eq3A_223, %while3A_198, %select_n3A : vector<512x128xi1>, vector<512x128xi32>
      %select_n3A_225 = arith.select %eq3A_223, %while3A_199, %select_n3A_215 : vector<512x128xi1>, vector<512x128xf32>
      %sub3A_226 = arith.constant 1 : i32
      %sub3A_227 = arith.subi %while3A_197, %sub3A_226 : i32
      scf.yield %sub3A_227, %select_n3A_224, %select_n3A_225 : i32, vector<512x128xi32>, vector<512x128xf32>
    }
    %shift_right_logical3A_157 = arith.constant 7 : i32
    %shift_right_logical3A_158 = vector.broadcast %shift_right_logical3A_157 : i32 to vector<512x128xi32>
    %shift_right_logical3A_159 = arith.shrui %iota3A_5, %shift_right_logical3A_158 : vector<512x128xi32>
    %and3A_160 = arith.constant 1 : i32
    %and3A_161 = vector.broadcast %and3A_160 : i32 to vector<512x128xi32>
    %and3A_162 = arith.andi %shift_right_logical3A_159, %and3A_161 : vector<512x128xi32>
    %eq3A_163 = arith.constant 0 : i32
    %eq3A_164 = vector.broadcast %eq3A_163 : i32 to vector<512x128xi32>
    %eq3A_165 = arith.cmpi eq, %and3A_162, %eq3A_164 : vector<512x128xi32>
    %while3A_166 = arith.constant 13 : i32
    %while3A_167:3 = scf.while (%while3A_197 = %while3A_166, %while3A_198 = %while3A_156#1, %while3A_199 = %while3A_156#2) : (i32, vector<512x128xi32>, vector<512x128xf32>) -> (i32, vector<512x128xi32>, vector<512x128xf32>) {
      %ge3A = arith.constant 7 : i32
      %ge3A_200 = arith.cmpi sge, %while3A_197, %ge3A : i32
      scf.condition(%ge3A_200) %while3A_197, %while3A_198, %while3A_199 : i32, vector<512x128xi32>, vector<512x128xf32>
    } do {
    ^bb0(%while3A_197: i32, %while3A_198: vector<512x128xi32>, %while3A_199: vector<512x128xf32>):
      %sub3A = arith.constant 7 : i32
      %sub3A_200 = arith.subi %while3A_197, %sub3A : i32
      %shift_left3A = arith.constant 1 : i32
      %shift_left3A_201 = arith.shli %shift_left3A, %sub3A_200 : i32
      %sub3A_202 = arith.constant 7 : i32
      %sub3A_203 = arith.subi %while3A_197, %sub3A_202 : i32
      %shift_right_logical3A_204 = vector.broadcast %sub3A_203 : i32 to vector<512x128xi32>
      %shift_right_logical3A_205 = arith.shrui %iota3A_5, %shift_right_logical3A_204 : vector<512x128xi32>
      %and3A_206 = arith.constant 1 : i32
      %and3A_207 = vector.broadcast %and3A_206 : i32 to vector<512x128xi32>
      %and3A_208 = arith.andi %shift_right_logical3A_205, %and3A_207 : vector<512x128xi32>
      %eq3A_209 = arith.constant 0 : i32
      %eq3A_210 = vector.broadcast %eq3A_209 : i32 to vector<512x128xi32>
      %eq3A_211 = arith.cmpi eq, %and3A_208, %eq3A_210 : vector<512x128xi32>
      %sub3A_212 = arith.constant 512 : i32
      %sub3A_213 = arith.subi %sub3A_212, %shift_left3A_201 : i32
      %roll3A = tpu.dynamic_rotate %while3A_198 by %sub3A_213 dim 0 : vector<512x128xi32>, i32 -> vector<512x128xi32>
      %roll3A_214 = tpu.dynamic_rotate %while3A_198 by %shift_left3A_201 dim 0 : vector<512x128xi32>, i32 -> vector<512x128xi32>
      %select_n3A = arith.select %eq3A_211, %roll3A, %roll3A_214 : vector<512x128xi1>, vector<512x128xi32>
      %sub3A_215 = arith.constant 512 : i32
      %sub3A_216 = arith.subi %sub3A_215, %shift_left3A_201 : i32
      %roll3A_217 = tpu.dynamic_rotate %while3A_199 by %sub3A_216 dim 0 : vector<512x128xf32>, i32 -> vector<512x128xf32>
      %roll3A_218 = tpu.dynamic_rotate %while3A_199 by %shift_left3A_201 dim 0 : vector<512x128xf32>, i32 -> vector<512x128xf32>
      %select_n3A_219 = arith.select %eq3A_211, %roll3A_217, %roll3A_218 : vector<512x128xi1>, vector<512x128xf32>
      %eq3A_220 = arith.xori %eq3A_211, %eq3A_165 : vector<512x128xi1>
      %eq3A_221 = arith.constant dense<true> : vector<512x128xi1>
      %eq3A_222 = arith.xori %eq3A_220, %eq3A_221 : vector<512x128xi1>
      %lt3A = arith.cmpi slt, %while3A_198, %select_n3A : vector<512x128xi32>
      %eq3A_223 = arith.cmpi eq, %while3A_198, %select_n3A : vector<512x128xi32>
      %and3A_224 = arith.andi %eq3A_223, %eq3A_211 : vector<512x128xi1>
      %or3A = arith.ori %lt3A, %and3A_224 : vector<512x128xi1>
      %eq3A_225 = arith.xori %or3A, %eq3A_222 : vector<512x128xi1>
      %eq3A_226 = arith.constant dense<true> : vector<512x128xi1>
      %eq3A_227 = arith.xori %eq3A_225, %eq3A_226 : vector<512x128xi1>
      %select_n3A_228 = arith.select %eq3A_227, %while3A_198, %select_n3A : vector<512x128xi1>, vector<512x128xi32>
      %select_n3A_229 = arith.select %eq3A_227, %while3A_199, %select_n3A_219 : vector<512x128xi1>, vector<512x128xf32>
      %sub3A_230 = arith.constant 1 : i32
      %sub3A_231 = arith.subi %while3A_197, %sub3A_230 : i32
      scf.yield %sub3A_231, %select_n3A_228, %select_n3A_229 : i32, vector<512x128xi32>, vector<512x128xf32>
    }
    %while3A_168 = arith.constant 6 : i32
    %while3A_169:3 = scf.while (%while3A_197 = %while3A_168, %while3A_198 = %while3A_167#1, %while3A_199 = %while3A_167#2) : (i32, vector<512x128xi32>, vector<512x128xf32>) -> (i32, vector<512x128xi32>, vector<512x128xf32>) {
      %ge3A = arith.constant 0 : i32
      %ge3A_200 = arith.cmpi sge, %while3A_197, %ge3A : i32
      scf.condition(%ge3A_200) %while3A_197, %while3A_198, %while3A_199 : i32, vector<512x128xi32>, vector<512x128xf32>
    } do {
    ^bb0(%while3A_197: i32, %while3A_198: vector<512x128xi32>, %while3A_199: vector<512x128xf32>):
      %shift_left3A = arith.constant 1 : i32
      %shift_left3A_200 = arith.shli %shift_left3A, %while3A_197 : i32
      %shift_right_logical3A_201 = vector.broadcast %while3A_197 : i32 to vector<512x128xi32>
      %shift_right_logical3A_202 = arith.shrui %iota3A, %shift_right_logical3A_201 : vector<512x128xi32>
      %and3A_203 = arith.constant 1 : i32
      %and3A_204 = vector.broadcast %and3A_203 : i32 to vector<512x128xi32>
      %and3A_205 = arith.andi %shift_right_logical3A_202, %and3A_204 : vector<512x128xi32>
      %eq3A_206 = arith.constant 0 : i32
      %eq3A_207 = vector.broadcast %eq3A_206 : i32 to vector<512x128xi32>
      %eq3A_208 = arith.cmpi eq, %and3A_205, %eq3A_207 : vector<512x128xi32>
      %sub3A = arith.constant 128 : i32
      %sub3A_209 = arith.subi %sub3A, %shift_left3A_200 : i32
      %roll3A = tpu.dynamic_rotate %while3A_198 by %sub3A_209 dim 1 : vector<512x128xi32>, i32 -> vector<512x128xi32>
      %roll3A_210 = tpu.dynamic_rotate %while3A_198 by %shift_left3A_200 dim 1 : vector<512x128xi32>, i32 -> vector<512x128xi32>
      %select_n3A = arith.select %eq3A_208, %roll3A, %roll3A_210 : vector<512x128xi1>, vector<512x128xi32>
      %sub3A_211 = arith.constant 128 : i32
      %sub3A_212 = arith.subi %sub3A_211, %shift_left3A_200 : i32
      %roll3A_213 = tpu.dynamic_rotate %while3A_199 by %sub3A_212 dim 1 : vector<512x128xf32>, i32 -> vector<512x128xf32>
      %roll3A_214 = tpu.dynamic_rotate %while3A_199 by %shift_left3A_200 dim 1 : vector<512x128xf32>, i32 -> vector<512x128xf32>
      %select_n3A_215 = arith.select %eq3A_208, %roll3A_213, %roll3A_214 : vector<512x128xi1>, vector<512x128xf32>
      %eq3A_216 = arith.xori %eq3A_208, %eq3A_165 : vector<512x128xi1>
      %eq3A_217 = arith.constant dense<true> : vector<512x128xi1>
      %eq3A_218 = arith.xori %eq3A_216, %eq3A_217 : vector<512x128xi1>
      %lt3A = arith.cmpi slt, %while3A_198, %select_n3A : vector<512x128xi32>
      %eq3A_219 = arith.cmpi eq, %while3A_198, %select_n3A : vector<512x128xi32>
      %and3A_220 = arith.andi %eq3A_219, %eq3A_208 : vector<512x128xi1>
      %or3A = arith.ori %lt3A, %and3A_220 : vector<512x128xi1>
      %eq3A_221 = arith.xori %or3A, %eq3A_218 : vector<512x128xi1>
      %eq3A_222 = arith.constant dense<true> : vector<512x128xi1>
      %eq3A_223 = arith.xori %eq3A_221, %eq3A_222 : vector<512x128xi1>
      %select_n3A_224 = arith.select %eq3A_223, %while3A_198, %select_n3A : vector<512x128xi1>, vector<512x128xi32>
      %select_n3A_225 = arith.select %eq3A_223, %while3A_199, %select_n3A_215 : vector<512x128xi1>, vector<512x128xf32>
      %sub3A_226 = arith.constant 1 : i32
      %sub3A_227 = arith.subi %while3A_197, %sub3A_226 : i32
      scf.yield %sub3A_227, %select_n3A_224, %select_n3A_225 : i32, vector<512x128xi32>, vector<512x128xf32>
    }
    %shift_right_logical3A_170 = arith.constant 8 : i32
    %shift_right_logical3A_171 = vector.broadcast %shift_right_logical3A_170 : i32 to vector<512x128xi32>
    %shift_right_logical3A_172 = arith.shrui %iota3A_5, %shift_right_logical3A_171 : vector<512x128xi32>
    %and3A_173 = arith.constant 1 : i32
    %and3A_174 = vector.broadcast %and3A_173 : i32 to vector<512x128xi32>
    %and3A_175 = arith.andi %shift_right_logical3A_172, %and3A_174 : vector<512x128xi32>
    %eq3A_176 = arith.constant 0 : i32
    %eq3A_177 = vector.broadcast %eq3A_176 : i32 to vector<512x128xi32>
    %eq3A_178 = arith.cmpi eq, %and3A_175, %eq3A_177 : vector<512x128xi32>
    %while3A_179 = arith.constant 14 : i32
    %while3A_180:3 = scf.while (%while3A_197 = %while3A_179, %while3A_198 = %while3A_169#1, %while3A_199 = %while3A_169#2) : (i32, vector<512x128xi32>, vector<512x128xf32>) -> (i32, vector<512x128xi32>, vector<512x128xf32>) {
      %ge3A = arith.constant 7 : i32
      %ge3A_200 = arith.cmpi sge, %while3A_197, %ge3A : i32
      scf.condition(%ge3A_200) %while3A_197, %while3A_198, %while3A_199 : i32, vector<512x128xi32>, vector<512x128xf32>
    } do {
    ^bb0(%while3A_197: i32, %while3A_198: vector<512x128xi32>, %while3A_199: vector<512x128xf32>):
      %sub3A = arith.constant 7 : i32
      %sub3A_200 = arith.subi %while3A_197, %sub3A : i32
      %shift_left3A = arith.constant 1 : i32
      %shift_left3A_201 = arith.shli %shift_left3A, %sub3A_200 : i32
      %sub3A_202 = arith.constant 7 : i32
      %sub3A_203 = arith.subi %while3A_197, %sub3A_202 : i32
      %shift_right_logical3A_204 = vector.broadcast %sub3A_203 : i32 to vector<512x128xi32>
      %shift_right_logical3A_205 = arith.shrui %iota3A_5, %shift_right_logical3A_204 : vector<512x128xi32>
      %and3A_206 = arith.constant 1 : i32
      %and3A_207 = vector.broadcast %and3A_206 : i32 to vector<512x128xi32>
      %and3A_208 = arith.andi %shift_right_logical3A_205, %and3A_207 : vector<512x128xi32>
      %eq3A_209 = arith.constant 0 : i32
      %eq3A_210 = vector.broadcast %eq3A_209 : i32 to vector<512x128xi32>
      %eq3A_211 = arith.cmpi eq, %and3A_208, %eq3A_210 : vector<512x128xi32>
      %sub3A_212 = arith.constant 512 : i32
      %sub3A_213 = arith.subi %sub3A_212, %shift_left3A_201 : i32
      %roll3A = tpu.dynamic_rotate %while3A_198 by %sub3A_213 dim 0 : vector<512x128xi32>, i32 -> vector<512x128xi32>
      %roll3A_214 = tpu.dynamic_rotate %while3A_198 by %shift_left3A_201 dim 0 : vector<512x128xi32>, i32 -> vector<512x128xi32>
      %select_n3A = arith.select %eq3A_211, %roll3A, %roll3A_214 : vector<512x128xi1>, vector<512x128xi32>
      %sub3A_215 = arith.constant 512 : i32
      %sub3A_216 = arith.subi %sub3A_215, %shift_left3A_201 : i32
      %roll3A_217 = tpu.dynamic_rotate %while3A_199 by %sub3A_216 dim 0 : vector<512x128xf32>, i32 -> vector<512x128xf32>
      %roll3A_218 = tpu.dynamic_rotate %while3A_199 by %shift_left3A_201 dim 0 : vector<512x128xf32>, i32 -> vector<512x128xf32>
      %select_n3A_219 = arith.select %eq3A_211, %roll3A_217, %roll3A_218 : vector<512x128xi1>, vector<512x128xf32>
      %eq3A_220 = arith.xori %eq3A_211, %eq3A_178 : vector<512x128xi1>
      %eq3A_221 = arith.constant dense<true> : vector<512x128xi1>
      %eq3A_222 = arith.xori %eq3A_220, %eq3A_221 : vector<512x128xi1>
      %lt3A = arith.cmpi slt, %while3A_198, %select_n3A : vector<512x128xi32>
      %eq3A_223 = arith.cmpi eq, %while3A_198, %select_n3A : vector<512x128xi32>
      %and3A_224 = arith.andi %eq3A_223, %eq3A_211 : vector<512x128xi1>
      %or3A = arith.ori %lt3A, %and3A_224 : vector<512x128xi1>
      %eq3A_225 = arith.xori %or3A, %eq3A_222 : vector<512x128xi1>
      %eq3A_226 = arith.constant dense<true> : vector<512x128xi1>
      %eq3A_227 = arith.xori %eq3A_225, %eq3A_226 : vector<512x128xi1>
      %select_n3A_228 = arith.select %eq3A_227, %while3A_198, %select_n3A : vector<512x128xi1>, vector<512x128xi32>
      %select_n3A_229 = arith.select %eq3A_227, %while3A_199, %select_n3A_219 : vector<512x128xi1>, vector<512x128xf32>
      %sub3A_230 = arith.constant 1 : i32
      %sub3A_231 = arith.subi %while3A_197, %sub3A_230 : i32
      scf.yield %sub3A_231, %select_n3A_228, %select_n3A_229 : i32, vector<512x128xi32>, vector<512x128xf32>
    }
    %while3A_181 = arith.constant 6 : i32
    %while3A_182:3 = scf.while (%while3A_197 = %while3A_181, %while3A_198 = %while3A_180#1, %while3A_199 = %while3A_180#2) : (i32, vector<512x128xi32>, vector<512x128xf32>) -> (i32, vector<512x128xi32>, vector<512x128xf32>) {
      %ge3A = arith.constant 0 : i32
      %ge3A_200 = arith.cmpi sge, %while3A_197, %ge3A : i32
      scf.condition(%ge3A_200) %while3A_197, %while3A_198, %while3A_199 : i32, vector<512x128xi32>, vector<512x128xf32>
    } do {
    ^bb0(%while3A_197: i32, %while3A_198: vector<512x128xi32>, %while3A_199: vector<512x128xf32>):
      %shift_left3A = arith.constant 1 : i32
      %shift_left3A_200 = arith.shli %shift_left3A, %while3A_197 : i32
      %shift_right_logical3A_201 = vector.broadcast %while3A_197 : i32 to vector<512x128xi32>
      %shift_right_logical3A_202 = arith.shrui %iota3A, %shift_right_logical3A_201 : vector<512x128xi32>
      %and3A_203 = arith.constant 1 : i32
      %and3A_204 = vector.broadcast %and3A_203 : i32 to vector<512x128xi32>
      %and3A_205 = arith.andi %shift_right_logical3A_202, %and3A_204 : vector<512x128xi32>
      %eq3A_206 = arith.constant 0 : i32
      %eq3A_207 = vector.broadcast %eq3A_206 : i32 to vector<512x128xi32>
      %eq3A_208 = arith.cmpi eq, %and3A_205, %eq3A_207 : vector<512x128xi32>
      %sub3A = arith.constant 128 : i32
      %sub3A_209 = arith.subi %sub3A, %shift_left3A_200 : i32
      %roll3A = tpu.dynamic_rotate %while3A_198 by %sub3A_209 dim 1 : vector<512x128xi32>, i32 -> vector<512x128xi32>
      %roll3A_210 = tpu.dynamic_rotate %while3A_198 by %shift_left3A_200 dim 1 : vector<512x128xi32>, i32 -> vector<512x128xi32>
      %select_n3A = arith.select %eq3A_208, %roll3A, %roll3A_210 : vector<512x128xi1>, vector<512x128xi32>
      %sub3A_211 = arith.constant 128 : i32
      %sub3A_212 = arith.subi %sub3A_211, %shift_left3A_200 : i32
      %roll3A_213 = tpu.dynamic_rotate %while3A_199 by %sub3A_212 dim 1 : vector<512x128xf32>, i32 -> vector<512x128xf32>
      %roll3A_214 = tpu.dynamic_rotate %while3A_199 by %shift_left3A_200 dim 1 : vector<512x128xf32>, i32 -> vector<512x128xf32>
      %select_n3A_215 = arith.select %eq3A_208, %roll3A_213, %roll3A_214 : vector<512x128xi1>, vector<512x128xf32>
      %eq3A_216 = arith.xori %eq3A_208, %eq3A_178 : vector<512x128xi1>
      %eq3A_217 = arith.constant dense<true> : vector<512x128xi1>
      %eq3A_218 = arith.xori %eq3A_216, %eq3A_217 : vector<512x128xi1>
      %lt3A = arith.cmpi slt, %while3A_198, %select_n3A : vector<512x128xi32>
      %eq3A_219 = arith.cmpi eq, %while3A_198, %select_n3A : vector<512x128xi32>
      %and3A_220 = arith.andi %eq3A_219, %eq3A_208 : vector<512x128xi1>
      %or3A = arith.ori %lt3A, %and3A_220 : vector<512x128xi1>
      %eq3A_221 = arith.xori %or3A, %eq3A_218 : vector<512x128xi1>
      %eq3A_222 = arith.constant dense<true> : vector<512x128xi1>
      %eq3A_223 = arith.xori %eq3A_221, %eq3A_222 : vector<512x128xi1>
      %select_n3A_224 = arith.select %eq3A_223, %while3A_198, %select_n3A : vector<512x128xi1>, vector<512x128xi32>
      %select_n3A_225 = arith.select %eq3A_223, %while3A_199, %select_n3A_215 : vector<512x128xi1>, vector<512x128xf32>
      %sub3A_226 = arith.constant 1 : i32
      %sub3A_227 = arith.subi %while3A_197, %sub3A_226 : i32
      scf.yield %sub3A_227, %select_n3A_224, %select_n3A_225 : i32, vector<512x128xi32>, vector<512x128xf32>
    }
    %and3A_183 = arith.constant 1 : i32
    %and3A_184 = arith.andi %arg0, %and3A_183 : i32
    %broadcast_in_dim3A = vector.broadcast %and3A_184 : i32 to vector<512x128xi32>
    %eq3A_185 = arith.constant 0 : i32
    %eq3A_186 = vector.broadcast %eq3A_185 : i32 to vector<512x128xi32>
    %eq3A_187 = arith.cmpi eq, %broadcast_in_dim3A, %eq3A_186 : vector<512x128xi32>
    %while3A_188 = arith.constant 15 : i32
    %while3A_189:3 = scf.while (%while3A_197 = %while3A_188, %while3A_198 = %while3A_182#1, %while3A_199 = %while3A_182#2) : (i32, vector<512x128xi32>, vector<512x128xf32>) -> (i32, vector<512x128xi32>, vector<512x128xf32>) {
      %ge3A = arith.constant 7 : i32
      %ge3A_200 = arith.cmpi sge, %while3A_197, %ge3A : i32
      scf.condition(%ge3A_200) %while3A_197, %while3A_198, %while3A_199 : i32, vector<512x128xi32>, vector<512x128xf32>
    } do {
    ^bb0(%while3A_197: i32, %while3A_198: vector<512x128xi32>, %while3A_199: vector<512x128xf32>):
      %sub3A = arith.constant 7 : i32
      %sub3A_200 = arith.subi %while3A_197, %sub3A : i32
      %shift_left3A = arith.constant 1 : i32
      %shift_left3A_201 = arith.shli %shift_left3A, %sub3A_200 : i32
      %sub3A_202 = arith.constant 7 : i32
      %sub3A_203 = arith.subi %while3A_197, %sub3A_202 : i32
      %shift_right_logical3A_204 = vector.broadcast %sub3A_203 : i32 to vector<512x128xi32>
      %shift_right_logical3A_205 = arith.shrui %iota3A_5, %shift_right_logical3A_204 : vector<512x128xi32>
      %and3A_206 = arith.constant 1 : i32
      %and3A_207 = vector.broadcast %and3A_206 : i32 to vector<512x128xi32>
      %and3A_208 = arith.andi %shift_right_logical3A_205, %and3A_207 : vector<512x128xi32>
      %eq3A_209 = arith.constant 0 : i32
      %eq3A_210 = vector.broadcast %eq3A_209 : i32 to vector<512x128xi32>
      %eq3A_211 = arith.cmpi eq, %and3A_208, %eq3A_210 : vector<512x128xi32>
      %sub3A_212 = arith.constant 512 : i32
      %sub3A_213 = arith.subi %sub3A_212, %shift_left3A_201 : i32
      %roll3A = tpu.dynamic_rotate %while3A_198 by %sub3A_213 dim 0 : vector<512x128xi32>, i32 -> vector<512x128xi32>
      %roll3A_214 = tpu.dynamic_rotate %while3A_198 by %shift_left3A_201 dim 0 : vector<512x128xi32>, i32 -> vector<512x128xi32>
      %select_n3A = arith.select %eq3A_211, %roll3A, %roll3A_214 : vector<512x128xi1>, vector<512x128xi32>
      %sub3A_215 = arith.constant 512 : i32
      %sub3A_216 = arith.subi %sub3A_215, %shift_left3A_201 : i32
      %roll3A_217 = tpu.dynamic_rotate %while3A_199 by %sub3A_216 dim 0 : vector<512x128xf32>, i32 -> vector<512x128xf32>
      %roll3A_218 = tpu.dynamic_rotate %while3A_199 by %shift_left3A_201 dim 0 : vector<512x128xf32>, i32 -> vector<512x128xf32>
      %select_n3A_219 = arith.select %eq3A_211, %roll3A_217, %roll3A_218 : vector<512x128xi1>, vector<512x128xf32>
      %eq3A_220 = arith.xori %eq3A_211, %eq3A_187 : vector<512x128xi1>
      %eq3A_221 = arith.constant dense<true> : vector<512x128xi1>
      %eq3A_222 = arith.xori %eq3A_220, %eq3A_221 : vector<512x128xi1>
      %lt3A = arith.cmpi slt, %while3A_198, %select_n3A : vector<512x128xi32>
      %eq3A_223 = arith.cmpi eq, %while3A_198, %select_n3A : vector<512x128xi32>
      %and3A_224 = arith.andi %eq3A_223, %eq3A_211 : vector<512x128xi1>
      %or3A = arith.ori %lt3A, %and3A_224 : vector<512x128xi1>
      %eq3A_225 = arith.xori %or3A, %eq3A_222 : vector<512x128xi1>
      %eq3A_226 = arith.constant dense<true> : vector<512x128xi1>
      %eq3A_227 = arith.xori %eq3A_225, %eq3A_226 : vector<512x128xi1>
      %select_n3A_228 = arith.select %eq3A_227, %while3A_198, %select_n3A : vector<512x128xi1>, vector<512x128xi32>
      %select_n3A_229 = arith.select %eq3A_227, %while3A_199, %select_n3A_219 : vector<512x128xi1>, vector<512x128xf32>
      %sub3A_230 = arith.constant 1 : i32
      %sub3A_231 = arith.subi %while3A_197, %sub3A_230 : i32
      scf.yield %sub3A_231, %select_n3A_228, %select_n3A_229 : i32, vector<512x128xi32>, vector<512x128xf32>
    }
    %while3A_190 = arith.constant 6 : i32
    %while3A_191:3 = scf.while (%while3A_197 = %while3A_190, %while3A_198 = %while3A_189#1, %while3A_199 = %while3A_189#2) : (i32, vector<512x128xi32>, vector<512x128xf32>) -> (i32, vector<512x128xi32>, vector<512x128xf32>) {
      %ge3A = arith.constant 0 : i32
      %ge3A_200 = arith.cmpi sge, %while3A_197, %ge3A : i32
      scf.condition(%ge3A_200) %while3A_197, %while3A_198, %while3A_199 : i32, vector<512x128xi32>, vector<512x128xf32>
    } do {
    ^bb0(%while3A_197: i32, %while3A_198: vector<512x128xi32>, %while3A_199: vector<512x128xf32>):
      %shift_left3A = arith.constant 1 : i32
      %shift_left3A_200 = arith.shli %shift_left3A, %while3A_197 : i32
      %shift_right_logical3A_201 = vector.broadcast %while3A_197 : i32 to vector<512x128xi32>
      %shift_right_logical3A_202 = arith.shrui %iota3A, %shift_right_logical3A_201 : vector<512x128xi32>
      %and3A_203 = arith.constant 1 : i32
      %and3A_204 = vector.broadcast %and3A_203 : i32 to vector<512x128xi32>
      %and3A_205 = arith.andi %shift_right_logical3A_202, %and3A_204 : vector<512x128xi32>
      %eq3A_206 = arith.constant 0 : i32
      %eq3A_207 = vector.broadcast %eq3A_206 : i32 to vector<512x128xi32>
      %eq3A_208 = arith.cmpi eq, %and3A_205, %eq3A_207 : vector<512x128xi32>
      %sub3A = arith.constant 128 : i32
      %sub3A_209 = arith.subi %sub3A, %shift_left3A_200 : i32
      %roll3A = tpu.dynamic_rotate %while3A_198 by %sub3A_209 dim 1 : vector<512x128xi32>, i32 -> vector<512x128xi32>
      %roll3A_210 = tpu.dynamic_rotate %while3A_198 by %shift_left3A_200 dim 1 : vector<512x128xi32>, i32 -> vector<512x128xi32>
      %select_n3A = arith.select %eq3A_208, %roll3A, %roll3A_210 : vector<512x128xi1>, vector<512x128xi32>
      %sub3A_211 = arith.constant 128 : i32
      %sub3A_212 = arith.subi %sub3A_211, %shift_left3A_200 : i32
      %roll3A_213 = tpu.dynamic_rotate %while3A_199 by %sub3A_212 dim 1 : vector<512x128xf32>, i32 -> vector<512x128xf32>
      %roll3A_214 = tpu.dynamic_rotate %while3A_199 by %shift_left3A_200 dim 1 : vector<512x128xf32>, i32 -> vector<512x128xf32>
      %select_n3A_215 = arith.select %eq3A_208, %roll3A_213, %roll3A_214 : vector<512x128xi1>, vector<512x128xf32>
      %eq3A_216 = arith.xori %eq3A_208, %eq3A_187 : vector<512x128xi1>
      %eq3A_217 = arith.constant dense<true> : vector<512x128xi1>
      %eq3A_218 = arith.xori %eq3A_216, %eq3A_217 : vector<512x128xi1>
      %lt3A = arith.cmpi slt, %while3A_198, %select_n3A : vector<512x128xi32>
      %eq3A_219 = arith.cmpi eq, %while3A_198, %select_n3A : vector<512x128xi32>
      %and3A_220 = arith.andi %eq3A_219, %eq3A_208 : vector<512x128xi1>
      %or3A = arith.ori %lt3A, %and3A_220 : vector<512x128xi1>
      %eq3A_221 = arith.xori %or3A, %eq3A_218 : vector<512x128xi1>
      %eq3A_222 = arith.constant dense<true> : vector<512x128xi1>
      %eq3A_223 = arith.xori %eq3A_221, %eq3A_222 : vector<512x128xi1>
      %select_n3A_224 = arith.select %eq3A_223, %while3A_198, %select_n3A : vector<512x128xi1>, vector<512x128xi32>
      %select_n3A_225 = arith.select %eq3A_223, %while3A_199, %select_n3A_215 : vector<512x128xi1>, vector<512x128xf32>
      %sub3A_226 = arith.constant 1 : i32
      %sub3A_227 = arith.subi %while3A_197, %sub3A_226 : i32
      scf.yield %sub3A_227, %select_n3A_224, %select_n3A_225 : i32, vector<512x128xi32>, vector<512x128xf32>
    }
    %swap3A = arith.constant 0 : index
    %swap3A_192 = arith.constant 0 : index
    %swap3A_193 = vector.load %arg3[%swap3A, %swap3A_192] : memref<512x128xi32, #tpu.memory_space<vmem>>, vector<512x128xi32>
    tpu.vector_store %arg3[%swap3A, %swap3A_192], %while3A_191#1 {strides = array<i32>} : memref<512x128xi32, #tpu.memory_space<vmem>>, vector<512x128xi32>,
    %swap3A_194 = arith.constant 0 : index
    %swap3A_195 = arith.constant 0 : index
    %swap3A_196 = vector.load %arg4[%swap3A_194, %swap3A_195] : memref<512x128xf32, #tpu.memory_space<vmem>>, vector<512x128xf32>
    tpu.vector_store %arg4[%swap3A_194, %swap3A_195], %while3A_191#2 {strides = array<i32>} : memref<512x128xf32, #tpu.memory_space<vmem>>, vector<512x128xf32>,
    return
  }
  func.func @transform_0(%arg0: i32) -> (i32, i32) {
    %c0_i32 = arith.constant 0 : i32
    %c0_i32_0 = arith.constant 0 : i32
    return %arg0, %c0_i32 : i32, i32
  }
  func.func @transform_1(%arg0: i32) -> (i32, i32) {
    %c0_i32 = arith.constant 0 : i32
    %c0_i32_0 = arith.constant 0 : i32
    return %arg0, %c0_i32 : i32, i32
  }
  func.func @transform_2(%arg0: i32) -> (i32, i32) {
    %c0_i32 = arith.constant 0 : i32
    %c0_i32_0 = arith.constant 0 : i32
    return %arg0, %c0_i32 : i32, i32
  }
  func.func @transform_3(%arg0: i32) -> (i32, i32) {
    %c0_i32 = arith.constant 0 : i32
    %c0_i32_0 = arith.constant 0 : i32
    return %arg0, %c0_i32 : i32, i32
  }
}

module attributes {stable_mosaic.version = 14 : i64} {
  func.func @_pair_body(%arg0: i32, %arg1: i32, %arg2: memref<1x2x512x128xi32, #tpu.memory_space<vmem>>, %arg3: memref<1x2x512x128xf32, #tpu.memory_space<vmem>>, %arg4: memref<1x2x512x128xi32, #tpu.memory_space<vmem>>, %arg5: memref<1x2x512x128xf32, #tpu.memory_space<vmem>>) attributes {dimension_semantics = [#tpu.dimension_semantics<arbitrary>, #tpu.dimension_semantics<arbitrary>], iteration_bounds = array<i64: 16, 1>, scalar_prefetch = 0 : i64, scratch_operands = 0 : i64, tpu.core_type = #tpu.core_type<tc>, window_params = [{transform_indices = @transform_0, window_bounds = array<i64: 1, 2, 512, 128>}, {transform_indices = @transform_1, window_bounds = array<i64: 1, 2, 512, 128>}, {transform_indices = @transform_2, window_bounds = array<i64: 1, 2, 512, 128>}, {transform_indices = @transform_3, window_bounds = array<i64: 1, 2, 512, 128>}]} {
    %get3A = arith.constant 0 : index
    %get3A_0 = arith.constant 0 : index
    %get3A_1 = arith.constant 0 : index
    %get3A_2 = arith.constant 0 : index
    %get3A_3 = vector.load %arg2[%get3A, %get3A_0, %get3A_1, %get3A_2] : memref<1x2x512x128xi32, #tpu.memory_space<vmem>>, vector<1x1x512x128xi32>
    %get3A_4 = vector.shape_cast %get3A_3 : vector<1x1x512x128xi32> to vector<512x128xi32>
    %get3A_5 = arith.constant 0 : index
    %get3A_6 = arith.constant 1 : index
    %get3A_7 = arith.constant 0 : index
    %get3A_8 = arith.constant 0 : index
    %get3A_9 = vector.load %arg2[%get3A_5, %get3A_6, %get3A_7, %get3A_8] : memref<1x2x512x128xi32, #tpu.memory_space<vmem>>, vector<1x1x512x128xi32>
    %get3A_10 = vector.shape_cast %get3A_9 : vector<1x1x512x128xi32> to vector<512x128xi32>
    %get3A_11 = arith.constant 0 : index
    %get3A_12 = arith.constant 0 : index
    %get3A_13 = arith.constant 0 : index
    %get3A_14 = arith.constant 0 : index
    %get3A_15 = vector.load %arg3[%get3A_11, %get3A_12, %get3A_13, %get3A_14] : memref<1x2x512x128xf32, #tpu.memory_space<vmem>>, vector<1x1x512x128xf32>
    %get3A_16 = vector.shape_cast %get3A_15 : vector<1x1x512x128xf32> to vector<512x128xf32>
    %get3A_17 = arith.constant 0 : index
    %get3A_18 = arith.constant 1 : index
    %get3A_19 = arith.constant 0 : index
    %get3A_20 = arith.constant 0 : index
    %get3A_21 = vector.load %arg3[%get3A_17, %get3A_18, %get3A_19, %get3A_20] : memref<1x2x512x128xf32, #tpu.memory_space<vmem>>, vector<1x1x512x128xf32>
    %get3A_22 = vector.shape_cast %get3A_21 : vector<1x1x512x128xf32> to vector<512x128xf32>
    %shift_right_logical3A = arith.constant 0 : i32
    %shift_right_logical3A_23 = arith.shrui %arg0, %shift_right_logical3A : i32
    %and3A = arith.constant 1 : i32
    %and3A_24 = arith.andi %shift_right_logical3A_23, %and3A : i32
    %broadcast_in_dim3A = vector.broadcast %and3A_24 : i32 to vector<512x128xi32>
    %eq3A = arith.constant 0 : i32
    %eq3A_25 = vector.broadcast %eq3A : i32 to vector<512x128xi32>
    %eq3A_26 = arith.cmpi eq, %broadcast_in_dim3A, %eq3A_25 : vector<512x128xi32>
    %lt3A = arith.cmpi slt, %get3A_4, %get3A_10 : vector<512x128xi32>
    %eq3A_27 = arith.cmpi eq, %get3A_4, %get3A_10 : vector<512x128xi32>
    %or3A = arith.ori %lt3A, %eq3A_27 : vector<512x128xi1>
    %eq3A_28 = arith.xori %or3A, %eq3A_26 : vector<512x128xi1>
    %eq3A_29 = arith.constant dense<true> : vector<512x128xi1>
    %eq3A_30 = arith.xori %eq3A_28, %eq3A_29 : vector<512x128xi1>
    %select_n3A = arith.select %eq3A_30, %get3A_4, %get3A_10 : vector<512x128xi1>, vector<512x128xi32>
    %swap3A = arith.constant 0 : index
    %swap3A_31 = arith.constant 0 : index
    %swap3A_32 = arith.constant 0 : index
    %swap3A_33 = arith.constant 0 : index
    %swap3A_34 = vector.load %arg4[%swap3A, %swap3A_31, %swap3A_32, %swap3A_33] : memref<1x2x512x128xi32, #tpu.memory_space<vmem>>, vector<1x1x512x128xi32>
    %swap3A_35 = vector.shape_cast %swap3A_34 : vector<1x1x512x128xi32> to vector<512x128xi32>
    %swap3A_36 = vector.shape_cast %select_n3A : vector<512x128xi32> to vector<1x1x512x128xi32>
    tpu.vector_store %arg4[%swap3A, %swap3A_31, %swap3A_32, %swap3A_33], %swap3A_36 {strides = array<i32>} : memref<1x2x512x128xi32, #tpu.memory_space<vmem>>, vector<1x1x512x128xi32>,
    %select_n3A_37 = arith.select %eq3A_30, %get3A_10, %get3A_4 : vector<512x128xi1>, vector<512x128xi32>
    %swap3A_38 = arith.constant 0 : index
    %swap3A_39 = arith.constant 1 : index
    %swap3A_40 = arith.constant 0 : index
    %swap3A_41 = arith.constant 0 : index
    %swap3A_42 = vector.load %arg4[%swap3A_38, %swap3A_39, %swap3A_40, %swap3A_41] : memref<1x2x512x128xi32, #tpu.memory_space<vmem>>, vector<1x1x512x128xi32>
    %swap3A_43 = vector.shape_cast %swap3A_42 : vector<1x1x512x128xi32> to vector<512x128xi32>
    %swap3A_44 = vector.shape_cast %select_n3A_37 : vector<512x128xi32> to vector<1x1x512x128xi32>
    tpu.vector_store %arg4[%swap3A_38, %swap3A_39, %swap3A_40, %swap3A_41], %swap3A_44 {strides = array<i32>} : memref<1x2x512x128xi32, #tpu.memory_space<vmem>>, vector<1x1x512x128xi32>,
    %select_n3A_45 = arith.select %eq3A_30, %get3A_16, %get3A_22 : vector<512x128xi1>, vector<512x128xf32>
    %swap3A_46 = arith.constant 0 : index
    %swap3A_47 = arith.constant 0 : index
    %swap3A_48 = arith.constant 0 : index
    %swap3A_49 = arith.constant 0 : index
    %swap3A_50 = vector.load %arg5[%swap3A_46, %swap3A_47, %swap3A_48, %swap3A_49] : memref<1x2x512x128xf32, #tpu.memory_space<vmem>>, vector<1x1x512x128xf32>
    %swap3A_51 = vector.shape_cast %swap3A_50 : vector<1x1x512x128xf32> to vector<512x128xf32>
    %swap3A_52 = vector.shape_cast %select_n3A_45 : vector<512x128xf32> to vector<1x1x512x128xf32>
    tpu.vector_store %arg5[%swap3A_46, %swap3A_47, %swap3A_48, %swap3A_49], %swap3A_52 {strides = array<i32>} : memref<1x2x512x128xf32, #tpu.memory_space<vmem>>, vector<1x1x512x128xf32>,
    %select_n3A_53 = arith.select %eq3A_30, %get3A_22, %get3A_16 : vector<512x128xi1>, vector<512x128xf32>
    %swap3A_54 = arith.constant 0 : index
    %swap3A_55 = arith.constant 1 : index
    %swap3A_56 = arith.constant 0 : index
    %swap3A_57 = arith.constant 0 : index
    %swap3A_58 = vector.load %arg5[%swap3A_54, %swap3A_55, %swap3A_56, %swap3A_57] : memref<1x2x512x128xf32, #tpu.memory_space<vmem>>, vector<1x1x512x128xf32>
    %swap3A_59 = vector.shape_cast %swap3A_58 : vector<1x1x512x128xf32> to vector<512x128xf32>
    %swap3A_60 = vector.shape_cast %select_n3A_53 : vector<512x128xf32> to vector<1x1x512x128xf32>
    tpu.vector_store %arg5[%swap3A_54, %swap3A_55, %swap3A_56, %swap3A_57], %swap3A_60 {strides = array<i32>} : memref<1x2x512x128xf32, #tpu.memory_space<vmem>>, vector<1x1x512x128xf32>,
    return
  }
  func.func @transform_0(%arg0: i32, %arg1: i32) -> (i32, i32, i32, i32) {
    %c0_i32 = arith.constant 0 : i32
    %c0_i32_0 = arith.constant 0 : i32
    %c0_i32_1 = arith.constant 0 : i32
    return %arg0, %c0_i32, %arg1, %c0_i32_0 : i32, i32, i32, i32
  }
  func.func @transform_1(%arg0: i32, %arg1: i32) -> (i32, i32, i32, i32) {
    %c0_i32 = arith.constant 0 : i32
    %c0_i32_0 = arith.constant 0 : i32
    %c0_i32_1 = arith.constant 0 : i32
    return %arg0, %c0_i32, %arg1, %c0_i32_0 : i32, i32, i32, i32
  }
  func.func @transform_2(%arg0: i32, %arg1: i32) -> (i32, i32, i32, i32) {
    %c0_i32 = arith.constant 0 : i32
    %c0_i32_0 = arith.constant 0 : i32
    %c0_i32_1 = arith.constant 0 : i32
    return %arg0, %c0_i32, %arg1, %c0_i32_0 : i32, i32, i32, i32
  }
  func.func @transform_3(%arg0: i32, %arg1: i32) -> (i32, i32, i32, i32) {
    %c0_i32 = arith.constant 0 : i32
    %c0_i32_0 = arith.constant 0 : i32
    %c0_i32_1 = arith.constant 0 : i32
    return %arg0, %c0_i32, %arg1, %c0_i32_0 : i32, i32, i32, i32
  }
}

module attributes {stable_mosaic.version = 14 : i64} {
  func.func @_finish_body(%arg0: i32, %arg1: memref<512x128xi32, #tpu.memory_space<vmem>>, %arg2: memref<512x128xf32, #tpu.memory_space<vmem>>, %arg3: memref<512x128xi32, #tpu.memory_space<vmem>>, %arg4: memref<512x128xf32, #tpu.memory_space<vmem>>) attributes {dimension_semantics = [#tpu.dimension_semantics<arbitrary>], iteration_bounds = array<i64: 32>, scalar_prefetch = 0 : i64, scratch_operands = 0 : i64, tpu.core_type = #tpu.core_type<tc>, window_params = [{transform_indices = @transform_0, window_bounds = array<i64: 512, 128>}, {transform_indices = @transform_1, window_bounds = array<i64: 512, 128>}, {transform_indices = @transform_2, window_bounds = array<i64: 512, 128>}, {transform_indices = @transform_3, window_bounds = array<i64: 512, 128>}]} {
    %get3A = arith.constant 0 : index
    %get3A_0 = arith.constant 0 : index
    %get3A_1 = vector.load %arg1[%get3A, %get3A_0] : memref<512x128xi32, #tpu.memory_space<vmem>>, vector<512x128xi32>
    %get3A_2 = arith.constant 0 : index
    %get3A_3 = arith.constant 0 : index
    %get3A_4 = vector.load %arg2[%get3A_2, %get3A_3] : memref<512x128xf32, #tpu.memory_space<vmem>>, vector<512x128xf32>
    %iota3A = tpu.iota {dimensions = array<i32: 1>} : vector<512x128xi32>
    %iota3A_5 = tpu.iota {dimensions = array<i32: 0>} : vector<512x128xi32>
    %shift_right_logical3A = arith.constant 1 : i32
    %shift_right_logical3A_6 = arith.shrui %arg0, %shift_right_logical3A : i32
    %and3A = arith.constant 1 : i32
    %and3A_7 = arith.andi %shift_right_logical3A_6, %and3A : i32
    %broadcast_in_dim3A = vector.broadcast %and3A_7 : i32 to vector<512x128xi32>
    %eq3A = arith.constant 0 : i32
    %eq3A_8 = vector.broadcast %eq3A : i32 to vector<512x128xi32>
    %eq3A_9 = arith.cmpi eq, %broadcast_in_dim3A, %eq3A_8 : vector<512x128xi32>
    %while3A = arith.constant 15 : i32
    %while3A_10:3 = scf.while (%while3A_18 = %while3A, %while3A_19 = %get3A_1, %while3A_20 = %get3A_4) : (i32, vector<512x128xi32>, vector<512x128xf32>) -> (i32, vector<512x128xi32>, vector<512x128xf32>) {
      %ge3A = arith.constant 7 : i32
      %ge3A_21 = arith.cmpi sge, %while3A_18, %ge3A : i32
      scf.condition(%ge3A_21) %while3A_18, %while3A_19, %while3A_20 : i32, vector<512x128xi32>, vector<512x128xf32>
    } do {
    ^bb0(%while3A_18: i32, %while3A_19: vector<512x128xi32>, %while3A_20: vector<512x128xf32>):
      %sub3A = arith.constant 7 : i32
      %sub3A_21 = arith.subi %while3A_18, %sub3A : i32
      %shift_left3A = arith.constant 1 : i32
      %shift_left3A_22 = arith.shli %shift_left3A, %sub3A_21 : i32
      %sub3A_23 = arith.constant 7 : i32
      %sub3A_24 = arith.subi %while3A_18, %sub3A_23 : i32
      %shift_right_logical3A_25 = vector.broadcast %sub3A_24 : i32 to vector<512x128xi32>
      %shift_right_logical3A_26 = arith.shrui %iota3A_5, %shift_right_logical3A_25 : vector<512x128xi32>
      %and3A_27 = arith.constant 1 : i32
      %and3A_28 = vector.broadcast %and3A_27 : i32 to vector<512x128xi32>
      %and3A_29 = arith.andi %shift_right_logical3A_26, %and3A_28 : vector<512x128xi32>
      %eq3A_30 = arith.constant 0 : i32
      %eq3A_31 = vector.broadcast %eq3A_30 : i32 to vector<512x128xi32>
      %eq3A_32 = arith.cmpi eq, %and3A_29, %eq3A_31 : vector<512x128xi32>
      %sub3A_33 = arith.constant 512 : i32
      %sub3A_34 = arith.subi %sub3A_33, %shift_left3A_22 : i32
      %roll3A = tpu.dynamic_rotate %while3A_19 by %sub3A_34 dim 0 : vector<512x128xi32>, i32 -> vector<512x128xi32>
      %roll3A_35 = tpu.dynamic_rotate %while3A_19 by %shift_left3A_22 dim 0 : vector<512x128xi32>, i32 -> vector<512x128xi32>
      %select_n3A = arith.select %eq3A_32, %roll3A, %roll3A_35 : vector<512x128xi1>, vector<512x128xi32>
      %sub3A_36 = arith.constant 512 : i32
      %sub3A_37 = arith.subi %sub3A_36, %shift_left3A_22 : i32
      %roll3A_38 = tpu.dynamic_rotate %while3A_20 by %sub3A_37 dim 0 : vector<512x128xf32>, i32 -> vector<512x128xf32>
      %roll3A_39 = tpu.dynamic_rotate %while3A_20 by %shift_left3A_22 dim 0 : vector<512x128xf32>, i32 -> vector<512x128xf32>
      %select_n3A_40 = arith.select %eq3A_32, %roll3A_38, %roll3A_39 : vector<512x128xi1>, vector<512x128xf32>
      %eq3A_41 = arith.xori %eq3A_32, %eq3A_9 : vector<512x128xi1>
      %eq3A_42 = arith.constant dense<true> : vector<512x128xi1>
      %eq3A_43 = arith.xori %eq3A_41, %eq3A_42 : vector<512x128xi1>
      %lt3A = arith.cmpi slt, %while3A_19, %select_n3A : vector<512x128xi32>
      %eq3A_44 = arith.cmpi eq, %while3A_19, %select_n3A : vector<512x128xi32>
      %and3A_45 = arith.andi %eq3A_44, %eq3A_32 : vector<512x128xi1>
      %or3A = arith.ori %lt3A, %and3A_45 : vector<512x128xi1>
      %eq3A_46 = arith.xori %or3A, %eq3A_43 : vector<512x128xi1>
      %eq3A_47 = arith.constant dense<true> : vector<512x128xi1>
      %eq3A_48 = arith.xori %eq3A_46, %eq3A_47 : vector<512x128xi1>
      %select_n3A_49 = arith.select %eq3A_48, %while3A_19, %select_n3A : vector<512x128xi1>, vector<512x128xi32>
      %select_n3A_50 = arith.select %eq3A_48, %while3A_20, %select_n3A_40 : vector<512x128xi1>, vector<512x128xf32>
      %sub3A_51 = arith.constant 1 : i32
      %sub3A_52 = arith.subi %while3A_18, %sub3A_51 : i32
      scf.yield %sub3A_52, %select_n3A_49, %select_n3A_50 : i32, vector<512x128xi32>, vector<512x128xf32>
    }
    %while3A_11 = arith.constant 6 : i32
    %while3A_12:3 = scf.while (%while3A_18 = %while3A_11, %while3A_19 = %while3A_10#1, %while3A_20 = %while3A_10#2) : (i32, vector<512x128xi32>, vector<512x128xf32>) -> (i32, vector<512x128xi32>, vector<512x128xf32>) {
      %ge3A = arith.constant 0 : i32
      %ge3A_21 = arith.cmpi sge, %while3A_18, %ge3A : i32
      scf.condition(%ge3A_21) %while3A_18, %while3A_19, %while3A_20 : i32, vector<512x128xi32>, vector<512x128xf32>
    } do {
    ^bb0(%while3A_18: i32, %while3A_19: vector<512x128xi32>, %while3A_20: vector<512x128xf32>):
      %shift_left3A = arith.constant 1 : i32
      %shift_left3A_21 = arith.shli %shift_left3A, %while3A_18 : i32
      %shift_right_logical3A_22 = vector.broadcast %while3A_18 : i32 to vector<512x128xi32>
      %shift_right_logical3A_23 = arith.shrui %iota3A, %shift_right_logical3A_22 : vector<512x128xi32>
      %and3A_24 = arith.constant 1 : i32
      %and3A_25 = vector.broadcast %and3A_24 : i32 to vector<512x128xi32>
      %and3A_26 = arith.andi %shift_right_logical3A_23, %and3A_25 : vector<512x128xi32>
      %eq3A_27 = arith.constant 0 : i32
      %eq3A_28 = vector.broadcast %eq3A_27 : i32 to vector<512x128xi32>
      %eq3A_29 = arith.cmpi eq, %and3A_26, %eq3A_28 : vector<512x128xi32>
      %sub3A = arith.constant 128 : i32
      %sub3A_30 = arith.subi %sub3A, %shift_left3A_21 : i32
      %roll3A = tpu.dynamic_rotate %while3A_19 by %sub3A_30 dim 1 : vector<512x128xi32>, i32 -> vector<512x128xi32>
      %roll3A_31 = tpu.dynamic_rotate %while3A_19 by %shift_left3A_21 dim 1 : vector<512x128xi32>, i32 -> vector<512x128xi32>
      %select_n3A = arith.select %eq3A_29, %roll3A, %roll3A_31 : vector<512x128xi1>, vector<512x128xi32>
      %sub3A_32 = arith.constant 128 : i32
      %sub3A_33 = arith.subi %sub3A_32, %shift_left3A_21 : i32
      %roll3A_34 = tpu.dynamic_rotate %while3A_20 by %sub3A_33 dim 1 : vector<512x128xf32>, i32 -> vector<512x128xf32>
      %roll3A_35 = tpu.dynamic_rotate %while3A_20 by %shift_left3A_21 dim 1 : vector<512x128xf32>, i32 -> vector<512x128xf32>
      %select_n3A_36 = arith.select %eq3A_29, %roll3A_34, %roll3A_35 : vector<512x128xi1>, vector<512x128xf32>
      %eq3A_37 = arith.xori %eq3A_29, %eq3A_9 : vector<512x128xi1>
      %eq3A_38 = arith.constant dense<true> : vector<512x128xi1>
      %eq3A_39 = arith.xori %eq3A_37, %eq3A_38 : vector<512x128xi1>
      %lt3A = arith.cmpi slt, %while3A_19, %select_n3A : vector<512x128xi32>
      %eq3A_40 = arith.cmpi eq, %while3A_19, %select_n3A : vector<512x128xi32>
      %and3A_41 = arith.andi %eq3A_40, %eq3A_29 : vector<512x128xi1>
      %or3A = arith.ori %lt3A, %and3A_41 : vector<512x128xi1>
      %eq3A_42 = arith.xori %or3A, %eq3A_39 : vector<512x128xi1>
      %eq3A_43 = arith.constant dense<true> : vector<512x128xi1>
      %eq3A_44 = arith.xori %eq3A_42, %eq3A_43 : vector<512x128xi1>
      %select_n3A_45 = arith.select %eq3A_44, %while3A_19, %select_n3A : vector<512x128xi1>, vector<512x128xi32>
      %select_n3A_46 = arith.select %eq3A_44, %while3A_20, %select_n3A_36 : vector<512x128xi1>, vector<512x128xf32>
      %sub3A_47 = arith.constant 1 : i32
      %sub3A_48 = arith.subi %while3A_18, %sub3A_47 : i32
      scf.yield %sub3A_48, %select_n3A_45, %select_n3A_46 : i32, vector<512x128xi32>, vector<512x128xf32>
    }
    %swap3A = arith.constant 0 : index
    %swap3A_13 = arith.constant 0 : index
    %swap3A_14 = vector.load %arg3[%swap3A, %swap3A_13] : memref<512x128xi32, #tpu.memory_space<vmem>>, vector<512x128xi32>
    tpu.vector_store %arg3[%swap3A, %swap3A_13], %while3A_12#1 {strides = array<i32>} : memref<512x128xi32, #tpu.memory_space<vmem>>, vector<512x128xi32>,
    %swap3A_15 = arith.constant 0 : index
    %swap3A_16 = arith.constant 0 : index
    %swap3A_17 = vector.load %arg4[%swap3A_15, %swap3A_16] : memref<512x128xf32, #tpu.memory_space<vmem>>, vector<512x128xf32>
    tpu.vector_store %arg4[%swap3A_15, %swap3A_16], %while3A_12#2 {strides = array<i32>} : memref<512x128xf32, #tpu.memory_space<vmem>>, vector<512x128xf32>,
    return
  }
  func.func @transform_0(%arg0: i32) -> (i32, i32) {
    %c0_i32 = arith.constant 0 : i32
    %c0_i32_0 = arith.constant 0 : i32
    return %arg0, %c0_i32 : i32, i32
  }
  func.func @transform_1(%arg0: i32) -> (i32, i32) {
    %c0_i32 = arith.constant 0 : i32
    %c0_i32_0 = arith.constant 0 : i32
    return %arg0, %c0_i32 : i32, i32
  }
  func.func @transform_2(%arg0: i32) -> (i32, i32) {
    %c0_i32 = arith.constant 0 : i32
    %c0_i32_0 = arith.constant 0 : i32
    return %arg0, %c0_i32 : i32, i32
  }
  func.func @transform_3(%arg0: i32) -> (i32, i32) {
    %c0_i32 = arith.constant 0 : i32
    %c0_i32_0 = arith.constant 0 : i32
    return %arg0, %c0_i32 : i32, i32
  }
}

module attributes {stable_mosaic.version = 14 : i64} {
  func.func @_pair_body(%arg0: i32, %arg1: i32, %arg2: memref<1x2x512x128xi32, #tpu.memory_space<vmem>>, %arg3: memref<1x2x512x128xf32, #tpu.memory_space<vmem>>, %arg4: memref<1x2x512x128xi32, #tpu.memory_space<vmem>>, %arg5: memref<1x2x512x128xf32, #tpu.memory_space<vmem>>) attributes {dimension_semantics = [#tpu.dimension_semantics<arbitrary>, #tpu.dimension_semantics<arbitrary>], iteration_bounds = array<i64: 8, 2>, scalar_prefetch = 0 : i64, scratch_operands = 0 : i64, tpu.core_type = #tpu.core_type<tc>, window_params = [{transform_indices = @transform_0, window_bounds = array<i64: 1, 2, 512, 128>}, {transform_indices = @transform_1, window_bounds = array<i64: 1, 2, 512, 128>}, {transform_indices = @transform_2, window_bounds = array<i64: 1, 2, 512, 128>}, {transform_indices = @transform_3, window_bounds = array<i64: 1, 2, 512, 128>}]} {
    %get3A = arith.constant 0 : index
    %get3A_0 = arith.constant 0 : index
    %get3A_1 = arith.constant 0 : index
    %get3A_2 = arith.constant 0 : index
    %get3A_3 = vector.load %arg2[%get3A, %get3A_0, %get3A_1, %get3A_2] : memref<1x2x512x128xi32, #tpu.memory_space<vmem>>, vector<1x1x512x128xi32>
    %get3A_4 = vector.shape_cast %get3A_3 : vector<1x1x512x128xi32> to vector<512x128xi32>
    %get3A_5 = arith.constant 0 : index
    %get3A_6 = arith.constant 1 : index
    %get3A_7 = arith.constant 0 : index
    %get3A_8 = arith.constant 0 : index
    %get3A_9 = vector.load %arg2[%get3A_5, %get3A_6, %get3A_7, %get3A_8] : memref<1x2x512x128xi32, #tpu.memory_space<vmem>>, vector<1x1x512x128xi32>
    %get3A_10 = vector.shape_cast %get3A_9 : vector<1x1x512x128xi32> to vector<512x128xi32>
    %get3A_11 = arith.constant 0 : index
    %get3A_12 = arith.constant 0 : index
    %get3A_13 = arith.constant 0 : index
    %get3A_14 = arith.constant 0 : index
    %get3A_15 = vector.load %arg3[%get3A_11, %get3A_12, %get3A_13, %get3A_14] : memref<1x2x512x128xf32, #tpu.memory_space<vmem>>, vector<1x1x512x128xf32>
    %get3A_16 = vector.shape_cast %get3A_15 : vector<1x1x512x128xf32> to vector<512x128xf32>
    %get3A_17 = arith.constant 0 : index
    %get3A_18 = arith.constant 1 : index
    %get3A_19 = arith.constant 0 : index
    %get3A_20 = arith.constant 0 : index
    %get3A_21 = vector.load %arg3[%get3A_17, %get3A_18, %get3A_19, %get3A_20] : memref<1x2x512x128xf32, #tpu.memory_space<vmem>>, vector<1x1x512x128xf32>
    %get3A_22 = vector.shape_cast %get3A_21 : vector<1x1x512x128xf32> to vector<512x128xf32>
    %shift_right_logical3A = arith.constant 0 : i32
    %shift_right_logical3A_23 = arith.shrui %arg0, %shift_right_logical3A : i32
    %and3A = arith.constant 1 : i32
    %and3A_24 = arith.andi %shift_right_logical3A_23, %and3A : i32
    %broadcast_in_dim3A = vector.broadcast %and3A_24 : i32 to vector<512x128xi32>
    %eq3A = arith.constant 0 : i32
    %eq3A_25 = vector.broadcast %eq3A : i32 to vector<512x128xi32>
    %eq3A_26 = arith.cmpi eq, %broadcast_in_dim3A, %eq3A_25 : vector<512x128xi32>
    %lt3A = arith.cmpi slt, %get3A_4, %get3A_10 : vector<512x128xi32>
    %eq3A_27 = arith.cmpi eq, %get3A_4, %get3A_10 : vector<512x128xi32>
    %or3A = arith.ori %lt3A, %eq3A_27 : vector<512x128xi1>
    %eq3A_28 = arith.xori %or3A, %eq3A_26 : vector<512x128xi1>
    %eq3A_29 = arith.constant dense<true> : vector<512x128xi1>
    %eq3A_30 = arith.xori %eq3A_28, %eq3A_29 : vector<512x128xi1>
    %select_n3A = arith.select %eq3A_30, %get3A_4, %get3A_10 : vector<512x128xi1>, vector<512x128xi32>
    %swap3A = arith.constant 0 : index
    %swap3A_31 = arith.constant 0 : index
    %swap3A_32 = arith.constant 0 : index
    %swap3A_33 = arith.constant 0 : index
    %swap3A_34 = vector.load %arg4[%swap3A, %swap3A_31, %swap3A_32, %swap3A_33] : memref<1x2x512x128xi32, #tpu.memory_space<vmem>>, vector<1x1x512x128xi32>
    %swap3A_35 = vector.shape_cast %swap3A_34 : vector<1x1x512x128xi32> to vector<512x128xi32>
    %swap3A_36 = vector.shape_cast %select_n3A : vector<512x128xi32> to vector<1x1x512x128xi32>
    tpu.vector_store %arg4[%swap3A, %swap3A_31, %swap3A_32, %swap3A_33], %swap3A_36 {strides = array<i32>} : memref<1x2x512x128xi32, #tpu.memory_space<vmem>>, vector<1x1x512x128xi32>,
    %select_n3A_37 = arith.select %eq3A_30, %get3A_10, %get3A_4 : vector<512x128xi1>, vector<512x128xi32>
    %swap3A_38 = arith.constant 0 : index
    %swap3A_39 = arith.constant 1 : index
    %swap3A_40 = arith.constant 0 : index
    %swap3A_41 = arith.constant 0 : index
    %swap3A_42 = vector.load %arg4[%swap3A_38, %swap3A_39, %swap3A_40, %swap3A_41] : memref<1x2x512x128xi32, #tpu.memory_space<vmem>>, vector<1x1x512x128xi32>
    %swap3A_43 = vector.shape_cast %swap3A_42 : vector<1x1x512x128xi32> to vector<512x128xi32>
    %swap3A_44 = vector.shape_cast %select_n3A_37 : vector<512x128xi32> to vector<1x1x512x128xi32>
    tpu.vector_store %arg4[%swap3A_38, %swap3A_39, %swap3A_40, %swap3A_41], %swap3A_44 {strides = array<i32>} : memref<1x2x512x128xi32, #tpu.memory_space<vmem>>, vector<1x1x512x128xi32>,
    %select_n3A_45 = arith.select %eq3A_30, %get3A_16, %get3A_22 : vector<512x128xi1>, vector<512x128xf32>
    %swap3A_46 = arith.constant 0 : index
    %swap3A_47 = arith.constant 0 : index
    %swap3A_48 = arith.constant 0 : index
    %swap3A_49 = arith.constant 0 : index
    %swap3A_50 = vector.load %arg5[%swap3A_46, %swap3A_47, %swap3A_48, %swap3A_49] : memref<1x2x512x128xf32, #tpu.memory_space<vmem>>, vector<1x1x512x128xf32>
    %swap3A_51 = vector.shape_cast %swap3A_50 : vector<1x1x512x128xf32> to vector<512x128xf32>
    %swap3A_52 = vector.shape_cast %select_n3A_45 : vector<512x128xf32> to vector<1x1x512x128xf32>
    tpu.vector_store %arg5[%swap3A_46, %swap3A_47, %swap3A_48, %swap3A_49], %swap3A_52 {strides = array<i32>} : memref<1x2x512x128xf32, #tpu.memory_space<vmem>>, vector<1x1x512x128xf32>,
    %select_n3A_53 = arith.select %eq3A_30, %get3A_22, %get3A_16 : vector<512x128xi1>, vector<512x128xf32>
    %swap3A_54 = arith.constant 0 : index
    %swap3A_55 = arith.constant 1 : index
    %swap3A_56 = arith.constant 0 : index
    %swap3A_57 = arith.constant 0 : index
    %swap3A_58 = vector.load %arg5[%swap3A_54, %swap3A_55, %swap3A_56, %swap3A_57] : memref<1x2x512x128xf32, #tpu.memory_space<vmem>>, vector<1x1x512x128xf32>
    %swap3A_59 = vector.shape_cast %swap3A_58 : vector<1x1x512x128xf32> to vector<512x128xf32>
    %swap3A_60 = vector.shape_cast %select_n3A_53 : vector<512x128xf32> to vector<1x1x512x128xf32>
    tpu.vector_store %arg5[%swap3A_54, %swap3A_55, %swap3A_56, %swap3A_57], %swap3A_60 {strides = array<i32>} : memref<1x2x512x128xf32, #tpu.memory_space<vmem>>, vector<1x1x512x128xf32>,
    return
  }
  func.func @transform_0(%arg0: i32, %arg1: i32) -> (i32, i32, i32, i32) {
    %c0_i32 = arith.constant 0 : i32
    %c0_i32_0 = arith.constant 0 : i32
    %c0_i32_1 = arith.constant 0 : i32
    return %arg0, %c0_i32, %arg1, %c0_i32_0 : i32, i32, i32, i32
  }
  func.func @transform_1(%arg0: i32, %arg1: i32) -> (i32, i32, i32, i32) {
    %c0_i32 = arith.constant 0 : i32
    %c0_i32_0 = arith.constant 0 : i32
    %c0_i32_1 = arith.constant 0 : i32
    return %arg0, %c0_i32, %arg1, %c0_i32_0 : i32, i32, i32, i32
  }
  func.func @transform_2(%arg0: i32, %arg1: i32) -> (i32, i32, i32, i32) {
    %c0_i32 = arith.constant 0 : i32
    %c0_i32_0 = arith.constant 0 : i32
    %c0_i32_1 = arith.constant 0 : i32
    return %arg0, %c0_i32, %arg1, %c0_i32_0 : i32, i32, i32, i32
  }
  func.func @transform_3(%arg0: i32, %arg1: i32) -> (i32, i32, i32, i32) {
    %c0_i32 = arith.constant 0 : i32
    %c0_i32_0 = arith.constant 0 : i32
    %c0_i32_1 = arith.constant 0 : i32
    return %arg0, %c0_i32, %arg1, %c0_i32_0 : i32, i32, i32, i32
  }
}

module attributes {stable_mosaic.version = 14 : i64} {
  func.func @_pair_body(%arg0: i32, %arg1: i32, %arg2: memref<1x2x512x128xi32, #tpu.memory_space<vmem>>, %arg3: memref<1x2x512x128xf32, #tpu.memory_space<vmem>>, %arg4: memref<1x2x512x128xi32, #tpu.memory_space<vmem>>, %arg5: memref<1x2x512x128xf32, #tpu.memory_space<vmem>>) attributes {dimension_semantics = [#tpu.dimension_semantics<arbitrary>, #tpu.dimension_semantics<arbitrary>], iteration_bounds = array<i64: 16, 1>, scalar_prefetch = 0 : i64, scratch_operands = 0 : i64, tpu.core_type = #tpu.core_type<tc>, window_params = [{transform_indices = @transform_0, window_bounds = array<i64: 1, 2, 512, 128>}, {transform_indices = @transform_1, window_bounds = array<i64: 1, 2, 512, 128>}, {transform_indices = @transform_2, window_bounds = array<i64: 1, 2, 512, 128>}, {transform_indices = @transform_3, window_bounds = array<i64: 1, 2, 512, 128>}]} {
    %get3A = arith.constant 0 : index
    %get3A_0 = arith.constant 0 : index
    %get3A_1 = arith.constant 0 : index
    %get3A_2 = arith.constant 0 : index
    %get3A_3 = vector.load %arg2[%get3A, %get3A_0, %get3A_1, %get3A_2] : memref<1x2x512x128xi32, #tpu.memory_space<vmem>>, vector<1x1x512x128xi32>
    %get3A_4 = vector.shape_cast %get3A_3 : vector<1x1x512x128xi32> to vector<512x128xi32>
    %get3A_5 = arith.constant 0 : index
    %get3A_6 = arith.constant 1 : index
    %get3A_7 = arith.constant 0 : index
    %get3A_8 = arith.constant 0 : index
    %get3A_9 = vector.load %arg2[%get3A_5, %get3A_6, %get3A_7, %get3A_8] : memref<1x2x512x128xi32, #tpu.memory_space<vmem>>, vector<1x1x512x128xi32>
    %get3A_10 = vector.shape_cast %get3A_9 : vector<1x1x512x128xi32> to vector<512x128xi32>
    %get3A_11 = arith.constant 0 : index
    %get3A_12 = arith.constant 0 : index
    %get3A_13 = arith.constant 0 : index
    %get3A_14 = arith.constant 0 : index
    %get3A_15 = vector.load %arg3[%get3A_11, %get3A_12, %get3A_13, %get3A_14] : memref<1x2x512x128xf32, #tpu.memory_space<vmem>>, vector<1x1x512x128xf32>
    %get3A_16 = vector.shape_cast %get3A_15 : vector<1x1x512x128xf32> to vector<512x128xf32>
    %get3A_17 = arith.constant 0 : index
    %get3A_18 = arith.constant 1 : index
    %get3A_19 = arith.constant 0 : index
    %get3A_20 = arith.constant 0 : index
    %get3A_21 = vector.load %arg3[%get3A_17, %get3A_18, %get3A_19, %get3A_20] : memref<1x2x512x128xf32, #tpu.memory_space<vmem>>, vector<1x1x512x128xf32>
    %get3A_22 = vector.shape_cast %get3A_21 : vector<1x1x512x128xf32> to vector<512x128xf32>
    %shift_right_logical3A = arith.constant 1 : i32
    %shift_right_logical3A_23 = arith.shrui %arg0, %shift_right_logical3A : i32
    %and3A = arith.constant 1 : i32
    %and3A_24 = arith.andi %shift_right_logical3A_23, %and3A : i32
    %broadcast_in_dim3A = vector.broadcast %and3A_24 : i32 to vector<512x128xi32>
    %eq3A = arith.constant 0 : i32
    %eq3A_25 = vector.broadcast %eq3A : i32 to vector<512x128xi32>
    %eq3A_26 = arith.cmpi eq, %broadcast_in_dim3A, %eq3A_25 : vector<512x128xi32>
    %lt3A = arith.cmpi slt, %get3A_4, %get3A_10 : vector<512x128xi32>
    %eq3A_27 = arith.cmpi eq, %get3A_4, %get3A_10 : vector<512x128xi32>
    %or3A = arith.ori %lt3A, %eq3A_27 : vector<512x128xi1>
    %eq3A_28 = arith.xori %or3A, %eq3A_26 : vector<512x128xi1>
    %eq3A_29 = arith.constant dense<true> : vector<512x128xi1>
    %eq3A_30 = arith.xori %eq3A_28, %eq3A_29 : vector<512x128xi1>
    %select_n3A = arith.select %eq3A_30, %get3A_4, %get3A_10 : vector<512x128xi1>, vector<512x128xi32>
    %swap3A = arith.constant 0 : index
    %swap3A_31 = arith.constant 0 : index
    %swap3A_32 = arith.constant 0 : index
    %swap3A_33 = arith.constant 0 : index
    %swap3A_34 = vector.load %arg4[%swap3A, %swap3A_31, %swap3A_32, %swap3A_33] : memref<1x2x512x128xi32, #tpu.memory_space<vmem>>, vector<1x1x512x128xi32>
    %swap3A_35 = vector.shape_cast %swap3A_34 : vector<1x1x512x128xi32> to vector<512x128xi32>
    %swap3A_36 = vector.shape_cast %select_n3A : vector<512x128xi32> to vector<1x1x512x128xi32>
    tpu.vector_store %arg4[%swap3A, %swap3A_31, %swap3A_32, %swap3A_33], %swap3A_36 {strides = array<i32>} : memref<1x2x512x128xi32, #tpu.memory_space<vmem>>, vector<1x1x512x128xi32>,
    %select_n3A_37 = arith.select %eq3A_30, %get3A_10, %get3A_4 : vector<512x128xi1>, vector<512x128xi32>
    %swap3A_38 = arith.constant 0 : index
    %swap3A_39 = arith.constant 1 : index
    %swap3A_40 = arith.constant 0 : index
    %swap3A_41 = arith.constant 0 : index
    %swap3A_42 = vector.load %arg4[%swap3A_38, %swap3A_39, %swap3A_40, %swap3A_41] : memref<1x2x512x128xi32, #tpu.memory_space<vmem>>, vector<1x1x512x128xi32>
    %swap3A_43 = vector.shape_cast %swap3A_42 : vector<1x1x512x128xi32> to vector<512x128xi32>
    %swap3A_44 = vector.shape_cast %select_n3A_37 : vector<512x128xi32> to vector<1x1x512x128xi32>
    tpu.vector_store %arg4[%swap3A_38, %swap3A_39, %swap3A_40, %swap3A_41], %swap3A_44 {strides = array<i32>} : memref<1x2x512x128xi32, #tpu.memory_space<vmem>>, vector<1x1x512x128xi32>,
    %select_n3A_45 = arith.select %eq3A_30, %get3A_16, %get3A_22 : vector<512x128xi1>, vector<512x128xf32>
    %swap3A_46 = arith.constant 0 : index
    %swap3A_47 = arith.constant 0 : index
    %swap3A_48 = arith.constant 0 : index
    %swap3A_49 = arith.constant 0 : index
    %swap3A_50 = vector.load %arg5[%swap3A_46, %swap3A_47, %swap3A_48, %swap3A_49] : memref<1x2x512x128xf32, #tpu.memory_space<vmem>>, vector<1x1x512x128xf32>
    %swap3A_51 = vector.shape_cast %swap3A_50 : vector<1x1x512x128xf32> to vector<512x128xf32>
    %swap3A_52 = vector.shape_cast %select_n3A_45 : vector<512x128xf32> to vector<1x1x512x128xf32>
    tpu.vector_store %arg5[%swap3A_46, %swap3A_47, %swap3A_48, %swap3A_49], %swap3A_52 {strides = array<i32>} : memref<1x2x512x128xf32, #tpu.memory_space<vmem>>, vector<1x1x512x128xf32>,
    %select_n3A_53 = arith.select %eq3A_30, %get3A_22, %get3A_16 : vector<512x128xi1>, vector<512x128xf32>
    %swap3A_54 = arith.constant 0 : index
    %swap3A_55 = arith.constant 1 : index
    %swap3A_56 = arith.constant 0 : index
    %swap3A_57 = arith.constant 0 : index
    %swap3A_58 = vector.load %arg5[%swap3A_54, %swap3A_55, %swap3A_56, %swap3A_57] : memref<1x2x512x128xf32, #tpu.memory_space<vmem>>, vector<1x1x512x128xf32>
    %swap3A_59 = vector.shape_cast %swap3A_58 : vector<1x1x512x128xf32> to vector<512x128xf32>
    %swap3A_60 = vector.shape_cast %select_n3A_53 : vector<512x128xf32> to vector<1x1x512x128xf32>
    tpu.vector_store %arg5[%swap3A_54, %swap3A_55, %swap3A_56, %swap3A_57], %swap3A_60 {strides = array<i32>} : memref<1x2x512x128xf32, #tpu.memory_space<vmem>>, vector<1x1x512x128xf32>,
    return
  }
  func.func @transform_0(%arg0: i32, %arg1: i32) -> (i32, i32, i32, i32) {
    %c0_i32 = arith.constant 0 : i32
    %c0_i32_0 = arith.constant 0 : i32
    %c0_i32_1 = arith.constant 0 : i32
    return %arg0, %c0_i32, %arg1, %c0_i32_0 : i32, i32, i32, i32
  }
  func.func @transform_1(%arg0: i32, %arg1: i32) -> (i32, i32, i32, i32) {
    %c0_i32 = arith.constant 0 : i32
    %c0_i32_0 = arith.constant 0 : i32
    %c0_i32_1 = arith.constant 0 : i32
    return %arg0, %c0_i32, %arg1, %c0_i32_0 : i32, i32, i32, i32
  }
  func.func @transform_2(%arg0: i32, %arg1: i32) -> (i32, i32, i32, i32) {
    %c0_i32 = arith.constant 0 : i32
    %c0_i32_0 = arith.constant 0 : i32
    %c0_i32_1 = arith.constant 0 : i32
    return %arg0, %c0_i32, %arg1, %c0_i32_0 : i32, i32, i32, i32
  }
  func.func @transform_3(%arg0: i32, %arg1: i32) -> (i32, i32, i32, i32) {
    %c0_i32 = arith.constant 0 : i32
    %c0_i32_0 = arith.constant 0 : i32
    %c0_i32_1 = arith.constant 0 : i32
    return %arg0, %c0_i32, %arg1, %c0_i32_0 : i32, i32, i32, i32
  }
}

module attributes {stable_mosaic.version = 14 : i64} {
  func.func @_finish_body(%arg0: i32, %arg1: memref<512x128xi32, #tpu.memory_space<vmem>>, %arg2: memref<512x128xf32, #tpu.memory_space<vmem>>, %arg3: memref<512x128xi32, #tpu.memory_space<vmem>>, %arg4: memref<512x128xf32, #tpu.memory_space<vmem>>) attributes {dimension_semantics = [#tpu.dimension_semantics<arbitrary>], iteration_bounds = array<i64: 32>, scalar_prefetch = 0 : i64, scratch_operands = 0 : i64, tpu.core_type = #tpu.core_type<tc>, window_params = [{transform_indices = @transform_0, window_bounds = array<i64: 512, 128>}, {transform_indices = @transform_1, window_bounds = array<i64: 512, 128>}, {transform_indices = @transform_2, window_bounds = array<i64: 512, 128>}, {transform_indices = @transform_3, window_bounds = array<i64: 512, 128>}]} {
    %get3A = arith.constant 0 : index
    %get3A_0 = arith.constant 0 : index
    %get3A_1 = vector.load %arg1[%get3A, %get3A_0] : memref<512x128xi32, #tpu.memory_space<vmem>>, vector<512x128xi32>
    %get3A_2 = arith.constant 0 : index
    %get3A_3 = arith.constant 0 : index
    %get3A_4 = vector.load %arg2[%get3A_2, %get3A_3] : memref<512x128xf32, #tpu.memory_space<vmem>>, vector<512x128xf32>
    %iota3A = tpu.iota {dimensions = array<i32: 1>} : vector<512x128xi32>
    %iota3A_5 = tpu.iota {dimensions = array<i32: 0>} : vector<512x128xi32>
    %shift_right_logical3A = arith.constant 2 : i32
    %shift_right_logical3A_6 = arith.shrui %arg0, %shift_right_logical3A : i32
    %and3A = arith.constant 1 : i32
    %and3A_7 = arith.andi %shift_right_logical3A_6, %and3A : i32
    %broadcast_in_dim3A = vector.broadcast %and3A_7 : i32 to vector<512x128xi32>
    %eq3A = arith.constant 0 : i32
    %eq3A_8 = vector.broadcast %eq3A : i32 to vector<512x128xi32>
    %eq3A_9 = arith.cmpi eq, %broadcast_in_dim3A, %eq3A_8 : vector<512x128xi32>
    %while3A = arith.constant 15 : i32
    %while3A_10:3 = scf.while (%while3A_18 = %while3A, %while3A_19 = %get3A_1, %while3A_20 = %get3A_4) : (i32, vector<512x128xi32>, vector<512x128xf32>) -> (i32, vector<512x128xi32>, vector<512x128xf32>) {
      %ge3A = arith.constant 7 : i32
      %ge3A_21 = arith.cmpi sge, %while3A_18, %ge3A : i32
      scf.condition(%ge3A_21) %while3A_18, %while3A_19, %while3A_20 : i32, vector<512x128xi32>, vector<512x128xf32>
    } do {
    ^bb0(%while3A_18: i32, %while3A_19: vector<512x128xi32>, %while3A_20: vector<512x128xf32>):
      %sub3A = arith.constant 7 : i32
      %sub3A_21 = arith.subi %while3A_18, %sub3A : i32
      %shift_left3A = arith.constant 1 : i32
      %shift_left3A_22 = arith.shli %shift_left3A, %sub3A_21 : i32
      %sub3A_23 = arith.constant 7 : i32
      %sub3A_24 = arith.subi %while3A_18, %sub3A_23 : i32
      %shift_right_logical3A_25 = vector.broadcast %sub3A_24 : i32 to vector<512x128xi32>
      %shift_right_logical3A_26 = arith.shrui %iota3A_5, %shift_right_logical3A_25 : vector<512x128xi32>
      %and3A_27 = arith.constant 1 : i32
      %and3A_28 = vector.broadcast %and3A_27 : i32 to vector<512x128xi32>
      %and3A_29 = arith.andi %shift_right_logical3A_26, %and3A_28 : vector<512x128xi32>
      %eq3A_30 = arith.constant 0 : i32
      %eq3A_31 = vector.broadcast %eq3A_30 : i32 to vector<512x128xi32>
      %eq3A_32 = arith.cmpi eq, %and3A_29, %eq3A_31 : vector<512x128xi32>
      %sub3A_33 = arith.constant 512 : i32
      %sub3A_34 = arith.subi %sub3A_33, %shift_left3A_22 : i32
      %roll3A = tpu.dynamic_rotate %while3A_19 by %sub3A_34 dim 0 : vector<512x128xi32>, i32 -> vector<512x128xi32>
      %roll3A_35 = tpu.dynamic_rotate %while3A_19 by %shift_left3A_22 dim 0 : vector<512x128xi32>, i32 -> vector<512x128xi32>
      %select_n3A = arith.select %eq3A_32, %roll3A, %roll3A_35 : vector<512x128xi1>, vector<512x128xi32>
      %sub3A_36 = arith.constant 512 : i32
      %sub3A_37 = arith.subi %sub3A_36, %shift_left3A_22 : i32
      %roll3A_38 = tpu.dynamic_rotate %while3A_20 by %sub3A_37 dim 0 : vector<512x128xf32>, i32 -> vector<512x128xf32>
      %roll3A_39 = tpu.dynamic_rotate %while3A_20 by %shift_left3A_22 dim 0 : vector<512x128xf32>, i32 -> vector<512x128xf32>
      %select_n3A_40 = arith.select %eq3A_32, %roll3A_38, %roll3A_39 : vector<512x128xi1>, vector<512x128xf32>
      %eq3A_41 = arith.xori %eq3A_32, %eq3A_9 : vector<512x128xi1>
      %eq3A_42 = arith.constant dense<true> : vector<512x128xi1>
      %eq3A_43 = arith.xori %eq3A_41, %eq3A_42 : vector<512x128xi1>
      %lt3A = arith.cmpi slt, %while3A_19, %select_n3A : vector<512x128xi32>
      %eq3A_44 = arith.cmpi eq, %while3A_19, %select_n3A : vector<512x128xi32>
      %and3A_45 = arith.andi %eq3A_44, %eq3A_32 : vector<512x128xi1>
      %or3A = arith.ori %lt3A, %and3A_45 : vector<512x128xi1>
      %eq3A_46 = arith.xori %or3A, %eq3A_43 : vector<512x128xi1>
      %eq3A_47 = arith.constant dense<true> : vector<512x128xi1>
      %eq3A_48 = arith.xori %eq3A_46, %eq3A_47 : vector<512x128xi1>
      %select_n3A_49 = arith.select %eq3A_48, %while3A_19, %select_n3A : vector<512x128xi1>, vector<512x128xi32>
      %select_n3A_50 = arith.select %eq3A_48, %while3A_20, %select_n3A_40 : vector<512x128xi1>, vector<512x128xf32>
      %sub3A_51 = arith.constant 1 : i32
      %sub3A_52 = arith.subi %while3A_18, %sub3A_51 : i32
      scf.yield %sub3A_52, %select_n3A_49, %select_n3A_50 : i32, vector<512x128xi32>, vector<512x128xf32>
    }
    %while3A_11 = arith.constant 6 : i32
    %while3A_12:3 = scf.while (%while3A_18 = %while3A_11, %while3A_19 = %while3A_10#1, %while3A_20 = %while3A_10#2) : (i32, vector<512x128xi32>, vector<512x128xf32>) -> (i32, vector<512x128xi32>, vector<512x128xf32>) {
      %ge3A = arith.constant 0 : i32
      %ge3A_21 = arith.cmpi sge, %while3A_18, %ge3A : i32
      scf.condition(%ge3A_21) %while3A_18, %while3A_19, %while3A_20 : i32, vector<512x128xi32>, vector<512x128xf32>
    } do {
    ^bb0(%while3A_18: i32, %while3A_19: vector<512x128xi32>, %while3A_20: vector<512x128xf32>):
      %shift_left3A = arith.constant 1 : i32
      %shift_left3A_21 = arith.shli %shift_left3A, %while3A_18 : i32
      %shift_right_logical3A_22 = vector.broadcast %while3A_18 : i32 to vector<512x128xi32>
      %shift_right_logical3A_23 = arith.shrui %iota3A, %shift_right_logical3A_22 : vector<512x128xi32>
      %and3A_24 = arith.constant 1 : i32
      %and3A_25 = vector.broadcast %and3A_24 : i32 to vector<512x128xi32>
      %and3A_26 = arith.andi %shift_right_logical3A_23, %and3A_25 : vector<512x128xi32>
      %eq3A_27 = arith.constant 0 : i32
      %eq3A_28 = vector.broadcast %eq3A_27 : i32 to vector<512x128xi32>
      %eq3A_29 = arith.cmpi eq, %and3A_26, %eq3A_28 : vector<512x128xi32>
      %sub3A = arith.constant 128 : i32
      %sub3A_30 = arith.subi %sub3A, %shift_left3A_21 : i32
      %roll3A = tpu.dynamic_rotate %while3A_19 by %sub3A_30 dim 1 : vector<512x128xi32>, i32 -> vector<512x128xi32>
      %roll3A_31 = tpu.dynamic_rotate %while3A_19 by %shift_left3A_21 dim 1 : vector<512x128xi32>, i32 -> vector<512x128xi32>
      %select_n3A = arith.select %eq3A_29, %roll3A, %roll3A_31 : vector<512x128xi1>, vector<512x128xi32>
      %sub3A_32 = arith.constant 128 : i32
      %sub3A_33 = arith.subi %sub3A_32, %shift_left3A_21 : i32
      %roll3A_34 = tpu.dynamic_rotate %while3A_20 by %sub3A_33 dim 1 : vector<512x128xf32>, i32 -> vector<512x128xf32>
      %roll3A_35 = tpu.dynamic_rotate %while3A_20 by %shift_left3A_21 dim 1 : vector<512x128xf32>, i32 -> vector<512x128xf32>
      %select_n3A_36 = arith.select %eq3A_29, %roll3A_34, %roll3A_35 : vector<512x128xi1>, vector<512x128xf32>
      %eq3A_37 = arith.xori %eq3A_29, %eq3A_9 : vector<512x128xi1>
      %eq3A_38 = arith.constant dense<true> : vector<512x128xi1>
      %eq3A_39 = arith.xori %eq3A_37, %eq3A_38 : vector<512x128xi1>
      %lt3A = arith.cmpi slt, %while3A_19, %select_n3A : vector<512x128xi32>
      %eq3A_40 = arith.cmpi eq, %while3A_19, %select_n3A : vector<512x128xi32>
      %and3A_41 = arith.andi %eq3A_40, %eq3A_29 : vector<512x128xi1>
      %or3A = arith.ori %lt3A, %and3A_41 : vector<512x128xi1>
      %eq3A_42 = arith.xori %or3A, %eq3A_39 : vector<512x128xi1>
      %eq3A_43 = arith.constant dense<true> : vector<512x128xi1>
      %eq3A_44 = arith.xori %eq3A_42, %eq3A_43 : vector<512x128xi1>
      %select_n3A_45 = arith.select %eq3A_44, %while3A_19, %select_n3A : vector<512x128xi1>, vector<512x128xi32>
      %select_n3A_46 = arith.select %eq3A_44, %while3A_20, %select_n3A_36 : vector<512x128xi1>, vector<512x128xf32>
      %sub3A_47 = arith.constant 1 : i32
      %sub3A_48 = arith.subi %while3A_18, %sub3A_47 : i32
      scf.yield %sub3A_48, %select_n3A_45, %select_n3A_46 : i32, vector<512x128xi32>, vector<512x128xf32>
    }
    %swap3A = arith.constant 0 : index
    %swap3A_13 = arith.constant 0 : index
    %swap3A_14 = vector.load %arg3[%swap3A, %swap3A_13] : memref<512x128xi32, #tpu.memory_space<vmem>>, vector<512x128xi32>
    tpu.vector_store %arg3[%swap3A, %swap3A_13], %while3A_12#1 {strides = array<i32>} : memref<512x128xi32, #tpu.memory_space<vmem>>, vector<512x128xi32>,
    %swap3A_15 = arith.constant 0 : index
    %swap3A_16 = arith.constant 0 : index
    %swap3A_17 = vector.load %arg4[%swap3A_15, %swap3A_16] : memref<512x128xf32, #tpu.memory_space<vmem>>, vector<512x128xf32>
    tpu.vector_store %arg4[%swap3A_15, %swap3A_16], %while3A_12#2 {strides = array<i32>} : memref<512x128xf32, #tpu.memory_space<vmem>>, vector<512x128xf32>,
    return
  }
  func.func @transform_0(%arg0: i32) -> (i32, i32) {
    %c0_i32 = arith.constant 0 : i32
    %c0_i32_0 = arith.constant 0 : i32
    return %arg0, %c0_i32 : i32, i32
  }
  func.func @transform_1(%arg0: i32) -> (i32, i32) {
    %c0_i32 = arith.constant 0 : i32
    %c0_i32_0 = arith.constant 0 : i32
    return %arg0, %c0_i32 : i32, i32
  }
  func.func @transform_2(%arg0: i32) -> (i32, i32) {
    %c0_i32 = arith.constant 0 : i32
    %c0_i32_0 = arith.constant 0 : i32
    return %arg0, %c0_i32 : i32, i32
  }
  func.func @transform_3(%arg0: i32) -> (i32, i32) {
    %c0_i32 = arith.constant 0 : i32
    %c0_i32_0 = arith.constant 0 : i32
    return %arg0, %c0_i32 : i32, i32
  }
}

module attributes {stable_mosaic.version = 14 : i64} {
  func.func @_pair_body(%arg0: i32, %arg1: i32, %arg2: memref<1x2x512x128xi32, #tpu.memory_space<vmem>>, %arg3: memref<1x2x512x128xf32, #tpu.memory_space<vmem>>, %arg4: memref<1x2x512x128xi32, #tpu.memory_space<vmem>>, %arg5: memref<1x2x512x128xf32, #tpu.memory_space<vmem>>) attributes {dimension_semantics = [#tpu.dimension_semantics<arbitrary>, #tpu.dimension_semantics<arbitrary>], iteration_bounds = array<i64: 4, 4>, scalar_prefetch = 0 : i64, scratch_operands = 0 : i64, tpu.core_type = #tpu.core_type<tc>, window_params = [{transform_indices = @transform_0, window_bounds = array<i64: 1, 2, 512, 128>}, {transform_indices = @transform_1, window_bounds = array<i64: 1, 2, 512, 128>}, {transform_indices = @transform_2, window_bounds = array<i64: 1, 2, 512, 128>}, {transform_indices = @transform_3, window_bounds = array<i64: 1, 2, 512, 128>}]} {
    %get3A = arith.constant 0 : index
    %get3A_0 = arith.constant 0 : index
    %get3A_1 = arith.constant 0 : index
    %get3A_2 = arith.constant 0 : index
    %get3A_3 = vector.load %arg2[%get3A, %get3A_0, %get3A_1, %get3A_2] : memref<1x2x512x128xi32, #tpu.memory_space<vmem>>, vector<1x1x512x128xi32>
    %get3A_4 = vector.shape_cast %get3A_3 : vector<1x1x512x128xi32> to vector<512x128xi32>
    %get3A_5 = arith.constant 0 : index
    %get3A_6 = arith.constant 1 : index
    %get3A_7 = arith.constant 0 : index
    %get3A_8 = arith.constant 0 : index
    %get3A_9 = vector.load %arg2[%get3A_5, %get3A_6, %get3A_7, %get3A_8] : memref<1x2x512x128xi32, #tpu.memory_space<vmem>>, vector<1x1x512x128xi32>
    %get3A_10 = vector.shape_cast %get3A_9 : vector<1x1x512x128xi32> to vector<512x128xi32>
    %get3A_11 = arith.constant 0 : index
    %get3A_12 = arith.constant 0 : index
    %get3A_13 = arith.constant 0 : index
    %get3A_14 = arith.constant 0 : index
    %get3A_15 = vector.load %arg3[%get3A_11, %get3A_12, %get3A_13, %get3A_14] : memref<1x2x512x128xf32, #tpu.memory_space<vmem>>, vector<1x1x512x128xf32>
    %get3A_16 = vector.shape_cast %get3A_15 : vector<1x1x512x128xf32> to vector<512x128xf32>
    %get3A_17 = arith.constant 0 : index
    %get3A_18 = arith.constant 1 : index
    %get3A_19 = arith.constant 0 : index
    %get3A_20 = arith.constant 0 : index
    %get3A_21 = vector.load %arg3[%get3A_17, %get3A_18, %get3A_19, %get3A_20] : memref<1x2x512x128xf32, #tpu.memory_space<vmem>>, vector<1x1x512x128xf32>
    %get3A_22 = vector.shape_cast %get3A_21 : vector<1x1x512x128xf32> to vector<512x128xf32>
    %shift_right_logical3A = arith.constant 0 : i32
    %shift_right_logical3A_23 = arith.shrui %arg0, %shift_right_logical3A : i32
    %and3A = arith.constant 1 : i32
    %and3A_24 = arith.andi %shift_right_logical3A_23, %and3A : i32
    %broadcast_in_dim3A = vector.broadcast %and3A_24 : i32 to vector<512x128xi32>
    %eq3A = arith.constant 0 : i32
    %eq3A_25 = vector.broadcast %eq3A : i32 to vector<512x128xi32>
    %eq3A_26 = arith.cmpi eq, %broadcast_in_dim3A, %eq3A_25 : vector<512x128xi32>
    %lt3A = arith.cmpi slt, %get3A_4, %get3A_10 : vector<512x128xi32>
    %eq3A_27 = arith.cmpi eq, %get3A_4, %get3A_10 : vector<512x128xi32>
    %or3A = arith.ori %lt3A, %eq3A_27 : vector<512x128xi1>
    %eq3A_28 = arith.xori %or3A, %eq3A_26 : vector<512x128xi1>
    %eq3A_29 = arith.constant dense<true> : vector<512x128xi1>
    %eq3A_30 = arith.xori %eq3A_28, %eq3A_29 : vector<512x128xi1>
    %select_n3A = arith.select %eq3A_30, %get3A_4, %get3A_10 : vector<512x128xi1>, vector<512x128xi32>
    %swap3A = arith.constant 0 : index
    %swap3A_31 = arith.constant 0 : index
    %swap3A_32 = arith.constant 0 : index
    %swap3A_33 = arith.constant 0 : index
    %swap3A_34 = vector.load %arg4[%swap3A, %swap3A_31, %swap3A_32, %swap3A_33] : memref<1x2x512x128xi32, #tpu.memory_space<vmem>>, vector<1x1x512x128xi32>
    %swap3A_35 = vector.shape_cast %swap3A_34 : vector<1x1x512x128xi32> to vector<512x128xi32>
    %swap3A_36 = vector.shape_cast %select_n3A : vector<512x128xi32> to vector<1x1x512x128xi32>
    tpu.vector_store %arg4[%swap3A, %swap3A_31, %swap3A_32, %swap3A_33], %swap3A_36 {strides = array<i32>} : memref<1x2x512x128xi32, #tpu.memory_space<vmem>>, vector<1x1x512x128xi32>,
    %select_n3A_37 = arith.select %eq3A_30, %get3A_10, %get3A_4 : vector<512x128xi1>, vector<512x128xi32>
    %swap3A_38 = arith.constant 0 : index
    %swap3A_39 = arith.constant 1 : index
    %swap3A_40 = arith.constant 0 : index
    %swap3A_41 = arith.constant 0 : index
    %swap3A_42 = vector.load %arg4[%swap3A_38, %swap3A_39, %swap3A_40, %swap3A_41] : memref<1x2x512x128xi32, #tpu.memory_space<vmem>>, vector<1x1x512x128xi32>
    %swap3A_43 = vector.shape_cast %swap3A_42 : vector<1x1x512x128xi32> to vector<512x128xi32>
    %swap3A_44 = vector.shape_cast %select_n3A_37 : vector<512x128xi32> to vector<1x1x512x128xi32>
    tpu.vector_store %arg4[%swap3A_38, %swap3A_39, %swap3A_40, %swap3A_41], %swap3A_44 {strides = array<i32>} : memref<1x2x512x128xi32, #tpu.memory_space<vmem>>, vector<1x1x512x128xi32>,
    %select_n3A_45 = arith.select %eq3A_30, %get3A_16, %get3A_22 : vector<512x128xi1>, vector<512x128xf32>
    %swap3A_46 = arith.constant 0 : index
    %swap3A_47 = arith.constant 0 : index
    %swap3A_48 = arith.constant 0 : index
    %swap3A_49 = arith.constant 0 : index
    %swap3A_50 = vector.load %arg5[%swap3A_46, %swap3A_47, %swap3A_48, %swap3A_49] : memref<1x2x512x128xf32, #tpu.memory_space<vmem>>, vector<1x1x512x128xf32>
    %swap3A_51 = vector.shape_cast %swap3A_50 : vector<1x1x512x128xf32> to vector<512x128xf32>
    %swap3A_52 = vector.shape_cast %select_n3A_45 : vector<512x128xf32> to vector<1x1x512x128xf32>
    tpu.vector_store %arg5[%swap3A_46, %swap3A_47, %swap3A_48, %swap3A_49], %swap3A_52 {strides = array<i32>} : memref<1x2x512x128xf32, #tpu.memory_space<vmem>>, vector<1x1x512x128xf32>,
    %select_n3A_53 = arith.select %eq3A_30, %get3A_22, %get3A_16 : vector<512x128xi1>, vector<512x128xf32>
    %swap3A_54 = arith.constant 0 : index
    %swap3A_55 = arith.constant 1 : index
    %swap3A_56 = arith.constant 0 : index
    %swap3A_57 = arith.constant 0 : index
    %swap3A_58 = vector.load %arg5[%swap3A_54, %swap3A_55, %swap3A_56, %swap3A_57] : memref<1x2x512x128xf32, #tpu.memory_space<vmem>>, vector<1x1x512x128xf32>
    %swap3A_59 = vector.shape_cast %swap3A_58 : vector<1x1x512x128xf32> to vector<512x128xf32>
    %swap3A_60 = vector.shape_cast %select_n3A_53 : vector<512x128xf32> to vector<1x1x512x128xf32>
    tpu.vector_store %arg5[%swap3A_54, %swap3A_55, %swap3A_56, %swap3A_57], %swap3A_60 {strides = array<i32>} : memref<1x2x512x128xf32, #tpu.memory_space<vmem>>, vector<1x1x512x128xf32>,
    return
  }
  func.func @transform_0(%arg0: i32, %arg1: i32) -> (i32, i32, i32, i32) {
    %c0_i32 = arith.constant 0 : i32
    %c0_i32_0 = arith.constant 0 : i32
    %c0_i32_1 = arith.constant 0 : i32
    return %arg0, %c0_i32, %arg1, %c0_i32_0 : i32, i32, i32, i32
  }
  func.func @transform_1(%arg0: i32, %arg1: i32) -> (i32, i32, i32, i32) {
    %c0_i32 = arith.constant 0 : i32
    %c0_i32_0 = arith.constant 0 : i32
    %c0_i32_1 = arith.constant 0 : i32
    return %arg0, %c0_i32, %arg1, %c0_i32_0 : i32, i32, i32, i32
  }
  func.func @transform_2(%arg0: i32, %arg1: i32) -> (i32, i32, i32, i32) {
    %c0_i32 = arith.constant 0 : i32
    %c0_i32_0 = arith.constant 0 : i32
    %c0_i32_1 = arith.constant 0 : i32
    return %arg0, %c0_i32, %arg1, %c0_i32_0 : i32, i32, i32, i32
  }
  func.func @transform_3(%arg0: i32, %arg1: i32) -> (i32, i32, i32, i32) {
    %c0_i32 = arith.constant 0 : i32
    %c0_i32_0 = arith.constant 0 : i32
    %c0_i32_1 = arith.constant 0 : i32
    return %arg0, %c0_i32, %arg1, %c0_i32_0 : i32, i32, i32, i32
  }
}

module attributes {stable_mosaic.version = 14 : i64} {
  func.func @_pair_body(%arg0: i32, %arg1: i32, %arg2: memref<1x2x512x128xi32, #tpu.memory_space<vmem>>, %arg3: memref<1x2x512x128xf32, #tpu.memory_space<vmem>>, %arg4: memref<1x2x512x128xi32, #tpu.memory_space<vmem>>, %arg5: memref<1x2x512x128xf32, #tpu.memory_space<vmem>>) attributes {dimension_semantics = [#tpu.dimension_semantics<arbitrary>, #tpu.dimension_semantics<arbitrary>], iteration_bounds = array<i64: 8, 2>, scalar_prefetch = 0 : i64, scratch_operands = 0 : i64, tpu.core_type = #tpu.core_type<tc>, window_params = [{transform_indices = @transform_0, window_bounds = array<i64: 1, 2, 512, 128>}, {transform_indices = @transform_1, window_bounds = array<i64: 1, 2, 512, 128>}, {transform_indices = @transform_2, window_bounds = array<i64: 1, 2, 512, 128>}, {transform_indices = @transform_3, window_bounds = array<i64: 1, 2, 512, 128>}]} {
    %get3A = arith.constant 0 : index
    %get3A_0 = arith.constant 0 : index
    %get3A_1 = arith.constant 0 : index
    %get3A_2 = arith.constant 0 : index
    %get3A_3 = vector.load %arg2[%get3A, %get3A_0, %get3A_1, %get3A_2] : memref<1x2x512x128xi32, #tpu.memory_space<vmem>>, vector<1x1x512x128xi32>
    %get3A_4 = vector.shape_cast %get3A_3 : vector<1x1x512x128xi32> to vector<512x128xi32>
    %get3A_5 = arith.constant 0 : index
    %get3A_6 = arith.constant 1 : index
    %get3A_7 = arith.constant 0 : index
    %get3A_8 = arith.constant 0 : index
    %get3A_9 = vector.load %arg2[%get3A_5, %get3A_6, %get3A_7, %get3A_8] : memref<1x2x512x128xi32, #tpu.memory_space<vmem>>, vector<1x1x512x128xi32>
    %get3A_10 = vector.shape_cast %get3A_9 : vector<1x1x512x128xi32> to vector<512x128xi32>
    %get3A_11 = arith.constant 0 : index
    %get3A_12 = arith.constant 0 : index
    %get3A_13 = arith.constant 0 : index
    %get3A_14 = arith.constant 0 : index
    %get3A_15 = vector.load %arg3[%get3A_11, %get3A_12, %get3A_13, %get3A_14] : memref<1x2x512x128xf32, #tpu.memory_space<vmem>>, vector<1x1x512x128xf32>
    %get3A_16 = vector.shape_cast %get3A_15 : vector<1x1x512x128xf32> to vector<512x128xf32>
    %get3A_17 = arith.constant 0 : index
    %get3A_18 = arith.constant 1 : index
    %get3A_19 = arith.constant 0 : index
    %get3A_20 = arith.constant 0 : index
    %get3A_21 = vector.load %arg3[%get3A_17, %get3A_18, %get3A_19, %get3A_20] : memref<1x2x512x128xf32, #tpu.memory_space<vmem>>, vector<1x1x512x128xf32>
    %get3A_22 = vector.shape_cast %get3A_21 : vector<1x1x512x128xf32> to vector<512x128xf32>
    %shift_right_logical3A = arith.constant 1 : i32
    %shift_right_logical3A_23 = arith.shrui %arg0, %shift_right_logical3A : i32
    %and3A = arith.constant 1 : i32
    %and3A_24 = arith.andi %shift_right_logical3A_23, %and3A : i32
    %broadcast_in_dim3A = vector.broadcast %and3A_24 : i32 to vector<512x128xi32>
    %eq3A = arith.constant 0 : i32
    %eq3A_25 = vector.broadcast %eq3A : i32 to vector<512x128xi32>
    %eq3A_26 = arith.cmpi eq, %broadcast_in_dim3A, %eq3A_25 : vector<512x128xi32>
    %lt3A = arith.cmpi slt, %get3A_4, %get3A_10 : vector<512x128xi32>
    %eq3A_27 = arith.cmpi eq, %get3A_4, %get3A_10 : vector<512x128xi32>
    %or3A = arith.ori %lt3A, %eq3A_27 : vector<512x128xi1>
    %eq3A_28 = arith.xori %or3A, %eq3A_26 : vector<512x128xi1>
    %eq3A_29 = arith.constant dense<true> : vector<512x128xi1>
    %eq3A_30 = arith.xori %eq3A_28, %eq3A_29 : vector<512x128xi1>
    %select_n3A = arith.select %eq3A_30, %get3A_4, %get3A_10 : vector<512x128xi1>, vector<512x128xi32>
    %swap3A = arith.constant 0 : index
    %swap3A_31 = arith.constant 0 : index
    %swap3A_32 = arith.constant 0 : index
    %swap3A_33 = arith.constant 0 : index
    %swap3A_34 = vector.load %arg4[%swap3A, %swap3A_31, %swap3A_32, %swap3A_33] : memref<1x2x512x128xi32, #tpu.memory_space<vmem>>, vector<1x1x512x128xi32>
    %swap3A_35 = vector.shape_cast %swap3A_34 : vector<1x1x512x128xi32> to vector<512x128xi32>
    %swap3A_36 = vector.shape_cast %select_n3A : vector<512x128xi32> to vector<1x1x512x128xi32>
    tpu.vector_store %arg4[%swap3A, %swap3A_31, %swap3A_32, %swap3A_33], %swap3A_36 {strides = array<i32>} : memref<1x2x512x128xi32, #tpu.memory_space<vmem>>, vector<1x1x512x128xi32>,
    %select_n3A_37 = arith.select %eq3A_30, %get3A_10, %get3A_4 : vector<512x128xi1>, vector<512x128xi32>
    %swap3A_38 = arith.constant 0 : index
    %swap3A_39 = arith.constant 1 : index
    %swap3A_40 = arith.constant 0 : index
    %swap3A_41 = arith.constant 0 : index
    %swap3A_42 = vector.load %arg4[%swap3A_38, %swap3A_39, %swap3A_40, %swap3A_41] : memref<1x2x512x128xi32, #tpu.memory_space<vmem>>, vector<1x1x512x128xi32>
    %swap3A_43 = vector.shape_cast %swap3A_42 : vector<1x1x512x128xi32> to vector<512x128xi32>
    %swap3A_44 = vector.shape_cast %select_n3A_37 : vector<512x128xi32> to vector<1x1x512x128xi32>
    tpu.vector_store %arg4[%swap3A_38, %swap3A_39, %swap3A_40, %swap3A_41], %swap3A_44 {strides = array<i32>} : memref<1x2x512x128xi32, #tpu.memory_space<vmem>>, vector<1x1x512x128xi32>,
    %select_n3A_45 = arith.select %eq3A_30, %get3A_16, %get3A_22 : vector<512x128xi1>, vector<512x128xf32>
    %swap3A_46 = arith.constant 0 : index
    %swap3A_47 = arith.constant 0 : index
    %swap3A_48 = arith.constant 0 : index
    %swap3A_49 = arith.constant 0 : index
    %swap3A_50 = vector.load %arg5[%swap3A_46, %swap3A_47, %swap3A_48, %swap3A_49] : memref<1x2x512x128xf32, #tpu.memory_space<vmem>>, vector<1x1x512x128xf32>
    %swap3A_51 = vector.shape_cast %swap3A_50 : vector<1x1x512x128xf32> to vector<512x128xf32>
    %swap3A_52 = vector.shape_cast %select_n3A_45 : vector<512x128xf32> to vector<1x1x512x128xf32>
    tpu.vector_store %arg5[%swap3A_46, %swap3A_47, %swap3A_48, %swap3A_49], %swap3A_52 {strides = array<i32>} : memref<1x2x512x128xf32, #tpu.memory_space<vmem>>, vector<1x1x512x128xf32>,
    %select_n3A_53 = arith.select %eq3A_30, %get3A_22, %get3A_16 : vector<512x128xi1>, vector<512x128xf32>
    %swap3A_54 = arith.constant 0 : index
    %swap3A_55 = arith.constant 1 : index
    %swap3A_56 = arith.constant 0 : index
    %swap3A_57 = arith.constant 0 : index
    %swap3A_58 = vector.load %arg5[%swap3A_54, %swap3A_55, %swap3A_56, %swap3A_57] : memref<1x2x512x128xf32, #tpu.memory_space<vmem>>, vector<1x1x512x128xf32>
    %swap3A_59 = vector.shape_cast %swap3A_58 : vector<1x1x512x128xf32> to vector<512x128xf32>
    %swap3A_60 = vector.shape_cast %select_n3A_53 : vector<512x128xf32> to vector<1x1x512x128xf32>
    tpu.vector_store %arg5[%swap3A_54, %swap3A_55, %swap3A_56, %swap3A_57], %swap3A_60 {strides = array<i32>} : memref<1x2x512x128xf32, #tpu.memory_space<vmem>>, vector<1x1x512x128xf32>,
    return
  }
  func.func @transform_0(%arg0: i32, %arg1: i32) -> (i32, i32, i32, i32) {
    %c0_i32 = arith.constant 0 : i32
    %c0_i32_0 = arith.constant 0 : i32
    %c0_i32_1 = arith.constant 0 : i32
    return %arg0, %c0_i32, %arg1, %c0_i32_0 : i32, i32, i32, i32
  }
  func.func @transform_1(%arg0: i32, %arg1: i32) -> (i32, i32, i32, i32) {
    %c0_i32 = arith.constant 0 : i32
    %c0_i32_0 = arith.constant 0 : i32
    %c0_i32_1 = arith.constant 0 : i32
    return %arg0, %c0_i32, %arg1, %c0_i32_0 : i32, i32, i32, i32
  }
  func.func @transform_2(%arg0: i32, %arg1: i32) -> (i32, i32, i32, i32) {
    %c0_i32 = arith.constant 0 : i32
    %c0_i32_0 = arith.constant 0 : i32
    %c0_i32_1 = arith.constant 0 : i32
    return %arg0, %c0_i32, %arg1, %c0_i32_0 : i32, i32, i32, i32
  }
  func.func @transform_3(%arg0: i32, %arg1: i32) -> (i32, i32, i32, i32) {
    %c0_i32 = arith.constant 0 : i32
    %c0_i32_0 = arith.constant 0 : i32
    %c0_i32_1 = arith.constant 0 : i32
    return %arg0, %c0_i32, %arg1, %c0_i32_0 : i32, i32, i32, i32
  }
}

module attributes {stable_mosaic.version = 14 : i64} {
  func.func @_pair_body(%arg0: i32, %arg1: i32, %arg2: memref<1x2x512x128xi32, #tpu.memory_space<vmem>>, %arg3: memref<1x2x512x128xf32, #tpu.memory_space<vmem>>, %arg4: memref<1x2x512x128xi32, #tpu.memory_space<vmem>>, %arg5: memref<1x2x512x128xf32, #tpu.memory_space<vmem>>) attributes {dimension_semantics = [#tpu.dimension_semantics<arbitrary>, #tpu.dimension_semantics<arbitrary>], iteration_bounds = array<i64: 16, 1>, scalar_prefetch = 0 : i64, scratch_operands = 0 : i64, tpu.core_type = #tpu.core_type<tc>, window_params = [{transform_indices = @transform_0, window_bounds = array<i64: 1, 2, 512, 128>}, {transform_indices = @transform_1, window_bounds = array<i64: 1, 2, 512, 128>}, {transform_indices = @transform_2, window_bounds = array<i64: 1, 2, 512, 128>}, {transform_indices = @transform_3, window_bounds = array<i64: 1, 2, 512, 128>}]} {
    %get3A = arith.constant 0 : index
    %get3A_0 = arith.constant 0 : index
    %get3A_1 = arith.constant 0 : index
    %get3A_2 = arith.constant 0 : index
    %get3A_3 = vector.load %arg2[%get3A, %get3A_0, %get3A_1, %get3A_2] : memref<1x2x512x128xi32, #tpu.memory_space<vmem>>, vector<1x1x512x128xi32>
    %get3A_4 = vector.shape_cast %get3A_3 : vector<1x1x512x128xi32> to vector<512x128xi32>
    %get3A_5 = arith.constant 0 : index
    %get3A_6 = arith.constant 1 : index
    %get3A_7 = arith.constant 0 : index
    %get3A_8 = arith.constant 0 : index
    %get3A_9 = vector.load %arg2[%get3A_5, %get3A_6, %get3A_7, %get3A_8] : memref<1x2x512x128xi32, #tpu.memory_space<vmem>>, vector<1x1x512x128xi32>
    %get3A_10 = vector.shape_cast %get3A_9 : vector<1x1x512x128xi32> to vector<512x128xi32>
    %get3A_11 = arith.constant 0 : index
    %get3A_12 = arith.constant 0 : index
    %get3A_13 = arith.constant 0 : index
    %get3A_14 = arith.constant 0 : index
    %get3A_15 = vector.load %arg3[%get3A_11, %get3A_12, %get3A_13, %get3A_14] : memref<1x2x512x128xf32, #tpu.memory_space<vmem>>, vector<1x1x512x128xf32>
    %get3A_16 = vector.shape_cast %get3A_15 : vector<1x1x512x128xf32> to vector<512x128xf32>
    %get3A_17 = arith.constant 0 : index
    %get3A_18 = arith.constant 1 : index
    %get3A_19 = arith.constant 0 : index
    %get3A_20 = arith.constant 0 : index
    %get3A_21 = vector.load %arg3[%get3A_17, %get3A_18, %get3A_19, %get3A_20] : memref<1x2x512x128xf32, #tpu.memory_space<vmem>>, vector<1x1x512x128xf32>
    %get3A_22 = vector.shape_cast %get3A_21 : vector<1x1x512x128xf32> to vector<512x128xf32>
    %shift_right_logical3A = arith.constant 2 : i32
    %shift_right_logical3A_23 = arith.shrui %arg0, %shift_right_logical3A : i32
    %and3A = arith.constant 1 : i32
    %and3A_24 = arith.andi %shift_right_logical3A_23, %and3A : i32
    %broadcast_in_dim3A = vector.broadcast %and3A_24 : i32 to vector<512x128xi32>
    %eq3A = arith.constant 0 : i32
    %eq3A_25 = vector.broadcast %eq3A : i32 to vector<512x128xi32>
    %eq3A_26 = arith.cmpi eq, %broadcast_in_dim3A, %eq3A_25 : vector<512x128xi32>
    %lt3A = arith.cmpi slt, %get3A_4, %get3A_10 : vector<512x128xi32>
    %eq3A_27 = arith.cmpi eq, %get3A_4, %get3A_10 : vector<512x128xi32>
    %or3A = arith.ori %lt3A, %eq3A_27 : vector<512x128xi1>
    %eq3A_28 = arith.xori %or3A, %eq3A_26 : vector<512x128xi1>
    %eq3A_29 = arith.constant dense<true> : vector<512x128xi1>
    %eq3A_30 = arith.xori %eq3A_28, %eq3A_29 : vector<512x128xi1>
    %select_n3A = arith.select %eq3A_30, %get3A_4, %get3A_10 : vector<512x128xi1>, vector<512x128xi32>
    %swap3A = arith.constant 0 : index
    %swap3A_31 = arith.constant 0 : index
    %swap3A_32 = arith.constant 0 : index
    %swap3A_33 = arith.constant 0 : index
    %swap3A_34 = vector.load %arg4[%swap3A, %swap3A_31, %swap3A_32, %swap3A_33] : memref<1x2x512x128xi32, #tpu.memory_space<vmem>>, vector<1x1x512x128xi32>
    %swap3A_35 = vector.shape_cast %swap3A_34 : vector<1x1x512x128xi32> to vector<512x128xi32>
    %swap3A_36 = vector.shape_cast %select_n3A : vector<512x128xi32> to vector<1x1x512x128xi32>
    tpu.vector_store %arg4[%swap3A, %swap3A_31, %swap3A_32, %swap3A_33], %swap3A_36 {strides = array<i32>} : memref<1x2x512x128xi32, #tpu.memory_space<vmem>>, vector<1x1x512x128xi32>,
    %select_n3A_37 = arith.select %eq3A_30, %get3A_10, %get3A_4 : vector<512x128xi1>, vector<512x128xi32>
    %swap3A_38 = arith.constant 0 : index
    %swap3A_39 = arith.constant 1 : index
    %swap3A_40 = arith.constant 0 : index
    %swap3A_41 = arith.constant 0 : index
    %swap3A_42 = vector.load %arg4[%swap3A_38, %swap3A_39, %swap3A_40, %swap3A_41] : memref<1x2x512x128xi32, #tpu.memory_space<vmem>>, vector<1x1x512x128xi32>
    %swap3A_43 = vector.shape_cast %swap3A_42 : vector<1x1x512x128xi32> to vector<512x128xi32>
    %swap3A_44 = vector.shape_cast %select_n3A_37 : vector<512x128xi32> to vector<1x1x512x128xi32>
    tpu.vector_store %arg4[%swap3A_38, %swap3A_39, %swap3A_40, %swap3A_41], %swap3A_44 {strides = array<i32>} : memref<1x2x512x128xi32, #tpu.memory_space<vmem>>, vector<1x1x512x128xi32>,
    %select_n3A_45 = arith.select %eq3A_30, %get3A_16, %get3A_22 : vector<512x128xi1>, vector<512x128xf32>
    %swap3A_46 = arith.constant 0 : index
    %swap3A_47 = arith.constant 0 : index
    %swap3A_48 = arith.constant 0 : index
    %swap3A_49 = arith.constant 0 : index
    %swap3A_50 = vector.load %arg5[%swap3A_46, %swap3A_47, %swap3A_48, %swap3A_49] : memref<1x2x512x128xf32, #tpu.memory_space<vmem>>, vector<1x1x512x128xf32>
    %swap3A_51 = vector.shape_cast %swap3A_50 : vector<1x1x512x128xf32> to vector<512x128xf32>
    %swap3A_52 = vector.shape_cast %select_n3A_45 : vector<512x128xf32> to vector<1x1x512x128xf32>
    tpu.vector_store %arg5[%swap3A_46, %swap3A_47, %swap3A_48, %swap3A_49], %swap3A_52 {strides = array<i32>} : memref<1x2x512x128xf32, #tpu.memory_space<vmem>>, vector<1x1x512x128xf32>,
    %select_n3A_53 = arith.select %eq3A_30, %get3A_22, %get3A_16 : vector<512x128xi1>, vector<512x128xf32>
    %swap3A_54 = arith.constant 0 : index
    %swap3A_55 = arith.constant 1 : index
    %swap3A_56 = arith.constant 0 : index
    %swap3A_57 = arith.constant 0 : index
    %swap3A_58 = vector.load %arg5[%swap3A_54, %swap3A_55, %swap3A_56, %swap3A_57] : memref<1x2x512x128xf32, #tpu.memory_space<vmem>>, vector<1x1x512x128xf32>
    %swap3A_59 = vector.shape_cast %swap3A_58 : vector<1x1x512x128xf32> to vector<512x128xf32>
    %swap3A_60 = vector.shape_cast %select_n3A_53 : vector<512x128xf32> to vector<1x1x512x128xf32>
    tpu.vector_store %arg5[%swap3A_54, %swap3A_55, %swap3A_56, %swap3A_57], %swap3A_60 {strides = array<i32>} : memref<1x2x512x128xf32, #tpu.memory_space<vmem>>, vector<1x1x512x128xf32>,
    return
  }
  func.func @transform_0(%arg0: i32, %arg1: i32) -> (i32, i32, i32, i32) {
    %c0_i32 = arith.constant 0 : i32
    %c0_i32_0 = arith.constant 0 : i32
    %c0_i32_1 = arith.constant 0 : i32
    return %arg0, %c0_i32, %arg1, %c0_i32_0 : i32, i32, i32, i32
  }
  func.func @transform_1(%arg0: i32, %arg1: i32) -> (i32, i32, i32, i32) {
    %c0_i32 = arith.constant 0 : i32
    %c0_i32_0 = arith.constant 0 : i32
    %c0_i32_1 = arith.constant 0 : i32
    return %arg0, %c0_i32, %arg1, %c0_i32_0 : i32, i32, i32, i32
  }
  func.func @transform_2(%arg0: i32, %arg1: i32) -> (i32, i32, i32, i32) {
    %c0_i32 = arith.constant 0 : i32
    %c0_i32_0 = arith.constant 0 : i32
    %c0_i32_1 = arith.constant 0 : i32
    return %arg0, %c0_i32, %arg1, %c0_i32_0 : i32, i32, i32, i32
  }
  func.func @transform_3(%arg0: i32, %arg1: i32) -> (i32, i32, i32, i32) {
    %c0_i32 = arith.constant 0 : i32
    %c0_i32_0 = arith.constant 0 : i32
    %c0_i32_1 = arith.constant 0 : i32
    return %arg0, %c0_i32, %arg1, %c0_i32_0 : i32, i32, i32, i32
  }
}

module attributes {stable_mosaic.version = 14 : i64} {
  func.func @_finish_body(%arg0: i32, %arg1: memref<512x128xi32, #tpu.memory_space<vmem>>, %arg2: memref<512x128xf32, #tpu.memory_space<vmem>>, %arg3: memref<512x128xi32, #tpu.memory_space<vmem>>, %arg4: memref<512x128xf32, #tpu.memory_space<vmem>>) attributes {dimension_semantics = [#tpu.dimension_semantics<arbitrary>], iteration_bounds = array<i64: 32>, scalar_prefetch = 0 : i64, scratch_operands = 0 : i64, tpu.core_type = #tpu.core_type<tc>, window_params = [{transform_indices = @transform_0, window_bounds = array<i64: 512, 128>}, {transform_indices = @transform_1, window_bounds = array<i64: 512, 128>}, {transform_indices = @transform_2, window_bounds = array<i64: 512, 128>}, {transform_indices = @transform_3, window_bounds = array<i64: 512, 128>}]} {
    %get3A = arith.constant 0 : index
    %get3A_0 = arith.constant 0 : index
    %get3A_1 = vector.load %arg1[%get3A, %get3A_0] : memref<512x128xi32, #tpu.memory_space<vmem>>, vector<512x128xi32>
    %get3A_2 = arith.constant 0 : index
    %get3A_3 = arith.constant 0 : index
    %get3A_4 = vector.load %arg2[%get3A_2, %get3A_3] : memref<512x128xf32, #tpu.memory_space<vmem>>, vector<512x128xf32>
    %iota3A = tpu.iota {dimensions = array<i32: 1>} : vector<512x128xi32>
    %iota3A_5 = tpu.iota {dimensions = array<i32: 0>} : vector<512x128xi32>
    %shift_right_logical3A = arith.constant 3 : i32
    %shift_right_logical3A_6 = arith.shrui %arg0, %shift_right_logical3A : i32
    %and3A = arith.constant 1 : i32
    %and3A_7 = arith.andi %shift_right_logical3A_6, %and3A : i32
    %broadcast_in_dim3A = vector.broadcast %and3A_7 : i32 to vector<512x128xi32>
    %eq3A = arith.constant 0 : i32
    %eq3A_8 = vector.broadcast %eq3A : i32 to vector<512x128xi32>
    %eq3A_9 = arith.cmpi eq, %broadcast_in_dim3A, %eq3A_8 : vector<512x128xi32>
    %while3A = arith.constant 15 : i32
    %while3A_10:3 = scf.while (%while3A_18 = %while3A, %while3A_19 = %get3A_1, %while3A_20 = %get3A_4) : (i32, vector<512x128xi32>, vector<512x128xf32>) -> (i32, vector<512x128xi32>, vector<512x128xf32>) {
      %ge3A = arith.constant 7 : i32
      %ge3A_21 = arith.cmpi sge, %while3A_18, %ge3A : i32
      scf.condition(%ge3A_21) %while3A_18, %while3A_19, %while3A_20 : i32, vector<512x128xi32>, vector<512x128xf32>
    } do {
    ^bb0(%while3A_18: i32, %while3A_19: vector<512x128xi32>, %while3A_20: vector<512x128xf32>):
      %sub3A = arith.constant 7 : i32
      %sub3A_21 = arith.subi %while3A_18, %sub3A : i32
      %shift_left3A = arith.constant 1 : i32
      %shift_left3A_22 = arith.shli %shift_left3A, %sub3A_21 : i32
      %sub3A_23 = arith.constant 7 : i32
      %sub3A_24 = arith.subi %while3A_18, %sub3A_23 : i32
      %shift_right_logical3A_25 = vector.broadcast %sub3A_24 : i32 to vector<512x128xi32>
      %shift_right_logical3A_26 = arith.shrui %iota3A_5, %shift_right_logical3A_25 : vector<512x128xi32>
      %and3A_27 = arith.constant 1 : i32
      %and3A_28 = vector.broadcast %and3A_27 : i32 to vector<512x128xi32>
      %and3A_29 = arith.andi %shift_right_logical3A_26, %and3A_28 : vector<512x128xi32>
      %eq3A_30 = arith.constant 0 : i32
      %eq3A_31 = vector.broadcast %eq3A_30 : i32 to vector<512x128xi32>
      %eq3A_32 = arith.cmpi eq, %and3A_29, %eq3A_31 : vector<512x128xi32>
      %sub3A_33 = arith.constant 512 : i32
      %sub3A_34 = arith.subi %sub3A_33, %shift_left3A_22 : i32
      %roll3A = tpu.dynamic_rotate %while3A_19 by %sub3A_34 dim 0 : vector<512x128xi32>, i32 -> vector<512x128xi32>
      %roll3A_35 = tpu.dynamic_rotate %while3A_19 by %shift_left3A_22 dim 0 : vector<512x128xi32>, i32 -> vector<512x128xi32>
      %select_n3A = arith.select %eq3A_32, %roll3A, %roll3A_35 : vector<512x128xi1>, vector<512x128xi32>
      %sub3A_36 = arith.constant 512 : i32
      %sub3A_37 = arith.subi %sub3A_36, %shift_left3A_22 : i32
      %roll3A_38 = tpu.dynamic_rotate %while3A_20 by %sub3A_37 dim 0 : vector<512x128xf32>, i32 -> vector<512x128xf32>
      %roll3A_39 = tpu.dynamic_rotate %while3A_20 by %shift_left3A_22 dim 0 : vector<512x128xf32>, i32 -> vector<512x128xf32>
      %select_n3A_40 = arith.select %eq3A_32, %roll3A_38, %roll3A_39 : vector<512x128xi1>, vector<512x128xf32>
      %eq3A_41 = arith.xori %eq3A_32, %eq3A_9 : vector<512x128xi1>
      %eq3A_42 = arith.constant dense<true> : vector<512x128xi1>
      %eq3A_43 = arith.xori %eq3A_41, %eq3A_42 : vector<512x128xi1>
      %lt3A = arith.cmpi slt, %while3A_19, %select_n3A : vector<512x128xi32>
      %eq3A_44 = arith.cmpi eq, %while3A_19, %select_n3A : vector<512x128xi32>
      %and3A_45 = arith.andi %eq3A_44, %eq3A_32 : vector<512x128xi1>
      %or3A = arith.ori %lt3A, %and3A_45 : vector<512x128xi1>
      %eq3A_46 = arith.xori %or3A, %eq3A_43 : vector<512x128xi1>
      %eq3A_47 = arith.constant dense<true> : vector<512x128xi1>
      %eq3A_48 = arith.xori %eq3A_46, %eq3A_47 : vector<512x128xi1>
      %select_n3A_49 = arith.select %eq3A_48, %while3A_19, %select_n3A : vector<512x128xi1>, vector<512x128xi32>
      %select_n3A_50 = arith.select %eq3A_48, %while3A_20, %select_n3A_40 : vector<512x128xi1>, vector<512x128xf32>
      %sub3A_51 = arith.constant 1 : i32
      %sub3A_52 = arith.subi %while3A_18, %sub3A_51 : i32
      scf.yield %sub3A_52, %select_n3A_49, %select_n3A_50 : i32, vector<512x128xi32>, vector<512x128xf32>
    }
    %while3A_11 = arith.constant 6 : i32
    %while3A_12:3 = scf.while (%while3A_18 = %while3A_11, %while3A_19 = %while3A_10#1, %while3A_20 = %while3A_10#2) : (i32, vector<512x128xi32>, vector<512x128xf32>) -> (i32, vector<512x128xi32>, vector<512x128xf32>) {
      %ge3A = arith.constant 0 : i32
      %ge3A_21 = arith.cmpi sge, %while3A_18, %ge3A : i32
      scf.condition(%ge3A_21) %while3A_18, %while3A_19, %while3A_20 : i32, vector<512x128xi32>, vector<512x128xf32>
    } do {
    ^bb0(%while3A_18: i32, %while3A_19: vector<512x128xi32>, %while3A_20: vector<512x128xf32>):
      %shift_left3A = arith.constant 1 : i32
      %shift_left3A_21 = arith.shli %shift_left3A, %while3A_18 : i32
      %shift_right_logical3A_22 = vector.broadcast %while3A_18 : i32 to vector<512x128xi32>
      %shift_right_logical3A_23 = arith.shrui %iota3A, %shift_right_logical3A_22 : vector<512x128xi32>
      %and3A_24 = arith.constant 1 : i32
      %and3A_25 = vector.broadcast %and3A_24 : i32 to vector<512x128xi32>
      %and3A_26 = arith.andi %shift_right_logical3A_23, %and3A_25 : vector<512x128xi32>
      %eq3A_27 = arith.constant 0 : i32
      %eq3A_28 = vector.broadcast %eq3A_27 : i32 to vector<512x128xi32>
      %eq3A_29 = arith.cmpi eq, %and3A_26, %eq3A_28 : vector<512x128xi32>
      %sub3A = arith.constant 128 : i32
      %sub3A_30 = arith.subi %sub3A, %shift_left3A_21 : i32
      %roll3A = tpu.dynamic_rotate %while3A_19 by %sub3A_30 dim 1 : vector<512x128xi32>, i32 -> vector<512x128xi32>
      %roll3A_31 = tpu.dynamic_rotate %while3A_19 by %shift_left3A_21 dim 1 : vector<512x128xi32>, i32 -> vector<512x128xi32>
      %select_n3A = arith.select %eq3A_29, %roll3A, %roll3A_31 : vector<512x128xi1>, vector<512x128xi32>
      %sub3A_32 = arith.constant 128 : i32
      %sub3A_33 = arith.subi %sub3A_32, %shift_left3A_21 : i32
      %roll3A_34 = tpu.dynamic_rotate %while3A_20 by %sub3A_33 dim 1 : vector<512x128xf32>, i32 -> vector<512x128xf32>
      %roll3A_35 = tpu.dynamic_rotate %while3A_20 by %shift_left3A_21 dim 1 : vector<512x128xf32>, i32 -> vector<512x128xf32>
      %select_n3A_36 = arith.select %eq3A_29, %roll3A_34, %roll3A_35 : vector<512x128xi1>, vector<512x128xf32>
      %eq3A_37 = arith.xori %eq3A_29, %eq3A_9 : vector<512x128xi1>
      %eq3A_38 = arith.constant dense<true> : vector<512x128xi1>
      %eq3A_39 = arith.xori %eq3A_37, %eq3A_38 : vector<512x128xi1>
      %lt3A = arith.cmpi slt, %while3A_19, %select_n3A : vector<512x128xi32>
      %eq3A_40 = arith.cmpi eq, %while3A_19, %select_n3A : vector<512x128xi32>
      %and3A_41 = arith.andi %eq3A_40, %eq3A_29 : vector<512x128xi1>
      %or3A = arith.ori %lt3A, %and3A_41 : vector<512x128xi1>
      %eq3A_42 = arith.xori %or3A, %eq3A_39 : vector<512x128xi1>
      %eq3A_43 = arith.constant dense<true> : vector<512x128xi1>
      %eq3A_44 = arith.xori %eq3A_42, %eq3A_43 : vector<512x128xi1>
      %select_n3A_45 = arith.select %eq3A_44, %while3A_19, %select_n3A : vector<512x128xi1>, vector<512x128xi32>
      %select_n3A_46 = arith.select %eq3A_44, %while3A_20, %select_n3A_36 : vector<512x128xi1>, vector<512x128xf32>
      %sub3A_47 = arith.constant 1 : i32
      %sub3A_48 = arith.subi %while3A_18, %sub3A_47 : i32
      scf.yield %sub3A_48, %select_n3A_45, %select_n3A_46 : i32, vector<512x128xi32>, vector<512x128xf32>
    }
    %swap3A = arith.constant 0 : index
    %swap3A_13 = arith.constant 0 : index
    %swap3A_14 = vector.load %arg3[%swap3A, %swap3A_13] : memref<512x128xi32, #tpu.memory_space<vmem>>, vector<512x128xi32>
    tpu.vector_store %arg3[%swap3A, %swap3A_13], %while3A_12#1 {strides = array<i32>} : memref<512x128xi32, #tpu.memory_space<vmem>>, vector<512x128xi32>,
    %swap3A_15 = arith.constant 0 : index
    %swap3A_16 = arith.constant 0 : index
    %swap3A_17 = vector.load %arg4[%swap3A_15, %swap3A_16] : memref<512x128xf32, #tpu.memory_space<vmem>>, vector<512x128xf32>
    tpu.vector_store %arg4[%swap3A_15, %swap3A_16], %while3A_12#2 {strides = array<i32>} : memref<512x128xf32, #tpu.memory_space<vmem>>, vector<512x128xf32>,
    return
  }
  func.func @transform_0(%arg0: i32) -> (i32, i32) {
    %c0_i32 = arith.constant 0 : i32
    %c0_i32_0 = arith.constant 0 : i32
    return %arg0, %c0_i32 : i32, i32
  }
  func.func @transform_1(%arg0: i32) -> (i32, i32) {
    %c0_i32 = arith.constant 0 : i32
    %c0_i32_0 = arith.constant 0 : i32
    return %arg0, %c0_i32 : i32, i32
  }
  func.func @transform_2(%arg0: i32) -> (i32, i32) {
    %c0_i32 = arith.constant 0 : i32
    %c0_i32_0 = arith.constant 0 : i32
    return %arg0, %c0_i32 : i32, i32
  }
  func.func @transform_3(%arg0: i32) -> (i32, i32) {
    %c0_i32 = arith.constant 0 : i32
    %c0_i32_0 = arith.constant 0 : i32
    return %arg0, %c0_i32 : i32, i32
  }
}

module attributes {stable_mosaic.version = 14 : i64} {
  func.func @_pair_body(%arg0: i32, %arg1: i32, %arg2: memref<1x2x512x128xi32, #tpu.memory_space<vmem>>, %arg3: memref<1x2x512x128xf32, #tpu.memory_space<vmem>>, %arg4: memref<1x2x512x128xi32, #tpu.memory_space<vmem>>, %arg5: memref<1x2x512x128xf32, #tpu.memory_space<vmem>>) attributes {dimension_semantics = [#tpu.dimension_semantics<arbitrary>, #tpu.dimension_semantics<arbitrary>], iteration_bounds = array<i64: 2, 8>, scalar_prefetch = 0 : i64, scratch_operands = 0 : i64, tpu.core_type = #tpu.core_type<tc>, window_params = [{transform_indices = @transform_0, window_bounds = array<i64: 1, 2, 512, 128>}, {transform_indices = @transform_1, window_bounds = array<i64: 1, 2, 512, 128>}, {transform_indices = @transform_2, window_bounds = array<i64: 1, 2, 512, 128>}, {transform_indices = @transform_3, window_bounds = array<i64: 1, 2, 512, 128>}]} {
    %get3A = arith.constant 0 : index
    %get3A_0 = arith.constant 0 : index
    %get3A_1 = arith.constant 0 : index
    %get3A_2 = arith.constant 0 : index
    %get3A_3 = vector.load %arg2[%get3A, %get3A_0, %get3A_1, %get3A_2] : memref<1x2x512x128xi32, #tpu.memory_space<vmem>>, vector<1x1x512x128xi32>
    %get3A_4 = vector.shape_cast %get3A_3 : vector<1x1x512x128xi32> to vector<512x128xi32>
    %get3A_5 = arith.constant 0 : index
    %get3A_6 = arith.constant 1 : index
    %get3A_7 = arith.constant 0 : index
    %get3A_8 = arith.constant 0 : index
    %get3A_9 = vector.load %arg2[%get3A_5, %get3A_6, %get3A_7, %get3A_8] : memref<1x2x512x128xi32, #tpu.memory_space<vmem>>, vector<1x1x512x128xi32>
    %get3A_10 = vector.shape_cast %get3A_9 : vector<1x1x512x128xi32> to vector<512x128xi32>
    %get3A_11 = arith.constant 0 : index
    %get3A_12 = arith.constant 0 : index
    %get3A_13 = arith.constant 0 : index
    %get3A_14 = arith.constant 0 : index
    %get3A_15 = vector.load %arg3[%get3A_11, %get3A_12, %get3A_13, %get3A_14] : memref<1x2x512x128xf32, #tpu.memory_space<vmem>>, vector<1x1x512x128xf32>
    %get3A_16 = vector.shape_cast %get3A_15 : vector<1x1x512x128xf32> to vector<512x128xf32>
    %get3A_17 = arith.constant 0 : index
    %get3A_18 = arith.constant 1 : index
    %get3A_19 = arith.constant 0 : index
    %get3A_20 = arith.constant 0 : index
    %get3A_21 = vector.load %arg3[%get3A_17, %get3A_18, %get3A_19, %get3A_20] : memref<1x2x512x128xf32, #tpu.memory_space<vmem>>, vector<1x1x512x128xf32>
    %get3A_22 = vector.shape_cast %get3A_21 : vector<1x1x512x128xf32> to vector<512x128xf32>
    %shift_right_logical3A = arith.constant 0 : i32
    %shift_right_logical3A_23 = arith.shrui %arg0, %shift_right_logical3A : i32
    %and3A = arith.constant 1 : i32
    %and3A_24 = arith.andi %shift_right_logical3A_23, %and3A : i32
    %broadcast_in_dim3A = vector.broadcast %and3A_24 : i32 to vector<512x128xi32>
    %eq3A = arith.constant 0 : i32
    %eq3A_25 = vector.broadcast %eq3A : i32 to vector<512x128xi32>
    %eq3A_26 = arith.cmpi eq, %broadcast_in_dim3A, %eq3A_25 : vector<512x128xi32>
    %lt3A = arith.cmpi slt, %get3A_4, %get3A_10 : vector<512x128xi32>
    %eq3A_27 = arith.cmpi eq, %get3A_4, %get3A_10 : vector<512x128xi32>
    %or3A = arith.ori %lt3A, %eq3A_27 : vector<512x128xi1>
    %eq3A_28 = arith.xori %or3A, %eq3A_26 : vector<512x128xi1>
    %eq3A_29 = arith.constant dense<true> : vector<512x128xi1>
    %eq3A_30 = arith.xori %eq3A_28, %eq3A_29 : vector<512x128xi1>
    %select_n3A = arith.select %eq3A_30, %get3A_4, %get3A_10 : vector<512x128xi1>, vector<512x128xi32>
    %swap3A = arith.constant 0 : index
    %swap3A_31 = arith.constant 0 : index
    %swap3A_32 = arith.constant 0 : index
    %swap3A_33 = arith.constant 0 : index
    %swap3A_34 = vector.load %arg4[%swap3A, %swap3A_31, %swap3A_32, %swap3A_33] : memref<1x2x512x128xi32, #tpu.memory_space<vmem>>, vector<1x1x512x128xi32>
    %swap3A_35 = vector.shape_cast %swap3A_34 : vector<1x1x512x128xi32> to vector<512x128xi32>
    %swap3A_36 = vector.shape_cast %select_n3A : vector<512x128xi32> to vector<1x1x512x128xi32>
    tpu.vector_store %arg4[%swap3A, %swap3A_31, %swap3A_32, %swap3A_33], %swap3A_36 {strides = array<i32>} : memref<1x2x512x128xi32, #tpu.memory_space<vmem>>, vector<1x1x512x128xi32>,
    %select_n3A_37 = arith.select %eq3A_30, %get3A_10, %get3A_4 : vector<512x128xi1>, vector<512x128xi32>
    %swap3A_38 = arith.constant 0 : index
    %swap3A_39 = arith.constant 1 : index
    %swap3A_40 = arith.constant 0 : index
    %swap3A_41 = arith.constant 0 : index
    %swap3A_42 = vector.load %arg4[%swap3A_38, %swap3A_39, %swap3A_40, %swap3A_41] : memref<1x2x512x128xi32, #tpu.memory_space<vmem>>, vector<1x1x512x128xi32>
    %swap3A_43 = vector.shape_cast %swap3A_42 : vector<1x1x512x128xi32> to vector<512x128xi32>
    %swap3A_44 = vector.shape_cast %select_n3A_37 : vector<512x128xi32> to vector<1x1x512x128xi32>
    tpu.vector_store %arg4[%swap3A_38, %swap3A_39, %swap3A_40, %swap3A_41], %swap3A_44 {strides = array<i32>} : memref<1x2x512x128xi32, #tpu.memory_space<vmem>>, vector<1x1x512x128xi32>,
    %select_n3A_45 = arith.select %eq3A_30, %get3A_16, %get3A_22 : vector<512x128xi1>, vector<512x128xf32>
    %swap3A_46 = arith.constant 0 : index
    %swap3A_47 = arith.constant 0 : index
    %swap3A_48 = arith.constant 0 : index
    %swap3A_49 = arith.constant 0 : index
    %swap3A_50 = vector.load %arg5[%swap3A_46, %swap3A_47, %swap3A_48, %swap3A_49] : memref<1x2x512x128xf32, #tpu.memory_space<vmem>>, vector<1x1x512x128xf32>
    %swap3A_51 = vector.shape_cast %swap3A_50 : vector<1x1x512x128xf32> to vector<512x128xf32>
    %swap3A_52 = vector.shape_cast %select_n3A_45 : vector<512x128xf32> to vector<1x1x512x128xf32>
    tpu.vector_store %arg5[%swap3A_46, %swap3A_47, %swap3A_48, %swap3A_49], %swap3A_52 {strides = array<i32>} : memref<1x2x512x128xf32, #tpu.memory_space<vmem>>, vector<1x1x512x128xf32>,
    %select_n3A_53 = arith.select %eq3A_30, %get3A_22, %get3A_16 : vector<512x128xi1>, vector<512x128xf32>
    %swap3A_54 = arith.constant 0 : index
    %swap3A_55 = arith.constant 1 : index
    %swap3A_56 = arith.constant 0 : index
    %swap3A_57 = arith.constant 0 : index
    %swap3A_58 = vector.load %arg5[%swap3A_54, %swap3A_55, %swap3A_56, %swap3A_57] : memref<1x2x512x128xf32, #tpu.memory_space<vmem>>, vector<1x1x512x128xf32>
    %swap3A_59 = vector.shape_cast %swap3A_58 : vector<1x1x512x128xf32> to vector<512x128xf32>
    %swap3A_60 = vector.shape_cast %select_n3A_53 : vector<512x128xf32> to vector<1x1x512x128xf32>
    tpu.vector_store %arg5[%swap3A_54, %swap3A_55, %swap3A_56, %swap3A_57], %swap3A_60 {strides = array<i32>} : memref<1x2x512x128xf32, #tpu.memory_space<vmem>>, vector<1x1x512x128xf32>,
    return
  }
  func.func @transform_0(%arg0: i32, %arg1: i32) -> (i32, i32, i32, i32) {
    %c0_i32 = arith.constant 0 : i32
    %c0_i32_0 = arith.constant 0 : i32
    %c0_i32_1 = arith.constant 0 : i32
    return %arg0, %c0_i32, %arg1, %c0_i32_0 : i32, i32, i32, i32
  }
  func.func @transform_1(%arg0: i32, %arg1: i32) -> (i32, i32, i32, i32) {
    %c0_i32 = arith.constant 0 : i32
    %c0_i32_0 = arith.constant 0 : i32
    %c0_i32_1 = arith.constant 0 : i32
    return %arg0, %c0_i32, %arg1, %c0_i32_0 : i32, i32, i32, i32
  }
  func.func @transform_2(%arg0: i32, %arg1: i32) -> (i32, i32, i32, i32) {
    %c0_i32 = arith.constant 0 : i32
    %c0_i32_0 = arith.constant 0 : i32
    %c0_i32_1 = arith.constant 0 : i32
    return %arg0, %c0_i32, %arg1, %c0_i32_0 : i32, i32, i32, i32
  }
  func.func @transform_3(%arg0: i32, %arg1: i32) -> (i32, i32, i32, i32) {
    %c0_i32 = arith.constant 0 : i32
    %c0_i32_0 = arith.constant 0 : i32
    %c0_i32_1 = arith.constant 0 : i32
    return %arg0, %c0_i32, %arg1, %c0_i32_0 : i32, i32, i32, i32
  }
}

module attributes {stable_mosaic.version = 14 : i64} {
  func.func @_pair_body(%arg0: i32, %arg1: i32, %arg2: memref<1x2x512x128xi32, #tpu.memory_space<vmem>>, %arg3: memref<1x2x512x128xf32, #tpu.memory_space<vmem>>, %arg4: memref<1x2x512x128xi32, #tpu.memory_space<vmem>>, %arg5: memref<1x2x512x128xf32, #tpu.memory_space<vmem>>) attributes {dimension_semantics = [#tpu.dimension_semantics<arbitrary>, #tpu.dimension_semantics<arbitrary>], iteration_bounds = array<i64: 4, 4>, scalar_prefetch = 0 : i64, scratch_operands = 0 : i64, tpu.core_type = #tpu.core_type<tc>, window_params = [{transform_indices = @transform_0, window_bounds = array<i64: 1, 2, 512, 128>}, {transform_indices = @transform_1, window_bounds = array<i64: 1, 2, 512, 128>}, {transform_indices = @transform_2, window_bounds = array<i64: 1, 2, 512, 128>}, {transform_indices = @transform_3, window_bounds = array<i64: 1, 2, 512, 128>}]} {
    %get3A = arith.constant 0 : index
    %get3A_0 = arith.constant 0 : index
    %get3A_1 = arith.constant 0 : index
    %get3A_2 = arith.constant 0 : index
    %get3A_3 = vector.load %arg2[%get3A, %get3A_0, %get3A_1, %get3A_2] : memref<1x2x512x128xi32, #tpu.memory_space<vmem>>, vector<1x1x512x128xi32>
    %get3A_4 = vector.shape_cast %get3A_3 : vector<1x1x512x128xi32> to vector<512x128xi32>
    %get3A_5 = arith.constant 0 : index
    %get3A_6 = arith.constant 1 : index
    %get3A_7 = arith.constant 0 : index
    %get3A_8 = arith.constant 0 : index
    %get3A_9 = vector.load %arg2[%get3A_5, %get3A_6, %get3A_7, %get3A_8] : memref<1x2x512x128xi32, #tpu.memory_space<vmem>>, vector<1x1x512x128xi32>
    %get3A_10 = vector.shape_cast %get3A_9 : vector<1x1x512x128xi32> to vector<512x128xi32>
    %get3A_11 = arith.constant 0 : index
    %get3A_12 = arith.constant 0 : index
    %get3A_13 = arith.constant 0 : index
    %get3A_14 = arith.constant 0 : index
    %get3A_15 = vector.load %arg3[%get3A_11, %get3A_12, %get3A_13, %get3A_14] : memref<1x2x512x128xf32, #tpu.memory_space<vmem>>, vector<1x1x512x128xf32>
    %get3A_16 = vector.shape_cast %get3A_15 : vector<1x1x512x128xf32> to vector<512x128xf32>
    %get3A_17 = arith.constant 0 : index
    %get3A_18 = arith.constant 1 : index
    %get3A_19 = arith.constant 0 : index
    %get3A_20 = arith.constant 0 : index
    %get3A_21 = vector.load %arg3[%get3A_17, %get3A_18, %get3A_19, %get3A_20] : memref<1x2x512x128xf32, #tpu.memory_space<vmem>>, vector<1x1x512x128xf32>
    %get3A_22 = vector.shape_cast %get3A_21 : vector<1x1x512x128xf32> to vector<512x128xf32>
    %shift_right_logical3A = arith.constant 1 : i32
    %shift_right_logical3A_23 = arith.shrui %arg0, %shift_right_logical3A : i32
    %and3A = arith.constant 1 : i32
    %and3A_24 = arith.andi %shift_right_logical3A_23, %and3A : i32
    %broadcast_in_dim3A = vector.broadcast %and3A_24 : i32 to vector<512x128xi32>
    %eq3A = arith.constant 0 : i32
    %eq3A_25 = vector.broadcast %eq3A : i32 to vector<512x128xi32>
    %eq3A_26 = arith.cmpi eq, %broadcast_in_dim3A, %eq3A_25 : vector<512x128xi32>
    %lt3A = arith.cmpi slt, %get3A_4, %get3A_10 : vector<512x128xi32>
    %eq3A_27 = arith.cmpi eq, %get3A_4, %get3A_10 : vector<512x128xi32>
    %or3A = arith.ori %lt3A, %eq3A_27 : vector<512x128xi1>
    %eq3A_28 = arith.xori %or3A, %eq3A_26 : vector<512x128xi1>
    %eq3A_29 = arith.constant dense<true> : vector<512x128xi1>
    %eq3A_30 = arith.xori %eq3A_28, %eq3A_29 : vector<512x128xi1>
    %select_n3A = arith.select %eq3A_30, %get3A_4, %get3A_10 : vector<512x128xi1>, vector<512x128xi32>
    %swap3A = arith.constant 0 : index
    %swap3A_31 = arith.constant 0 : index
    %swap3A_32 = arith.constant 0 : index
    %swap3A_33 = arith.constant 0 : index
    %swap3A_34 = vector.load %arg4[%swap3A, %swap3A_31, %swap3A_32, %swap3A_33] : memref<1x2x512x128xi32, #tpu.memory_space<vmem>>, vector<1x1x512x128xi32>
    %swap3A_35 = vector.shape_cast %swap3A_34 : vector<1x1x512x128xi32> to vector<512x128xi32>
    %swap3A_36 = vector.shape_cast %select_n3A : vector<512x128xi32> to vector<1x1x512x128xi32>
    tpu.vector_store %arg4[%swap3A, %swap3A_31, %swap3A_32, %swap3A_33], %swap3A_36 {strides = array<i32>} : memref<1x2x512x128xi32, #tpu.memory_space<vmem>>, vector<1x1x512x128xi32>,
    %select_n3A_37 = arith.select %eq3A_30, %get3A_10, %get3A_4 : vector<512x128xi1>, vector<512x128xi32>
    %swap3A_38 = arith.constant 0 : index
    %swap3A_39 = arith.constant 1 : index
    %swap3A_40 = arith.constant 0 : index
    %swap3A_41 = arith.constant 0 : index
    %swap3A_42 = vector.load %arg4[%swap3A_38, %swap3A_39, %swap3A_40, %swap3A_41] : memref<1x2x512x128xi32, #tpu.memory_space<vmem>>, vector<1x1x512x128xi32>
    %swap3A_43 = vector.shape_cast %swap3A_42 : vector<1x1x512x128xi32> to vector<512x128xi32>
    %swap3A_44 = vector.shape_cast %select_n3A_37 : vector<512x128xi32> to vector<1x1x512x128xi32>
    tpu.vector_store %arg4[%swap3A_38, %swap3A_39, %swap3A_40, %swap3A_41], %swap3A_44 {strides = array<i32>} : memref<1x2x512x128xi32, #tpu.memory_space<vmem>>, vector<1x1x512x128xi32>,
    %select_n3A_45 = arith.select %eq3A_30, %get3A_16, %get3A_22 : vector<512x128xi1>, vector<512x128xf32>
    %swap3A_46 = arith.constant 0 : index
    %swap3A_47 = arith.constant 0 : index
    %swap3A_48 = arith.constant 0 : index
    %swap3A_49 = arith.constant 0 : index
    %swap3A_50 = vector.load %arg5[%swap3A_46, %swap3A_47, %swap3A_48, %swap3A_49] : memref<1x2x512x128xf32, #tpu.memory_space<vmem>>, vector<1x1x512x128xf32>
    %swap3A_51 = vector.shape_cast %swap3A_50 : vector<1x1x512x128xf32> to vector<512x128xf32>
    %swap3A_52 = vector.shape_cast %select_n3A_45 : vector<512x128xf32> to vector<1x1x512x128xf32>
    tpu.vector_store %arg5[%swap3A_46, %swap3A_47, %swap3A_48, %swap3A_49], %swap3A_52 {strides = array<i32>} : memref<1x2x512x128xf32, #tpu.memory_space<vmem>>, vector<1x1x512x128xf32>,
    %select_n3A_53 = arith.select %eq3A_30, %get3A_22, %get3A_16 : vector<512x128xi1>, vector<512x128xf32>
    %swap3A_54 = arith.constant 0 : index
    %swap3A_55 = arith.constant 1 : index
    %swap3A_56 = arith.constant 0 : index
    %swap3A_57 = arith.constant 0 : index
    %swap3A_58 = vector.load %arg5[%swap3A_54, %swap3A_55, %swap3A_56, %swap3A_57] : memref<1x2x512x128xf32, #tpu.memory_space<vmem>>, vector<1x1x512x128xf32>
    %swap3A_59 = vector.shape_cast %swap3A_58 : vector<1x1x512x128xf32> to vector<512x128xf32>
    %swap3A_60 = vector.shape_cast %select_n3A_53 : vector<512x128xf32> to vector<1x1x512x128xf32>
    tpu.vector_store %arg5[%swap3A_54, %swap3A_55, %swap3A_56, %swap3A_57], %swap3A_60 {strides = array<i32>} : memref<1x2x512x128xf32, #tpu.memory_space<vmem>>, vector<1x1x512x128xf32>,
    return
  }
  func.func @transform_0(%arg0: i32, %arg1: i32) -> (i32, i32, i32, i32) {
    %c0_i32 = arith.constant 0 : i32
    %c0_i32_0 = arith.constant 0 : i32
    %c0_i32_1 = arith.constant 0 : i32
    return %arg0, %c0_i32, %arg1, %c0_i32_0 : i32, i32, i32, i32
  }
  func.func @transform_1(%arg0: i32, %arg1: i32) -> (i32, i32, i32, i32) {
    %c0_i32 = arith.constant 0 : i32
    %c0_i32_0 = arith.constant 0 : i32
    %c0_i32_1 = arith.constant 0 : i32
    return %arg0, %c0_i32, %arg1, %c0_i32_0 : i32, i32, i32, i32
  }
  func.func @transform_2(%arg0: i32, %arg1: i32) -> (i32, i32, i32, i32) {
    %c0_i32 = arith.constant 0 : i32
    %c0_i32_0 = arith.constant 0 : i32
    %c0_i32_1 = arith.constant 0 : i32
    return %arg0, %c0_i32, %arg1, %c0_i32_0 : i32, i32, i32, i32
  }
  func.func @transform_3(%arg0: i32, %arg1: i32) -> (i32, i32, i32, i32) {
    %c0_i32 = arith.constant 0 : i32
    %c0_i32_0 = arith.constant 0 : i32
    %c0_i32_1 = arith.constant 0 : i32
    return %arg0, %c0_i32, %arg1, %c0_i32_0 : i32, i32, i32, i32
  }
}

module attributes {stable_mosaic.version = 14 : i64} {
  func.func @_pair_body(%arg0: i32, %arg1: i32, %arg2: memref<1x2x512x128xi32, #tpu.memory_space<vmem>>, %arg3: memref<1x2x512x128xf32, #tpu.memory_space<vmem>>, %arg4: memref<1x2x512x128xi32, #tpu.memory_space<vmem>>, %arg5: memref<1x2x512x128xf32, #tpu.memory_space<vmem>>) attributes {dimension_semantics = [#tpu.dimension_semantics<arbitrary>, #tpu.dimension_semantics<arbitrary>], iteration_bounds = array<i64: 8, 2>, scalar_prefetch = 0 : i64, scratch_operands = 0 : i64, tpu.core_type = #tpu.core_type<tc>, window_params = [{transform_indices = @transform_0, window_bounds = array<i64: 1, 2, 512, 128>}, {transform_indices = @transform_1, window_bounds = array<i64: 1, 2, 512, 128>}, {transform_indices = @transform_2, window_bounds = array<i64: 1, 2, 512, 128>}, {transform_indices = @transform_3, window_bounds = array<i64: 1, 2, 512, 128>}]} {
    %get3A = arith.constant 0 : index
    %get3A_0 = arith.constant 0 : index
    %get3A_1 = arith.constant 0 : index
    %get3A_2 = arith.constant 0 : index
    %get3A_3 = vector.load %arg2[%get3A, %get3A_0, %get3A_1, %get3A_2] : memref<1x2x512x128xi32, #tpu.memory_space<vmem>>, vector<1x1x512x128xi32>
    %get3A_4 = vector.shape_cast %get3A_3 : vector<1x1x512x128xi32> to vector<512x128xi32>
    %get3A_5 = arith.constant 0 : index
    %get3A_6 = arith.constant 1 : index
    %get3A_7 = arith.constant 0 : index
    %get3A_8 = arith.constant 0 : index
    %get3A_9 = vector.load %arg2[%get3A_5, %get3A_6, %get3A_7, %get3A_8] : memref<1x2x512x128xi32, #tpu.memory_space<vmem>>, vector<1x1x512x128xi32>
    %get3A_10 = vector.shape_cast %get3A_9 : vector<1x1x512x128xi32> to vector<512x128xi32>
    %get3A_11 = arith.constant 0 : index
    %get3A_12 = arith.constant 0 : index
    %get3A_13 = arith.constant 0 : index
    %get3A_14 = arith.constant 0 : index
    %get3A_15 = vector.load %arg3[%get3A_11, %get3A_12, %get3A_13, %get3A_14] : memref<1x2x512x128xf32, #tpu.memory_space<vmem>>, vector<1x1x512x128xf32>
    %get3A_16 = vector.shape_cast %get3A_15 : vector<1x1x512x128xf32> to vector<512x128xf32>
    %get3A_17 = arith.constant 0 : index
    %get3A_18 = arith.constant 1 : index
    %get3A_19 = arith.constant 0 : index
    %get3A_20 = arith.constant 0 : index
    %get3A_21 = vector.load %arg3[%get3A_17, %get3A_18, %get3A_19, %get3A_20] : memref<1x2x512x128xf32, #tpu.memory_space<vmem>>, vector<1x1x512x128xf32>
    %get3A_22 = vector.shape_cast %get3A_21 : vector<1x1x512x128xf32> to vector<512x128xf32>
    %shift_right_logical3A = arith.constant 2 : i32
    %shift_right_logical3A_23 = arith.shrui %arg0, %shift_right_logical3A : i32
    %and3A = arith.constant 1 : i32
    %and3A_24 = arith.andi %shift_right_logical3A_23, %and3A : i32
    %broadcast_in_dim3A = vector.broadcast %and3A_24 : i32 to vector<512x128xi32>
    %eq3A = arith.constant 0 : i32
    %eq3A_25 = vector.broadcast %eq3A : i32 to vector<512x128xi32>
    %eq3A_26 = arith.cmpi eq, %broadcast_in_dim3A, %eq3A_25 : vector<512x128xi32>
    %lt3A = arith.cmpi slt, %get3A_4, %get3A_10 : vector<512x128xi32>
    %eq3A_27 = arith.cmpi eq, %get3A_4, %get3A_10 : vector<512x128xi32>
    %or3A = arith.ori %lt3A, %eq3A_27 : vector<512x128xi1>
    %eq3A_28 = arith.xori %or3A, %eq3A_26 : vector<512x128xi1>
    %eq3A_29 = arith.constant dense<true> : vector<512x128xi1>
    %eq3A_30 = arith.xori %eq3A_28, %eq3A_29 : vector<512x128xi1>
    %select_n3A = arith.select %eq3A_30, %get3A_4, %get3A_10 : vector<512x128xi1>, vector<512x128xi32>
    %swap3A = arith.constant 0 : index
    %swap3A_31 = arith.constant 0 : index
    %swap3A_32 = arith.constant 0 : index
    %swap3A_33 = arith.constant 0 : index
    %swap3A_34 = vector.load %arg4[%swap3A, %swap3A_31, %swap3A_32, %swap3A_33] : memref<1x2x512x128xi32, #tpu.memory_space<vmem>>, vector<1x1x512x128xi32>
    %swap3A_35 = vector.shape_cast %swap3A_34 : vector<1x1x512x128xi32> to vector<512x128xi32>
    %swap3A_36 = vector.shape_cast %select_n3A : vector<512x128xi32> to vector<1x1x512x128xi32>
    tpu.vector_store %arg4[%swap3A, %swap3A_31, %swap3A_32, %swap3A_33], %swap3A_36 {strides = array<i32>} : memref<1x2x512x128xi32, #tpu.memory_space<vmem>>, vector<1x1x512x128xi32>,
    %select_n3A_37 = arith.select %eq3A_30, %get3A_10, %get3A_4 : vector<512x128xi1>, vector<512x128xi32>
    %swap3A_38 = arith.constant 0 : index
    %swap3A_39 = arith.constant 1 : index
    %swap3A_40 = arith.constant 0 : index
    %swap3A_41 = arith.constant 0 : index
    %swap3A_42 = vector.load %arg4[%swap3A_38, %swap3A_39, %swap3A_40, %swap3A_41] : memref<1x2x512x128xi32, #tpu.memory_space<vmem>>, vector<1x1x512x128xi32>
    %swap3A_43 = vector.shape_cast %swap3A_42 : vector<1x1x512x128xi32> to vector<512x128xi32>
    %swap3A_44 = vector.shape_cast %select_n3A_37 : vector<512x128xi32> to vector<1x1x512x128xi32>
    tpu.vector_store %arg4[%swap3A_38, %swap3A_39, %swap3A_40, %swap3A_41], %swap3A_44 {strides = array<i32>} : memref<1x2x512x128xi32, #tpu.memory_space<vmem>>, vector<1x1x512x128xi32>,
    %select_n3A_45 = arith.select %eq3A_30, %get3A_16, %get3A_22 : vector<512x128xi1>, vector<512x128xf32>
    %swap3A_46 = arith.constant 0 : index
    %swap3A_47 = arith.constant 0 : index
    %swap3A_48 = arith.constant 0 : index
    %swap3A_49 = arith.constant 0 : index
    %swap3A_50 = vector.load %arg5[%swap3A_46, %swap3A_47, %swap3A_48, %swap3A_49] : memref<1x2x512x128xf32, #tpu.memory_space<vmem>>, vector<1x1x512x128xf32>
    %swap3A_51 = vector.shape_cast %swap3A_50 : vector<1x1x512x128xf32> to vector<512x128xf32>
    %swap3A_52 = vector.shape_cast %select_n3A_45 : vector<512x128xf32> to vector<1x1x512x128xf32>
    tpu.vector_store %arg5[%swap3A_46, %swap3A_47, %swap3A_48, %swap3A_49], %swap3A_52 {strides = array<i32>} : memref<1x2x512x128xf32, #tpu.memory_space<vmem>>, vector<1x1x512x128xf32>,
    %select_n3A_53 = arith.select %eq3A_30, %get3A_22, %get3A_16 : vector<512x128xi1>, vector<512x128xf32>
    %swap3A_54 = arith.constant 0 : index
    %swap3A_55 = arith.constant 1 : index
    %swap3A_56 = arith.constant 0 : index
    %swap3A_57 = arith.constant 0 : index
    %swap3A_58 = vector.load %arg5[%swap3A_54, %swap3A_55, %swap3A_56, %swap3A_57] : memref<1x2x512x128xf32, #tpu.memory_space<vmem>>, vector<1x1x512x128xf32>
    %swap3A_59 = vector.shape_cast %swap3A_58 : vector<1x1x512x128xf32> to vector<512x128xf32>
    %swap3A_60 = vector.shape_cast %select_n3A_53 : vector<512x128xf32> to vector<1x1x512x128xf32>
    tpu.vector_store %arg5[%swap3A_54, %swap3A_55, %swap3A_56, %swap3A_57], %swap3A_60 {strides = array<i32>} : memref<1x2x512x128xf32, #tpu.memory_space<vmem>>, vector<1x1x512x128xf32>,
    return
  }
  func.func @transform_0(%arg0: i32, %arg1: i32) -> (i32, i32, i32, i32) {
    %c0_i32 = arith.constant 0 : i32
    %c0_i32_0 = arith.constant 0 : i32
    %c0_i32_1 = arith.constant 0 : i32
    return %arg0, %c0_i32, %arg1, %c0_i32_0 : i32, i32, i32, i32
  }
  func.func @transform_1(%arg0: i32, %arg1: i32) -> (i32, i32, i32, i32) {
    %c0_i32 = arith.constant 0 : i32
    %c0_i32_0 = arith.constant 0 : i32
    %c0_i32_1 = arith.constant 0 : i32
    return %arg0, %c0_i32, %arg1, %c0_i32_0 : i32, i32, i32, i32
  }
  func.func @transform_2(%arg0: i32, %arg1: i32) -> (i32, i32, i32, i32) {
    %c0_i32 = arith.constant 0 : i32
    %c0_i32_0 = arith.constant 0 : i32
    %c0_i32_1 = arith.constant 0 : i32
    return %arg0, %c0_i32, %arg1, %c0_i32_0 : i32, i32, i32, i32
  }
  func.func @transform_3(%arg0: i32, %arg1: i32) -> (i32, i32, i32, i32) {
    %c0_i32 = arith.constant 0 : i32
    %c0_i32_0 = arith.constant 0 : i32
    %c0_i32_1 = arith.constant 0 : i32
    return %arg0, %c0_i32, %arg1, %c0_i32_0 : i32, i32, i32, i32
  }
}

module attributes {stable_mosaic.version = 14 : i64} {
  func.func @_pair_body(%arg0: i32, %arg1: i32, %arg2: memref<1x2x512x128xi32, #tpu.memory_space<vmem>>, %arg3: memref<1x2x512x128xf32, #tpu.memory_space<vmem>>, %arg4: memref<1x2x512x128xi32, #tpu.memory_space<vmem>>, %arg5: memref<1x2x512x128xf32, #tpu.memory_space<vmem>>) attributes {dimension_semantics = [#tpu.dimension_semantics<arbitrary>, #tpu.dimension_semantics<arbitrary>], iteration_bounds = array<i64: 16, 1>, scalar_prefetch = 0 : i64, scratch_operands = 0 : i64, tpu.core_type = #tpu.core_type<tc>, window_params = [{transform_indices = @transform_0, window_bounds = array<i64: 1, 2, 512, 128>}, {transform_indices = @transform_1, window_bounds = array<i64: 1, 2, 512, 128>}, {transform_indices = @transform_2, window_bounds = array<i64: 1, 2, 512, 128>}, {transform_indices = @transform_3, window_bounds = array<i64: 1, 2, 512, 128>}]} {
    %get3A = arith.constant 0 : index
    %get3A_0 = arith.constant 0 : index
    %get3A_1 = arith.constant 0 : index
    %get3A_2 = arith.constant 0 : index
    %get3A_3 = vector.load %arg2[%get3A, %get3A_0, %get3A_1, %get3A_2] : memref<1x2x512x128xi32, #tpu.memory_space<vmem>>, vector<1x1x512x128xi32>
    %get3A_4 = vector.shape_cast %get3A_3 : vector<1x1x512x128xi32> to vector<512x128xi32>
    %get3A_5 = arith.constant 0 : index
    %get3A_6 = arith.constant 1 : index
    %get3A_7 = arith.constant 0 : index
    %get3A_8 = arith.constant 0 : index
    %get3A_9 = vector.load %arg2[%get3A_5, %get3A_6, %get3A_7, %get3A_8] : memref<1x2x512x128xi32, #tpu.memory_space<vmem>>, vector<1x1x512x128xi32>
    %get3A_10 = vector.shape_cast %get3A_9 : vector<1x1x512x128xi32> to vector<512x128xi32>
    %get3A_11 = arith.constant 0 : index
    %get3A_12 = arith.constant 0 : index
    %get3A_13 = arith.constant 0 : index
    %get3A_14 = arith.constant 0 : index
    %get3A_15 = vector.load %arg3[%get3A_11, %get3A_12, %get3A_13, %get3A_14] : memref<1x2x512x128xf32, #tpu.memory_space<vmem>>, vector<1x1x512x128xf32>
    %get3A_16 = vector.shape_cast %get3A_15 : vector<1x1x512x128xf32> to vector<512x128xf32>
    %get3A_17 = arith.constant 0 : index
    %get3A_18 = arith.constant 1 : index
    %get3A_19 = arith.constant 0 : index
    %get3A_20 = arith.constant 0 : index
    %get3A_21 = vector.load %arg3[%get3A_17, %get3A_18, %get3A_19, %get3A_20] : memref<1x2x512x128xf32, #tpu.memory_space<vmem>>, vector<1x1x512x128xf32>
    %get3A_22 = vector.shape_cast %get3A_21 : vector<1x1x512x128xf32> to vector<512x128xf32>
    %shift_right_logical3A = arith.constant 3 : i32
    %shift_right_logical3A_23 = arith.shrui %arg0, %shift_right_logical3A : i32
    %and3A = arith.constant 1 : i32
    %and3A_24 = arith.andi %shift_right_logical3A_23, %and3A : i32
    %broadcast_in_dim3A = vector.broadcast %and3A_24 : i32 to vector<512x128xi32>
    %eq3A = arith.constant 0 : i32
    %eq3A_25 = vector.broadcast %eq3A : i32 to vector<512x128xi32>
    %eq3A_26 = arith.cmpi eq, %broadcast_in_dim3A, %eq3A_25 : vector<512x128xi32>
    %lt3A = arith.cmpi slt, %get3A_4, %get3A_10 : vector<512x128xi32>
    %eq3A_27 = arith.cmpi eq, %get3A_4, %get3A_10 : vector<512x128xi32>
    %or3A = arith.ori %lt3A, %eq3A_27 : vector<512x128xi1>
    %eq3A_28 = arith.xori %or3A, %eq3A_26 : vector<512x128xi1>
    %eq3A_29 = arith.constant dense<true> : vector<512x128xi1>
    %eq3A_30 = arith.xori %eq3A_28, %eq3A_29 : vector<512x128xi1>
    %select_n3A = arith.select %eq3A_30, %get3A_4, %get3A_10 : vector<512x128xi1>, vector<512x128xi32>
    %swap3A = arith.constant 0 : index
    %swap3A_31 = arith.constant 0 : index
    %swap3A_32 = arith.constant 0 : index
    %swap3A_33 = arith.constant 0 : index
    %swap3A_34 = vector.load %arg4[%swap3A, %swap3A_31, %swap3A_32, %swap3A_33] : memref<1x2x512x128xi32, #tpu.memory_space<vmem>>, vector<1x1x512x128xi32>
    %swap3A_35 = vector.shape_cast %swap3A_34 : vector<1x1x512x128xi32> to vector<512x128xi32>
    %swap3A_36 = vector.shape_cast %select_n3A : vector<512x128xi32> to vector<1x1x512x128xi32>
    tpu.vector_store %arg4[%swap3A, %swap3A_31, %swap3A_32, %swap3A_33], %swap3A_36 {strides = array<i32>} : memref<1x2x512x128xi32, #tpu.memory_space<vmem>>, vector<1x1x512x128xi32>,
    %select_n3A_37 = arith.select %eq3A_30, %get3A_10, %get3A_4 : vector<512x128xi1>, vector<512x128xi32>
    %swap3A_38 = arith.constant 0 : index
    %swap3A_39 = arith.constant 1 : index
    %swap3A_40 = arith.constant 0 : index
    %swap3A_41 = arith.constant 0 : index
    %swap3A_42 = vector.load %arg4[%swap3A_38, %swap3A_39, %swap3A_40, %swap3A_41] : memref<1x2x512x128xi32, #tpu.memory_space<vmem>>, vector<1x1x512x128xi32>
    %swap3A_43 = vector.shape_cast %swap3A_42 : vector<1x1x512x128xi32> to vector<512x128xi32>
    %swap3A_44 = vector.shape_cast %select_n3A_37 : vector<512x128xi32> to vector<1x1x512x128xi32>
    tpu.vector_store %arg4[%swap3A_38, %swap3A_39, %swap3A_40, %swap3A_41], %swap3A_44 {strides = array<i32>} : memref<1x2x512x128xi32, #tpu.memory_space<vmem>>, vector<1x1x512x128xi32>,
    %select_n3A_45 = arith.select %eq3A_30, %get3A_16, %get3A_22 : vector<512x128xi1>, vector<512x128xf32>
    %swap3A_46 = arith.constant 0 : index
    %swap3A_47 = arith.constant 0 : index
    %swap3A_48 = arith.constant 0 : index
    %swap3A_49 = arith.constant 0 : index
    %swap3A_50 = vector.load %arg5[%swap3A_46, %swap3A_47, %swap3A_48, %swap3A_49] : memref<1x2x512x128xf32, #tpu.memory_space<vmem>>, vector<1x1x512x128xf32>
    %swap3A_51 = vector.shape_cast %swap3A_50 : vector<1x1x512x128xf32> to vector<512x128xf32>
    %swap3A_52 = vector.shape_cast %select_n3A_45 : vector<512x128xf32> to vector<1x1x512x128xf32>
    tpu.vector_store %arg5[%swap3A_46, %swap3A_47, %swap3A_48, %swap3A_49], %swap3A_52 {strides = array<i32>} : memref<1x2x512x128xf32, #tpu.memory_space<vmem>>, vector<1x1x512x128xf32>,
    %select_n3A_53 = arith.select %eq3A_30, %get3A_22, %get3A_16 : vector<512x128xi1>, vector<512x128xf32>
    %swap3A_54 = arith.constant 0 : index
    %swap3A_55 = arith.constant 1 : index
    %swap3A_56 = arith.constant 0 : index
    %swap3A_57 = arith.constant 0 : index
    %swap3A_58 = vector.load %arg5[%swap3A_54, %swap3A_55, %swap3A_56, %swap3A_57] : memref<1x2x512x128xf32, #tpu.memory_space<vmem>>, vector<1x1x512x128xf32>
    %swap3A_59 = vector.shape_cast %swap3A_58 : vector<1x1x512x128xf32> to vector<512x128xf32>
    %swap3A_60 = vector.shape_cast %select_n3A_53 : vector<512x128xf32> to vector<1x1x512x128xf32>
    tpu.vector_store %arg5[%swap3A_54, %swap3A_55, %swap3A_56, %swap3A_57], %swap3A_60 {strides = array<i32>} : memref<1x2x512x128xf32, #tpu.memory_space<vmem>>, vector<1x1x512x128xf32>,
    return
  }
  func.func @transform_0(%arg0: i32, %arg1: i32) -> (i32, i32, i32, i32) {
    %c0_i32 = arith.constant 0 : i32
    %c0_i32_0 = arith.constant 0 : i32
    %c0_i32_1 = arith.constant 0 : i32
    return %arg0, %c0_i32, %arg1, %c0_i32_0 : i32, i32, i32, i32
  }
  func.func @transform_1(%arg0: i32, %arg1: i32) -> (i32, i32, i32, i32) {
    %c0_i32 = arith.constant 0 : i32
    %c0_i32_0 = arith.constant 0 : i32
    %c0_i32_1 = arith.constant 0 : i32
    return %arg0, %c0_i32, %arg1, %c0_i32_0 : i32, i32, i32, i32
  }
  func.func @transform_2(%arg0: i32, %arg1: i32) -> (i32, i32, i32, i32) {
    %c0_i32 = arith.constant 0 : i32
    %c0_i32_0 = arith.constant 0 : i32
    %c0_i32_1 = arith.constant 0 : i32
    return %arg0, %c0_i32, %arg1, %c0_i32_0 : i32, i32, i32, i32
  }
  func.func @transform_3(%arg0: i32, %arg1: i32) -> (i32, i32, i32, i32) {
    %c0_i32 = arith.constant 0 : i32
    %c0_i32_0 = arith.constant 0 : i32
    %c0_i32_1 = arith.constant 0 : i32
    return %arg0, %c0_i32, %arg1, %c0_i32_0 : i32, i32, i32, i32
  }
}

module attributes {stable_mosaic.version = 14 : i64} {
  func.func @_finish_body(%arg0: i32, %arg1: memref<512x128xi32, #tpu.memory_space<vmem>>, %arg2: memref<512x128xf32, #tpu.memory_space<vmem>>, %arg3: memref<512x128xi32, #tpu.memory_space<vmem>>, %arg4: memref<512x128xf32, #tpu.memory_space<vmem>>) attributes {dimension_semantics = [#tpu.dimension_semantics<arbitrary>], iteration_bounds = array<i64: 32>, scalar_prefetch = 0 : i64, scratch_operands = 0 : i64, tpu.core_type = #tpu.core_type<tc>, window_params = [{transform_indices = @transform_0, window_bounds = array<i64: 512, 128>}, {transform_indices = @transform_1, window_bounds = array<i64: 512, 128>}, {transform_indices = @transform_2, window_bounds = array<i64: 512, 128>}, {transform_indices = @transform_3, window_bounds = array<i64: 512, 128>}]} {
    %get3A = arith.constant 0 : index
    %get3A_0 = arith.constant 0 : index
    %get3A_1 = vector.load %arg1[%get3A, %get3A_0] : memref<512x128xi32, #tpu.memory_space<vmem>>, vector<512x128xi32>
    %get3A_2 = arith.constant 0 : index
    %get3A_3 = arith.constant 0 : index
    %get3A_4 = vector.load %arg2[%get3A_2, %get3A_3] : memref<512x128xf32, #tpu.memory_space<vmem>>, vector<512x128xf32>
    %iota3A = tpu.iota {dimensions = array<i32: 1>} : vector<512x128xi32>
    %iota3A_5 = tpu.iota {dimensions = array<i32: 0>} : vector<512x128xi32>
    %shift_right_logical3A = arith.constant 4 : i32
    %shift_right_logical3A_6 = arith.shrui %arg0, %shift_right_logical3A : i32
    %and3A = arith.constant 1 : i32
    %and3A_7 = arith.andi %shift_right_logical3A_6, %and3A : i32
    %broadcast_in_dim3A = vector.broadcast %and3A_7 : i32 to vector<512x128xi32>
    %eq3A = arith.constant 0 : i32
    %eq3A_8 = vector.broadcast %eq3A : i32 to vector<512x128xi32>
    %eq3A_9 = arith.cmpi eq, %broadcast_in_dim3A, %eq3A_8 : vector<512x128xi32>
    %while3A = arith.constant 15 : i32
    %while3A_10:3 = scf.while (%while3A_18 = %while3A, %while3A_19 = %get3A_1, %while3A_20 = %get3A_4) : (i32, vector<512x128xi32>, vector<512x128xf32>) -> (i32, vector<512x128xi32>, vector<512x128xf32>) {
      %ge3A = arith.constant 7 : i32
      %ge3A_21 = arith.cmpi sge, %while3A_18, %ge3A : i32
      scf.condition(%ge3A_21) %while3A_18, %while3A_19, %while3A_20 : i32, vector<512x128xi32>, vector<512x128xf32>
    } do {
    ^bb0(%while3A_18: i32, %while3A_19: vector<512x128xi32>, %while3A_20: vector<512x128xf32>):
      %sub3A = arith.constant 7 : i32
      %sub3A_21 = arith.subi %while3A_18, %sub3A : i32
      %shift_left3A = arith.constant 1 : i32
      %shift_left3A_22 = arith.shli %shift_left3A, %sub3A_21 : i32
      %sub3A_23 = arith.constant 7 : i32
      %sub3A_24 = arith.subi %while3A_18, %sub3A_23 : i32
      %shift_right_logical3A_25 = vector.broadcast %sub3A_24 : i32 to vector<512x128xi32>
      %shift_right_logical3A_26 = arith.shrui %iota3A_5, %shift_right_logical3A_25 : vector<512x128xi32>
      %and3A_27 = arith.constant 1 : i32
      %and3A_28 = vector.broadcast %and3A_27 : i32 to vector<512x128xi32>
      %and3A_29 = arith.andi %shift_right_logical3A_26, %and3A_28 : vector<512x128xi32>
      %eq3A_30 = arith.constant 0 : i32
      %eq3A_31 = vector.broadcast %eq3A_30 : i32 to vector<512x128xi32>
      %eq3A_32 = arith.cmpi eq, %and3A_29, %eq3A_31 : vector<512x128xi32>
      %sub3A_33 = arith.constant 512 : i32
      %sub3A_34 = arith.subi %sub3A_33, %shift_left3A_22 : i32
      %roll3A = tpu.dynamic_rotate %while3A_19 by %sub3A_34 dim 0 : vector<512x128xi32>, i32 -> vector<512x128xi32>
      %roll3A_35 = tpu.dynamic_rotate %while3A_19 by %shift_left3A_22 dim 0 : vector<512x128xi32>, i32 -> vector<512x128xi32>
      %select_n3A = arith.select %eq3A_32, %roll3A, %roll3A_35 : vector<512x128xi1>, vector<512x128xi32>
      %sub3A_36 = arith.constant 512 : i32
      %sub3A_37 = arith.subi %sub3A_36, %shift_left3A_22 : i32
      %roll3A_38 = tpu.dynamic_rotate %while3A_20 by %sub3A_37 dim 0 : vector<512x128xf32>, i32 -> vector<512x128xf32>
      %roll3A_39 = tpu.dynamic_rotate %while3A_20 by %shift_left3A_22 dim 0 : vector<512x128xf32>, i32 -> vector<512x128xf32>
      %select_n3A_40 = arith.select %eq3A_32, %roll3A_38, %roll3A_39 : vector<512x128xi1>, vector<512x128xf32>
      %eq3A_41 = arith.xori %eq3A_32, %eq3A_9 : vector<512x128xi1>
      %eq3A_42 = arith.constant dense<true> : vector<512x128xi1>
      %eq3A_43 = arith.xori %eq3A_41, %eq3A_42 : vector<512x128xi1>
      %lt3A = arith.cmpi slt, %while3A_19, %select_n3A : vector<512x128xi32>
      %eq3A_44 = arith.cmpi eq, %while3A_19, %select_n3A : vector<512x128xi32>
      %and3A_45 = arith.andi %eq3A_44, %eq3A_32 : vector<512x128xi1>
      %or3A = arith.ori %lt3A, %and3A_45 : vector<512x128xi1>
      %eq3A_46 = arith.xori %or3A, %eq3A_43 : vector<512x128xi1>
      %eq3A_47 = arith.constant dense<true> : vector<512x128xi1>
      %eq3A_48 = arith.xori %eq3A_46, %eq3A_47 : vector<512x128xi1>
      %select_n3A_49 = arith.select %eq3A_48, %while3A_19, %select_n3A : vector<512x128xi1>, vector<512x128xi32>
      %select_n3A_50 = arith.select %eq3A_48, %while3A_20, %select_n3A_40 : vector<512x128xi1>, vector<512x128xf32>
      %sub3A_51 = arith.constant 1 : i32
      %sub3A_52 = arith.subi %while3A_18, %sub3A_51 : i32
      scf.yield %sub3A_52, %select_n3A_49, %select_n3A_50 : i32, vector<512x128xi32>, vector<512x128xf32>
    }
    %while3A_11 = arith.constant 6 : i32
    %while3A_12:3 = scf.while (%while3A_18 = %while3A_11, %while3A_19 = %while3A_10#1, %while3A_20 = %while3A_10#2) : (i32, vector<512x128xi32>, vector<512x128xf32>) -> (i32, vector<512x128xi32>, vector<512x128xf32>) {
      %ge3A = arith.constant 0 : i32
      %ge3A_21 = arith.cmpi sge, %while3A_18, %ge3A : i32
      scf.condition(%ge3A_21) %while3A_18, %while3A_19, %while3A_20 : i32, vector<512x128xi32>, vector<512x128xf32>
    } do {
    ^bb0(%while3A_18: i32, %while3A_19: vector<512x128xi32>, %while3A_20: vector<512x128xf32>):
      %shift_left3A = arith.constant 1 : i32
      %shift_left3A_21 = arith.shli %shift_left3A, %while3A_18 : i32
      %shift_right_logical3A_22 = vector.broadcast %while3A_18 : i32 to vector<512x128xi32>
      %shift_right_logical3A_23 = arith.shrui %iota3A, %shift_right_logical3A_22 : vector<512x128xi32>
      %and3A_24 = arith.constant 1 : i32
      %and3A_25 = vector.broadcast %and3A_24 : i32 to vector<512x128xi32>
      %and3A_26 = arith.andi %shift_right_logical3A_23, %and3A_25 : vector<512x128xi32>
      %eq3A_27 = arith.constant 0 : i32
      %eq3A_28 = vector.broadcast %eq3A_27 : i32 to vector<512x128xi32>
      %eq3A_29 = arith.cmpi eq, %and3A_26, %eq3A_28 : vector<512x128xi32>
      %sub3A = arith.constant 128 : i32
      %sub3A_30 = arith.subi %sub3A, %shift_left3A_21 : i32
      %roll3A = tpu.dynamic_rotate %while3A_19 by %sub3A_30 dim 1 : vector<512x128xi32>, i32 -> vector<512x128xi32>
      %roll3A_31 = tpu.dynamic_rotate %while3A_19 by %shift_left3A_21 dim 1 : vector<512x128xi32>, i32 -> vector<512x128xi32>
      %select_n3A = arith.select %eq3A_29, %roll3A, %roll3A_31 : vector<512x128xi1>, vector<512x128xi32>
      %sub3A_32 = arith.constant 128 : i32
      %sub3A_33 = arith.subi %sub3A_32, %shift_left3A_21 : i32
      %roll3A_34 = tpu.dynamic_rotate %while3A_20 by %sub3A_33 dim 1 : vector<512x128xf32>, i32 -> vector<512x128xf32>
      %roll3A_35 = tpu.dynamic_rotate %while3A_20 by %shift_left3A_21 dim 1 : vector<512x128xf32>, i32 -> vector<512x128xf32>
      %select_n3A_36 = arith.select %eq3A_29, %roll3A_34, %roll3A_35 : vector<512x128xi1>, vector<512x128xf32>
      %eq3A_37 = arith.xori %eq3A_29, %eq3A_9 : vector<512x128xi1>
      %eq3A_38 = arith.constant dense<true> : vector<512x128xi1>
      %eq3A_39 = arith.xori %eq3A_37, %eq3A_38 : vector<512x128xi1>
      %lt3A = arith.cmpi slt, %while3A_19, %select_n3A : vector<512x128xi32>
      %eq3A_40 = arith.cmpi eq, %while3A_19, %select_n3A : vector<512x128xi32>
      %and3A_41 = arith.andi %eq3A_40, %eq3A_29 : vector<512x128xi1>
      %or3A = arith.ori %lt3A, %and3A_41 : vector<512x128xi1>
      %eq3A_42 = arith.xori %or3A, %eq3A_39 : vector<512x128xi1>
      %eq3A_43 = arith.constant dense<true> : vector<512x128xi1>
      %eq3A_44 = arith.xori %eq3A_42, %eq3A_43 : vector<512x128xi1>
      %select_n3A_45 = arith.select %eq3A_44, %while3A_19, %select_n3A : vector<512x128xi1>, vector<512x128xi32>
      %select_n3A_46 = arith.select %eq3A_44, %while3A_20, %select_n3A_36 : vector<512x128xi1>, vector<512x128xf32>
      %sub3A_47 = arith.constant 1 : i32
      %sub3A_48 = arith.subi %while3A_18, %sub3A_47 : i32
      scf.yield %sub3A_48, %select_n3A_45, %select_n3A_46 : i32, vector<512x128xi32>, vector<512x128xf32>
    }
    %swap3A = arith.constant 0 : index
    %swap3A_13 = arith.constant 0 : index
    %swap3A_14 = vector.load %arg3[%swap3A, %swap3A_13] : memref<512x128xi32, #tpu.memory_space<vmem>>, vector<512x128xi32>
    tpu.vector_store %arg3[%swap3A, %swap3A_13], %while3A_12#1 {strides = array<i32>} : memref<512x128xi32, #tpu.memory_space<vmem>>, vector<512x128xi32>,
    %swap3A_15 = arith.constant 0 : index
    %swap3A_16 = arith.constant 0 : index
    %swap3A_17 = vector.load %arg4[%swap3A_15, %swap3A_16] : memref<512x128xf32, #tpu.memory_space<vmem>>, vector<512x128xf32>
    tpu.vector_store %arg4[%swap3A_15, %swap3A_16], %while3A_12#2 {strides = array<i32>} : memref<512x128xf32, #tpu.memory_space<vmem>>, vector<512x128xf32>,
    return
  }
  func.func @transform_0(%arg0: i32) -> (i32, i32) {
    %c0_i32 = arith.constant 0 : i32
    %c0_i32_0 = arith.constant 0 : i32
    return %arg0, %c0_i32 : i32, i32
  }
  func.func @transform_1(%arg0: i32) -> (i32, i32) {
    %c0_i32 = arith.constant 0 : i32
    %c0_i32_0 = arith.constant 0 : i32
    return %arg0, %c0_i32 : i32, i32
  }
  func.func @transform_2(%arg0: i32) -> (i32, i32) {
    %c0_i32 = arith.constant 0 : i32
    %c0_i32_0 = arith.constant 0 : i32
    return %arg0, %c0_i32 : i32, i32
  }
  func.func @transform_3(%arg0: i32) -> (i32, i32) {
    %c0_i32 = arith.constant 0 : i32
    %c0_i32_0 = arith.constant 0 : i32
    return %arg0, %c0_i32 : i32, i32
  }
}

module attributes {stable_mosaic.version = 14 : i64} {
  func.func @_pair_body(%arg0: i32, %arg1: i32, %arg2: memref<1x2x512x128xi32, #tpu.memory_space<vmem>>, %arg3: memref<1x2x512x128xf32, #tpu.memory_space<vmem>>, %arg4: memref<1x2x512x128xi32, #tpu.memory_space<vmem>>, %arg5: memref<1x2x512x128xf32, #tpu.memory_space<vmem>>) attributes {dimension_semantics = [#tpu.dimension_semantics<arbitrary>, #tpu.dimension_semantics<arbitrary>], iteration_bounds = array<i64: 1, 16>, scalar_prefetch = 0 : i64, scratch_operands = 0 : i64, tpu.core_type = #tpu.core_type<tc>, window_params = [{transform_indices = @transform_0, window_bounds = array<i64: 1, 2, 512, 128>}, {transform_indices = @transform_1, window_bounds = array<i64: 1, 2, 512, 128>}, {transform_indices = @transform_2, window_bounds = array<i64: 1, 2, 512, 128>}, {transform_indices = @transform_3, window_bounds = array<i64: 1, 2, 512, 128>}]} {
    %get3A = arith.constant 0 : index
    %get3A_0 = arith.constant 0 : index
    %get3A_1 = arith.constant 0 : index
    %get3A_2 = arith.constant 0 : index
    %get3A_3 = vector.load %arg2[%get3A, %get3A_0, %get3A_1, %get3A_2] : memref<1x2x512x128xi32, #tpu.memory_space<vmem>>, vector<1x1x512x128xi32>
    %get3A_4 = vector.shape_cast %get3A_3 : vector<1x1x512x128xi32> to vector<512x128xi32>
    %get3A_5 = arith.constant 0 : index
    %get3A_6 = arith.constant 1 : index
    %get3A_7 = arith.constant 0 : index
    %get3A_8 = arith.constant 0 : index
    %get3A_9 = vector.load %arg2[%get3A_5, %get3A_6, %get3A_7, %get3A_8] : memref<1x2x512x128xi32, #tpu.memory_space<vmem>>, vector<1x1x512x128xi32>
    %get3A_10 = vector.shape_cast %get3A_9 : vector<1x1x512x128xi32> to vector<512x128xi32>
    %get3A_11 = arith.constant 0 : index
    %get3A_12 = arith.constant 0 : index
    %get3A_13 = arith.constant 0 : index
    %get3A_14 = arith.constant 0 : index
    %get3A_15 = vector.load %arg3[%get3A_11, %get3A_12, %get3A_13, %get3A_14] : memref<1x2x512x128xf32, #tpu.memory_space<vmem>>, vector<1x1x512x128xf32>
    %get3A_16 = vector.shape_cast %get3A_15 : vector<1x1x512x128xf32> to vector<512x128xf32>
    %get3A_17 = arith.constant 0 : index
    %get3A_18 = arith.constant 1 : index
    %get3A_19 = arith.constant 0 : index
    %get3A_20 = arith.constant 0 : index
    %get3A_21 = vector.load %arg3[%get3A_17, %get3A_18, %get3A_19, %get3A_20] : memref<1x2x512x128xf32, #tpu.memory_space<vmem>>, vector<1x1x512x128xf32>
    %get3A_22 = vector.shape_cast %get3A_21 : vector<1x1x512x128xf32> to vector<512x128xf32>
    %shift_right_logical3A = arith.constant 0 : i32
    %shift_right_logical3A_23 = arith.shrui %arg0, %shift_right_logical3A : i32
    %and3A = arith.constant 1 : i32
    %and3A_24 = arith.andi %shift_right_logical3A_23, %and3A : i32
    %broadcast_in_dim3A = vector.broadcast %and3A_24 : i32 to vector<512x128xi32>
    %eq3A = arith.constant 0 : i32
    %eq3A_25 = vector.broadcast %eq3A : i32 to vector<512x128xi32>
    %eq3A_26 = arith.cmpi eq, %broadcast_in_dim3A, %eq3A_25 : vector<512x128xi32>
    %lt3A = arith.cmpi slt, %get3A_4, %get3A_10 : vector<512x128xi32>
    %eq3A_27 = arith.cmpi eq, %get3A_4, %get3A_10 : vector<512x128xi32>
    %or3A = arith.ori %lt3A, %eq3A_27 : vector<512x128xi1>
    %eq3A_28 = arith.xori %or3A, %eq3A_26 : vector<512x128xi1>
    %eq3A_29 = arith.constant dense<true> : vector<512x128xi1>
    %eq3A_30 = arith.xori %eq3A_28, %eq3A_29 : vector<512x128xi1>
    %select_n3A = arith.select %eq3A_30, %get3A_4, %get3A_10 : vector<512x128xi1>, vector<512x128xi32>
    %swap3A = arith.constant 0 : index
    %swap3A_31 = arith.constant 0 : index
    %swap3A_32 = arith.constant 0 : index
    %swap3A_33 = arith.constant 0 : index
    %swap3A_34 = vector.load %arg4[%swap3A, %swap3A_31, %swap3A_32, %swap3A_33] : memref<1x2x512x128xi32, #tpu.memory_space<vmem>>, vector<1x1x512x128xi32>
    %swap3A_35 = vector.shape_cast %swap3A_34 : vector<1x1x512x128xi32> to vector<512x128xi32>
    %swap3A_36 = vector.shape_cast %select_n3A : vector<512x128xi32> to vector<1x1x512x128xi32>
    tpu.vector_store %arg4[%swap3A, %swap3A_31, %swap3A_32, %swap3A_33], %swap3A_36 {strides = array<i32>} : memref<1x2x512x128xi32, #tpu.memory_space<vmem>>, vector<1x1x512x128xi32>,
    %select_n3A_37 = arith.select %eq3A_30, %get3A_10, %get3A_4 : vector<512x128xi1>, vector<512x128xi32>
    %swap3A_38 = arith.constant 0 : index
    %swap3A_39 = arith.constant 1 : index
    %swap3A_40 = arith.constant 0 : index
    %swap3A_41 = arith.constant 0 : index
    %swap3A_42 = vector.load %arg4[%swap3A_38, %swap3A_39, %swap3A_40, %swap3A_41] : memref<1x2x512x128xi32, #tpu.memory_space<vmem>>, vector<1x1x512x128xi32>
    %swap3A_43 = vector.shape_cast %swap3A_42 : vector<1x1x512x128xi32> to vector<512x128xi32>
    %swap3A_44 = vector.shape_cast %select_n3A_37 : vector<512x128xi32> to vector<1x1x512x128xi32>
    tpu.vector_store %arg4[%swap3A_38, %swap3A_39, %swap3A_40, %swap3A_41], %swap3A_44 {strides = array<i32>} : memref<1x2x512x128xi32, #tpu.memory_space<vmem>>, vector<1x1x512x128xi32>,
    %select_n3A_45 = arith.select %eq3A_30, %get3A_16, %get3A_22 : vector<512x128xi1>, vector<512x128xf32>
    %swap3A_46 = arith.constant 0 : index
    %swap3A_47 = arith.constant 0 : index
    %swap3A_48 = arith.constant 0 : index
    %swap3A_49 = arith.constant 0 : index
    %swap3A_50 = vector.load %arg5[%swap3A_46, %swap3A_47, %swap3A_48, %swap3A_49] : memref<1x2x512x128xf32, #tpu.memory_space<vmem>>, vector<1x1x512x128xf32>
    %swap3A_51 = vector.shape_cast %swap3A_50 : vector<1x1x512x128xf32> to vector<512x128xf32>
    %swap3A_52 = vector.shape_cast %select_n3A_45 : vector<512x128xf32> to vector<1x1x512x128xf32>
    tpu.vector_store %arg5[%swap3A_46, %swap3A_47, %swap3A_48, %swap3A_49], %swap3A_52 {strides = array<i32>} : memref<1x2x512x128xf32, #tpu.memory_space<vmem>>, vector<1x1x512x128xf32>,
    %select_n3A_53 = arith.select %eq3A_30, %get3A_22, %get3A_16 : vector<512x128xi1>, vector<512x128xf32>
    %swap3A_54 = arith.constant 0 : index
    %swap3A_55 = arith.constant 1 : index
    %swap3A_56 = arith.constant 0 : index
    %swap3A_57 = arith.constant 0 : index
    %swap3A_58 = vector.load %arg5[%swap3A_54, %swap3A_55, %swap3A_56, %swap3A_57] : memref<1x2x512x128xf32, #tpu.memory_space<vmem>>, vector<1x1x512x128xf32>
    %swap3A_59 = vector.shape_cast %swap3A_58 : vector<1x1x512x128xf32> to vector<512x128xf32>
    %swap3A_60 = vector.shape_cast %select_n3A_53 : vector<512x128xf32> to vector<1x1x512x128xf32>
    tpu.vector_store %arg5[%swap3A_54, %swap3A_55, %swap3A_56, %swap3A_57], %swap3A_60 {strides = array<i32>} : memref<1x2x512x128xf32, #tpu.memory_space<vmem>>, vector<1x1x512x128xf32>,
    return
  }
  func.func @transform_0(%arg0: i32, %arg1: i32) -> (i32, i32, i32, i32) {
    %c0_i32 = arith.constant 0 : i32
    %c0_i32_0 = arith.constant 0 : i32
    %c0_i32_1 = arith.constant 0 : i32
    return %arg0, %c0_i32, %arg1, %c0_i32_0 : i32, i32, i32, i32
  }
  func.func @transform_1(%arg0: i32, %arg1: i32) -> (i32, i32, i32, i32) {
    %c0_i32 = arith.constant 0 : i32
    %c0_i32_0 = arith.constant 0 : i32
    %c0_i32_1 = arith.constant 0 : i32
    return %arg0, %c0_i32, %arg1, %c0_i32_0 : i32, i32, i32, i32
  }
  func.func @transform_2(%arg0: i32, %arg1: i32) -> (i32, i32, i32, i32) {
    %c0_i32 = arith.constant 0 : i32
    %c0_i32_0 = arith.constant 0 : i32
    %c0_i32_1 = arith.constant 0 : i32
    return %arg0, %c0_i32, %arg1, %c0_i32_0 : i32, i32, i32, i32
  }
  func.func @transform_3(%arg0: i32, %arg1: i32) -> (i32, i32, i32, i32) {
    %c0_i32 = arith.constant 0 : i32
    %c0_i32_0 = arith.constant 0 : i32
    %c0_i32_1 = arith.constant 0 : i32
    return %arg0, %c0_i32, %arg1, %c0_i32_0 : i32, i32, i32, i32
  }
}

module attributes {stable_mosaic.version = 14 : i64} {
  func.func @_pair_body(%arg0: i32, %arg1: i32, %arg2: memref<1x2x512x128xi32, #tpu.memory_space<vmem>>, %arg3: memref<1x2x512x128xf32, #tpu.memory_space<vmem>>, %arg4: memref<1x2x512x128xi32, #tpu.memory_space<vmem>>, %arg5: memref<1x2x512x128xf32, #tpu.memory_space<vmem>>) attributes {dimension_semantics = [#tpu.dimension_semantics<arbitrary>, #tpu.dimension_semantics<arbitrary>], iteration_bounds = array<i64: 2, 8>, scalar_prefetch = 0 : i64, scratch_operands = 0 : i64, tpu.core_type = #tpu.core_type<tc>, window_params = [{transform_indices = @transform_0, window_bounds = array<i64: 1, 2, 512, 128>}, {transform_indices = @transform_1, window_bounds = array<i64: 1, 2, 512, 128>}, {transform_indices = @transform_2, window_bounds = array<i64: 1, 2, 512, 128>}, {transform_indices = @transform_3, window_bounds = array<i64: 1, 2, 512, 128>}]} {
    %get3A = arith.constant 0 : index
    %get3A_0 = arith.constant 0 : index
    %get3A_1 = arith.constant 0 : index
    %get3A_2 = arith.constant 0 : index
    %get3A_3 = vector.load %arg2[%get3A, %get3A_0, %get3A_1, %get3A_2] : memref<1x2x512x128xi32, #tpu.memory_space<vmem>>, vector<1x1x512x128xi32>
    %get3A_4 = vector.shape_cast %get3A_3 : vector<1x1x512x128xi32> to vector<512x128xi32>
    %get3A_5 = arith.constant 0 : index
    %get3A_6 = arith.constant 1 : index
    %get3A_7 = arith.constant 0 : index
    %get3A_8 = arith.constant 0 : index
    %get3A_9 = vector.load %arg2[%get3A_5, %get3A_6, %get3A_7, %get3A_8] : memref<1x2x512x128xi32, #tpu.memory_space<vmem>>, vector<1x1x512x128xi32>
    %get3A_10 = vector.shape_cast %get3A_9 : vector<1x1x512x128xi32> to vector<512x128xi32>
    %get3A_11 = arith.constant 0 : index
    %get3A_12 = arith.constant 0 : index
    %get3A_13 = arith.constant 0 : index
    %get3A_14 = arith.constant 0 : index
    %get3A_15 = vector.load %arg3[%get3A_11, %get3A_12, %get3A_13, %get3A_14] : memref<1x2x512x128xf32, #tpu.memory_space<vmem>>, vector<1x1x512x128xf32>
    %get3A_16 = vector.shape_cast %get3A_15 : vector<1x1x512x128xf32> to vector<512x128xf32>
    %get3A_17 = arith.constant 0 : index
    %get3A_18 = arith.constant 1 : index
    %get3A_19 = arith.constant 0 : index
    %get3A_20 = arith.constant 0 : index
    %get3A_21 = vector.load %arg3[%get3A_17, %get3A_18, %get3A_19, %get3A_20] : memref<1x2x512x128xf32, #tpu.memory_space<vmem>>, vector<1x1x512x128xf32>
    %get3A_22 = vector.shape_cast %get3A_21 : vector<1x1x512x128xf32> to vector<512x128xf32>
    %shift_right_logical3A = arith.constant 1 : i32
    %shift_right_logical3A_23 = arith.shrui %arg0, %shift_right_logical3A : i32
    %and3A = arith.constant 1 : i32
    %and3A_24 = arith.andi %shift_right_logical3A_23, %and3A : i32
    %broadcast_in_dim3A = vector.broadcast %and3A_24 : i32 to vector<512x128xi32>
    %eq3A = arith.constant 0 : i32
    %eq3A_25 = vector.broadcast %eq3A : i32 to vector<512x128xi32>
    %eq3A_26 = arith.cmpi eq, %broadcast_in_dim3A, %eq3A_25 : vector<512x128xi32>
    %lt3A = arith.cmpi slt, %get3A_4, %get3A_10 : vector<512x128xi32>
    %eq3A_27 = arith.cmpi eq, %get3A_4, %get3A_10 : vector<512x128xi32>
    %or3A = arith.ori %lt3A, %eq3A_27 : vector<512x128xi1>
    %eq3A_28 = arith.xori %or3A, %eq3A_26 : vector<512x128xi1>
    %eq3A_29 = arith.constant dense<true> : vector<512x128xi1>
    %eq3A_30 = arith.xori %eq3A_28, %eq3A_29 : vector<512x128xi1>
    %select_n3A = arith.select %eq3A_30, %get3A_4, %get3A_10 : vector<512x128xi1>, vector<512x128xi32>
    %swap3A = arith.constant 0 : index
    %swap3A_31 = arith.constant 0 : index
    %swap3A_32 = arith.constant 0 : index
    %swap3A_33 = arith.constant 0 : index
    %swap3A_34 = vector.load %arg4[%swap3A, %swap3A_31, %swap3A_32, %swap3A_33] : memref<1x2x512x128xi32, #tpu.memory_space<vmem>>, vector<1x1x512x128xi32>
    %swap3A_35 = vector.shape_cast %swap3A_34 : vector<1x1x512x128xi32> to vector<512x128xi32>
    %swap3A_36 = vector.shape_cast %select_n3A : vector<512x128xi32> to vector<1x1x512x128xi32>
    tpu.vector_store %arg4[%swap3A, %swap3A_31, %swap3A_32, %swap3A_33], %swap3A_36 {strides = array<i32>} : memref<1x2x512x128xi32, #tpu.memory_space<vmem>>, vector<1x1x512x128xi32>,
    %select_n3A_37 = arith.select %eq3A_30, %get3A_10, %get3A_4 : vector<512x128xi1>, vector<512x128xi32>
    %swap3A_38 = arith.constant 0 : index
    %swap3A_39 = arith.constant 1 : index
    %swap3A_40 = arith.constant 0 : index
    %swap3A_41 = arith.constant 0 : index
    %swap3A_42 = vector.load %arg4[%swap3A_38, %swap3A_39, %swap3A_40, %swap3A_41] : memref<1x2x512x128xi32, #tpu.memory_space<vmem>>, vector<1x1x512x128xi32>
    %swap3A_43 = vector.shape_cast %swap3A_42 : vector<1x1x512x128xi32> to vector<512x128xi32>
    %swap3A_44 = vector.shape_cast %select_n3A_37 : vector<512x128xi32> to vector<1x1x512x128xi32>
    tpu.vector_store %arg4[%swap3A_38, %swap3A_39, %swap3A_40, %swap3A_41], %swap3A_44 {strides = array<i32>} : memref<1x2x512x128xi32, #tpu.memory_space<vmem>>, vector<1x1x512x128xi32>,
    %select_n3A_45 = arith.select %eq3A_30, %get3A_16, %get3A_22 : vector<512x128xi1>, vector<512x128xf32>
    %swap3A_46 = arith.constant 0 : index
    %swap3A_47 = arith.constant 0 : index
    %swap3A_48 = arith.constant 0 : index
    %swap3A_49 = arith.constant 0 : index
    %swap3A_50 = vector.load %arg5[%swap3A_46, %swap3A_47, %swap3A_48, %swap3A_49] : memref<1x2x512x128xf32, #tpu.memory_space<vmem>>, vector<1x1x512x128xf32>
    %swap3A_51 = vector.shape_cast %swap3A_50 : vector<1x1x512x128xf32> to vector<512x128xf32>
    %swap3A_52 = vector.shape_cast %select_n3A_45 : vector<512x128xf32> to vector<1x1x512x128xf32>
    tpu.vector_store %arg5[%swap3A_46, %swap3A_47, %swap3A_48, %swap3A_49], %swap3A_52 {strides = array<i32>} : memref<1x2x512x128xf32, #tpu.memory_space<vmem>>, vector<1x1x512x128xf32>,
    %select_n3A_53 = arith.select %eq3A_30, %get3A_22, %get3A_16 : vector<512x128xi1>, vector<512x128xf32>
    %swap3A_54 = arith.constant 0 : index
    %swap3A_55 = arith.constant 1 : index
    %swap3A_56 = arith.constant 0 : index
    %swap3A_57 = arith.constant 0 : index
    %swap3A_58 = vector.load %arg5[%swap3A_54, %swap3A_55, %swap3A_56, %swap3A_57] : memref<1x2x512x128xf32, #tpu.memory_space<vmem>>, vector<1x1x512x128xf32>
    %swap3A_59 = vector.shape_cast %swap3A_58 : vector<1x1x512x128xf32> to vector<512x128xf32>
    %swap3A_60 = vector.shape_cast %select_n3A_53 : vector<512x128xf32> to vector<1x1x512x128xf32>
    tpu.vector_store %arg5[%swap3A_54, %swap3A_55, %swap3A_56, %swap3A_57], %swap3A_60 {strides = array<i32>} : memref<1x2x512x128xf32, #tpu.memory_space<vmem>>, vector<1x1x512x128xf32>,
    return
  }
  func.func @transform_0(%arg0: i32, %arg1: i32) -> (i32, i32, i32, i32) {
    %c0_i32 = arith.constant 0 : i32
    %c0_i32_0 = arith.constant 0 : i32
    %c0_i32_1 = arith.constant 0 : i32
    return %arg0, %c0_i32, %arg1, %c0_i32_0 : i32, i32, i32, i32
  }
  func.func @transform_1(%arg0: i32, %arg1: i32) -> (i32, i32, i32, i32) {
    %c0_i32 = arith.constant 0 : i32
    %c0_i32_0 = arith.constant 0 : i32
    %c0_i32_1 = arith.constant 0 : i32
    return %arg0, %c0_i32, %arg1, %c0_i32_0 : i32, i32, i32, i32
  }
  func.func @transform_2(%arg0: i32, %arg1: i32) -> (i32, i32, i32, i32) {
    %c0_i32 = arith.constant 0 : i32
    %c0_i32_0 = arith.constant 0 : i32
    %c0_i32_1 = arith.constant 0 : i32
    return %arg0, %c0_i32, %arg1, %c0_i32_0 : i32, i32, i32, i32
  }
  func.func @transform_3(%arg0: i32, %arg1: i32) -> (i32, i32, i32, i32) {
    %c0_i32 = arith.constant 0 : i32
    %c0_i32_0 = arith.constant 0 : i32
    %c0_i32_1 = arith.constant 0 : i32
    return %arg0, %c0_i32, %arg1, %c0_i32_0 : i32, i32, i32, i32
  }
}

module attributes {stable_mosaic.version = 14 : i64} {
  func.func @_pair_body(%arg0: i32, %arg1: i32, %arg2: memref<1x2x512x128xi32, #tpu.memory_space<vmem>>, %arg3: memref<1x2x512x128xf32, #tpu.memory_space<vmem>>, %arg4: memref<1x2x512x128xi32, #tpu.memory_space<vmem>>, %arg5: memref<1x2x512x128xf32, #tpu.memory_space<vmem>>) attributes {dimension_semantics = [#tpu.dimension_semantics<arbitrary>, #tpu.dimension_semantics<arbitrary>], iteration_bounds = array<i64: 4, 4>, scalar_prefetch = 0 : i64, scratch_operands = 0 : i64, tpu.core_type = #tpu.core_type<tc>, window_params = [{transform_indices = @transform_0, window_bounds = array<i64: 1, 2, 512, 128>}, {transform_indices = @transform_1, window_bounds = array<i64: 1, 2, 512, 128>}, {transform_indices = @transform_2, window_bounds = array<i64: 1, 2, 512, 128>}, {transform_indices = @transform_3, window_bounds = array<i64: 1, 2, 512, 128>}]} {
    %get3A = arith.constant 0 : index
    %get3A_0 = arith.constant 0 : index
    %get3A_1 = arith.constant 0 : index
    %get3A_2 = arith.constant 0 : index
    %get3A_3 = vector.load %arg2[%get3A, %get3A_0, %get3A_1, %get3A_2] : memref<1x2x512x128xi32, #tpu.memory_space<vmem>>, vector<1x1x512x128xi32>
    %get3A_4 = vector.shape_cast %get3A_3 : vector<1x1x512x128xi32> to vector<512x128xi32>
    %get3A_5 = arith.constant 0 : index
    %get3A_6 = arith.constant 1 : index
    %get3A_7 = arith.constant 0 : index
    %get3A_8 = arith.constant 0 : index
    %get3A_9 = vector.load %arg2[%get3A_5, %get3A_6, %get3A_7, %get3A_8] : memref<1x2x512x128xi32, #tpu.memory_space<vmem>>, vector<1x1x512x128xi32>
    %get3A_10 = vector.shape_cast %get3A_9 : vector<1x1x512x128xi32> to vector<512x128xi32>
    %get3A_11 = arith.constant 0 : index
    %get3A_12 = arith.constant 0 : index
    %get3A_13 = arith.constant 0 : index
    %get3A_14 = arith.constant 0 : index
    %get3A_15 = vector.load %arg3[%get3A_11, %get3A_12, %get3A_13, %get3A_14] : memref<1x2x512x128xf32, #tpu.memory_space<vmem>>, vector<1x1x512x128xf32>
    %get3A_16 = vector.shape_cast %get3A_15 : vector<1x1x512x128xf32> to vector<512x128xf32>
    %get3A_17 = arith.constant 0 : index
    %get3A_18 = arith.constant 1 : index
    %get3A_19 = arith.constant 0 : index
    %get3A_20 = arith.constant 0 : index
    %get3A_21 = vector.load %arg3[%get3A_17, %get3A_18, %get3A_19, %get3A_20] : memref<1x2x512x128xf32, #tpu.memory_space<vmem>>, vector<1x1x512x128xf32>
    %get3A_22 = vector.shape_cast %get3A_21 : vector<1x1x512x128xf32> to vector<512x128xf32>
    %shift_right_logical3A = arith.constant 2 : i32
    %shift_right_logical3A_23 = arith.shrui %arg0, %shift_right_logical3A : i32
    %and3A = arith.constant 1 : i32
    %and3A_24 = arith.andi %shift_right_logical3A_23, %and3A : i32
    %broadcast_in_dim3A = vector.broadcast %and3A_24 : i32 to vector<512x128xi32>
    %eq3A = arith.constant 0 : i32
    %eq3A_25 = vector.broadcast %eq3A : i32 to vector<512x128xi32>
    %eq3A_26 = arith.cmpi eq, %broadcast_in_dim3A, %eq3A_25 : vector<512x128xi32>
    %lt3A = arith.cmpi slt, %get3A_4, %get3A_10 : vector<512x128xi32>
    %eq3A_27 = arith.cmpi eq, %get3A_4, %get3A_10 : vector<512x128xi32>
    %or3A = arith.ori %lt3A, %eq3A_27 : vector<512x128xi1>
    %eq3A_28 = arith.xori %or3A, %eq3A_26 : vector<512x128xi1>
    %eq3A_29 = arith.constant dense<true> : vector<512x128xi1>
    %eq3A_30 = arith.xori %eq3A_28, %eq3A_29 : vector<512x128xi1>
    %select_n3A = arith.select %eq3A_30, %get3A_4, %get3A_10 : vector<512x128xi1>, vector<512x128xi32>
    %swap3A = arith.constant 0 : index
    %swap3A_31 = arith.constant 0 : index
    %swap3A_32 = arith.constant 0 : index
    %swap3A_33 = arith.constant 0 : index
    %swap3A_34 = vector.load %arg4[%swap3A, %swap3A_31, %swap3A_32, %swap3A_33] : memref<1x2x512x128xi32, #tpu.memory_space<vmem>>, vector<1x1x512x128xi32>
    %swap3A_35 = vector.shape_cast %swap3A_34 : vector<1x1x512x128xi32> to vector<512x128xi32>
    %swap3A_36 = vector.shape_cast %select_n3A : vector<512x128xi32> to vector<1x1x512x128xi32>
    tpu.vector_store %arg4[%swap3A, %swap3A_31, %swap3A_32, %swap3A_33], %swap3A_36 {strides = array<i32>} : memref<1x2x512x128xi32, #tpu.memory_space<vmem>>, vector<1x1x512x128xi32>,
    %select_n3A_37 = arith.select %eq3A_30, %get3A_10, %get3A_4 : vector<512x128xi1>, vector<512x128xi32>
    %swap3A_38 = arith.constant 0 : index
    %swap3A_39 = arith.constant 1 : index
    %swap3A_40 = arith.constant 0 : index
    %swap3A_41 = arith.constant 0 : index
    %swap3A_42 = vector.load %arg4[%swap3A_38, %swap3A_39, %swap3A_40, %swap3A_41] : memref<1x2x512x128xi32, #tpu.memory_space<vmem>>, vector<1x1x512x128xi32>
    %swap3A_43 = vector.shape_cast %swap3A_42 : vector<1x1x512x128xi32> to vector<512x128xi32>
    %swap3A_44 = vector.shape_cast %select_n3A_37 : vector<512x128xi32> to vector<1x1x512x128xi32>
    tpu.vector_store %arg4[%swap3A_38, %swap3A_39, %swap3A_40, %swap3A_41], %swap3A_44 {strides = array<i32>} : memref<1x2x512x128xi32, #tpu.memory_space<vmem>>, vector<1x1x512x128xi32>,
    %select_n3A_45 = arith.select %eq3A_30, %get3A_16, %get3A_22 : vector<512x128xi1>, vector<512x128xf32>
    %swap3A_46 = arith.constant 0 : index
    %swap3A_47 = arith.constant 0 : index
    %swap3A_48 = arith.constant 0 : index
    %swap3A_49 = arith.constant 0 : index
    %swap3A_50 = vector.load %arg5[%swap3A_46, %swap3A_47, %swap3A_48, %swap3A_49] : memref<1x2x512x128xf32, #tpu.memory_space<vmem>>, vector<1x1x512x128xf32>
    %swap3A_51 = vector.shape_cast %swap3A_50 : vector<1x1x512x128xf32> to vector<512x128xf32>
    %swap3A_52 = vector.shape_cast %select_n3A_45 : vector<512x128xf32> to vector<1x1x512x128xf32>
    tpu.vector_store %arg5[%swap3A_46, %swap3A_47, %swap3A_48, %swap3A_49], %swap3A_52 {strides = array<i32>} : memref<1x2x512x128xf32, #tpu.memory_space<vmem>>, vector<1x1x512x128xf32>,
    %select_n3A_53 = arith.select %eq3A_30, %get3A_22, %get3A_16 : vector<512x128xi1>, vector<512x128xf32>
    %swap3A_54 = arith.constant 0 : index
    %swap3A_55 = arith.constant 1 : index
    %swap3A_56 = arith.constant 0 : index
    %swap3A_57 = arith.constant 0 : index
    %swap3A_58 = vector.load %arg5[%swap3A_54, %swap3A_55, %swap3A_56, %swap3A_57] : memref<1x2x512x128xf32, #tpu.memory_space<vmem>>, vector<1x1x512x128xf32>
    %swap3A_59 = vector.shape_cast %swap3A_58 : vector<1x1x512x128xf32> to vector<512x128xf32>
    %swap3A_60 = vector.shape_cast %select_n3A_53 : vector<512x128xf32> to vector<1x1x512x128xf32>
    tpu.vector_store %arg5[%swap3A_54, %swap3A_55, %swap3A_56, %swap3A_57], %swap3A_60 {strides = array<i32>} : memref<1x2x512x128xf32, #tpu.memory_space<vmem>>, vector<1x1x512x128xf32>,
    return
  }
  func.func @transform_0(%arg0: i32, %arg1: i32) -> (i32, i32, i32, i32) {
    %c0_i32 = arith.constant 0 : i32
    %c0_i32_0 = arith.constant 0 : i32
    %c0_i32_1 = arith.constant 0 : i32
    return %arg0, %c0_i32, %arg1, %c0_i32_0 : i32, i32, i32, i32
  }
  func.func @transform_1(%arg0: i32, %arg1: i32) -> (i32, i32, i32, i32) {
    %c0_i32 = arith.constant 0 : i32
    %c0_i32_0 = arith.constant 0 : i32
    %c0_i32_1 = arith.constant 0 : i32
    return %arg0, %c0_i32, %arg1, %c0_i32_0 : i32, i32, i32, i32
  }
  func.func @transform_2(%arg0: i32, %arg1: i32) -> (i32, i32, i32, i32) {
    %c0_i32 = arith.constant 0 : i32
    %c0_i32_0 = arith.constant 0 : i32
    %c0_i32_1 = arith.constant 0 : i32
    return %arg0, %c0_i32, %arg1, %c0_i32_0 : i32, i32, i32, i32
  }
  func.func @transform_3(%arg0: i32, %arg1: i32) -> (i32, i32, i32, i32) {
    %c0_i32 = arith.constant 0 : i32
    %c0_i32_0 = arith.constant 0 : i32
    %c0_i32_1 = arith.constant 0 : i32
    return %arg0, %c0_i32, %arg1, %c0_i32_0 : i32, i32, i32, i32
  }
}

module attributes {stable_mosaic.version = 14 : i64} {
  func.func @_pair_body(%arg0: i32, %arg1: i32, %arg2: memref<1x2x512x128xi32, #tpu.memory_space<vmem>>, %arg3: memref<1x2x512x128xf32, #tpu.memory_space<vmem>>, %arg4: memref<1x2x512x128xi32, #tpu.memory_space<vmem>>, %arg5: memref<1x2x512x128xf32, #tpu.memory_space<vmem>>) attributes {dimension_semantics = [#tpu.dimension_semantics<arbitrary>, #tpu.dimension_semantics<arbitrary>], iteration_bounds = array<i64: 8, 2>, scalar_prefetch = 0 : i64, scratch_operands = 0 : i64, tpu.core_type = #tpu.core_type<tc>, window_params = [{transform_indices = @transform_0, window_bounds = array<i64: 1, 2, 512, 128>}, {transform_indices = @transform_1, window_bounds = array<i64: 1, 2, 512, 128>}, {transform_indices = @transform_2, window_bounds = array<i64: 1, 2, 512, 128>}, {transform_indices = @transform_3, window_bounds = array<i64: 1, 2, 512, 128>}]} {
    %get3A = arith.constant 0 : index
    %get3A_0 = arith.constant 0 : index
    %get3A_1 = arith.constant 0 : index
    %get3A_2 = arith.constant 0 : index
    %get3A_3 = vector.load %arg2[%get3A, %get3A_0, %get3A_1, %get3A_2] : memref<1x2x512x128xi32, #tpu.memory_space<vmem>>, vector<1x1x512x128xi32>
    %get3A_4 = vector.shape_cast %get3A_3 : vector<1x1x512x128xi32> to vector<512x128xi32>
    %get3A_5 = arith.constant 0 : index
    %get3A_6 = arith.constant 1 : index
    %get3A_7 = arith.constant 0 : index
    %get3A_8 = arith.constant 0 : index
    %get3A_9 = vector.load %arg2[%get3A_5, %get3A_6, %get3A_7, %get3A_8] : memref<1x2x512x128xi32, #tpu.memory_space<vmem>>, vector<1x1x512x128xi32>
    %get3A_10 = vector.shape_cast %get3A_9 : vector<1x1x512x128xi32> to vector<512x128xi32>
    %get3A_11 = arith.constant 0 : index
    %get3A_12 = arith.constant 0 : index
    %get3A_13 = arith.constant 0 : index
    %get3A_14 = arith.constant 0 : index
    %get3A_15 = vector.load %arg3[%get3A_11, %get3A_12, %get3A_13, %get3A_14] : memref<1x2x512x128xf32, #tpu.memory_space<vmem>>, vector<1x1x512x128xf32>
    %get3A_16 = vector.shape_cast %get3A_15 : vector<1x1x512x128xf32> to vector<512x128xf32>
    %get3A_17 = arith.constant 0 : index
    %get3A_18 = arith.constant 1 : index
    %get3A_19 = arith.constant 0 : index
    %get3A_20 = arith.constant 0 : index
    %get3A_21 = vector.load %arg3[%get3A_17, %get3A_18, %get3A_19, %get3A_20] : memref<1x2x512x128xf32, #tpu.memory_space<vmem>>, vector<1x1x512x128xf32>
    %get3A_22 = vector.shape_cast %get3A_21 : vector<1x1x512x128xf32> to vector<512x128xf32>
    %shift_right_logical3A = arith.constant 3 : i32
    %shift_right_logical3A_23 = arith.shrui %arg0, %shift_right_logical3A : i32
    %and3A = arith.constant 1 : i32
    %and3A_24 = arith.andi %shift_right_logical3A_23, %and3A : i32
    %broadcast_in_dim3A = vector.broadcast %and3A_24 : i32 to vector<512x128xi32>
    %eq3A = arith.constant 0 : i32
    %eq3A_25 = vector.broadcast %eq3A : i32 to vector<512x128xi32>
    %eq3A_26 = arith.cmpi eq, %broadcast_in_dim3A, %eq3A_25 : vector<512x128xi32>
    %lt3A = arith.cmpi slt, %get3A_4, %get3A_10 : vector<512x128xi32>
    %eq3A_27 = arith.cmpi eq, %get3A_4, %get3A_10 : vector<512x128xi32>
    %or3A = arith.ori %lt3A, %eq3A_27 : vector<512x128xi1>
    %eq3A_28 = arith.xori %or3A, %eq3A_26 : vector<512x128xi1>
    %eq3A_29 = arith.constant dense<true> : vector<512x128xi1>
    %eq3A_30 = arith.xori %eq3A_28, %eq3A_29 : vector<512x128xi1>
    %select_n3A = arith.select %eq3A_30, %get3A_4, %get3A_10 : vector<512x128xi1>, vector<512x128xi32>
    %swap3A = arith.constant 0 : index
    %swap3A_31 = arith.constant 0 : index
    %swap3A_32 = arith.constant 0 : index
    %swap3A_33 = arith.constant 0 : index
    %swap3A_34 = vector.load %arg4[%swap3A, %swap3A_31, %swap3A_32, %swap3A_33] : memref<1x2x512x128xi32, #tpu.memory_space<vmem>>, vector<1x1x512x128xi32>
    %swap3A_35 = vector.shape_cast %swap3A_34 : vector<1x1x512x128xi32> to vector<512x128xi32>
    %swap3A_36 = vector.shape_cast %select_n3A : vector<512x128xi32> to vector<1x1x512x128xi32>
    tpu.vector_store %arg4[%swap3A, %swap3A_31, %swap3A_32, %swap3A_33], %swap3A_36 {strides = array<i32>} : memref<1x2x512x128xi32, #tpu.memory_space<vmem>>, vector<1x1x512x128xi32>,
    %select_n3A_37 = arith.select %eq3A_30, %get3A_10, %get3A_4 : vector<512x128xi1>, vector<512x128xi32>
    %swap3A_38 = arith.constant 0 : index
    %swap3A_39 = arith.constant 1 : index
    %swap3A_40 = arith.constant 0 : index
    %swap3A_41 = arith.constant 0 : index
    %swap3A_42 = vector.load %arg4[%swap3A_38, %swap3A_39, %swap3A_40, %swap3A_41] : memref<1x2x512x128xi32, #tpu.memory_space<vmem>>, vector<1x1x512x128xi32>
    %swap3A_43 = vector.shape_cast %swap3A_42 : vector<1x1x512x128xi32> to vector<512x128xi32>
    %swap3A_44 = vector.shape_cast %select_n3A_37 : vector<512x128xi32> to vector<1x1x512x128xi32>
    tpu.vector_store %arg4[%swap3A_38, %swap3A_39, %swap3A_40, %swap3A_41], %swap3A_44 {strides = array<i32>} : memref<1x2x512x128xi32, #tpu.memory_space<vmem>>, vector<1x1x512x128xi32>,
    %select_n3A_45 = arith.select %eq3A_30, %get3A_16, %get3A_22 : vector<512x128xi1>, vector<512x128xf32>
    %swap3A_46 = arith.constant 0 : index
    %swap3A_47 = arith.constant 0 : index
    %swap3A_48 = arith.constant 0 : index
    %swap3A_49 = arith.constant 0 : index
    %swap3A_50 = vector.load %arg5[%swap3A_46, %swap3A_47, %swap3A_48, %swap3A_49] : memref<1x2x512x128xf32, #tpu.memory_space<vmem>>, vector<1x1x512x128xf32>
    %swap3A_51 = vector.shape_cast %swap3A_50 : vector<1x1x512x128xf32> to vector<512x128xf32>
    %swap3A_52 = vector.shape_cast %select_n3A_45 : vector<512x128xf32> to vector<1x1x512x128xf32>
    tpu.vector_store %arg5[%swap3A_46, %swap3A_47, %swap3A_48, %swap3A_49], %swap3A_52 {strides = array<i32>} : memref<1x2x512x128xf32, #tpu.memory_space<vmem>>, vector<1x1x512x128xf32>,
    %select_n3A_53 = arith.select %eq3A_30, %get3A_22, %get3A_16 : vector<512x128xi1>, vector<512x128xf32>
    %swap3A_54 = arith.constant 0 : index
    %swap3A_55 = arith.constant 1 : index
    %swap3A_56 = arith.constant 0 : index
    %swap3A_57 = arith.constant 0 : index
    %swap3A_58 = vector.load %arg5[%swap3A_54, %swap3A_55, %swap3A_56, %swap3A_57] : memref<1x2x512x128xf32, #tpu.memory_space<vmem>>, vector<1x1x512x128xf32>
    %swap3A_59 = vector.shape_cast %swap3A_58 : vector<1x1x512x128xf32> to vector<512x128xf32>
    %swap3A_60 = vector.shape_cast %select_n3A_53 : vector<512x128xf32> to vector<1x1x512x128xf32>
    tpu.vector_store %arg5[%swap3A_54, %swap3A_55, %swap3A_56, %swap3A_57], %swap3A_60 {strides = array<i32>} : memref<1x2x512x128xf32, #tpu.memory_space<vmem>>, vector<1x1x512x128xf32>,
    return
  }
  func.func @transform_0(%arg0: i32, %arg1: i32) -> (i32, i32, i32, i32) {
    %c0_i32 = arith.constant 0 : i32
    %c0_i32_0 = arith.constant 0 : i32
    %c0_i32_1 = arith.constant 0 : i32
    return %arg0, %c0_i32, %arg1, %c0_i32_0 : i32, i32, i32, i32
  }
  func.func @transform_1(%arg0: i32, %arg1: i32) -> (i32, i32, i32, i32) {
    %c0_i32 = arith.constant 0 : i32
    %c0_i32_0 = arith.constant 0 : i32
    %c0_i32_1 = arith.constant 0 : i32
    return %arg0, %c0_i32, %arg1, %c0_i32_0 : i32, i32, i32, i32
  }
  func.func @transform_2(%arg0: i32, %arg1: i32) -> (i32, i32, i32, i32) {
    %c0_i32 = arith.constant 0 : i32
    %c0_i32_0 = arith.constant 0 : i32
    %c0_i32_1 = arith.constant 0 : i32
    return %arg0, %c0_i32, %arg1, %c0_i32_0 : i32, i32, i32, i32
  }
  func.func @transform_3(%arg0: i32, %arg1: i32) -> (i32, i32, i32, i32) {
    %c0_i32 = arith.constant 0 : i32
    %c0_i32_0 = arith.constant 0 : i32
    %c0_i32_1 = arith.constant 0 : i32
    return %arg0, %c0_i32, %arg1, %c0_i32_0 : i32, i32, i32, i32
  }
}

module attributes {stable_mosaic.version = 14 : i64} {
  func.func @_pair_body(%arg0: i32, %arg1: i32, %arg2: memref<1x2x512x128xi32, #tpu.memory_space<vmem>>, %arg3: memref<1x2x512x128xf32, #tpu.memory_space<vmem>>, %arg4: memref<1x2x512x128xi32, #tpu.memory_space<vmem>>, %arg5: memref<1x2x512x128xf32, #tpu.memory_space<vmem>>) attributes {dimension_semantics = [#tpu.dimension_semantics<arbitrary>, #tpu.dimension_semantics<arbitrary>], iteration_bounds = array<i64: 16, 1>, scalar_prefetch = 0 : i64, scratch_operands = 0 : i64, tpu.core_type = #tpu.core_type<tc>, window_params = [{transform_indices = @transform_0, window_bounds = array<i64: 1, 2, 512, 128>}, {transform_indices = @transform_1, window_bounds = array<i64: 1, 2, 512, 128>}, {transform_indices = @transform_2, window_bounds = array<i64: 1, 2, 512, 128>}, {transform_indices = @transform_3, window_bounds = array<i64: 1, 2, 512, 128>}]} {
    %get3A = arith.constant 0 : index
    %get3A_0 = arith.constant 0 : index
    %get3A_1 = arith.constant 0 : index
    %get3A_2 = arith.constant 0 : index
    %get3A_3 = vector.load %arg2[%get3A, %get3A_0, %get3A_1, %get3A_2] : memref<1x2x512x128xi32, #tpu.memory_space<vmem>>, vector<1x1x512x128xi32>
    %get3A_4 = vector.shape_cast %get3A_3 : vector<1x1x512x128xi32> to vector<512x128xi32>
    %get3A_5 = arith.constant 0 : index
    %get3A_6 = arith.constant 1 : index
    %get3A_7 = arith.constant 0 : index
    %get3A_8 = arith.constant 0 : index
    %get3A_9 = vector.load %arg2[%get3A_5, %get3A_6, %get3A_7, %get3A_8] : memref<1x2x512x128xi32, #tpu.memory_space<vmem>>, vector<1x1x512x128xi32>
    %get3A_10 = vector.shape_cast %get3A_9 : vector<1x1x512x128xi32> to vector<512x128xi32>
    %get3A_11 = arith.constant 0 : index
    %get3A_12 = arith.constant 0 : index
    %get3A_13 = arith.constant 0 : index
    %get3A_14 = arith.constant 0 : index
    %get3A_15 = vector.load %arg3[%get3A_11, %get3A_12, %get3A_13, %get3A_14] : memref<1x2x512x128xf32, #tpu.memory_space<vmem>>, vector<1x1x512x128xf32>
    %get3A_16 = vector.shape_cast %get3A_15 : vector<1x1x512x128xf32> to vector<512x128xf32>
    %get3A_17 = arith.constant 0 : index
    %get3A_18 = arith.constant 1 : index
    %get3A_19 = arith.constant 0 : index
    %get3A_20 = arith.constant 0 : index
    %get3A_21 = vector.load %arg3[%get3A_17, %get3A_18, %get3A_19, %get3A_20] : memref<1x2x512x128xf32, #tpu.memory_space<vmem>>, vector<1x1x512x128xf32>
    %get3A_22 = vector.shape_cast %get3A_21 : vector<1x1x512x128xf32> to vector<512x128xf32>
    %shift_right_logical3A = arith.constant 4 : i32
    %shift_right_logical3A_23 = arith.shrui %arg0, %shift_right_logical3A : i32
    %and3A = arith.constant 1 : i32
    %and3A_24 = arith.andi %shift_right_logical3A_23, %and3A : i32
    %broadcast_in_dim3A = vector.broadcast %and3A_24 : i32 to vector<512x128xi32>
    %eq3A = arith.constant 0 : i32
    %eq3A_25 = vector.broadcast %eq3A : i32 to vector<512x128xi32>
    %eq3A_26 = arith.cmpi eq, %broadcast_in_dim3A, %eq3A_25 : vector<512x128xi32>
    %lt3A = arith.cmpi slt, %get3A_4, %get3A_10 : vector<512x128xi32>
    %eq3A_27 = arith.cmpi eq, %get3A_4, %get3A_10 : vector<512x128xi32>
    %or3A = arith.ori %lt3A, %eq3A_27 : vector<512x128xi1>
    %eq3A_28 = arith.xori %or3A, %eq3A_26 : vector<512x128xi1>
    %eq3A_29 = arith.constant dense<true> : vector<512x128xi1>
    %eq3A_30 = arith.xori %eq3A_28, %eq3A_29 : vector<512x128xi1>
    %select_n3A = arith.select %eq3A_30, %get3A_4, %get3A_10 : vector<512x128xi1>, vector<512x128xi32>
    %swap3A = arith.constant 0 : index
    %swap3A_31 = arith.constant 0 : index
    %swap3A_32 = arith.constant 0 : index
    %swap3A_33 = arith.constant 0 : index
    %swap3A_34 = vector.load %arg4[%swap3A, %swap3A_31, %swap3A_32, %swap3A_33] : memref<1x2x512x128xi32, #tpu.memory_space<vmem>>, vector<1x1x512x128xi32>
    %swap3A_35 = vector.shape_cast %swap3A_34 : vector<1x1x512x128xi32> to vector<512x128xi32>
    %swap3A_36 = vector.shape_cast %select_n3A : vector<512x128xi32> to vector<1x1x512x128xi32>
    tpu.vector_store %arg4[%swap3A, %swap3A_31, %swap3A_32, %swap3A_33], %swap3A_36 {strides = array<i32>} : memref<1x2x512x128xi32, #tpu.memory_space<vmem>>, vector<1x1x512x128xi32>,
    %select_n3A_37 = arith.select %eq3A_30, %get3A_10, %get3A_4 : vector<512x128xi1>, vector<512x128xi32>
    %swap3A_38 = arith.constant 0 : index
    %swap3A_39 = arith.constant 1 : index
    %swap3A_40 = arith.constant 0 : index
    %swap3A_41 = arith.constant 0 : index
    %swap3A_42 = vector.load %arg4[%swap3A_38, %swap3A_39, %swap3A_40, %swap3A_41] : memref<1x2x512x128xi32, #tpu.memory_space<vmem>>, vector<1x1x512x128xi32>
    %swap3A_43 = vector.shape_cast %swap3A_42 : vector<1x1x512x128xi32> to vector<512x128xi32>
    %swap3A_44 = vector.shape_cast %select_n3A_37 : vector<512x128xi32> to vector<1x1x512x128xi32>
    tpu.vector_store %arg4[%swap3A_38, %swap3A_39, %swap3A_40, %swap3A_41], %swap3A_44 {strides = array<i32>} : memref<1x2x512x128xi32, #tpu.memory_space<vmem>>, vector<1x1x512x128xi32>,
    %select_n3A_45 = arith.select %eq3A_30, %get3A_16, %get3A_22 : vector<512x128xi1>, vector<512x128xf32>
    %swap3A_46 = arith.constant 0 : index
    %swap3A_47 = arith.constant 0 : index
    %swap3A_48 = arith.constant 0 : index
    %swap3A_49 = arith.constant 0 : index
    %swap3A_50 = vector.load %arg5[%swap3A_46, %swap3A_47, %swap3A_48, %swap3A_49] : memref<1x2x512x128xf32, #tpu.memory_space<vmem>>, vector<1x1x512x128xf32>
    %swap3A_51 = vector.shape_cast %swap3A_50 : vector<1x1x512x128xf32> to vector<512x128xf32>
    %swap3A_52 = vector.shape_cast %select_n3A_45 : vector<512x128xf32> to vector<1x1x512x128xf32>
    tpu.vector_store %arg5[%swap3A_46, %swap3A_47, %swap3A_48, %swap3A_49], %swap3A_52 {strides = array<i32>} : memref<1x2x512x128xf32, #tpu.memory_space<vmem>>, vector<1x1x512x128xf32>,
    %select_n3A_53 = arith.select %eq3A_30, %get3A_22, %get3A_16 : vector<512x128xi1>, vector<512x128xf32>
    %swap3A_54 = arith.constant 0 : index
    %swap3A_55 = arith.constant 1 : index
    %swap3A_56 = arith.constant 0 : index
    %swap3A_57 = arith.constant 0 : index
    %swap3A_58 = vector.load %arg5[%swap3A_54, %swap3A_55, %swap3A_56, %swap3A_57] : memref<1x2x512x128xf32, #tpu.memory_space<vmem>>, vector<1x1x512x128xf32>
    %swap3A_59 = vector.shape_cast %swap3A_58 : vector<1x1x512x128xf32> to vector<512x128xf32>
    %swap3A_60 = vector.shape_cast %select_n3A_53 : vector<512x128xf32> to vector<1x1x512x128xf32>
    tpu.vector_store %arg5[%swap3A_54, %swap3A_55, %swap3A_56, %swap3A_57], %swap3A_60 {strides = array<i32>} : memref<1x2x512x128xf32, #tpu.memory_space<vmem>>, vector<1x1x512x128xf32>,
    return
  }
  func.func @transform_0(%arg0: i32, %arg1: i32) -> (i32, i32, i32, i32) {
    %c0_i32 = arith.constant 0 : i32
    %c0_i32_0 = arith.constant 0 : i32
    %c0_i32_1 = arith.constant 0 : i32
    return %arg0, %c0_i32, %arg1, %c0_i32_0 : i32, i32, i32, i32
  }
  func.func @transform_1(%arg0: i32, %arg1: i32) -> (i32, i32, i32, i32) {
    %c0_i32 = arith.constant 0 : i32
    %c0_i32_0 = arith.constant 0 : i32
    %c0_i32_1 = arith.constant 0 : i32
    return %arg0, %c0_i32, %arg1, %c0_i32_0 : i32, i32, i32, i32
  }
  func.func @transform_2(%arg0: i32, %arg1: i32) -> (i32, i32, i32, i32) {
    %c0_i32 = arith.constant 0 : i32
    %c0_i32_0 = arith.constant 0 : i32
    %c0_i32_1 = arith.constant 0 : i32
    return %arg0, %c0_i32, %arg1, %c0_i32_0 : i32, i32, i32, i32
  }
  func.func @transform_3(%arg0: i32, %arg1: i32) -> (i32, i32, i32, i32) {
    %c0_i32 = arith.constant 0 : i32
    %c0_i32_0 = arith.constant 0 : i32
    %c0_i32_1 = arith.constant 0 : i32
    return %arg0, %c0_i32, %arg1, %c0_i32_0 : i32, i32, i32, i32
  }
}

module attributes {stable_mosaic.version = 14 : i64} {
  func.func @_finish_body(%arg0: i32, %arg1: memref<512x128xi32, #tpu.memory_space<vmem>>, %arg2: memref<512x128xf32, #tpu.memory_space<vmem>>, %arg3: memref<512x128xi32, #tpu.memory_space<vmem>>, %arg4: memref<512x128xf32, #tpu.memory_space<vmem>>) attributes {dimension_semantics = [#tpu.dimension_semantics<arbitrary>], iteration_bounds = array<i64: 32>, scalar_prefetch = 0 : i64, scratch_operands = 0 : i64, tpu.core_type = #tpu.core_type<tc>, window_params = [{transform_indices = @transform_0, window_bounds = array<i64: 512, 128>}, {transform_indices = @transform_1, window_bounds = array<i64: 512, 128>}, {transform_indices = @transform_2, window_bounds = array<i64: 512, 128>}, {transform_indices = @transform_3, window_bounds = array<i64: 512, 128>}]} {
    %get3A = arith.constant 0 : index
    %get3A_0 = arith.constant 0 : index
    %get3A_1 = vector.load %arg1[%get3A, %get3A_0] : memref<512x128xi32, #tpu.memory_space<vmem>>, vector<512x128xi32>
    %get3A_2 = arith.constant 0 : index
    %get3A_3 = arith.constant 0 : index
    %get3A_4 = vector.load %arg2[%get3A_2, %get3A_3] : memref<512x128xf32, #tpu.memory_space<vmem>>, vector<512x128xf32>
    %iota3A = tpu.iota {dimensions = array<i32: 1>} : vector<512x128xi32>
    %iota3A_5 = tpu.iota {dimensions = array<i32: 0>} : vector<512x128xi32>
    %shift_right_logical3A = arith.constant 5 : i32
    %shift_right_logical3A_6 = arith.shrui %arg0, %shift_right_logical3A : i32
    %and3A = arith.constant 1 : i32
    %and3A_7 = arith.andi %shift_right_logical3A_6, %and3A : i32
    %broadcast_in_dim3A = vector.broadcast %and3A_7 : i32 to vector<512x128xi32>
    %eq3A = arith.constant 0 : i32
    %eq3A_8 = vector.broadcast %eq3A : i32 to vector<512x128xi32>
    %eq3A_9 = arith.cmpi eq, %broadcast_in_dim3A, %eq3A_8 : vector<512x128xi32>
    %while3A = arith.constant 15 : i32
    %while3A_10:3 = scf.while (%while3A_18 = %while3A, %while3A_19 = %get3A_1, %while3A_20 = %get3A_4) : (i32, vector<512x128xi32>, vector<512x128xf32>) -> (i32, vector<512x128xi32>, vector<512x128xf32>) {
      %ge3A = arith.constant 7 : i32
      %ge3A_21 = arith.cmpi sge, %while3A_18, %ge3A : i32
      scf.condition(%ge3A_21) %while3A_18, %while3A_19, %while3A_20 : i32, vector<512x128xi32>, vector<512x128xf32>
    } do {
    ^bb0(%while3A_18: i32, %while3A_19: vector<512x128xi32>, %while3A_20: vector<512x128xf32>):
      %sub3A = arith.constant 7 : i32
      %sub3A_21 = arith.subi %while3A_18, %sub3A : i32
      %shift_left3A = arith.constant 1 : i32
      %shift_left3A_22 = arith.shli %shift_left3A, %sub3A_21 : i32
      %sub3A_23 = arith.constant 7 : i32
      %sub3A_24 = arith.subi %while3A_18, %sub3A_23 : i32
      %shift_right_logical3A_25 = vector.broadcast %sub3A_24 : i32 to vector<512x128xi32>
      %shift_right_logical3A_26 = arith.shrui %iota3A_5, %shift_right_logical3A_25 : vector<512x128xi32>
      %and3A_27 = arith.constant 1 : i32
      %and3A_28 = vector.broadcast %and3A_27 : i32 to vector<512x128xi32>
      %and3A_29 = arith.andi %shift_right_logical3A_26, %and3A_28 : vector<512x128xi32>
      %eq3A_30 = arith.constant 0 : i32
      %eq3A_31 = vector.broadcast %eq3A_30 : i32 to vector<512x128xi32>
      %eq3A_32 = arith.cmpi eq, %and3A_29, %eq3A_31 : vector<512x128xi32>
      %sub3A_33 = arith.constant 512 : i32
      %sub3A_34 = arith.subi %sub3A_33, %shift_left3A_22 : i32
      %roll3A = tpu.dynamic_rotate %while3A_19 by %sub3A_34 dim 0 : vector<512x128xi32>, i32 -> vector<512x128xi32>
      %roll3A_35 = tpu.dynamic_rotate %while3A_19 by %shift_left3A_22 dim 0 : vector<512x128xi32>, i32 -> vector<512x128xi32>
      %select_n3A = arith.select %eq3A_32, %roll3A, %roll3A_35 : vector<512x128xi1>, vector<512x128xi32>
      %sub3A_36 = arith.constant 512 : i32
      %sub3A_37 = arith.subi %sub3A_36, %shift_left3A_22 : i32
      %roll3A_38 = tpu.dynamic_rotate %while3A_20 by %sub3A_37 dim 0 : vector<512x128xf32>, i32 -> vector<512x128xf32>
      %roll3A_39 = tpu.dynamic_rotate %while3A_20 by %shift_left3A_22 dim 0 : vector<512x128xf32>, i32 -> vector<512x128xf32>
      %select_n3A_40 = arith.select %eq3A_32, %roll3A_38, %roll3A_39 : vector<512x128xi1>, vector<512x128xf32>
      %eq3A_41 = arith.xori %eq3A_32, %eq3A_9 : vector<512x128xi1>
      %eq3A_42 = arith.constant dense<true> : vector<512x128xi1>
      %eq3A_43 = arith.xori %eq3A_41, %eq3A_42 : vector<512x128xi1>
      %lt3A = arith.cmpi slt, %while3A_19, %select_n3A : vector<512x128xi32>
      %eq3A_44 = arith.cmpi eq, %while3A_19, %select_n3A : vector<512x128xi32>
      %and3A_45 = arith.andi %eq3A_44, %eq3A_32 : vector<512x128xi1>
      %or3A = arith.ori %lt3A, %and3A_45 : vector<512x128xi1>
      %eq3A_46 = arith.xori %or3A, %eq3A_43 : vector<512x128xi1>
      %eq3A_47 = arith.constant dense<true> : vector<512x128xi1>
      %eq3A_48 = arith.xori %eq3A_46, %eq3A_47 : vector<512x128xi1>
      %select_n3A_49 = arith.select %eq3A_48, %while3A_19, %select_n3A : vector<512x128xi1>, vector<512x128xi32>
      %select_n3A_50 = arith.select %eq3A_48, %while3A_20, %select_n3A_40 : vector<512x128xi1>, vector<512x128xf32>
      %sub3A_51 = arith.constant 1 : i32
      %sub3A_52 = arith.subi %while3A_18, %sub3A_51 : i32
      scf.yield %sub3A_52, %select_n3A_49, %select_n3A_50 : i32, vector<512x128xi32>, vector<512x128xf32>
    }
    %while3A_11 = arith.constant 6 : i32
    %while3A_12:3 = scf.while (%while3A_18 = %while3A_11, %while3A_19 = %while3A_10#1, %while3A_20 = %while3A_10#2) : (i32, vector<512x128xi32>, vector<512x128xf32>) -> (i32, vector<512x128xi32>, vector<512x128xf32>) {
      %ge3A = arith.constant 0 : i32
      %ge3A_21 = arith.cmpi sge, %while3A_18, %ge3A : i32
      scf.condition(%ge3A_21) %while3A_18, %while3A_19, %while3A_20 : i32, vector<512x128xi32>, vector<512x128xf32>
    } do {
    ^bb0(%while3A_18: i32, %while3A_19: vector<512x128xi32>, %while3A_20: vector<512x128xf32>):
      %shift_left3A = arith.constant 1 : i32
      %shift_left3A_21 = arith.shli %shift_left3A, %while3A_18 : i32
      %shift_right_logical3A_22 = vector.broadcast %while3A_18 : i32 to vector<512x128xi32>
      %shift_right_logical3A_23 = arith.shrui %iota3A, %shift_right_logical3A_22 : vector<512x128xi32>
      %and3A_24 = arith.constant 1 : i32
      %and3A_25 = vector.broadcast %and3A_24 : i32 to vector<512x128xi32>
      %and3A_26 = arith.andi %shift_right_logical3A_23, %and3A_25 : vector<512x128xi32>
      %eq3A_27 = arith.constant 0 : i32
      %eq3A_28 = vector.broadcast %eq3A_27 : i32 to vector<512x128xi32>
      %eq3A_29 = arith.cmpi eq, %and3A_26, %eq3A_28 : vector<512x128xi32>
      %sub3A = arith.constant 128 : i32
      %sub3A_30 = arith.subi %sub3A, %shift_left3A_21 : i32
      %roll3A = tpu.dynamic_rotate %while3A_19 by %sub3A_30 dim 1 : vector<512x128xi32>, i32 -> vector<512x128xi32>
      %roll3A_31 = tpu.dynamic_rotate %while3A_19 by %shift_left3A_21 dim 1 : vector<512x128xi32>, i32 -> vector<512x128xi32>
      %select_n3A = arith.select %eq3A_29, %roll3A, %roll3A_31 : vector<512x128xi1>, vector<512x128xi32>
      %sub3A_32 = arith.constant 128 : i32
      %sub3A_33 = arith.subi %sub3A_32, %shift_left3A_21 : i32
      %roll3A_34 = tpu.dynamic_rotate %while3A_20 by %sub3A_33 dim 1 : vector<512x128xf32>, i32 -> vector<512x128xf32>
      %roll3A_35 = tpu.dynamic_rotate %while3A_20 by %shift_left3A_21 dim 1 : vector<512x128xf32>, i32 -> vector<512x128xf32>
      %select_n3A_36 = arith.select %eq3A_29, %roll3A_34, %roll3A_35 : vector<512x128xi1>, vector<512x128xf32>
      %eq3A_37 = arith.xori %eq3A_29, %eq3A_9 : vector<512x128xi1>
      %eq3A_38 = arith.constant dense<true> : vector<512x128xi1>
      %eq3A_39 = arith.xori %eq3A_37, %eq3A_38 : vector<512x128xi1>
      %lt3A = arith.cmpi slt, %while3A_19, %select_n3A : vector<512x128xi32>
      %eq3A_40 = arith.cmpi eq, %while3A_19, %select_n3A : vector<512x128xi32>
      %and3A_41 = arith.andi %eq3A_40, %eq3A_29 : vector<512x128xi1>
      %or3A = arith.ori %lt3A, %and3A_41 : vector<512x128xi1>
      %eq3A_42 = arith.xori %or3A, %eq3A_39 : vector<512x128xi1>
      %eq3A_43 = arith.constant dense<true> : vector<512x128xi1>
      %eq3A_44 = arith.xori %eq3A_42, %eq3A_43 : vector<512x128xi1>
      %select_n3A_45 = arith.select %eq3A_44, %while3A_19, %select_n3A : vector<512x128xi1>, vector<512x128xi32>
      %select_n3A_46 = arith.select %eq3A_44, %while3A_20, %select_n3A_36 : vector<512x128xi1>, vector<512x128xf32>
      %sub3A_47 = arith.constant 1 : i32
      %sub3A_48 = arith.subi %while3A_18, %sub3A_47 : i32
      scf.yield %sub3A_48, %select_n3A_45, %select_n3A_46 : i32, vector<512x128xi32>, vector<512x128xf32>
    }
    %swap3A = arith.constant 0 : index
    %swap3A_13 = arith.constant 0 : index
    %swap3A_14 = vector.load %arg3[%swap3A, %swap3A_13] : memref<512x128xi32, #tpu.memory_space<vmem>>, vector<512x128xi32>
    tpu.vector_store %arg3[%swap3A, %swap3A_13], %while3A_12#1 {strides = array<i32>} : memref<512x128xi32, #tpu.memory_space<vmem>>, vector<512x128xi32>,
    %swap3A_15 = arith.constant 0 : index
    %swap3A_16 = arith.constant 0 : index
    %swap3A_17 = vector.load %arg4[%swap3A_15, %swap3A_16] : memref<512x128xf32, #tpu.memory_space<vmem>>, vector<512x128xf32>
    tpu.vector_store %arg4[%swap3A_15, %swap3A_16], %while3A_12#2 {strides = array<i32>} : memref<512x128xf32, #tpu.memory_space<vmem>>, vector<512x128xf32>,
    return
  }
  func.func @transform_0(%arg0: i32) -> (i32, i32) {
    %c0_i32 = arith.constant 0 : i32
    %c0_i32_0 = arith.constant 0 : i32
    return %arg0, %c0_i32 : i32, i32
  }
  func.func @transform_1(%arg0: i32) -> (i32, i32) {
    %c0_i32 = arith.constant 0 : i32
    %c0_i32_0 = arith.constant 0 : i32
    return %arg0, %c0_i32 : i32, i32
  }
  func.func @transform_2(%arg0: i32) -> (i32, i32) {
    %c0_i32 = arith.constant 0 : i32
    %c0_i32_0 = arith.constant 0 : i32
    return %arg0, %c0_i32 : i32, i32
  }
  func.func @transform_3(%arg0: i32) -> (i32, i32) {
    %c0_i32 = arith.constant 0 : i32
    %c0_i32_0 = arith.constant 0 : i32
    return %arg0, %c0_i32 : i32, i32
  }
}

</mosaic_0001>

<sc_bundles>
// kernel: gather_offload_async_start.1
scs
__scs_entry_jumppad:
0x0: {  	(pc) =	sbr.rel $0x88, $3  }
0x1: {  	(tag) =	ssettag $0x0;
	lr =	simm.s32 $0x1  }
0x2: {  	[smem:$0x3F9C] =	sst lr;
	_ =	strace $0xD0000000  }
0x3: {  	_ = 	snop  }
0x4: {  	_ = 	snop  }
0x5: {  	_ = 	snop  }
0x6: {  	_ = 	snop  }
0x7: {  	_ = 	snop  }
__scs_overlays_trampoline_lowered:
0x8: {  	[smem:$0x3FAB] =	sst s0  }
0x9: {  	[smem:$0x3FAC] =	sst s1  }
0xa: {  	[smem:$0x3FAD] =	sst s2  }
0xb: {  	[smem:$0x3FAE] =	sst s3  }
0xc: {  	[smem:$0x3FAF] =	sst s4  }
0xd: {  	[smem:$0x3FB0] =	sst s5  }
0xe: {  	[smem:$0x3FB1] =	sst s6  }
0xf: {  	[smem:$0x3FB2] =	sst s7  }
0x10: {  	[smem:$0x3FB3] =	sst s8  }
0x11: {  	[smem:$0x3FB4] =	sst s9;
	s0 =	simm.s32 @!p0 $0x0  }
0x12: {  	s1 =	sld [smem:$0x3F9A];
	s0 =	simm.s32 @p0 $0x1  }
0x13: {  	[smem:$0x3FB5] =	sst s0;
	s0 =	simm.s32 @!p1 $0x0  }
0x14: {  	s2 =	sld [smem:$0x3F99];
	s0 =	simm.s32 @p1 $0x1  }
0x15: {  	[smem:$0x3FB6] =	sst s0;
	s0 =	simm.s32 @!p2 $0x0  }
0x16: {  	s3 =	sld [smem:$0x3FDB];
	s0 =	simm.s32 @p2 $0x1  }
0x17: {  	s4 =	simm.s32 $0x1BF5;
	[smem:$0x3FB8] =	sst s0  }
0x18: {  	s0 =	sld [smem:$0x3F9B];
	_ =	swait.ge [sflag:s4], $0x0  }
0x19: {  	s7 =	sld [smem:$0x3F9C]  }
0x1a: {  	s8 =	sadd.s32 $0xFFFFE003, lr  }
0x1b: {  	s9 =	sadd.s32 $0xFFFFFEF7, lr;
	s5 =	simm.s32 $0xFFFFFFFF;
	p2 =	slt.u32 s8, $0xFFFFF086  }
0x1c: {  	p1 =	slt.u32 s9, $0xF7A;
	s5 =	simm.s32 @!p2 $0x0  }
0x1d: {  	s5 =	simm.s32 @p1 $0x1;
	p0 =	seq.s32 s7, s2  }
0x1e: {  	s7 =	smul.u32 @!p0 $0xF7A, s2;
	p2 =	seq.s32 @!p0 s5, $0x0  }
0x1f: {  	s9 =	smul.u32 $0xF7A, s1;
	s8 =	simm.s32 @!p0 $0x1BF5;
	p2 =	por !p2, p0  }
0x20: {  	[sflag:s8] =	ssyncset.s32 @!p0 $0xFFFFF086;
	s6 =	sadd.s32 @!p0 s3, s7;
	s7 =	simm.s32 @!p0 $0x108  }
0x21: {  	s3 =	sadd.s32 s3, s9;
	s6 =	sadd.s32 @!p0 $0x88, s6;
	s7 =	simm.s32 @p2 $0x1082  }
0x22: {  	[simem:s7], [sflag:s8] =	dma.local @!p0 [hbm:s6], $0xF7A  }
0x23: {  	s9 =	sor.u32 $0xD0000000, s2;
	s6 =	simm.s32 $0x108;
	_ =	swait.ge @!p0 [sflag:s8], $0x0  }
0x24: {  	s3 =	sadd.s32 $0x88, s3;
	s6 =	simm.s32 @!p1 $0x1082;
	[sflag:s4] =	ssyncset.s32 $0xFFFFF086  }
0x25: {  	[simem:s6], [sflag:s4] =	dma.local [hbm:s3], $0xF7A  }
0x26: {  	[smem:$0x3F9C] =	sst s1;
	(tag) =	ssettag s2;
	_ =	strace s9  }
0x27: {  	s1 =	sld [smem:$0x3FAC]  }
0x28: {  	s2 =	sld [smem:$0x3FAD]  }
0x29: {  	s4 =	sld [smem:$0x3FAF]  }
0x2a: {  	p0 =	seq.s32 s5, $0x0;
	s5 =	sld [smem:$0x3FB0]  }
0x2b: {  	s6 =	sld [smem:$0x3FB1]  }
0x2c: {  	s7 =	sld [smem:$0x3FB2]  }
0x2d: {  	s3 =	simm.s32 $0x108;
	s8 =	sld [smem:$0x3FB3]  }
0x2e: {  	s3 =	simm.s32 @!p0 $0x1082;
	s9 =	sld [smem:$0x3FB4]  }
0x2f: {  	lr =	sadd.s32 s0, s3;
	s0 =	sld [smem:$0x3FAB]  }
0x30: {  	s3 =	sld [smem:$0x3FAE]  }
0x31: {  	[smem:$0x3FB7] =	sst s10  }
0x32: {  	s10 =	sld [smem:$0x3FB5];
	_ =	sdelay $0x3  }
0x33: {  	p0 =	seq.s32 s10, $0x1;
	s10 =	sld [smem:$0x3FB7];
	_ =	sdelay $0x3  }
0x34: {  	[smem:$0x3FB7] =	sst s10  }
0x35: {  	s10 =	sld [smem:$0x3FB6];
	_ =	sdelay $0x3  }
0x36: {  	p1 =	seq.s32 s10, $0x1;
	s10 =	sld [smem:$0x3FB7];
	_ =	sdelay $0x3  }
0x37: {  	[smem:$0x3FB7] =	sst s10  }
0x38: {  	s10 =	sld [smem:$0x3FB8]  }
0x39: {  	_ = 	snop;
	(pc) =	sbr.ind lr, $3  }
0x3a: {  	_ = 	snop  }
0x3b: {  	_ = 	snop  }
0x3c: {  	p2 =	seq.s32 s10, $0x1;
	s10 =	sld [smem:$0x3FB7]  }
0x3d: {  	_ =	shalt  }
0x3e: {  	_ =	shalt  }
0x3f: {  	_ =	shalt  }
0x40: {  	_ =	shalt  }
0x41: {  	_ =	shalt  }
0x42: {  	_ =	shalt  }
0x43: {  	_ =	shalt  }
0x44: {  	_ =	shalt  }
0x45: {  	_ =	shalt  }
0x46: {  	_ =	shalt  }
0x47: {  	_ =	shalt  }
0x48: {  	_ =	shalt  }
0x49: {  	_ =	shalt  }
0x4a: {  	_ =	shalt  }
0x4b: {  	_ =	shalt  }
0x4c: {  	_ =	shalt  }
0x4d: {  	_ =	shalt  }
0x4e: {  	_ =	shalt  }
0x4f: {  	_ =	shalt  }
0x50: {  	_ =	shalt  }
0x51: {  	_ =	shalt  }
0x52: {  	_ =	shalt  }
0x53: {  	_ =	shalt  }
0x54: {  	_ =	shalt  }
0x55: {  	_ =	shalt  }
0x56: {  	_ =	shalt  }
0x57: {  	_ =	shalt  }
0x58: {  	_ =	shalt  }
0x59: {  	_ =	shalt  }
0x5a: {  	_ =	shalt  }
0x5b: {  	_ =	shalt  }
0x5c: {  	_ =	shalt  }
0x5d: {  	_ =	shalt  }
0x5e: {  	_ =	shalt  }
0x5f: {  	_ =	shalt  }
0x60: {  	_ =	shalt  }
0x61: {  	_ =	shalt  }
0x62: {  	_ =	shalt  }
0x63: {  	_ =	shalt  }
0x64: {  	_ =	shalt  }
0x65: {  	_ =	shalt  }
0x66: {  	_ =	shalt  }
0x67: {  	_ =	shalt  }
0x68: {  	_ =	shalt  }
0x69: {  	_ =	shalt  }
0x6a: {  	_ =	shalt  }
0x6b: {  	_ =	shalt  }
0x6c: {  	_ =	shalt  }
0x6d: {  	_ =	shalt  }
0x6e: {  	_ =	shalt  }
0x6f: {  	_ =	shalt  }
0x70: {  	_ =	shalt  }
0x71: {  	_ =	shalt  }
0x72: {  	_ =	shalt  }
0x73: {  	_ =	shalt  }
0x74: {  	_ =	shalt  }
0x75: {  	_ =	shalt  }
0x76: {  	_ =	shalt  }
0x77: {  	_ =	shalt  }
0x78: {  	_ =	shalt  }
0x79: {  	_ =	shalt  }
0x7a: {  	_ =	shalt  }
0x7b: {  	_ =	shalt  }
0x7c: {  	_ =	shalt  }
0x7d: {  	_ =	shalt  }
0x7e: {  	_ =	shalt  }
0x7f: {  	_ =	shalt  }
0x80: {  	_ =	shalt  }
0x81: {  	_ =	shalt  }
0x82: {  	_ =	shalt  }
0x83: {  	_ =	shalt  }
0x84: {  	_ =	shalt  }
0x85: {  	_ =	shalt  }
0x86: {  	_ =	shalt  }
0x87: {  	_ =	shalt  }
.Lfunc_end0:
.L_simem_size_0:
called_computation.2_lowered:
.L_overlay_start_0:
0x88: {  	s2 =	sld [smem:$0x3FD9]  }
0x89: {  	s3 =	sld [smem:$0x3FFE];
	_ =	sdelay $0x1  }
0x8a: {  	s1 =	srdreg.scid  }
0x8b: {  	s0 =	sand.u32 $0x1, s1  }
0x8c: {  	s14 =	sshll.u32 s0, $0xA;
	s2 =	sadd.s32 s3, s2  }
0x8d: {  	s2 =	sadd.s32 s2, s14  }
0x8e: {  	[smem:$0x3FC3] =	sst s2  }
0x8f: {  	_ = 	snop  }
0x90: {  	s2 =	sld [smem:$0x3FD0];
	_ =	sdelay $0x2  }
0x91: {  	s15 =	simm.s32 $0xB;
	s4 =	simm.s32 $0x10  }
0x92: {  	[smem:s4], [sflag:s15] =	dma.local [hbm:s2], $0x1  }
0x93: {  	_ =	swait.eq [sflag:s15], $0x1  }
0x94: {  	[sflag:s15] =	ssyncset.done $0x0  }
0x95: {  	s16 =	sld [smem:$0x12];
	[sflag:s15] =	ssyncadd.s32 $0xFFFFFFFF  }
0x96: {  	s17 =	sld [smem:$0x14];
	(tm) =	ssettm $0x1  }
0x97: {  	s18 =	sld [smem:$0x3FFB];
	_ =	sdelay $0x3  }
0x98: {  	_ =	strace s18  }
0x99: {  	s4 =	sld [smem:$0x3FFC];
	_ =	sdelay $0x3  }
0x9a: {  	_ =	strace s4  }
0x9b: {  	s4 =	sld [smem:$0x3FFD];
	_ =	sdelay $0x3  }
0x9c: {  	_ =	strace s4  }
0x9d: {  	_ =	strace $0x8FFFFFFF  }
0x9e: {  	s19 =	sld [smem:$0x3FDB];
	_ =	sdelay $0x1  }
0x9f: {  	s5 =	simm.s32 $_scs_section_size  }
0xa0: {  	s6 =	simm.s32 $_size__tile_overlayer_lowered;
	s7 =	simm.s32 $_tile_overlayer_lowered  }
0xa1: {  	s22 =	simm.s32 $0x1BFF;
	s21 =	sshll.u32 s7, $0x1;
	s4 =	sadd.s32 s5, s19  }
0xa2: {  	s8 =	simm.s32 $0x0;
	s20 =	sshll.u32 s6, $0x1;
	s6 =	sadd.s32 s21, s4  }
0xa3: {  	[timem:s8], [sflag:s22] =	dma.local [hbm:s6], s20  }
0xa4: {  	_ =	swait.ge [sflag:s22], s20  }
0xa5: {  	s5 =	ssub.s32 $0x0, s20;
	[sflag:s22] =	ssyncset.done $0x0  }
0xa6: {  	[sflag:s22] =	ssyncadd.s32 s5;
	_ =	sdelay $0x1  }
0xa7: {  	s23 =	simm.s32 $0x1B8B  }
0xa8: {  	_ =	swait.ge [sflag:s23], $0x1  }
0xa9: {  	[sflag:s23] =	ssyncset.done $0x0  }
0xaa: {  	s25 =	simm.s32 $0x1B8E;
	s24 =	sld [smem:$0x3FFE];
	[sflag:s23] =	ssyncadd.s32 $0xFFFFFFFF  }
0xab: {  	s26 =	simm.s32 $execute0_lowered;
	[smem:$0x3FD2] =	sst s25  }
0xac: {  	s6 =	sshll.u32 s26, $0x1;
	_ =	strace $0x80000049;
	[dreg:$0x1] =	wrdreg $0xFFFFFFFF  }
0xad: {  	s28 =	simm.s32 $_size_execute0_lowered;
	s4 =	sadd.s32 s4, s6;
	[dreg:$0x0] =	wrdreg $0x0  }
0xae: {  	s6 =	sshll.u32 s28, $0x1;
	[dreg:$0x2] =	wrdreg s4  }
0xaf: {  	[dreg:$0x3] =	wrdreg s6  }
0xb0: {  	[dreg:$0x4] =	wrdreg $0xC0  }
0xb1: {  	_ =	task [dreg:s8], $0x5FFFF  }
0xb2: {  	[dreg:$0x1] =	wrdreg $0xFFFFFFFF  }
0xb3: {  	[dreg:$0x0] =	wrdreg $0x60  }
0xb4: {  	[dreg:$0x2] =	wrdreg s24  }
0xb5: {  	[dreg:$0x3] =	wrdreg s17  }
0xb6: {  	[dreg:$0x4] =	wrdreg s16  }
0xb7: {  	[dreg:$0x5] =	wrdreg $0x9  }
0xb8: {  	_ =	task.clear_ibuf [dreg:s8], $0x6FFFF;
	_ =	strace $0x90000049  }
0xb9: {  	s29 =	simm.s32 $0x9;
	_ =	strace $0x8000004B  }
0xba: {  	_ =	swait.ge [sflag:s29], $0x1  }
0xbb: {  	[sflag:s29] =	ssyncadd.s32 $0xFFFFFFFF  }
0xbc: {  	_ =	strace $0x9000004B  }
0xbd: {  	_ =	sfence  }
0xbe: {  	s30 =	sld [smem:$0x0];
	_ =	sdelay $0x2  }
0xbf: {  	s31 =	sshll.u32 s1, $0xD;
	s1 =	sshrl.u32 s1, $0x2  }
0xc0: {  	s3 =	sand.u32 $0x4000, s31;
	s1 =	sadd.s32 s1, s30  }
0xc1: {  	s0 =	sor.u32 s3, s0;
	s1 =	sshll.u32 s1, $0x11  }
0xc2: {  	s0 =	sor.u32 s1, s0  }
0xc3: {  	s0 =	sadd.s32 $0x8F2B, s0  }
0xc4: {  	[sflag:s0] =	ssyncadd.remote.s32 $0x1  }
0xc5: {  	_ =	sfence.sel $0xFFFF  }
0xc6: {  	[dreg:$0x0] =	wrdreg $0xFFFFFFFF;
	(pc) =	sbr.abs _section_cstart, $3  }
0xc7: {  	[dreg:$0x1] =	wrdreg $0xFFFFFFFF  }
0xc8: {  	_ =	task.clear_ibuf [dreg:s8], $0x2FFFF;
	_ =	strace $0x9FFFFFFF  }
0xc9: {  	(tm) =	ssettm $0x7FFFFFFF  }
tec
execute0_lowered:
.L_overlay_start_1:
0x0: {  	(tag) =	ssettag $0x1  }
0x1: {  	s6 =	rddreg [dreg:$0x0]  }
0x2: {  	s1 =	srdreg.scid;
	s9 =	rddreg [dreg:$0x1]  }
0x3: {  	s0 =	stileid.u32;
	s2 =	rddreg [dreg:$0x2];
	s4 =	simm.s32 $0x1  }
0x4: {  	s5 =	simm.s32 $0x2;
	s12 =	simm.s32 $0x0;
	s1 =	sshll.u32 s1, $0x7  }
0x5: {  	s11 =	simm.s32 $0x0;
	s3 =	sshll.u32 s0, $0x8;
	s1 =	sand.u32 $0x80, s1  }
0x6: {  	s3 =	sor.u32 s3, s1;
	s1 =	rddreg [dreg:$0x3];
	_ =	strace $0x8000004A  }
0x7: {  	s6 =	sadd.s32 $0x21C00, s6;
	s7 =	ssub.s32 $0x800, s3;
	[sflag:s4] =	ssyncpa.u1 $0x0  }
.Ltmp0:
0x8: {  	s10 =	sshrl.u32 s3, $0x3;
	p0 =	sgt.s32 s7, $0x0;
	(pc) =	sbr.rel .LBB2_1-.Ltmp0, $4  }
0x9: {  	[sflag:s5] =	ssyncpa.u1 $0x0;
	s9 =	sadd.s32 s9, s10;
	s7 =	simm.s32 @!p0 $0x0  }
0xa: {  	s10 =	simm.s32 $0x0;
	s8 =	sand.u32 $0xF80, s7;
	s7 =	simm.s32 $0x3  }
0xb: {  	p0 =	sne.s32 s8, $0x0;
	s8 =	simm.s32 $0x1;
	[sflag:s7] =	ssyncpa.u1 $0x0  }
0xc: {  	vm0 =	vmmov $0xffff;
	v0 =	vlaneseq.u32;
	s8 =	simm.s32 @!p0 $0x0;
	s7 =	simm.s32 @!p0 $0x2;
	p0 =	por $0x0, $0x0  }
.LBB2_4:
0xd: {  	vm1 =	vgt.s32 v1, $0x0;
	s13 =	sadd.s32 $0xFFFFFFF0, s15  }
0xe: {  	v1 =	vnsel vm1, $0x0, v1;
	p1 =	sgt.s32 s13, $0x0  }
0xf: {  	v1 =	vmin.u32 v1, $0xF423F;
	s13 =	simm.s32 @!p1 $0x0  }
0x10: {  	v2 =	vshll.u32 v1, $0x1;
	s13 =	smin.u32 s13, $0x10  }
0x11: {  	v1 =	vand.u32 $0x7F, v1;
	v2 =	vand.u32 $0x1FFF00, v2;
	v3 =	vmov s13  }
0x12: {  	v1 =	vor.u32 v1, v2;
	vm1 =	vgt.u32 v3, v0  }
0x13: {  	v2 =	vnsel vm1, $0x7FFFFFFF, v1;
	_ =	sdelay $0x1  }
0x14: {  	v1 =	vor.u32 $0x80, v1  }
0x15: {  	(ifvalue) =	ssetifvalue $0x7FFFFFFF;
	v1 =	vnsel vm1, $0x7FFFFFFF, v1  }
0x16: {  	s29 =	sadd.s32 s17, s16;
	(ifvalue) =	ssetifvalue $0x7FFFFFFF  }
0x17: {  	[tilespmem:s29], [sflag:$0x1] =	stream.indirect_vreg.gather [hbm4b:s6+s10], $0x1, v2, vm0, $0x4038;
	[tilespmem:$0x300] =	vst v63  }
0x18: {  	(ifvalue) =	ssetifvalue $0x7FFFFFFF  }
0x19: {  	s30 =	sshll.u32 s12, $0x1;
	s13 =	sadd.s32 $0x80, s29;
	(ifvalue) =	ssetifvalue $0x7FFFFFFF  }
0x1a: {  	[tilespmem:s13], [sflag:$0x1] =	stream.indirect_vreg.gather [hbm4b:s6+s10], $0x1, v1, vm0, $0x4038;
	[tilespmem:$0x300] =	vst v63  }
0x1b: {  	s31 =	sand.u32 $0x78, s12;
	s13 =	sand.u32 $0x7FFFFF00, s30  }
0x1c: {  	_ =	swait.ge [sflag:s4], $0x100;
	s12 =	sor.u32 s31, s13  }
0x1d: {  	[sflag:s4] =	ssyncset.done $0x0;
	s12 =	sshrl.u32 s12, $0x3  }
0x1e: {  	[sflag:s4] =	ssyncadd.s32 $0xFFFFFF00;
	s12 =	sadd.s32 s2, s12  }
0x1f: {  	[hbm:s12] =	stream.linear.scatter [tilespmem:s14], [sflag:$0x3], $0x100, $0x38;
	[tilespmem:$0x300] =	vst v63  }
.LBB2_5:
0x20: {  	p1 =	slt.u32 s11, $0x2;
	s11 =	sadd.s32 $0x1, s11  }
0x21: {  	p2 =	sne.s32 s11, s7  }
.Ltmp1:
0x22: {  	_ = 	snop;
	(pc) =	sbr.rel @!p2 .LBB2_6-.Ltmp1, $4  }
0x23: {  	s12 =	simm.s32 @!p1 $0x3  }
0x24: {  	_ =	swait.ge @!p1 [sflag:s12], $0x100  }
0x25: {  	[sflag:s12] =	ssyncset.done @!p1 $0x0  }
0x26: {  	p0 =	por !p0, !p0;
	[sflag:s12] =	ssyncadd.s32 @!p1 $0xFFFFFF00;
	s12 =	smov.u32 s3  }
.LBB2_1:
0x27: {  	p1 =	sge.u32 s11, s8  }
0x28: {  	s31 =	sadd.s32 $0xFFFFFFFF, s11;
	s13 =	simm.s32 @!p1 $0x0;
	s14 =	simm.s32 @!p1 $0x80  }
0x29: {  	[tilespmem:s14], [sflag:$0x2] =	stream.linear.gather @!p1 [hbm4b:s9+s13], $0x80, $0x38;
	[tilespmem:$0x300] =	vst v63  }
0x2a: {  	p1 =	sge.u32 s31, s8  }
.Ltmp2:
0x2b: {  	_ = 	snop;
	(pc) =	sbr.rel @p1 .LBB2_5-.Ltmp2, $1  }
0x2c: {  	_ =	sdelay $0x3  }
0x2d: {  	s14 =	simm.s32 $0x1  }
0x2e: {  	_ =	swait.ge [sflag:s5], $0x80;
	s14 =	simm.s32 @!p0 $0x0  }
0x2f: {  	[sflag:s5] =	ssyncset.done $0x0;
	s13 =	sshll.u32 s14, $0x7  }
0x30: {  	[sflag:s5] =	ssyncadd.s32 $0xFFFFFF80;
	s15 =	sadd.s32 $0x0, s13  }
0x31: {  	v1 =	vld.msk [tilespmem:s15+$0x0 ss:$0x1], $0xffff;
	_ =	sdelay $0x2  }
0x32: {  	s15 =	ssub.s32 $0x800, s12  }
0x33: {  	p1 =	slt.s32 s15, $0x80  }
0x34: {  	s15 =	simm.s32 @!p1 $0x80;
	vm1 =	vgt.s32 v1, $0x0  }
0x35: {  	p1 =	sgt.s32 s15, $0x0;
	s16 =	smov.u32 s15;
	v1 =	vnsel vm1, $0x0, v1  }
0x36: {  	s16 =	simm.s32 @!p1 $0x0;
	v1 =	vmin.u32 v1, $0xF423F  }
0x37: {  	s16 =	smin.u32 s16, $0x10;
	v2 =	vshll.u32 v1, $0x1  }
0x38: {  	v3 =	vmov s16;
	v1 =	vand.u32 $0x7F, v1;
	v2 =	vand.u32 $0x1FFF00, v2  }
0x39: {  	vm1 =	vgt.u32 v3, v0;
	v1 =	vor.u32 v1, v2  }
0x3a: {  	v2 =	vnsel vm1, $0x7FFFFFFF, v1;
	_ =	sdelay $0x1  }
0x3b: {  	s14 =	sshll.u32 s14, $0x8;
	v1 =	vor.u32 $0x80, v1  }
0x3c: {  	(ifvalue) =	ssetifvalue $0x7FFFFFFF;
	s16 =	sadd.s32 $0x100, s14;
	v1 =	vnsel vm1, $0x7FFFFFFF, v1  }
0x3d: {  	s17 =	sand.u32 $0x1, s11;
	(ifvalue) =	ssetifvalue $0x7FFFFFFF;
	s14 =	sadd.s32 $0x0, s16  }
0x3e: {  	[tilespmem:s14], [sflag:$0x1] =	stream.indirect_vreg.gather [hbm4b:s6+s10], $0x1, v2, vm0, $0x4038;
	[tilespmem:$0x300] =	vst v63  }
0x3f: {  	s31 =	sshll.u32 s17, $0x8;
	(ifvalue) =	ssetifvalue $0x7FFFFFFF  }
0x40: {  	s18 =	sadd.s32 $0x10, s13;
	s14 =	sadd.s32 $0x80, s14;
	(ifvalue) =	ssetifvalue $0x7FFFFFFF  }
0x41: {  	[tilespmem:s14], [sflag:$0x1] =	stream.indirect_vreg.gather [hbm4b:s6+s10], $0x1, v1, vm0, $0x4038;
	[tilespmem:$0x300] =	vst v63  }
0x42: {  	s17 =	simm.s32 $0x10;
	s14 =	sadd.s32 $0x100, s31;
	v1 =	vld.msk [tilespmem:s18+$0x0 ss:$0x1], $0xffff;
	s18 =	simm.s32 $0x80  }
.LBB2_3:
0x43: {  	p1 =	sne.s32 s18, $0x1C0;
	_ =	sdelay $0x4  }
0x44: {  	vm1 =	vgt.s32 v1, $0x0;
	s15 =	sadd.s32 $0xFFFFFFF0, s15  }
0x45: {  	v1 =	vnsel vm1, $0x0, v1;
	p2 =	sgt.s32 s15, $0x0;
	s19 =	smov.u32 s15  }
0x46: {  	v1 =	vmin.u32 v1, $0xF423F;
	s19 =	simm.s32 @!p2 $0x0  }
0x47: {  	v2 =	vshll.u32 v1, $0x1;
	s19 =	smin.u32 s19, $0x10  }
0x48: {  	v1 =	vand.u32 $0x7F, v1;
	v2 =	vand.u32 $0x1FFF00, v2;
	v3 =	vmov s19  }
0x49: {  	v1 =	vor.u32 v1, v2;
	vm1 =	vgt.u32 v3, v0  }
0x4a: {  	v2 =	vnsel vm1, $0x7FFFFFFF, v1;
	_ =	sdelay $0x1  }
0x4b: {  	v1 =	vor.u32 $0x80, v1  }
0x4c: {  	v1 =	vnsel vm1, $0x7FFFFFFF, v1;
	(ifvalue) =	ssetifvalue $0x7FFFFFFF  }
0x4d: {  	s19 =	sadd.s32 s17, s16;
	(ifvalue) =	ssetifvalue $0x7FFFFFFF  }
0x4e: {  	[tilespmem:s19], [sflag:$0x1] =	stream.indirect_vreg.gather [hbm4b:s6+s10], $0x1, v2, vm0, $0x4038;
	[tilespmem:$0x300] =	vst v63  }
.Ltmp3:
0x4f: {  	_ = 	snop;
	(pc) =	sbr.rel @p1 .LBB2_3-.Ltmp3, $4  }
0x50: {  	s17 =	sshra.s32 s18, $0x2;
	(ifvalue) =	ssetifvalue $0x7FFFFFFF  }
0x51: {  	s20 =	sadd.s32 s17, s13;
	s19 =	sadd.s32 $0x80, s19;
	(ifvalue) =	ssetifvalue $0x7FFFFFFF  }
0x52: {  	[tilespmem:s19], [sflag:$0x1] =	stream.indirect_vreg.gather [hbm4b:s6+s10], $0x1, v1, vm0, $0x4038;
	[tilespmem:$0x300] =	vst v63  }
0x53: {  	s18 =	sadd.s32 $0x40, s18;
	v1 =	vld.msk [tilespmem:s20+$0x0 ss:$0x1], $0xffff  }
.Ltmp4:
0x54: {  	_ = 	snop;
	(pc) =	sbr.rel .LBB2_4-.Ltmp4, $1  }
0x55: {  	_ =	sdelay $0x3  }
.LBB2_6:
0x56: {  	_ =	sfence.sel $0x180000  }
0x57: {  	s2 =	simm.s32 $0x2;
	[bflag:$0x0] =	sbarrier.arrive $0xFFFF  }
0x58: {  	s30 =	simm.s32 $0x3;
	[sflag:s2] =	ssyncpa.u1 $0x1  }
0x59: {  	s31 =	simm.s32 $0x1;
	[sflag:s30] =	ssyncpa.u1 $0x1  }
0x5a: {  	[sflag:s31] =	ssyncpa.u1 $0x1  }
0x5b: {  	p0 =	sne.s32 s0, $0x0;
	_ =	strace $0x9000004A  }
0x5c: {  	s0 =	sadd.s32 @!p0 $0x100000, s1;
	[bflag:$0x2] =	sbarrier.arrive $0xFFFF  }
0x5d: {  	[sflag:s0] =	ssyncadd.tile.s32 @!p0 $0x1;
	_ =	shalt  }
.Lfunc_end2:
_tile_overlayer_lowered:
.L_overlay_start_2:
0x5e: {  	(tag) =	ssettag $0x2  }
0x5f: {  	s0 =	rddreg [dreg:$0x0];
	s2 =	stileid.u32  }
0x60: {  	s1 =	rddreg [dreg:$0x1];
	p0 =	sne.s32 s2, $0x0  }
0x61: {  	s3 =	rddreg [dreg:$0x2];
	[bflag:$0x3] =	sbarrier.arrive $0xFFFF;
	s2 =	simm.s32 @!p0 $0x1C01  }
0x62: {  	[timem:s3], [sflag:s2] =	dma.local @!p0 [hbm:s0], s1  }
0x63: {  	s0 =	simm.s32 @!p0 $0x1  }
0x64: {  	_ =	swait.ge @!p0 [sflag:s0], s1  }
0x65: {  	s1 =	ssub.s32 @!p0 $0x0, s1;
	[sflag:s0] =	ssyncset.done @!p0 $0x0  }
0x66: {  	[sflag:s0] =	ssyncadd.s32 @!p0 s1  }
0x67: {  	[bflag:$0x3] =	sbarrier.arrive $0xFFFF  }
0x68: {  	_ =	shalt  }

// kernel: gather_offload_async_start.2
scs
__scs_entry_jumppad:
0x0: {  	(pc) =	sbr.rel $0x88, $3  }
0x1: {  	(tag) =	ssettag $0x0;
	lr =	simm.s32 $0x1  }
0x2: {  	[smem:$0x3F9C] =	sst lr;
	_ =	strace $0xD0000000  }
0x3: {  	_ = 	snop  }
0x4: {  	_ = 	snop  }
0x5: {  	_ = 	snop  }
0x6: {  	_ = 	snop  }
0x7: {  	_ = 	snop  }
__scs_overlays_trampoline_lowered:
0x8: {  	[smem:$0x3FAB] =	sst s0  }
0x9: {  	[smem:$0x3FAC] =	sst s1  }
0xa: {  	[smem:$0x3FAD] =	sst s2  }
0xb: {  	[smem:$0x3FAE] =	sst s3  }
0xc: {  	[smem:$0x3FAF] =	sst s4  }
0xd: {  	[smem:$0x3FB0] =	sst s5  }
0xe: {  	[smem:$0x3FB1] =	sst s6  }
0xf: {  	[smem:$0x3FB2] =	sst s7  }
0x10: {  	[smem:$0x3FB3] =	sst s8  }
0x11: {  	[smem:$0x3FB4] =	sst s9;
	s0 =	simm.s32 @!p0 $0x0  }
0x12: {  	s1 =	sld [smem:$0x3F9A];
	s0 =	simm.s32 @p0 $0x1  }
0x13: {  	[smem:$0x3FB5] =	sst s0;
	s0 =	simm.s32 @!p1 $0x0  }
0x14: {  	s2 =	sld [smem:$0x3F99];
	s0 =	simm.s32 @p1 $0x1  }
0x15: {  	[smem:$0x3FB6] =	sst s0;
	s0 =	simm.s32 @!p2 $0x0  }
0x16: {  	s3 =	sld [smem:$0x3FDB];
	s0 =	simm.s32 @p2 $0x1  }
0x17: {  	s4 =	simm.s32 $0x1BF5;
	[smem:$0x3FB8] =	sst s0  }
0x18: {  	s0 =	sld [smem:$0x3F9B];
	_ =	swait.ge [sflag:s4], $0x0  }
0x19: {  	s7 =	sld [smem:$0x3F9C]  }
0x1a: {  	s8 =	sadd.s32 $0xFFFFE003, lr  }
0x1b: {  	s9 =	sadd.s32 $0xFFFFFEF7, lr;
	s5 =	simm.s32 $0xFFFFFFFF;
	p2 =	slt.u32 s8, $0xFFFFF086  }
0x1c: {  	p1 =	slt.u32 s9, $0xF7A;
	s5 =	simm.s32 @!p2 $0x0  }
0x1d: {  	s5 =	simm.s32 @p1 $0x1;
	p0 =	seq.s32 s7, s2  }
0x1e: {  	s7 =	smul.u32 @!p0 $0xF7A, s2;
	p2 =	seq.s32 @!p0 s5, $0x0  }
0x1f: {  	s9 =	smul.u32 $0xF7A, s1;
	s8 =	simm.s32 @!p0 $0x1BF5;
	p2 =	por !p2, p0  }
0x20: {  	[sflag:s8] =	ssyncset.s32 @!p0 $0xFFFFF086;
	s6 =	sadd.s32 @!p0 s3, s7;
	s7 =	simm.s32 @!p0 $0x108  }
0x21: {  	s3 =	sadd.s32 s3, s9;
	s6 =	sadd.s32 @!p0 $0x88, s6;
	s7 =	simm.s32 @p2 $0x1082  }
0x22: {  	[simem:s7], [sflag:s8] =	dma.local @!p0 [hbm:s6], $0xF7A  }
0x23: {  	s9 =	sor.u32 $0xD0000000, s2;
	s6 =	simm.s32 $0x108;
	_ =	swait.ge @!p0 [sflag:s8], $0x0  }
0x24: {  	s3 =	sadd.s32 $0x88, s3;
	s6 =	simm.s32 @!p1 $0x1082;
	[sflag:s4] =	ssyncset.s32 $0xFFFFF086  }
0x25: {  	[simem:s6], [sflag:s4] =	dma.local [hbm:s3], $0xF7A  }
0x26: {  	[smem:$0x3F9C] =	sst s1;
	(tag) =	ssettag s2;
	_ =	strace s9  }
0x27: {  	s1 =	sld [smem:$0x3FAC]  }
0x28: {  	s2 =	sld [smem:$0x3FAD]  }
0x29: {  	s4 =	sld [smem:$0x3FAF]  }
0x2a: {  	p0 =	seq.s32 s5, $0x0;
	s5 =	sld [smem:$0x3FB0]  }
0x2b: {  	s6 =	sld [smem:$0x3FB1]  }
0x2c: {  	s7 =	sld [smem:$0x3FB2]  }
0x2d: {  	s3 =	simm.s32 $0x108;
	s8 =	sld [smem:$0x3FB3]  }
0x2e: {  	s3 =	simm.s32 @!p0 $0x1082;
	s9 =	sld [smem:$0x3FB4]  }
0x2f: {  	lr =	sadd.s32 s0, s3;
	s0 =	sld [smem:$0x3FAB]  }
0x30: {  	s3 =	sld [smem:$0x3FAE]  }
0x31: {  	[smem:$0x3FB7] =	sst s10  }
0x32: {  	s10 =	sld [smem:$0x3FB5];
	_ =	sdelay $0x3  }
0x33: {  	p0 =	seq.s32 s10, $0x1;
	s10 =	sld [smem:$0x3FB7];
	_ =	sdelay $0x3  }
0x34: {  	[smem:$0x3FB7] =	sst s10  }
0x35: {  	s10 =	sld [smem:$0x3FB6];
	_ =	sdelay $0x3  }
0x36: {  	p1 =	seq.s32 s10, $0x1;
	s10 =	sld [smem:$0x3FB7];
	_ =	sdelay $0x3  }
0x37: {  	[smem:$0x3FB7] =	sst s10  }
0x38: {  	s10 =	sld [smem:$0x3FB8]  }
0x39: {  	_ = 	snop;
	(pc) =	sbr.ind lr, $3  }
0x3a: {  	_ = 	snop  }
0x3b: {  	_ = 	snop  }
0x3c: {  	p2 =	seq.s32 s10, $0x1;
	s10 =	sld [smem:$0x3FB7]  }
0x3d: {  	_ =	shalt  }
0x3e: {  	_ =	shalt  }
0x3f: {  	_ =	shalt  }
0x40: {  	_ =	shalt  }
0x41: {  	_ =	shalt  }
0x42: {  	_ =	shalt  }
0x43: {  	_ =	shalt  }
0x44: {  	_ =	shalt  }
0x45: {  	_ =	shalt  }
0x46: {  	_ =	shalt  }
0x47: {  	_ =	shalt  }
0x48: {  	_ =	shalt  }
0x49: {  	_ =	shalt  }
0x4a: {  	_ =	shalt  }
0x4b: {  	_ =	shalt  }
0x4c: {  	_ =	shalt  }
0x4d: {  	_ =	shalt  }
0x4e: {  	_ =	shalt  }
0x4f: {  	_ =	shalt  }
0x50: {  	_ =	shalt  }
0x51: {  	_ =	shalt  }
0x52: {  	_ =	shalt  }
0x53: {  	_ =	shalt  }
0x54: {  	_ =	shalt  }
0x55: {  	_ =	shalt  }
0x56: {  	_ =	shalt  }
0x57: {  	_ =	shalt  }
0x58: {  	_ =	shalt  }
0x59: {  	_ =	shalt  }
0x5a: {  	_ =	shalt  }
0x5b: {  	_ =	shalt  }
0x5c: {  	_ =	shalt  }
0x5d: {  	_ =	shalt  }
0x5e: {  	_ =	shalt  }
0x5f: {  	_ =	shalt  }
0x60: {  	_ =	shalt  }
0x61: {  	_ =	shalt  }
0x62: {  	_ =	shalt  }
0x63: {  	_ =	shalt  }
0x64: {  	_ =	shalt  }
0x65: {  	_ =	shalt  }
0x66: {  	_ =	shalt  }
0x67: {  	_ =	shalt  }
0x68: {  	_ =	shalt  }
0x69: {  	_ =	shalt  }
0x6a: {  	_ =	shalt  }
0x6b: {  	_ =	shalt  }
0x6c: {  	_ =	shalt  }
0x6d: {  	_ =	shalt  }
0x6e: {  	_ =	shalt  }
0x6f: {  	_ =	shalt  }
0x70: {  	_ =	shalt  }
0x71: {  	_ =	shalt  }
0x72: {  	_ =	shalt  }
0x73: {  	_ =	shalt  }
0x74: {  	_ =	shalt  }
0x75: {  	_ =	shalt  }
0x76: {  	_ =	shalt  }
0x77: {  	_ =	shalt  }
0x78: {  	_ =	shalt  }
0x79: {  	_ =	shalt  }
0x7a: {  	_ =	shalt  }
0x7b: {  	_ =	shalt  }
0x7c: {  	_ =	shalt  }
0x7d: {  	_ =	shalt  }
0x7e: {  	_ =	shalt  }
0x7f: {  	_ =	shalt  }
0x80: {  	_ =	shalt  }
0x81: {  	_ =	shalt  }
0x82: {  	_ =	shalt  }
0x83: {  	_ =	shalt  }
0x84: {  	_ =	shalt  }
0x85: {  	_ =	shalt  }
0x86: {  	_ =	shalt  }
0x87: {  	_ =	shalt  }
.Lfunc_end0:
.L_simem_size_0:
called_computation.3_lowered:
.L_overlay_start_0:
0x88: {  	s2 =	sld [smem:$0x3FD9]  }
0x89: {  	s3 =	sld [smem:$0x3FFE];
	_ =	sdelay $0x1  }
0x8a: {  	s1 =	srdreg.scid  }
0x8b: {  	s0 =	sand.u32 $0x1, s1  }
0x8c: {  	s14 =	sshll.u32 s0, $0xA;
	s2 =	sadd.s32 s3, s2  }
0x8d: {  	s2 =	sadd.s32 s2, s14  }
0x8e: {  	[smem:$0x3FC3] =	sst s2  }
0x8f: {  	_ = 	snop  }
0x90: {  	s2 =	sld [smem:$0x3FD0];
	_ =	sdelay $0x2  }
0x91: {  	s15 =	simm.s32 $0xB;
	s4 =	simm.s32 $0x10  }
0x92: {  	[smem:s4], [sflag:s15] =	dma.local [hbm:s2], $0x1  }
0x93: {  	_ =	swait.eq [sflag:s15], $0x1  }
0x94: {  	[sflag:s15] =	ssyncset.done $0x0  }
0x95: {  	[sflag:s15] =	ssyncadd.s32 $0xFFFFFFFF  }
0x96: {  	s16 =	sld [smem:$0x10];
	(tm) =	ssettm $0x1  }
0x97: {  	s17 =	sld [smem:$0x3FFB];
	_ =	sdelay $0x3  }
0x98: {  	_ =	strace s17  }
0x99: {  	s3 =	sld [smem:$0x3FFC];
	_ =	sdelay $0x3  }
0x9a: {  	_ =	strace s3  }
0x9b: {  	s3 =	sld [smem:$0x3FFD];
	_ =	sdelay $0x3  }
0x9c: {  	_ =	strace s3  }
0x9d: {  	_ =	strace $0x8FFFFFFF  }
0x9e: {  	s18 =	sld [smem:$0x3FDB];
	_ =	sdelay $0x1  }
0x9f: {  	s19 =	simm.s32 $_scs_section_size  }
0xa0: {  	s5 =	simm.s32 $_size__tile_overlayer_lowered;
	s6 =	simm.s32 $_tile_overlayer_lowered  }
0xa1: {  	s22 =	simm.s32 $0x1BFF;
	s21 =	sshll.u32 s6, $0x1;
	s3 =	sadd.s32 s19, s18  }
0xa2: {  	s7 =	simm.s32 $0x0;
	s20 =	sshll.u32 s5, $0x1;
	s5 =	sadd.s32 s21, s3  }
0xa3: {  	[timem:s7], [sflag:s22] =	dma.local [hbm:s5], s20  }
0xa4: {  	_ =	swait.ge [sflag:s22], s20  }
0xa5: {  	s4 =	ssub.s32 $0x0, s20;
	[sflag:s22] =	ssyncset.done $0x0  }
0xa6: {  	[sflag:s22] =	ssyncadd.s32 s4;
	_ =	sdelay $0x1  }
0xa7: {  	s23 =	simm.s32 $0x1B8B  }
0xa8: {  	_ =	swait.ge [sflag:s23], $0x1  }
0xa9: {  	[sflag:s23] =	ssyncset.done $0x0  }
0xaa: {  	s25 =	simm.s32 $0x1B8E;
	s24 =	sld [smem:$0x3FFE];
	[sflag:s23] =	ssyncadd.s32 $0xFFFFFFFF  }
0xab: {  	s26 =	simm.s32 $execute0_lowered;
	[smem:$0x3FD2] =	sst s25  }
0xac: {  	s5 =	sshll.u32 s26, $0x1;
	_ =	strace $0x80000052;
	[dreg:$0x1] =	wrdreg $0xFFFFFFFF  }
0xad: {  	s28 =	simm.s32 $_size_execute0_lowered;
	s3 =	sadd.s32 s3, s5;
	[dreg:$0x0] =	wrdreg $0x0  }
0xae: {  	s5 =	sshll.u32 s28, $0x1;
	[dreg:$0x2] =	wrdreg s3  }
0xaf: {  	[dreg:$0x3] =	wrdreg s5  }
0xb0: {  	[dreg:$0x4] =	wrdreg $0xC0  }
0xb1: {  	_ =	task [dreg:s7], $0x5FFFF  }
0xb2: {  	[dreg:$0x1] =	wrdreg $0xFFFFFFFF  }
0xb3: {  	[dreg:$0x0] =	wrdreg $0x60  }
0xb4: {  	[dreg:$0x2] =	wrdreg s16  }
0xb5: {  	[dreg:$0x3] =	wrdreg s24  }
0xb6: {  	[dreg:$0x4] =	wrdreg $0x9  }
0xb7: {  	_ =	task.clear_ibuf [dreg:s7], $0x5FFFF;
	_ =	strace $0x90000052  }
0xb8: {  	s29 =	simm.s32 $0x9;
	_ =	strace $0x80000054  }
0xb9: {  	_ =	swait.ge [sflag:s29], $0x1  }
0xba: {  	[sflag:s29] =	ssyncadd.s32 $0xFFFFFFFF  }
0xbb: {  	_ =	strace $0x90000054  }
0xbc: {  	_ =	sfence  }
0xbd: {  	s30 =	sld [smem:$0x0];
	_ =	sdelay $0x2  }
0xbe: {  	s31 =	sshll.u32 s1, $0xD;
	s1 =	sshrl.u32 s1, $0x2  }
0xbf: {  	s3 =	sand.u32 $0x4000, s31;
	s1 =	sadd.s32 s1, s30  }
0xc0: {  	s0 =	sor.u32 s3, s0;
	s1 =	sshll.u32 s1, $0x11  }
0xc1: {  	s0 =	sor.u32 s1, s0  }
0xc2: {  	s0 =	sadd.s32 $0x8F2B, s0  }
0xc3: {  	[sflag:s0] =	ssyncadd.remote.s32 $0x1  }
0xc4: {  	_ =	sfence.sel $0xFFFF  }
0xc5: {  	[dreg:$0x0] =	wrdreg $0xFFFFFFFF;
	(pc) =	sbr.abs _section_cstart, $3  }
0xc6: {  	[dreg:$0x1] =	wrdreg $0xFFFFFFFF  }
0xc7: {  	_ =	task.clear_ibuf [dreg:s7], $0x2FFFF;
	_ =	strace $0x9FFFFFFF  }
0xc8: {  	(tm) =	ssettm $0x7FFFFFFF  }
0xc9: {  	_ =	shalt  }
tec
execute0_lowered:
.L_overlay_start_1:
0x0: {  	(tag) =	ssettag $0x1  }
0x1: {  	s2 =	rddreg [dreg:$0x0]  }
0x2: {  	s8 =	rddreg [dreg:$0x1]  }
0x3: {  	s0 =	rddreg [dreg:$0x2];
	s1 =	stileid.u32  }
0x4: {  	s3 =	srdreg.scid;
	_ =	strace $0x80000053;
	s4 =	simm.s32 $0x1  }
0x5: {  	s7 =	simm.s32 $0x1;
	s9 =	simm.s32 $0x1;
	s10 =	simm.s32 $0x3  }
0x6: {  	s13 =	simm.s32 $0x0;
	s5 =	sand.u32 $0x1, s3;
	s6 =	sshll.u32 s1, $0x1  }
0x7: {  	s12 =	simm.s32 $0x0;
	s3 =	sadd.s32 $0xC0E00, s8;
	s5 =	sor.u32 s6, s5  }
.Ltmp0:
0x8: {  	[sflag:s4] =	ssyncpa.u1 $0x0;
	p0 =	slt.u32 s5, $0x15;
	(pc) =	sbr.rel .LBB2_1-.Ltmp0, $4  }
0x9: {  	s6 =	simm.s32 $0x2;
	s7 =	simm.s32 @!p0 $0x0;
	p0 =	sne.s32 s5, $0x14  }
0xa: {  	[sflag:s6] =	ssyncpa.u1 $0x0;
	s5 =	smul.u32 $0x7880, s5;
	s9 =	simm.s32 @!p0 $0x0  }
0xb: {  	s8 =	sadd.s32 $0x34200, s8;
	[sflag:s10] =	ssyncpa.u1 $0x0;
	s7 =	sadd.s32 s9, s7  }
0xc: {  	vm0 =	vmmov $0xffff;
	s10 =	simm.s32 $0x0;
	s11 =	smov.u32 s5;
	s9 =	sadd.s32 $0x1, s7  }
.LBB2_4:
0xd: {  	v2 =	vnsel vm1, $0x0, v2  }
0xe: {  	vm1 =	vgt.s32 v0, $0x0;
	v2 =	vmin.u32 v2, $0x1879FF  }
0xf: {  	v0 =	vnsel vm1, $0x0, v0  }
0x10: {  	v0 =	vmin.u32 v0, $0x1879FF  }
0x11: {  	[tilespmem:s18], [sflag:$0x1] =	stream.indirect_vreg.gather [hbm4b:s2+s10], $0x1, v1, vm0, $0x4038;
	[tilespmem:$0x1E200] =	vst v63  }
0x12: {  	(ifvalue) =	ssetifvalue $0x7FFFFFFF  }
0x13: {  	[tilespmem:s15], [sflag:$0x1] =	stream.indirect_vreg.gather [hbm4b:s2+s10], $0x1, v2, vm0, $0x4038;
	[tilespmem:$0x1E200] =	vst v63  }
0x14: {  	s29 =	sadd.s32 $0x10, s15;
	(ifvalue) =	ssetifvalue $0x7FFFFFFF  }
0x15: {  	[tilespmem:s29], [sflag:$0x1] =	stream.indirect_vreg.gather [hbm4b:s2+s10], $0x1, v0, vm0, $0x4038;
	[tilespmem:$0x1E200] =	vst v63  }
0x16: {  	_ =	swait.ge [sflag:s4], $0x7880  }
0x17: {  	s30 =	sshrl.u32 s13, $0x3;
	[sflag:s4] =	ssyncset.done $0x0  }
0x18: {  	s31 =	sand.u32 $0x7, s13;
	s15 =	sadd.s32 s8, s30;
	[sflag:s4] =	ssyncadd.s32 $0xFFFF8780  }
0x19: {  	[hbm4b:s15+s31] =	stream.linear.scatter [tilespmem:s14], [sflag:$0x3], $0x7880, $0x38;
	[tilespmem:$0x1E200] =	vst v63  }
.LBB2_5:
0x1a: {  	s15 =	sadd.s32 $0xF1000, s11  }
0x1b: {  	p1 =	sgt.s32 s15, $0x1879FF  }
0x1c: {  	s15 =	smov.u32 @p1 s5;
	p1 =	sne.s32 s12, s9  }
.Ltmp1:
0x1d: {  	p0 =	slt.u32 s12, $0x2;
	(pc) =	sbr.rel @!p1 .LBB2_6-.Ltmp1, $4  }
0x1e: {  	s14 =	simm.s32 @!p0 $0x3  }
0x1f: {  	_ =	swait.ge @!p0 [sflag:s14], $0x7880  }
0x20: {  	s16 =	sadd.s32 $0x1, s12;
	s13 =	smov.u32 s11;
	[sflag:s14] =	ssyncset.done @!p0 $0x0  }
0x21: {  	s12 =	smov.u32 s16;
	s11 =	smov.u32 s15;
	[sflag:s14] =	ssyncadd.s32 @!p0 $0xFFFF8780  }
.LBB2_1:
0x22: {  	p0 =	sge.u32 s12, s7  }
0x23: {  	s14 =	sxor.u32 @!p0 $0x1, s12  }
0x24: {  	s14 =	smul.u32 @!p0 $0x1E200, s14  }
0x25: {  	s31 =	sadd.s32 $0xFFFFFFFF, s12;
	s15 =	sshrl.u32 @!p0 s11, $0x3  }
0x26: {  	s16 =	sand.u32 @!p0 $0x7, s11;
	s15 =	sadd.s32 @!p0 s3, s15;
	s14 =	sshra.s32 @!p0 s14, $0x2  }
0x27: {  	[tilespmem:s14], [sflag:$0x2] =	stream.linear.gather @!p0 [hbm4b:s15+s16], $0x7880, $0x38;
	[tilespmem:$0x1E200] =	vst v63  }
0x28: {  	p0 =	sge.u32 s31, s7  }
.Ltmp2:
0x29: {  	_ = 	snop;
	(pc) =	sbr.rel @p0 .LBB2_5-.Ltmp2, $1  }
0x2a: {  	_ =	sdelay $0x3  }
0x2b: {  	s14 =	sand.u32 $0x1, s12  }
0x2c: {  	_ =	swait.ge [sflag:s6], $0x7880;
	p0 =	seq.s32 s14, $0x1;
	s14 =	simm.s32 $0x7880  }
0x2d: {  	[sflag:s6] =	ssyncset.done $0x0;
	s14 =	simm.s32 @!p0 $0x0  }
0x2e: {  	[sflag:s6] =	ssyncadd.s32 $0xFFFF8780;
	(ifvalue) =	ssetifvalue $0x7FFFFFFF;
	v0 =	vld.msk [tilespmem:s14+$0x0 ss:$0x1], $0xffff;
	_ =	sdelay $0x4  }
0x2f: {  	s15 =	sadd.s32 $0x10, s14;
	vm1 =	vgt.s32 v0, $0x0  }
0x30: {  	v2 =	vld.msk [tilespmem:s15+$0x0 ss:$0x1], $0xffff;
	v1 =	vnsel vm1, $0x0, v0  }
0x31: {  	v1 =	vmin.u32 v1, $0x1879FF;
	_ =	sdelay $0x2  }
0x32: {  	s17 =	simm.s32 $0x20;
	s14 =	sadd.s32 $0xF100, s14;
	s16 =	sadd.s32 $0x10, s15  }
0x33: {  	s15 =	sadd.s32 $0x10, s14;
	s18 =	smov.u32 s14;
	v0 =	vld.msk [tilespmem:s16+$0x0 ss:$0x1], $0xffff;
	vm1 =	vgt.s32 v2, $0x0;
	(ifvalue) =	ssetifvalue $0x7FFFFFFF  }
.LBB2_3:
0x34: {  	[tilespmem:s18], [sflag:$0x1] =	stream.indirect_vreg.gather [hbm4b:s2+s10], $0x1, v1, vm0, $0x4038;
	[tilespmem:$0x1E200] =	vst v63  }
0x35: {  	s17 =	sadd.s32 $0x10, s17  }
0x36: {  	v2 =	vnsel vm1, $0x0, v2;
	p0 =	slt.u32 s17, $0x7870  }
.Ltmp3:
0x37: {  	s18 =	smov.u32 s15;
	v1 =	vmin.u32 v2, $0x1879FF;
	(pc) =	sbr.rel @p0 .LBB2_3-.Ltmp3, $3  }
0x38: {  	_ =	sdelay $0x1  }
0x39: {  	s16 =	sadd.s32 $0x10, s16  }
0x3a: {  	vm1 =	vgt.s32 v0, $0x0;
	s15 =	sadd.s32 $0x10, s15;
	v2 =	vmov v0;
	(ifvalue) =	ssetifvalue $0x7FFFFFFF;
	v0 =	vld.msk [tilespmem:s16+$0x0 ss:$0x1], $0xffff  }
.Ltmp4:
0x3b: {  	_ = 	snop;
	(pc) =	sbr.rel .LBB2_4-.Ltmp4, $1  }
0x3c: {  	_ =	sdelay $0x3  }
.LBB2_6:
0x3d: {  	_ =	sfence.sel $0x180000  }
0x3e: {  	s2 =	simm.s32 $0x2;
	[bflag:$0x0] =	sbarrier.arrive $0xFFFF  }
0x3f: {  	s30 =	simm.s32 $0x3;
	[sflag:s2] =	ssyncpa.u1 $0x1  }
0x40: {  	s31 =	simm.s32 $0x1;
	[sflag:s30] =	ssyncpa.u1 $0x1  }
0x41: {  	[sflag:s31] =	ssyncpa.u1 $0x1  }
0x42: {  	p0 =	sne.s32 s1, $0x0;
	_ =	strace $0x90000053  }
0x43: {  	s0 =	sadd.s32 @!p0 $0x100000, s0;
	[bflag:$0x2] =	sbarrier.arrive $0xFFFF  }
0x44: {  	[sflag:s0] =	ssyncadd.tile.s32 @!p0 $0x1;
	_ =	shalt  }
.Lfunc_end2:
_tile_overlayer_lowered:
.L_overlay_start_2:
0x45: {  	(tag) =	ssettag $0x2  }
0x46: {  	s0 =	rddreg [dreg:$0x0];
	s2 =	stileid.u32  }
0x47: {  	s1 =	rddreg [dreg:$0x1];
	p0 =	sne.s32 s2, $0x0  }
0x48: {  	s3 =	rddreg [dreg:$0x2];
	[bflag:$0x3] =	sbarrier.arrive $0xFFFF;
	s2 =	simm.s32 @!p0 $0x1C01  }
0x49: {  	[timem:s3], [sflag:s2] =	dma.local @!p0 [hbm:s0], s1  }
0x4a: {  	s0 =	simm.s32 @!p0 $0x1  }
0x4b: {  	_ =	swait.ge @!p0 [sflag:s0], s1  }
0x4c: {  	s1 =	ssub.s32 @!p0 $0x0, s1;
	[sflag:s0] =	ssyncset.done @!p0 $0x0  }
0x4d: {  	[sflag:s0] =	ssyncadd.s32 @!p0 s1  }
0x4e: {  	[bflag:$0x3] =	sbarrier.arrive $0xFFFF  }
0x4f: {  	_ =	shalt  }

// kernel: gather_offload_async_start.3
scs
__scs_entry_jumppad:
0x0: {  	(pc) =	sbr.rel $0x88, $3  }
0x1: {  	(tag) =	ssettag $0x0;
	lr =	simm.s32 $0x1  }
0x2: {  	[smem:$0x3F9C] =	sst lr;
	_ =	strace $0xD0000000  }
0x3: {  	_ = 	snop  }
0x4: {  	_ = 	snop  }
0x5: {  	_ = 	snop  }
0x6: {  	_ = 	snop  }
0x7: {  	_ = 	snop  }
__scs_overlays_trampoline_lowered:
0x8: {  	[smem:$0x3FAB] =	sst s0  }
0x9: {  	[smem:$0x3FAC] =	sst s1  }
0xa: {  	[smem:$0x3FAD] =	sst s2  }
0xb: {  	[smem:$0x3FAE] =	sst s3  }
0xc: {  	[smem:$0x3FAF] =	sst s4  }
0xd: {  	[smem:$0x3FB0] =	sst s5  }
0xe: {  	[smem:$0x3FB1] =	sst s6  }
0xf: {  	[smem:$0x3FB2] =	sst s7  }
0x10: {  	[smem:$0x3FB3] =	sst s8  }
0x11: {  	[smem:$0x3FB4] =	sst s9;
	s0 =	simm.s32 @!p0 $0x0  }
0x12: {  	s1 =	sld [smem:$0x3F9A];
	s0 =	simm.s32 @p0 $0x1  }
0x13: {  	[smem:$0x3FB5] =	sst s0;
	s0 =	simm.s32 @!p1 $0x0  }
0x14: {  	s2 =	sld [smem:$0x3F99];
	s0 =	simm.s32 @p1 $0x1  }
0x15: {  	[smem:$0x3FB6] =	sst s0;
	s0 =	simm.s32 @!p2 $0x0  }
0x16: {  	s3 =	sld [smem:$0x3FDB];
	s0 =	simm.s32 @p2 $0x1  }
0x17: {  	s4 =	simm.s32 $0x1BF5;
	[smem:$0x3FB8] =	sst s0  }
0x18: {  	s0 =	sld [smem:$0x3F9B];
	_ =	swait.ge [sflag:s4], $0x0  }
0x19: {  	s7 =	sld [smem:$0x3F9C]  }
0x1a: {  	s8 =	sadd.s32 $0xFFFFE003, lr  }
0x1b: {  	s9 =	sadd.s32 $0xFFFFFEF7, lr;
	s5 =	simm.s32 $0xFFFFFFFF;
	p2 =	slt.u32 s8, $0xFFFFF086  }
0x1c: {  	p1 =	slt.u32 s9, $0xF7A;
	s5 =	simm.s32 @!p2 $0x0  }
0x1d: {  	s5 =	simm.s32 @p1 $0x1;
	p0 =	seq.s32 s7, s2  }
0x1e: {  	s7 =	smul.u32 @!p0 $0xF7A, s2;
	p2 =	seq.s32 @!p0 s5, $0x0  }
0x1f: {  	s9 =	smul.u32 $0xF7A, s1;
	s8 =	simm.s32 @!p0 $0x1BF5;
	p2 =	por !p2, p0  }
0x20: {  	[sflag:s8] =	ssyncset.s32 @!p0 $0xFFFFF086;
	s6 =	sadd.s32 @!p0 s3, s7;
	s7 =	simm.s32 @!p0 $0x108  }
0x21: {  	s3 =	sadd.s32 s3, s9;
	s6 =	sadd.s32 @!p0 $0x88, s6;
	s7 =	simm.s32 @p2 $0x1082  }
0x22: {  	[simem:s7], [sflag:s8] =	dma.local @!p0 [hbm:s6], $0xF7A  }
0x23: {  	s9 =	sor.u32 $0xD0000000, s2;
	s6 =	simm.s32 $0x108;
	_ =	swait.ge @!p0 [sflag:s8], $0x0  }
0x24: {  	s3 =	sadd.s32 $0x88, s3;
	s6 =	simm.s32 @!p1 $0x1082;
	[sflag:s4] =	ssyncset.s32 $0xFFFFF086  }
0x25: {  	[simem:s6], [sflag:s4] =	dma.local [hbm:s3], $0xF7A  }
0x26: {  	[smem:$0x3F9C] =	sst s1;
	(tag) =	ssettag s2;
	_ =	strace s9  }
0x27: {  	s1 =	sld [smem:$0x3FAC]  }
0x28: {  	s2 =	sld [smem:$0x3FAD]  }
0x29: {  	s4 =	sld [smem:$0x3FAF]  }
0x2a: {  	p0 =	seq.s32 s5, $0x0;
	s5 =	sld [smem:$0x3FB0]  }
0x2b: {  	s6 =	sld [smem:$0x3FB1]  }
0x2c: {  	s7 =	sld [smem:$0x3FB2]  }
0x2d: {  	s3 =	simm.s32 $0x108;
	s8 =	sld [smem:$0x3FB3]  }
0x2e: {  	s3 =	simm.s32 @!p0 $0x1082;
	s9 =	sld [smem:$0x3FB4]  }
0x2f: {  	lr =	sadd.s32 s0, s3;
	s0 =	sld [smem:$0x3FAB]  }
0x30: {  	s3 =	sld [smem:$0x3FAE]  }
0x31: {  	[smem:$0x3FB7] =	sst s10  }
0x32: {  	s10 =	sld [smem:$0x3FB5];
	_ =	sdelay $0x3  }
0x33: {  	p0 =	seq.s32 s10, $0x1;
	s10 =	sld [smem:$0x3FB7];
	_ =	sdelay $0x3  }
0x34: {  	[smem:$0x3FB7] =	sst s10  }
0x35: {  	s10 =	sld [smem:$0x3FB6];
	_ =	sdelay $0x3  }
0x36: {  	p1 =	seq.s32 s10, $0x1;
	s10 =	sld [smem:$0x3FB7];
	_ =	sdelay $0x3  }
0x37: {  	[smem:$0x3FB7] =	sst s10  }
0x38: {  	s10 =	sld [smem:$0x3FB8]  }
0x39: {  	_ = 	snop;
	(pc) =	sbr.ind lr, $3  }
0x3a: {  	_ = 	snop  }
0x3b: {  	_ = 	snop  }
0x3c: {  	p2 =	seq.s32 s10, $0x1;
	s10 =	sld [smem:$0x3FB7]  }
0x3d: {  	_ =	shalt  }
0x3e: {  	_ =	shalt  }
0x3f: {  	_ =	shalt  }
0x40: {  	_ =	shalt  }
0x41: {  	_ =	shalt  }
0x42: {  	_ =	shalt  }
0x43: {  	_ =	shalt  }
0x44: {  	_ =	shalt  }
0x45: {  	_ =	shalt  }
0x46: {  	_ =	shalt  }
0x47: {  	_ =	shalt  }
0x48: {  	_ =	shalt  }
0x49: {  	_ =	shalt  }
0x4a: {  	_ =	shalt  }
0x4b: {  	_ =	shalt  }
0x4c: {  	_ =	shalt  }
0x4d: {  	_ =	shalt  }
0x4e: {  	_ =	shalt  }
0x4f: {  	_ =	shalt  }
0x50: {  	_ =	shalt  }
0x51: {  	_ =	shalt  }
0x52: {  	_ =	shalt  }
0x53: {  	_ =	shalt  }
0x54: {  	_ =	shalt  }
0x55: {  	_ =	shalt  }
0x56: {  	_ =	shalt  }
0x57: {  	_ =	shalt  }
0x58: {  	_ =	shalt  }
0x59: {  	_ =	shalt  }
0x5a: {  	_ =	shalt  }
0x5b: {  	_ =	shalt  }
0x5c: {  	_ =	shalt  }
0x5d: {  	_ =	shalt  }
0x5e: {  	_ =	shalt  }
0x5f: {  	_ =	shalt  }
0x60: {  	_ =	shalt  }
0x61: {  	_ =	shalt  }
0x62: {  	_ =	shalt  }
0x63: {  	_ =	shalt  }
0x64: {  	_ =	shalt  }
0x65: {  	_ =	shalt  }
0x66: {  	_ =	shalt  }
0x67: {  	_ =	shalt  }
0x68: {  	_ =	shalt  }
0x69: {  	_ =	shalt  }
0x6a: {  	_ =	shalt  }
0x6b: {  	_ =	shalt  }
0x6c: {  	_ =	shalt  }
0x6d: {  	_ =	shalt  }
0x6e: {  	_ =	shalt  }
0x6f: {  	_ =	shalt  }
0x70: {  	_ =	shalt  }
0x71: {  	_ =	shalt  }
0x72: {  	_ =	shalt  }
0x73: {  	_ =	shalt  }
0x74: {  	_ =	shalt  }
0x75: {  	_ =	shalt  }
0x76: {  	_ =	shalt  }
0x77: {  	_ =	shalt  }
0x78: {  	_ =	shalt  }
0x79: {  	_ =	shalt  }
0x7a: {  	_ =	shalt  }
0x7b: {  	_ =	shalt  }
0x7c: {  	_ =	shalt  }
0x7d: {  	_ =	shalt  }
0x7e: {  	_ =	shalt  }
0x7f: {  	_ =	shalt  }
0x80: {  	_ =	shalt  }
0x81: {  	_ =	shalt  }
0x82: {  	_ =	shalt  }
0x83: {  	_ =	shalt  }
0x84: {  	_ =	shalt  }
0x85: {  	_ =	shalt  }
0x86: {  	_ =	shalt  }
0x87: {  	_ =	shalt  }
.Lfunc_end0:
.L_simem_size_0:
called_computation.4_lowered:
.L_overlay_start_0:
0x88: {  	s2 =	sld [smem:$0x3FD9]  }
0x89: {  	s3 =	sld [smem:$0x3FFE];
	_ =	sdelay $0x1  }
0x8a: {  	s1 =	srdreg.scid  }
0x8b: {  	s0 =	sand.u32 $0x1, s1  }
0x8c: {  	s15 =	sshll.u32 s0, $0xA;
	s2 =	sadd.s32 s3, s2  }
0x8d: {  	s2 =	sadd.s32 s2, s15  }
0x8e: {  	[smem:$0x3FC3] =	sst s2  }
0x8f: {  	_ = 	snop  }
0x90: {  	s2 =	sld [smem:$0x3FD0];
	_ =	sdelay $0x2  }
0x91: {  	s16 =	simm.s32 $0xB;
	s4 =	simm.s32 $0x10  }
0x92: {  	[smem:s4], [sflag:s16] =	dma.local [hbm:s2], $0x1  }
0x93: {  	_ =	swait.eq [sflag:s16], $0x1  }
0x94: {  	[sflag:s16] =	ssyncset.done $0x0  }
0x95: {  	[sflag:s16] =	ssyncadd.s32 $0xFFFFFFFF  }
0x96: {  	s17 =	sld [smem:$0x10];
	(tm) =	ssettm $0x1  }
0x97: {  	s18 =	sld [smem:$0x3FFB];
	_ =	sdelay $0x3  }
0x98: {  	_ =	strace s18  }
0x99: {  	s2 =	sld [smem:$0x3FFC];
	_ =	sdelay $0x3  }
0x9a: {  	_ =	strace s2  }
0x9b: {  	s2 =	sld [smem:$0x3FFD];
	_ =	sdelay $0x3  }
0x9c: {  	_ =	strace s2  }
0x9d: {  	_ =	strace $0x8FFFFFFF  }
0x9e: {  	s19 =	sld [smem:$0x3FDB];
	_ =	sdelay $0x1  }
0x9f: {  	s20 =	simm.s32 $_scs_section_size  }
0xa0: {  	s5 =	simm.s32 $_size__tile_overlayer_lowered;
	s6 =	simm.s32 $_tile_overlayer_lowered  }
0xa1: {  	s7 =	simm.s32 $0x1BFF;
	s21 =	sshll.u32 s6, $0x1;
	s4 =	sadd.s32 s20, s19  }
0xa2: {  	s22 =	simm.s32 $0x0;
	s5 =	sshll.u32 s5, $0x1;
	s6 =	sadd.s32 s21, s4  }
0xa3: {  	[timem:s22], [sflag:s7] =	dma.local [hbm:s6], s5  }
0xa4: {  	_ =	swait.ge [sflag:s7], s5  }
0xa5: {  	s5 =	ssub.s32 $0x0, s5;
	[sflag:s7] =	ssyncset.done $0x0  }
0xa6: {  	[sflag:s7] =	ssyncadd.s32 s5;
	_ =	sdelay $0x1  }
0xa7: {  	s23 =	simm.s32 $0x1B8B  }
0xa8: {  	_ =	swait.ge [sflag:s23], $0x1  }
0xa9: {  	[sflag:s23] =	ssyncset.done $0x0  }
0xaa: {  	[sflag:s23] =	ssyncadd.s32 $0xFFFFFFFF  }
0xab: {  	s5 =	sld [smem:$0x0]  }
0xac: {  	s6 =	sand.u32 $0xFFFFFFFE, s1  }
0xad: {  	p0 =	sne.s32 s1, s6  }
0xae: {  	s6 =	sshll.u32 @p0 s6, $0xE  }
0xaf: {  	s6 =	sadd.s32 @p0 $0x11B8D, s6;
	s7 =	sshll.u32 @p0 s5, $0x11  }
0xb0: {  	s6 =	sor.u32 @p0 s7, s6  }
0xb1: {  	[sflag:s6] =	ssyncadd.remote.s32 @p0 $0x1;
	_ =	sdelay $0x1  }
0xb2: {  	s6 =	simm.s32 @p0 $0x1B8D  }
0xb3: {  	_ =	swait.eq @p0 [sflag:s6], $0x1  }
0xb4: {  	[sflag:s6] =	ssyncadd.s32 @p0 $0xFFFFFFFF  }
0xb5: {  	s7 =	sshll.u32 @!p0 s1, $0xE  }
0xb6: {  	s7 =	sor.u32 @!p0 $0x4000, s7;
	s6 =	simm.s32 @!p0 $0x1B8D  }
0xb7: {  	s5 =	sshll.u32 @!p0 s5, $0x11;
	s7 =	sadd.s32 @!p0 $0x11B8D, s7;
	_ =	swait.eq @!p0 [sflag:s6], $0x1  }
0xb8: {  	s5 =	sor.u32 @!p0 s5, s7;
	[sflag:s6] =	ssyncadd.s32 @!p0 $0xFFFFFFFF  }
0xb9: {  	s25 =	simm.s32 $0x1B8E;
	s24 =	sld [smem:$0x3FFE];
	[sflag:s5] =	ssyncadd.remote.s32 @!p0 $0x1  }
0xba: {  	s26 =	simm.s32 $execute0_lowered;
	[smem:$0x3FD2] =	sst s25  }
0xbb: {  	s6 =	sshll.u32 s26, $0x1;
	_ =	strace $0x80000055;
	[dreg:$0x1] =	wrdreg $0xFFFFFFFF  }
0xbc: {  	s28 =	simm.s32 $_size_execute0_lowered;
	s4 =	sadd.s32 s4, s6;
	[dreg:$0x0] =	wrdreg $0x0  }
0xbd: {  	s6 =	sshll.u32 s28, $0x1;
	[dreg:$0x2] =	wrdreg s4  }
0xbe: {  	[dreg:$0x3] =	wrdreg s6  }
0xbf: {  	[dreg:$0x4] =	wrdreg $0xC0  }
0xc0: {  	_ =	task [dreg:s22], $0x5FFFF  }
0xc1: {  	[dreg:$0x1] =	wrdreg $0xFFFFFFFF  }
0xc2: {  	[dreg:$0x0] =	wrdreg $0x60  }
0xc3: {  	[dreg:$0x2] =	wrdreg s17  }
0xc4: {  	[dreg:$0x3] =	wrdreg s24  }
0xc5: {  	[dreg:$0x4] =	wrdreg $0xA  }
0xc6: {  	_ =	task.clear_ibuf [dreg:s22], $0x5FFFF;
	_ =	strace $0x90000055  }
0xc7: {  	s29 =	simm.s32 $0xA;
	_ =	strace $0x80000057  }
0xc8: {  	_ =	swait.ge [sflag:s29], $0x1  }
0xc9: {  	[sflag:s29] =	ssyncadd.s32 $0xFFFFFFFF  }
0xca: {  	_ =	strace $0x90000057  }
0xcb: {  	_ =	sfence  }
0xcc: {  	s30 =	sld [smem:$0x0];
	_ =	sdelay $0x2  }
0xcd: {  	s31 =	sshll.u32 s1, $0xD;
	s1 =	sshrl.u32 s1, $0x2  }
0xce: {  	s4 =	sand.u32 $0x4000, s31;
	s1 =	sadd.s32 s1, s30  }
0xcf: {  	s0 =	sor.u32 s4, s0;
	s1 =	sshll.u32 s1, $0x11  }
0xd0: {  	s0 =	sor.u32 s1, s0  }
0xd1: {  	s0 =	sadd.s32 $0x8F2B, s0  }
0xd2: {  	[sflag:s0] =	ssyncadd.remote.s32 $0x1  }
0xd3: {  	_ =	sfence.sel $0xFFFF  }
0xd4: {  	[dreg:$0x0] =	wrdreg $0xFFFFFFFF;
	(pc) =	sbr.abs _section_cstart, $3  }
0xd5: {  	[dreg:$0x1] =	wrdreg $0xFFFFFFFF  }
0xd6: {  	_ =	task.clear_ibuf [dreg:s22], $0x2FFFF;
	_ =	strace $0x9FFFFFFF  }
0xd7: {  	(tm) =	ssettm $0x7FFFFFFF  }
tec
execute0_lowered:
.L_overlay_start_1:
0x0: {  	(tag) =	ssettag $0x1  }
0x1: {  	s2 =	rddreg [dreg:$0x0]  }
0x2: {  	s8 =	rddreg [dreg:$0x1]  }
0x3: {  	s0 =	rddreg [dreg:$0x2];
	s1 =	stileid.u32  }
0x4: {  	s3 =	srdreg.scid;
	_ =	strace $0x80000056;
	s4 =	simm.s32 $0x1  }
0x5: {  	s7 =	simm.s32 $0x1;
	s9 =	simm.s32 $0x1;
	s10 =	simm.s32 $0x3  }
0x6: {  	s13 =	simm.s32 $0x0;
	s5 =	sand.u32 $0x1, s3;
	s6 =	sshll.u32 s1, $0x1  }
0x7: {  	s12 =	simm.s32 $0x0;
	s3 =	sadd.s32 $0xF1E00, s8;
	s5 =	sor.u32 s6, s5  }
.Ltmp0:
0x8: {  	[sflag:s4] =	ssyncpa.u1 $0x0;
	p0 =	slt.u32 s5, $0x15;
	(pc) =	sbr.rel .LBB2_1-.Ltmp0, $4  }
0x9: {  	s6 =	simm.s32 $0x2;
	s7 =	simm.s32 @!p0 $0x0;
	p0 =	sne.s32 s5, $0x14  }
0xa: {  	[sflag:s6] =	ssyncpa.u1 $0x0;
	s5 =	smul.u32 $0x7880, s5;
	s9 =	simm.s32 @!p0 $0x0  }
0xb: {  	s8 =	sadd.s32 $0x65200, s8;
	[sflag:s10] =	ssyncpa.u1 $0x0;
	s7 =	sadd.s32 s9, s7  }
0xc: {  	vm0 =	vmmov $0xffff;
	s10 =	simm.s32 $0x0;
	s11 =	smov.u32 s5;
	s9 =	sadd.s32 $0x1, s7  }
.LBB2_4:
0xd: {  	v2 =	vnsel vm1, $0x0, v2  }
0xe: {  	vm1 =	vgt.s32 v0, $0x0;
	v2 =	vmin.u32 v2, $0x1879FF  }
0xf: {  	v0 =	vnsel vm1, $0x0, v0  }
0x10: {  	v0 =	vmin.u32 v0, $0x1879FF  }
0x11: {  	[tilespmem:s18], [sflag:$0x1] =	stream.indirect_vreg.gather [hbm4b:s2+s10], $0x1, v1, vm0, $0x4038;
	[tilespmem:$0x1E200] =	vst v63  }
0x12: {  	(ifvalue) =	ssetifvalue $0x7FFFFFFF  }
0x13: {  	[tilespmem:s15], [sflag:$0x1] =	stream.indirect_vreg.gather [hbm4b:s2+s10], $0x1, v2, vm0, $0x4038;
	[tilespmem:$0x1E200] =	vst v63  }
0x14: {  	s29 =	sadd.s32 $0x10, s15;
	(ifvalue) =	ssetifvalue $0x7FFFFFFF  }
0x15: {  	[tilespmem:s29], [sflag:$0x1] =	stream.indirect_vreg.gather [hbm4b:s2+s10], $0x1, v0, vm0, $0x4038;
	[tilespmem:$0x1E200] =	vst v63  }
0x16: {  	_ =	swait.ge [sflag:s4], $0x7880  }
0x17: {  	s30 =	sshrl.u32 s13, $0x3;
	[sflag:s4] =	ssyncset.done $0x0  }
0x18: {  	s31 =	sand.u32 $0x7, s13;
	s15 =	sadd.s32 s8, s30;
	[sflag:s4] =	ssyncadd.s32 $0xFFFF8780  }
0x19: {  	[hbm4b:s15+s31] =	stream.linear.scatter [tilespmem:s14], [sflag:$0x3], $0x7880, $0x38;
	[tilespmem:$0x1E200] =	vst v63  }
.LBB2_5:
0x1a: {  	s15 =	sadd.s32 $0xF1000, s11  }
0x1b: {  	p1 =	sgt.s32 s15, $0x1879FF  }
0x1c: {  	s15 =	smov.u32 @p1 s5;
	p1 =	sne.s32 s12, s9  }
.Ltmp1:
0x1d: {  	p0 =	slt.u32 s12, $0x2;
	(pc) =	sbr.rel @!p1 .LBB2_6-.Ltmp1, $4  }
0x1e: {  	s14 =	simm.s32 @!p0 $0x3  }
0x1f: {  	_ =	swait.ge @!p0 [sflag:s14], $0x7880  }
0x20: {  	s16 =	sadd.s32 $0x1, s12;
	s13 =	smov.u32 s11;
	[sflag:s14] =	ssyncset.done @!p0 $0x0  }
0x21: {  	s12 =	smov.u32 s16;
	s11 =	smov.u32 s15;
	[sflag:s14] =	ssyncadd.s32 @!p0 $0xFFFF8780  }
.LBB2_1:
0x22: {  	p0 =	sge.u32 s12, s7  }
0x23: {  	s14 =	sxor.u32 @!p0 $0x1, s12  }
0x24: {  	s14 =	smul.u32 @!p0 $0x1E200, s14  }
0x25: {  	s31 =	sadd.s32 $0xFFFFFFFF, s12;
	s15 =	sshrl.u32 @!p0 s11, $0x3  }
0x26: {  	s16 =	sand.u32 @!p0 $0x7, s11;
	s15 =	sadd.s32 @!p0 s3, s15;
	s14 =	sshra.s32 @!p0 s14, $0x2  }
0x27: {  	[tilespmem:s14], [sflag:$0x2] =	stream.linear.gather @!p0 [hbm4b:s15+s16], $0x7880, $0x38;
	[tilespmem:$0x1E200] =	vst v63  }
0x28: {  	p0 =	sge.u32 s31, s7  }
.Ltmp2:
0x29: {  	_ = 	snop;
	(pc) =	sbr.rel @p0 .LBB2_5-.Ltmp2, $1  }
0x2a: {  	_ =	sdelay $0x3  }
0x2b: {  	s14 =	sand.u32 $0x1, s12  }
0x2c: {  	_ =	swait.ge [sflag:s6], $0x7880;
	p0 =	seq.s32 s14, $0x1;
	s14 =	simm.s32 $0x7880  }
0x2d: {  	[sflag:s6] =	ssyncset.done $0x0;
	s14 =	simm.s32 @!p0 $0x0  }
0x2e: {  	[sflag:s6] =	ssyncadd.s32 $0xFFFF8780;
	(ifvalue) =	ssetifvalue $0x7FFFFFFF;
	v0 =	vld.msk [tilespmem:s14+$0x0 ss:$0x1], $0xffff;
	_ =	sdelay $0x4  }
0x2f: {  	s15 =	sadd.s32 $0x10, s14;
	vm1 =	vgt.s32 v0, $0x0  }
0x30: {  	v2 =	vld.msk [tilespmem:s15+$0x0 ss:$0x1], $0xffff;
	v1 =	vnsel vm1, $0x0, v0  }
0x31: {  	v1 =	vmin.u32 v1, $0x1879FF;
	_ =	sdelay $0x2  }
0x32: {  	s17 =	simm.s32 $0x20;
	s14 =	sadd.s32 $0xF100, s14;
	s16 =	sadd.s32 $0x10, s15  }
0x33: {  	s15 =	sadd.s32 $0x10, s14;
	s18 =	smov.u32 s14;
	v0 =	vld.msk [tilespmem:s16+$0x0 ss:$0x1], $0xffff;
	vm1 =	vgt.s32 v2, $0x0;
	(ifvalue) =	ssetifvalue $0x7FFFFFFF  }
.LBB2_3:
0x34: {  	[tilespmem:s18], [sflag:$0x1] =	stream.indirect_vreg.gather [hbm4b:s2+s10], $0x1, v1, vm0, $0x4038;
	[tilespmem:$0x1E200] =	vst v63  }
0x35: {  	s17 =	sadd.s32 $0x10, s17  }
0x36: {  	v2 =	vnsel vm1, $0x0, v2;
	p0 =	slt.u32 s17, $0x7870  }
.Ltmp3:
0x37: {  	s18 =	smov.u32 s15;
	v1 =	vmin.u32 v2, $0x1879FF;
	(pc) =	sbr.rel @p0 .LBB2_3-.Ltmp3, $3  }
0x38: {  	_ =	sdelay $0x1  }
0x39: {  	s16 =	sadd.s32 $0x10, s16  }
0x3a: {  	vm1 =	vgt.s32 v0, $0x0;
	s15 =	sadd.s32 $0x10, s15;
	v2 =	vmov v0;
	(ifvalue) =	ssetifvalue $0x7FFFFFFF;
	v0 =	vld.msk [tilespmem:s16+$0x0 ss:$0x1], $0xffff  }
.Ltmp4:
0x3b: {  	_ = 	snop;
	(pc) =	sbr.rel .LBB2_4-.Ltmp4, $1  }
0x3c: {  	_ =	sdelay $0x3  }
.LBB2_6:
0x3d: {  	_ =	sfence.sel $0x180000  }
0x3e: {  	s2 =	simm.s32 $0x2;
	[bflag:$0x0] =	sbarrier.arrive $0xFFFF  }
0x3f: {  	s30 =	simm.s32 $0x3;
	[sflag:s2] =	ssyncpa.u1 $0x1  }
0x40: {  	s31 =	simm.s32 $0x1;
	[sflag:s30] =	ssyncpa.u1 $0x1  }
0x41: {  	[sflag:s31] =	ssyncpa.u1 $0x1  }
0x42: {  	p0 =	sne.s32 s1, $0x0;
	_ =	strace $0x90000056  }
0x43: {  	s0 =	sadd.s32 @!p0 $0x100000, s0;
	[bflag:$0x2] =	sbarrier.arrive $0xFFFF  }
0x44: {  	[sflag:s0] =	ssyncadd.tile.s32 @!p0 $0x1;
	_ =	shalt  }
.Lfunc_end2:
_tile_overlayer_lowered:
.L_overlay_start_2:
0x45: {  	(tag) =	ssettag $0x2  }
0x46: {  	s0 =	rddreg [dreg:$0x0];
	s2 =	stileid.u32  }
0x47: {  	s1 =	rddreg [dreg:$0x1];
	p0 =	sne.s32 s2, $0x0  }
0x48: {  	s3 =	rddreg [dreg:$0x2];
	[bflag:$0x3] =	sbarrier.arrive $0xFFFF;
	s2 =	simm.s32 @!p0 $0x1C01  }
0x49: {  	[timem:s3], [sflag:s2] =	dma.local @!p0 [hbm:s0], s1  }
0x4a: {  	s0 =	simm.s32 @!p0 $0x1  }
0x4b: {  	_ =	swait.ge @!p0 [sflag:s0], s1  }
0x4c: {  	s1 =	ssub.s32 @!p0 $0x0, s1;
	[sflag:s0] =	ssyncset.done @!p0 $0x0  }
0x4d: {  	[sflag:s0] =	ssyncadd.s32 @!p0 s1  }
0x4e: {  	[bflag:$0x3] =	sbarrier.arrive $0xFFFF  }
0x4f: {  	_ =	shalt  }

// kernel: gather_offload_async_start.4
scs
__scs_entry_jumppad:
0x0: {  	(pc) =	sbr.rel $0x88, $3  }
0x1: {  	(tag) =	ssettag $0x0;
	lr =	simm.s32 $0x1  }
0x2: {  	[smem:$0x3F9C] =	sst lr;
	_ =	strace $0xD0000000  }
0x3: {  	_ = 	snop  }
0x4: {  	_ = 	snop  }
0x5: {  	_ = 	snop  }
0x6: {  	_ = 	snop  }
0x7: {  	_ = 	snop  }
__scs_overlays_trampoline_lowered:
0x8: {  	[smem:$0x3FAB] =	sst s0  }
0x9: {  	[smem:$0x3FAC] =	sst s1  }
0xa: {  	[smem:$0x3FAD] =	sst s2  }
0xb: {  	[smem:$0x3FAE] =	sst s3  }
0xc: {  	[smem:$0x3FAF] =	sst s4  }
0xd: {  	[smem:$0x3FB0] =	sst s5  }
0xe: {  	[smem:$0x3FB1] =	sst s6  }
0xf: {  	[smem:$0x3FB2] =	sst s7  }
0x10: {  	[smem:$0x3FB3] =	sst s8  }
0x11: {  	[smem:$0x3FB4] =	sst s9;
	s0 =	simm.s32 @!p0 $0x0  }
0x12: {  	s1 =	sld [smem:$0x3F9A];
	s0 =	simm.s32 @p0 $0x1  }
0x13: {  	[smem:$0x3FB5] =	sst s0;
	s0 =	simm.s32 @!p1 $0x0  }
0x14: {  	s2 =	sld [smem:$0x3F99];
	s0 =	simm.s32 @p1 $0x1  }
0x15: {  	[smem:$0x3FB6] =	sst s0;
	s0 =	simm.s32 @!p2 $0x0  }
0x16: {  	s3 =	sld [smem:$0x3FDB];
	s0 =	simm.s32 @p2 $0x1  }
0x17: {  	s4 =	simm.s32 $0x1BF5;
	[smem:$0x3FB8] =	sst s0  }
0x18: {  	s0 =	sld [smem:$0x3F9B];
	_ =	swait.ge [sflag:s4], $0x0  }
0x19: {  	s7 =	sld [smem:$0x3F9C]  }
0x1a: {  	s8 =	sadd.s32 $0xFFFFE003, lr  }
0x1b: {  	s9 =	sadd.s32 $0xFFFFFEF7, lr;
	s5 =	simm.s32 $0xFFFFFFFF;
	p2 =	slt.u32 s8, $0xFFFFF086  }
0x1c: {  	p1 =	slt.u32 s9, $0xF7A;
	s5 =	simm.s32 @!p2 $0x0  }
0x1d: {  	s5 =	simm.s32 @p1 $0x1;
	p0 =	seq.s32 s7, s2  }
0x1e: {  	s7 =	smul.u32 @!p0 $0xF7A, s2;
	p2 =	seq.s32 @!p0 s5, $0x0  }
0x1f: {  	s9 =	smul.u32 $0xF7A, s1;
	s8 =	simm.s32 @!p0 $0x1BF5;
	p2 =	por !p2, p0  }
0x20: {  	[sflag:s8] =	ssyncset.s32 @!p0 $0xFFFFF086;
	s6 =	sadd.s32 @!p0 s3, s7;
	s7 =	simm.s32 @!p0 $0x108  }
0x21: {  	s3 =	sadd.s32 s3, s9;
	s6 =	sadd.s32 @!p0 $0x88, s6;
	s7 =	simm.s32 @p2 $0x1082  }
0x22: {  	[simem:s7], [sflag:s8] =	dma.local @!p0 [hbm:s6], $0xF7A  }
0x23: {  	s9 =	sor.u32 $0xD0000000, s2;
	s6 =	simm.s32 $0x108;
	_ =	swait.ge @!p0 [sflag:s8], $0x0  }
0x24: {  	s3 =	sadd.s32 $0x88, s3;
	s6 =	simm.s32 @!p1 $0x1082;
	[sflag:s4] =	ssyncset.s32 $0xFFFFF086  }
0x25: {  	[simem:s6], [sflag:s4] =	dma.local [hbm:s3], $0xF7A  }
0x26: {  	[smem:$0x3F9C] =	sst s1;
	(tag) =	ssettag s2;
	_ =	strace s9  }
0x27: {  	s1 =	sld [smem:$0x3FAC]  }
0x28: {  	s2 =	sld [smem:$0x3FAD]  }
0x29: {  	s4 =	sld [smem:$0x3FAF]  }
0x2a: {  	p0 =	seq.s32 s5, $0x0;
	s5 =	sld [smem:$0x3FB0]  }
0x2b: {  	s6 =	sld [smem:$0x3FB1]  }
0x2c: {  	s7 =	sld [smem:$0x3FB2]  }
0x2d: {  	s3 =	simm.s32 $0x108;
	s8 =	sld [smem:$0x3FB3]  }
0x2e: {  	s3 =	simm.s32 @!p0 $0x1082;
	s9 =	sld [smem:$0x3FB4]  }
0x2f: {  	lr =	sadd.s32 s0, s3;
	s0 =	sld [smem:$0x3FAB]  }
0x30: {  	s3 =	sld [smem:$0x3FAE]  }
0x31: {  	[smem:$0x3FB7] =	sst s10  }
0x32: {  	s10 =	sld [smem:$0x3FB5];
	_ =	sdelay $0x3  }
0x33: {  	p0 =	seq.s32 s10, $0x1;
	s10 =	sld [smem:$0x3FB7];
	_ =	sdelay $0x3  }
0x34: {  	[smem:$0x3FB7] =	sst s10  }
0x35: {  	s10 =	sld [smem:$0x3FB6];
	_ =	sdelay $0x3  }
0x36: {  	p1 =	seq.s32 s10, $0x1;
	s10 =	sld [smem:$0x3FB7];
	_ =	sdelay $0x3  }
0x37: {  	[smem:$0x3FB7] =	sst s10  }
0x38: {  	s10 =	sld [smem:$0x3FB8]  }
0x39: {  	_ = 	snop;
	(pc) =	sbr.ind lr, $3  }
0x3a: {  	_ = 	snop  }
0x3b: {  	_ = 	snop  }
0x3c: {  	p2 =	seq.s32 s10, $0x1;
	s10 =	sld [smem:$0x3FB7]  }
0x3d: {  	_ =	shalt  }
0x3e: {  	_ =	shalt  }
0x3f: {  	_ =	shalt  }
0x40: {  	_ =	shalt  }
0x41: {  	_ =	shalt  }
0x42: {  	_ =	shalt  }
0x43: {  	_ =	shalt  }
0x44: {  	_ =	shalt  }
0x45: {  	_ =	shalt  }
0x46: {  	_ =	shalt  }
0x47: {  	_ =	shalt  }
0x48: {  	_ =	shalt  }
0x49: {  	_ =	shalt  }
0x4a: {  	_ =	shalt  }
0x4b: {  	_ =	shalt  }
0x4c: {  	_ =	shalt  }
0x4d: {  	_ =	shalt  }
0x4e: {  	_ =	shalt  }
0x4f: {  	_ =	shalt  }
0x50: {  	_ =	shalt  }
0x51: {  	_ =	shalt  }
0x52: {  	_ =	shalt  }
0x53: {  	_ =	shalt  }
0x54: {  	_ =	shalt  }
0x55: {  	_ =	shalt  }
0x56: {  	_ =	shalt  }
0x57: {  	_ =	shalt  }
0x58: {  	_ =	shalt  }
0x59: {  	_ =	shalt  }
0x5a: {  	_ =	shalt  }
0x5b: {  	_ =	shalt  }
0x5c: {  	_ =	shalt  }
0x5d: {  	_ =	shalt  }
0x5e: {  	_ =	shalt  }
0x5f: {  	_ =	shalt  }
0x60: {  	_ =	shalt  }
0x61: {  	_ =	shalt  }
0x62: {  	_ =	shalt  }
0x63: {  	_ =	shalt  }
0x64: {  	_ =	shalt  }
0x65: {  	_ =	shalt  }
0x66: {  	_ =	shalt  }
0x67: {  	_ =	shalt  }
0x68: {  	_ =	shalt  }
0x69: {  	_ =	shalt  }
0x6a: {  	_ =	shalt  }
0x6b: {  	_ =	shalt  }
0x6c: {  	_ =	shalt  }
0x6d: {  	_ =	shalt  }
0x6e: {  	_ =	shalt  }
0x6f: {  	_ =	shalt  }
0x70: {  	_ =	shalt  }
0x71: {  	_ =	shalt  }
0x72: {  	_ =	shalt  }
0x73: {  	_ =	shalt  }
0x74: {  	_ =	shalt  }
0x75: {  	_ =	shalt  }
0x76: {  	_ =	shalt  }
0x77: {  	_ =	shalt  }
0x78: {  	_ =	shalt  }
0x79: {  	_ =	shalt  }
0x7a: {  	_ =	shalt  }
0x7b: {  	_ =	shalt  }
0x7c: {  	_ =	shalt  }
0x7d: {  	_ =	shalt  }
0x7e: {  	_ =	shalt  }
0x7f: {  	_ =	shalt  }
0x80: {  	_ =	shalt  }
0x81: {  	_ =	shalt  }
0x82: {  	_ =	shalt  }
0x83: {  	_ =	shalt  }
0x84: {  	_ =	shalt  }
0x85: {  	_ =	shalt  }
0x86: {  	_ =	shalt  }
0x87: {  	_ =	shalt  }
.Lfunc_end0:
.L_simem_size_0:
called_computation.5_lowered:
.L_overlay_start_0:
0x88: {  	s2 =	sld [smem:$0x3FD9]  }
0x89: {  	s3 =	sld [smem:$0x3FFE];
	_ =	sdelay $0x1  }
0x8a: {  	s1 =	srdreg.scid  }
0x8b: {  	s0 =	sand.u32 $0x1, s1  }
0x8c: {  	s14 =	sshll.u32 s0, $0xA;
	s2 =	sadd.s32 s3, s2  }
0x8d: {  	s2 =	sadd.s32 s2, s14  }
0x8e: {  	[smem:$0x3FC3] =	sst s2  }
0x8f: {  	_ = 	snop  }
0x90: {  	s2 =	sld [smem:$0x3FD0];
	_ =	sdelay $0x2  }
0x91: {  	s15 =	simm.s32 $0xB;
	s4 =	simm.s32 $0x10  }
0x92: {  	[smem:s4], [sflag:s15] =	dma.local [hbm:s2], $0x1  }
0x93: {  	_ =	swait.eq [sflag:s15], $0x1  }
0x94: {  	[sflag:s15] =	ssyncset.done $0x0  }
0x95: {  	s16 =	sld [smem:$0x11];
	[sflag:s15] =	ssyncadd.s32 $0xFFFFFFFF  }
0x96: {  	s17 =	sld [smem:$0x12];
	(tm) =	ssettm $0x1  }
0x97: {  	s18 =	sld [smem:$0x3FFB];
	_ =	sdelay $0x3  }
0x98: {  	_ =	strace s18  }
0x99: {  	s4 =	sld [smem:$0x3FFC];
	_ =	sdelay $0x3  }
0x9a: {  	_ =	strace s4  }
0x9b: {  	s4 =	sld [smem:$0x3FFD];
	_ =	sdelay $0x3  }
0x9c: {  	_ =	strace s4  }
0x9d: {  	_ =	strace $0x8FFFFFFF  }
0x9e: {  	s19 =	sld [smem:$0x3FDB];
	_ =	sdelay $0x1  }
0x9f: {  	s5 =	simm.s32 $_scs_section_size  }
0xa0: {  	s6 =	simm.s32 $_size__tile_overlayer_lowered;
	s7 =	simm.s32 $_tile_overlayer_lowered  }
0xa1: {  	s22 =	simm.s32 $0x1BFF;
	s21 =	sshll.u32 s7, $0x1;
	s4 =	sadd.s32 s5, s19  }
0xa2: {  	s8 =	simm.s32 $0x0;
	s20 =	sshll.u32 s6, $0x1;
	s6 =	sadd.s32 s21, s4  }
0xa3: {  	[timem:s8], [sflag:s22] =	dma.local [hbm:s6], s20  }
0xa4: {  	_ =	swait.ge [sflag:s22], s20  }
0xa5: {  	s5 =	ssub.s32 $0x0, s20;
	[sflag:s22] =	ssyncset.done $0x0  }
0xa6: {  	[sflag:s22] =	ssyncadd.s32 s5;
	_ =	sdelay $0x1  }
0xa7: {  	s23 =	simm.s32 $0x1B8B  }
0xa8: {  	_ =	swait.ge [sflag:s23], $0x1  }
0xa9: {  	[sflag:s23] =	ssyncset.done $0x0  }
0xaa: {  	s25 =	simm.s32 $0x1B8E;
	s24 =	sld [smem:$0x3FFE];
	[sflag:s23] =	ssyncadd.s32 $0xFFFFFFFF  }
0xab: {  	s26 =	simm.s32 $execute0_lowered;
	[smem:$0x3FD2] =	sst s25  }
0xac: {  	s6 =	sshll.u32 s26, $0x1;
	_ =	strace $0x8000004F;
	[dreg:$0x1] =	wrdreg $0xFFFFFFFF  }
0xad: {  	s28 =	simm.s32 $_size_execute0_lowered;
	s4 =	sadd.s32 s4, s6;
	[dreg:$0x0] =	wrdreg $0x0  }
0xae: {  	s6 =	sshll.u32 s28, $0x1;
	[dreg:$0x2] =	wrdreg s4  }
0xaf: {  	[dreg:$0x3] =	wrdreg s6  }
0xb0: {  	[dreg:$0x4] =	wrdreg $0xC0  }
0xb1: {  	_ =	task [dreg:s8], $0x5FFFF  }
0xb2: {  	[dreg:$0x1] =	wrdreg $0xFFFFFFFF  }
0xb3: {  	[dreg:$0x0] =	wrdreg $0x60  }
0xb4: {  	[dreg:$0x2] =	wrdreg s24  }
0xb5: {  	[dreg:$0x3] =	wrdreg s17  }
0xb6: {  	[dreg:$0x4] =	wrdreg s16  }
0xb7: {  	[dreg:$0x5] =	wrdreg $0x9  }
0xb8: {  	_ =	task.clear_ibuf [dreg:s8], $0x6FFFF;
	_ =	strace $0x9000004F  }
0xb9: {  	s29 =	simm.s32 $0x9;
	_ =	strace $0x80000051  }
0xba: {  	_ =	swait.ge [sflag:s29], $0x1  }
0xbb: {  	[sflag:s29] =	ssyncadd.s32 $0xFFFFFFFF  }
0xbc: {  	_ =	strace $0x90000051  }
0xbd: {  	_ =	sfence  }
0xbe: {  	s30 =	sld [smem:$0x0];
	_ =	sdelay $0x2  }
0xbf: {  	s31 =	sshll.u32 s1, $0xD;
	s1 =	sshrl.u32 s1, $0x2  }
0xc0: {  	s3 =	sand.u32 $0x4000, s31;
	s1 =	sadd.s32 s1, s30  }
0xc1: {  	s0 =	sor.u32 s3, s0;
	s1 =	sshll.u32 s1, $0x11  }
0xc2: {  	s0 =	sor.u32 s1, s0  }
0xc3: {  	s0 =	sadd.s32 $0x8F2B, s0  }
0xc4: {  	[sflag:s0] =	ssyncadd.remote.s32 $0x1  }
0xc5: {  	_ =	sfence.sel $0xFFFF  }
0xc6: {  	[dreg:$0x0] =	wrdreg $0xFFFFFFFF;
	(pc) =	sbr.abs _section_cstart, $3  }
0xc7: {  	[dreg:$0x1] =	wrdreg $0xFFFFFFFF  }
0xc8: {  	_ =	task.clear_ibuf [dreg:s8], $0x2FFFF;
	_ =	strace $0x9FFFFFFF  }
0xc9: {  	(tm) =	ssettm $0x7FFFFFFF  }
tec
execute0_lowered:
.L_overlay_start_1:
0x0: {  	(tag) =	ssettag $0x1  }
0x1: {  	s8 =	rddreg [dreg:$0x0]  }
0x2: {  	s2 =	rddreg [dreg:$0x1]  }
0x3: {  	s3 =	rddreg [dreg:$0x2];
	s1 =	stileid.u32  }
0x4: {  	s4 =	srdreg.scid;
	s0 =	rddreg [dreg:$0x3];
	_ =	strace $0x80000050  }
0x5: {  	s7 =	simm.s32 $0x1;
	s9 =	simm.s32 $0x1;
	s10 =	simm.s32 $0x3  }
0x6: {  	s13 =	simm.s32 $0x0;
	s5 =	sand.u32 $0x1, s4;
	s6 =	sshll.u32 s1, $0x1  }
0x7: {  	s12 =	simm.s32 $0x0;
	s4 =	simm.s32 $0x1;
	s5 =	sor.u32 s6, s5  }
.Ltmp0:
0x8: {  	[sflag:s4] =	ssyncpa.u1 $0x0;
	p0 =	slt.u32 s5, $0x15;
	(pc) =	sbr.rel .LBB2_1-.Ltmp0, $4  }
0x9: {  	s6 =	simm.s32 $0x2;
	s7 =	simm.s32 @!p0 $0x0;
	p0 =	sne.s32 s5, $0x14  }
0xa: {  	[sflag:s6] =	ssyncpa.u1 $0x0;
	s5 =	smul.u32 $0x7880, s5;
	s9 =	simm.s32 @!p0 $0x0  }
0xb: {  	s8 =	sadd.s32 $0x5EE00, s8;
	[sflag:s10] =	ssyncpa.u1 $0x0;
	s7 =	sadd.s32 s9, s7  }
0xc: {  	vm0 =	vmmov $0xffff;
	s10 =	simm.s32 $0x0;
	s11 =	smov.u32 s5;
	s9 =	sadd.s32 $0x1, s7  }
.LBB2_4:
0xd: {  	v2 =	vnsel vm1, $0x0, v2  }
0xe: {  	vm1 =	vgt.s32 v0, $0x0;
	v2 =	vmin.u32 v2, $0x1879FF  }
0xf: {  	v0 =	vnsel vm1, $0x0, v0  }
0x10: {  	v0 =	vmin.u32 v0, $0x1879FF  }
0x11: {  	[tilespmem:s18], [sflag:$0x1] =	stream.indirect_vreg.gather [hbm4b:s8+s10], $0x1, v1, vm0, $0x4038;
	[tilespmem:$0x1E200] =	vst v63  }
0x12: {  	(ifvalue) =	ssetifvalue $0x7FFFFFFF  }
0x13: {  	[tilespmem:s15], [sflag:$0x1] =	stream.indirect_vreg.gather [hbm4b:s8+s10], $0x1, v2, vm0, $0x4038;
	[tilespmem:$0x1E200] =	vst v63  }
0x14: {  	s29 =	sadd.s32 $0x10, s15;
	(ifvalue) =	ssetifvalue $0x7FFFFFFF  }
0x15: {  	[tilespmem:s29], [sflag:$0x1] =	stream.indirect_vreg.gather [hbm4b:s8+s10], $0x1, v0, vm0, $0x4038;
	[tilespmem:$0x1E200] =	vst v63  }
0x16: {  	_ =	swait.ge [sflag:s4], $0x7880  }
0x17: {  	s30 =	sshrl.u32 s13, $0x3;
	[sflag:s4] =	ssyncset.done $0x0  }
0x18: {  	s31 =	sand.u32 $0x7, s13;
	s15 =	sadd.s32 s3, s30;
	[sflag:s4] =	ssyncadd.s32 $0xFFFF8780  }
0x19: {  	[hbm4b:s15+s31] =	stream.linear.scatter [tilespmem:s14], [sflag:$0x3], $0x7880, $0x38;
	[tilespmem:$0x1E200] =	vst v63  }
.LBB2_5:
0x1a: {  	s15 =	sadd.s32 $0xF1000, s11  }
0x1b: {  	p1 =	sgt.s32 s15, $0x1879FF  }
0x1c: {  	s15 =	smov.u32 @p1 s5;
	p1 =	sne.s32 s12, s9  }
.Ltmp1:
0x1d: {  	p0 =	slt.u32 s12, $0x2;
	(pc) =	sbr.rel @!p1 .LBB2_6-.Ltmp1, $4  }
0x1e: {  	s14 =	simm.s32 @!p0 $0x3  }
0x1f: {  	_ =	swait.ge @!p0 [sflag:s14], $0x7880  }
0x20: {  	s16 =	sadd.s32 $0x1, s12;
	s13 =	smov.u32 s11;
	[sflag:s14] =	ssyncset.done @!p0 $0x0  }
0x21: {  	s12 =	smov.u32 s16;
	s11 =	smov.u32 s15;
	[sflag:s14] =	ssyncadd.s32 @!p0 $0xFFFF8780  }
.LBB2_1:
0x22: {  	p0 =	sge.u32 s12, s7  }
0x23: {  	s14 =	sxor.u32 @!p0 $0x1, s12  }
0x24: {  	s14 =	smul.u32 @!p0 $0x1E200, s14  }
0x25: {  	s31 =	sadd.s32 $0xFFFFFFFF, s12;
	s15 =	sshrl.u32 @!p0 s11, $0x3  }
0x26: {  	s16 =	sand.u32 @!p0 $0x7, s11;
	s15 =	sadd.s32 @!p0 s2, s15;
	s14 =	sshra.s32 @!p0 s14, $0x2  }
0x27: {  	[tilespmem:s14], [sflag:$0x2] =	stream.linear.gather @!p0 [hbm4b:s15+s16], $0x7880, $0x38;
	[tilespmem:$0x1E200] =	vst v63  }
0x28: {  	p0 =	sge.u32 s31, s7  }
.Ltmp2:
0x29: {  	_ = 	snop;
	(pc) =	sbr.rel @p0 .LBB2_5-.Ltmp2, $1  }
0x2a: {  	_ =	sdelay $0x3  }
0x2b: {  	s14 =	sand.u32 $0x1, s12  }
0x2c: {  	_ =	swait.ge [sflag:s6], $0x7880;
	p0 =	seq.s32 s14, $0x1;
	s14 =	simm.s32 $0x7880  }
0x2d: {  	[sflag:s6] =	ssyncset.done $0x0;
	s14 =	simm.s32 @!p0 $0x0  }
0x2e: {  	[sflag:s6] =	ssyncadd.s32 $0xFFFF8780;
	(ifvalue) =	ssetifvalue $0x7FFFFFFF;
	v0 =	vld.msk [tilespmem:s14+$0x0 ss:$0x1], $0xffff;
	_ =	sdelay $0x4  }
0x2f: {  	s15 =	sadd.s32 $0x10, s14;
	vm1 =	vgt.s32 v0, $0x0  }
0x30: {  	v2 =	vld.msk [tilespmem:s15+$0x0 ss:$0x1], $0xffff;
	v1 =	vnsel vm1, $0x0, v0  }
0x31: {  	v1 =	vmin.u32 v1, $0x1879FF;
	_ =	sdelay $0x2  }
0x32: {  	s17 =	simm.s32 $0x20;
	s14 =	sadd.s32 $0xF100, s14;
	s16 =	sadd.s32 $0x10, s15  }
0x33: {  	s15 =	sadd.s32 $0x10, s14;
	s18 =	smov.u32 s14;
	v0 =	vld.msk [tilespmem:s16+$0x0 ss:$0x1], $0xffff;
	vm1 =	vgt.s32 v2, $0x0;
	(ifvalue) =	ssetifvalue $0x7FFFFFFF  }
.LBB2_3:
0x34: {  	[tilespmem:s18], [sflag:$0x1] =	stream.indirect_vreg.gather [hbm4b:s8+s10], $0x1, v1, vm0, $0x4038;
	[tilespmem:$0x1E200] =	vst v63  }
0x35: {  	s17 =	sadd.s32 $0x10, s17  }
0x36: {  	v2 =	vnsel vm1, $0x0, v2;
	p0 =	slt.u32 s17, $0x7870  }
.Ltmp3:
0x37: {  	s18 =	smov.u32 s15;
	v1 =	vmin.u32 v2, $0x1879FF;
	(pc) =	sbr.rel @p0 .LBB2_3-.Ltmp3, $3  }
0x38: {  	_ =	sdelay $0x1  }
0x39: {  	s16 =	sadd.s32 $0x10, s16  }
0x3a: {  	vm1 =	vgt.s32 v0, $0x0;
	s15 =	sadd.s32 $0x10, s15;
	v2 =	vmov v0;
	(ifvalue) =	ssetifvalue $0x7FFFFFFF;
	v0 =	vld.msk [tilespmem:s16+$0x0 ss:$0x1], $0xffff  }
.Ltmp4:
0x3b: {  	_ = 	snop;
	(pc) =	sbr.rel .LBB2_4-.Ltmp4, $1  }
0x3c: {  	_ =	sdelay $0x3  }
.LBB2_6:
0x3d: {  	_ =	sfence.sel $0x180000  }
0x3e: {  	s2 =	simm.s32 $0x2;
	[bflag:$0x0] =	sbarrier.arrive $0xFFFF  }
0x3f: {  	s30 =	simm.s32 $0x3;
	[sflag:s2] =	ssyncpa.u1 $0x1  }
0x40: {  	s31 =	simm.s32 $0x1;
	[sflag:s30] =	ssyncpa.u1 $0x1  }
0x41: {  	[sflag:s31] =	ssyncpa.u1 $0x1  }
0x42: {  	p0 =	sne.s32 s1, $0x0;
	_ =	strace $0x90000050  }
0x43: {  	s0 =	sadd.s32 @!p0 $0x100000, s0;
	[bflag:$0x2] =	sbarrier.arrive $0xFFFF  }
0x44: {  	[sflag:s0] =	ssyncadd.tile.s32 @!p0 $0x1;
	_ =	shalt  }
.Lfunc_end2:
_tile_overlayer_lowered:
.L_overlay_start_2:
0x45: {  	(tag) =	ssettag $0x2  }
0x46: {  	s0 =	rddreg [dreg:$0x0];
	s2 =	stileid.u32  }
0x47: {  	s1 =	rddreg [dreg:$0x1];
	p0 =	sne.s32 s2, $0x0  }
0x48: {  	s3 =	rddreg [dreg:$0x2];
	[bflag:$0x3] =	sbarrier.arrive $0xFFFF;
	s2 =	simm.s32 @!p0 $0x1C01  }
0x49: {  	[timem:s3], [sflag:s2] =	dma.local @!p0 [hbm:s0], s1  }
0x4a: {  	s0 =	simm.s32 @!p0 $0x1  }
0x4b: {  	_ =	swait.ge @!p0 [sflag:s0], s1  }
0x4c: {  	s1 =	ssub.s32 @!p0 $0x0, s1;
	[sflag:s0] =	ssyncset.done @!p0 $0x0  }
0x4d: {  	[sflag:s0] =	ssyncadd.s32 @!p0 s1  }
0x4e: {  	[bflag:$0x3] =	sbarrier.arrive $0xFFFF  }
0x4f: {  	_ =	shalt  }

// kernel: gather_offload_async_start
scs
__scs_entry_jumppad:
0x0: {  	(pc) =	sbr.rel $0x88, $3  }
0x1: {  	(tag) =	ssettag $0x0;
	lr =	simm.s32 $0x1  }
0x2: {  	[smem:$0x3F9C] =	sst lr;
	_ =	strace $0xD0000000  }
0x3: {  	_ = 	snop  }
0x4: {  	_ = 	snop  }
0x5: {  	_ = 	snop  }
0x6: {  	_ = 	snop  }
0x7: {  	_ = 	snop  }
__scs_overlays_trampoline_lowered:
0x8: {  	[smem:$0x3FAB] =	sst s0  }
0x9: {  	[smem:$0x3FAC] =	sst s1  }
0xa: {  	[smem:$0x3FAD] =	sst s2  }
0xb: {  	[smem:$0x3FAE] =	sst s3  }
0xc: {  	[smem:$0x3FAF] =	sst s4  }
0xd: {  	[smem:$0x3FB0] =	sst s5  }
0xe: {  	[smem:$0x3FB1] =	sst s6  }
0xf: {  	[smem:$0x3FB2] =	sst s7  }
0x10: {  	[smem:$0x3FB3] =	sst s8  }
0x11: {  	[smem:$0x3FB4] =	sst s9;
	s0 =	simm.s32 @!p0 $0x0  }
0x12: {  	s1 =	sld [smem:$0x3F9A];
	s0 =	simm.s32 @p0 $0x1  }
0x13: {  	[smem:$0x3FB5] =	sst s0;
	s0 =	simm.s32 @!p1 $0x0  }
0x14: {  	s2 =	sld [smem:$0x3F99];
	s0 =	simm.s32 @p1 $0x1  }
0x15: {  	[smem:$0x3FB6] =	sst s0;
	s0 =	simm.s32 @!p2 $0x0  }
0x16: {  	s3 =	sld [smem:$0x3FDB];
	s0 =	simm.s32 @p2 $0x1  }
0x17: {  	s4 =	simm.s32 $0x1BF5;
	[smem:$0x3FB8] =	sst s0  }
0x18: {  	s0 =	sld [smem:$0x3F9B];
	_ =	swait.ge [sflag:s4], $0x0  }
0x19: {  	s7 =	sld [smem:$0x3F9C]  }
0x1a: {  	s8 =	sadd.s32 $0xFFFFE003, lr  }
0x1b: {  	s9 =	sadd.s32 $0xFFFFFEF7, lr;
	s5 =	simm.s32 $0xFFFFFFFF;
	p2 =	slt.u32 s8, $0xFFFFF086  }
0x1c: {  	p1 =	slt.u32 s9, $0xF7A;
	s5 =	simm.s32 @!p2 $0x0  }
0x1d: {  	s5 =	simm.s32 @p1 $0x1;
	p0 =	seq.s32 s7, s2  }
0x1e: {  	s7 =	smul.u32 @!p0 $0xF7A, s2;
	p2 =	seq.s32 @!p0 s5, $0x0  }
0x1f: {  	s9 =	smul.u32 $0xF7A, s1;
	s8 =	simm.s32 @!p0 $0x1BF5;
	p2 =	por !p2, p0  }
0x20: {  	[sflag:s8] =	ssyncset.s32 @!p0 $0xFFFFF086;
	s6 =	sadd.s32 @!p0 s3, s7;
	s7 =	simm.s32 @!p0 $0x108  }
0x21: {  	s3 =	sadd.s32 s3, s9;
	s6 =	sadd.s32 @!p0 $0x88, s6;
	s7 =	simm.s32 @p2 $0x1082  }
0x22: {  	[simem:s7], [sflag:s8] =	dma.local @!p0 [hbm:s6], $0xF7A  }
0x23: {  	s9 =	sor.u32 $0xD0000000, s2;
	s6 =	simm.s32 $0x108;
	_ =	swait.ge @!p0 [sflag:s8], $0x0  }
0x24: {  	s3 =	sadd.s32 $0x88, s3;
	s6 =	simm.s32 @!p1 $0x1082;
	[sflag:s4] =	ssyncset.s32 $0xFFFFF086  }
0x25: {  	[simem:s6], [sflag:s4] =	dma.local [hbm:s3], $0xF7A  }
0x26: {  	[smem:$0x3F9C] =	sst s1;
	(tag) =	ssettag s2;
	_ =	strace s9  }
0x27: {  	s1 =	sld [smem:$0x3FAC]  }
0x28: {  	s2 =	sld [smem:$0x3FAD]  }
0x29: {  	s4 =	sld [smem:$0x3FAF]  }
0x2a: {  	p0 =	seq.s32 s5, $0x0;
	s5 =	sld [smem:$0x3FB0]  }
0x2b: {  	s6 =	sld [smem:$0x3FB1]  }
0x2c: {  	s7 =	sld [smem:$0x3FB2]  }
0x2d: {  	s3 =	simm.s32 $0x108;
	s8 =	sld [smem:$0x3FB3]  }
0x2e: {  	s3 =	simm.s32 @!p0 $0x1082;
	s9 =	sld [smem:$0x3FB4]  }
0x2f: {  	lr =	sadd.s32 s0, s3;
	s0 =	sld [smem:$0x3FAB]  }
0x30: {  	s3 =	sld [smem:$0x3FAE]  }
0x31: {  	[smem:$0x3FB7] =	sst s10  }
0x32: {  	s10 =	sld [smem:$0x3FB5];
	_ =	sdelay $0x3  }
0x33: {  	p0 =	seq.s32 s10, $0x1;
	s10 =	sld [smem:$0x3FB7];
	_ =	sdelay $0x3  }
0x34: {  	[smem:$0x3FB7] =	sst s10  }
0x35: {  	s10 =	sld [smem:$0x3FB6];
	_ =	sdelay $0x3  }
0x36: {  	p1 =	seq.s32 s10, $0x1;
	s10 =	sld [smem:$0x3FB7];
	_ =	sdelay $0x3  }
0x37: {  	[smem:$0x3FB7] =	sst s10  }
0x38: {  	s10 =	sld [smem:$0x3FB8]  }
0x39: {  	_ = 	snop;
	(pc) =	sbr.ind lr, $3  }
0x3a: {  	_ = 	snop  }
0x3b: {  	_ = 	snop  }
0x3c: {  	p2 =	seq.s32 s10, $0x1;
	s10 =	sld [smem:$0x3FB7]  }
0x3d: {  	_ =	shalt  }
0x3e: {  	_ =	shalt  }
0x3f: {  	_ =	shalt  }
0x40: {  	_ =	shalt  }
0x41: {  	_ =	shalt  }
0x42: {  	_ =	shalt  }
0x43: {  	_ =	shalt  }
0x44: {  	_ =	shalt  }
0x45: {  	_ =	shalt  }
0x46: {  	_ =	shalt  }
0x47: {  	_ =	shalt  }
0x48: {  	_ =	shalt  }
0x49: {  	_ =	shalt  }
0x4a: {  	_ =	shalt  }
0x4b: {  	_ =	shalt  }
0x4c: {  	_ =	shalt  }
0x4d: {  	_ =	shalt  }
0x4e: {  	_ =	shalt  }
0x4f: {  	_ =	shalt  }
0x50: {  	_ =	shalt  }
0x51: {  	_ =	shalt  }
0x52: {  	_ =	shalt  }
0x53: {  	_ =	shalt  }
0x54: {  	_ =	shalt  }
0x55: {  	_ =	shalt  }
0x56: {  	_ =	shalt  }
0x57: {  	_ =	shalt  }
0x58: {  	_ =	shalt  }
0x59: {  	_ =	shalt  }
0x5a: {  	_ =	shalt  }
0x5b: {  	_ =	shalt  }
0x5c: {  	_ =	shalt  }
0x5d: {  	_ =	shalt  }
0x5e: {  	_ =	shalt  }
0x5f: {  	_ =	shalt  }
0x60: {  	_ =	shalt  }
0x61: {  	_ =	shalt  }
0x62: {  	_ =	shalt  }
0x63: {  	_ =	shalt  }
0x64: {  	_ =	shalt  }
0x65: {  	_ =	shalt  }
0x66: {  	_ =	shalt  }
0x67: {  	_ =	shalt  }
0x68: {  	_ =	shalt  }
0x69: {  	_ =	shalt  }
0x6a: {  	_ =	shalt  }
0x6b: {  	_ =	shalt  }
0x6c: {  	_ =	shalt  }
0x6d: {  	_ =	shalt  }
0x6e: {  	_ =	shalt  }
0x6f: {  	_ =	shalt  }
0x70: {  	_ =	shalt  }
0x71: {  	_ =	shalt  }
0x72: {  	_ =	shalt  }
0x73: {  	_ =	shalt  }
0x74: {  	_ =	shalt  }
0x75: {  	_ =	shalt  }
0x76: {  	_ =	shalt  }
0x77: {  	_ =	shalt  }
0x78: {  	_ =	shalt  }
0x79: {  	_ =	shalt  }
0x7a: {  	_ =	shalt  }
0x7b: {  	_ =	shalt  }
0x7c: {  	_ =	shalt  }
0x7d: {  	_ =	shalt  }
0x7e: {  	_ =	shalt  }
0x7f: {  	_ =	shalt  }
0x80: {  	_ =	shalt  }
0x81: {  	_ =	shalt  }
0x82: {  	_ =	shalt  }
0x83: {  	_ =	shalt  }
0x84: {  	_ =	shalt  }
0x85: {  	_ =	shalt  }
0x86: {  	_ =	shalt  }
0x87: {  	_ =	shalt  }
.Lfunc_end0:
.L_simem_size_0:
called_computation.1_lowered:
.L_overlay_start_0:
0x88: {  	s2 =	sld [smem:$0x3FD9]  }
0x89: {  	s3 =	sld [smem:$0x3FFE];
	_ =	sdelay $0x1  }
0x8a: {  	s1 =	srdreg.scid  }
0x8b: {  	s0 =	sand.u32 $0x1, s1  }
0x8c: {  	s14 =	sshll.u32 s0, $0xA;
	s2 =	sadd.s32 s3, s2  }
0x8d: {  	s2 =	sadd.s32 s2, s14  }
0x8e: {  	[smem:$0x3FC3] =	sst s2  }
0x8f: {  	_ = 	snop  }
0x90: {  	s2 =	sld [smem:$0x3FD0];
	_ =	sdelay $0x2  }
0x91: {  	s15 =	simm.s32 $0xB;
	s4 =	simm.s32 $0x10  }
0x92: {  	[smem:s4], [sflag:s15] =	dma.local [hbm:s2], $0x1  }
0x93: {  	_ =	swait.eq [sflag:s15], $0x1  }
0x94: {  	[sflag:s15] =	ssyncset.done $0x0  }
0x95: {  	s16 =	sld [smem:$0x12];
	[sflag:s15] =	ssyncadd.s32 $0xFFFFFFFF  }
0x96: {  	s17 =	sld [smem:$0x14];
	(tm) =	ssettm $0x1  }
0x97: {  	s18 =	sld [smem:$0x3FFB];
	_ =	sdelay $0x3  }
0x98: {  	_ =	strace s18  }
0x99: {  	s4 =	sld [smem:$0x3FFC];
	_ =	sdelay $0x3  }
0x9a: {  	_ =	strace s4  }
0x9b: {  	s4 =	sld [smem:$0x3FFD];
	_ =	sdelay $0x3  }
0x9c: {  	_ =	strace s4  }
0x9d: {  	_ =	strace $0x8FFFFFFF  }
0x9e: {  	s19 =	sld [smem:$0x3FDB];
	_ =	sdelay $0x1  }
0x9f: {  	s5 =	simm.s32 $_scs_section_size  }
0xa0: {  	s6 =	simm.s32 $_size__tile_overlayer_lowered;
	s7 =	simm.s32 $_tile_overlayer_lowered  }
0xa1: {  	s22 =	simm.s32 $0x1BFF;
	s21 =	sshll.u32 s7, $0x1;
	s4 =	sadd.s32 s5, s19  }
0xa2: {  	s8 =	simm.s32 $0x0;
	s20 =	sshll.u32 s6, $0x1;
	s6 =	sadd.s32 s21, s4  }
0xa3: {  	[timem:s8], [sflag:s22] =	dma.local [hbm:s6], s20  }
0xa4: {  	_ =	swait.ge [sflag:s22], s20  }
0xa5: {  	s5 =	ssub.s32 $0x0, s20;
	[sflag:s22] =	ssyncset.done $0x0  }
0xa6: {  	[sflag:s22] =	ssyncadd.s32 s5;
	_ =	sdelay $0x1  }
0xa7: {  	s23 =	simm.s32 $0x1B8B  }
0xa8: {  	_ =	swait.ge [sflag:s23], $0x1  }
0xa9: {  	[sflag:s23] =	ssyncset.done $0x0  }
0xaa: {  	s25 =	simm.s32 $0x1B8E;
	s24 =	sld [smem:$0x3FFE];
	[sflag:s23] =	ssyncadd.s32 $0xFFFFFFFF  }
0xab: {  	s26 =	simm.s32 $execute0_lowered;
	[smem:$0x3FD2] =	sst s25  }
0xac: {  	s6 =	sshll.u32 s26, $0x1;
	_ =	strace $0x80000046;
	[dreg:$0x1] =	wrdreg $0xFFFFFFFF  }
0xad: {  	s28 =	simm.s32 $_size_execute0_lowered;
	s4 =	sadd.s32 s4, s6;
	[dreg:$0x0] =	wrdreg $0x0  }
0xae: {  	s6 =	sshll.u32 s28, $0x1;
	[dreg:$0x2] =	wrdreg s4  }
0xaf: {  	[dreg:$0x3] =	wrdreg s6  }
0xb0: {  	[dreg:$0x4] =	wrdreg $0xC0  }
0xb1: {  	_ =	task [dreg:s8], $0x5FFFF  }
0xb2: {  	[dreg:$0x1] =	wrdreg $0xFFFFFFFF  }
0xb3: {  	[dreg:$0x0] =	wrdreg $0x60  }
0xb4: {  	[dreg:$0x2] =	wrdreg s16  }
0xb5: {  	[dreg:$0x3] =	wrdreg s17  }
0xb6: {  	[dreg:$0x4] =	wrdreg s24  }
0xb7: {  	[dreg:$0x5] =	wrdreg $0x9  }
0xb8: {  	_ =	task.clear_ibuf [dreg:s8], $0x6FFFF;
	_ =	strace $0x90000046  }
0xb9: {  	s29 =	simm.s32 $0x9;
	_ =	strace $0x80000048  }
0xba: {  	_ =	swait.ge [sflag:s29], $0x1  }
0xbb: {  	[sflag:s29] =	ssyncadd.s32 $0xFFFFFFFF  }
0xbc: {  	_ =	strace $0x90000048  }
0xbd: {  	_ =	sfence  }
0xbe: {  	s30 =	sld [smem:$0x0];
	_ =	sdelay $0x2  }
0xbf: {  	s31 =	sshll.u32 s1, $0xD;
	s1 =	sshrl.u32 s1, $0x2  }
0xc0: {  	s3 =	sand.u32 $0x4000, s31;
	s1 =	sadd.s32 s1, s30  }
0xc1: {  	s0 =	sor.u32 s3, s0;
	s1 =	sshll.u32 s1, $0x11  }
0xc2: {  	s0 =	sor.u32 s1, s0  }
0xc3: {  	s0 =	sadd.s32 $0x8F2B, s0  }
0xc4: {  	[sflag:s0] =	ssyncadd.remote.s32 $0x1  }
0xc5: {  	_ =	sfence.sel $0xFFFF  }
0xc6: {  	[dreg:$0x0] =	wrdreg $0xFFFFFFFF;
	(pc) =	sbr.abs _section_cstart, $3  }
0xc7: {  	[dreg:$0x1] =	wrdreg $0xFFFFFFFF  }
0xc8: {  	_ =	task.clear_ibuf [dreg:s8], $0x2FFFF;
	_ =	strace $0x9FFFFFFF  }
0xc9: {  	(tm) =	ssettm $0x7FFFFFFF  }
tec
execute0_lowered:
.L_overlay_start_1:
0x0: {  	(tag) =	ssettag $0x1  }
0x1: {  	s2 =	rddreg [dreg:$0x0]  }
0x2: {  	s1 =	srdreg.scid;
	s9 =	rddreg [dreg:$0x1]  }
0x3: {  	s0 =	stileid.u32;
	s6 =	rddreg [dreg:$0x2];
	s4 =	simm.s32 $0x1  }
0x4: {  	s5 =	simm.s32 $0x2;
	s12 =	simm.s32 $0x0;
	s1 =	sshll.u32 s1, $0x7  }
0x5: {  	s11 =	simm.s32 $0x0;
	s3 =	sshll.u32 s0, $0x8;
	s1 =	sand.u32 $0x80, s1  }
0x6: {  	s3 =	sor.u32 s3, s1;
	s1 =	rddreg [dreg:$0x3];
	_ =	strace $0x80000047  }
0x7: {  	s6 =	sadd.s32 $0x21A00, s6;
	s7 =	ssub.s32 $0x800, s3;
	[sflag:s4] =	ssyncpa.u1 $0x0  }
.Ltmp0:
0x8: {  	s10 =	sshrl.u32 s3, $0x3;
	p0 =	sgt.s32 s7, $0x0;
	(pc) =	sbr.rel .LBB2_1-.Ltmp0, $4  }
0x9: {  	[sflag:s5] =	ssyncpa.u1 $0x0;
	s9 =	sadd.s32 s9, s10;
	s7 =	simm.s32 @!p0 $0x0  }
0xa: {  	s10 =	simm.s32 $0x0;
	s8 =	sand.u32 $0xF80, s7;
	s7 =	simm.s32 $0x3  }
0xb: {  	p0 =	sne.s32 s8, $0x0;
	s8 =	simm.s32 $0x1;
	[sflag:s7] =	ssyncpa.u1 $0x0  }
0xc: {  	vm0 =	vmmov $0xffff;
	v0 =	vlaneseq.u32;
	s8 =	simm.s32 @!p0 $0x0;
	s7 =	simm.s32 @!p0 $0x2;
	p0 =	por $0x0, $0x0  }
.LBB2_4:
0xd: {  	vm1 =	vgt.s32 v1, $0x0;
	s13 =	sadd.s32 $0xFFFFFFF0, s15  }
0xe: {  	v1 =	vnsel vm1, $0x0, v1;
	p1 =	sgt.s32 s13, $0x0  }
0xf: {  	v1 =	vmin.u32 v1, $0xF423F;
	s13 =	simm.s32 @!p1 $0x0  }
0x10: {  	v2 =	vshll.u32 v1, $0x1;
	s13 =	smin.u32 s13, $0x10  }
0x11: {  	v1 =	vand.u32 $0x7F, v1;
	v2 =	vand.u32 $0x1FFF00, v2;
	v3 =	vmov s13  }
0x12: {  	v1 =	vor.u32 v1, v2;
	vm1 =	vgt.u32 v3, v0  }
0x13: {  	v2 =	vnsel vm1, $0x7FFFFFFF, v1;
	_ =	sdelay $0x1  }
0x14: {  	v1 =	vor.u32 $0x80, v1  }
0x15: {  	(ifvalue) =	ssetifvalue $0x7FFFFFFF;
	v1 =	vnsel vm1, $0x7FFFFFFF, v1  }
0x16: {  	s29 =	sadd.s32 s17, s16;
	(ifvalue) =	ssetifvalue $0x7FFFFFFF  }
0x17: {  	[tilespmem:s29], [sflag:$0x1] =	stream.indirect_vreg.gather [hbm4b:s2+s10], $0x1, v2, vm0, $0x4038;
	[tilespmem:$0x300] =	vst v63  }
0x18: {  	(ifvalue) =	ssetifvalue $0x7FFFFFFF  }
0x19: {  	s30 =	sshll.u32 s12, $0x1;
	s13 =	sadd.s32 $0x80, s29;
	(ifvalue) =	ssetifvalue $0x7FFFFFFF  }
0x1a: {  	[tilespmem:s13], [sflag:$0x1] =	stream.indirect_vreg.gather [hbm4b:s2+s10], $0x1, v1, vm0, $0x4038;
	[tilespmem:$0x300] =	vst v63  }
0x1b: {  	s31 =	sand.u32 $0x78, s12;
	s13 =	sand.u32 $0x7FFFFF00, s30  }
0x1c: {  	_ =	swait.ge [sflag:s4], $0x100;
	s12 =	sor.u32 s31, s13  }
0x1d: {  	[sflag:s4] =	ssyncset.done $0x0;
	s12 =	sshrl.u32 s12, $0x3  }
0x1e: {  	[sflag:s4] =	ssyncadd.s32 $0xFFFFFF00;
	s12 =	sadd.s32 s6, s12  }
0x1f: {  	[hbm:s12] =	stream.linear.scatter [tilespmem:s14], [sflag:$0x3], $0x100, $0x38;
	[tilespmem:$0x300] =	vst v63  }
.LBB2_5:
0x20: {  	p1 =	slt.u32 s11, $0x2;
	s11 =	sadd.s32 $0x1, s11  }
0x21: {  	p2 =	sne.s32 s11, s7  }
.Ltmp1:
0x22: {  	_ = 	snop;
	(pc) =	sbr.rel @!p2 .LBB2_6-.Ltmp1, $4  }
0x23: {  	s12 =	simm.s32 @!p1 $0x3  }
0x24: {  	_ =	swait.ge @!p1 [sflag:s12], $0x100  }
0x25: {  	[sflag:s12] =	ssyncset.done @!p1 $0x0  }
0x26: {  	p0 =	por !p0, !p0;
	[sflag:s12] =	ssyncadd.s32 @!p1 $0xFFFFFF00;
	s12 =	smov.u32 s3  }
.LBB2_1:
0x27: {  	p1 =	sge.u32 s11, s8  }
0x28: {  	s31 =	sadd.s32 $0xFFFFFFFF, s11;
	s13 =	simm.s32 @!p1 $0x0;
	s14 =	simm.s32 @!p1 $0x80  }
0x29: {  	[tilespmem:s14], [sflag:$0x2] =	stream.linear.gather @!p1 [hbm4b:s9+s13], $0x80, $0x38;
	[tilespmem:$0x300] =	vst v63  }
0x2a: {  	p1 =	sge.u32 s31, s8  }
.Ltmp2:
0x2b: {  	_ = 	snop;
	(pc) =	sbr.rel @p1 .LBB2_5-.Ltmp2, $1  }
0x2c: {  	_ =	sdelay $0x3  }
0x2d: {  	s14 =	simm.s32 $0x1  }
0x2e: {  	_ =	swait.ge [sflag:s5], $0x80;
	s14 =	simm.s32 @!p0 $0x0  }
0x2f: {  	[sflag:s5] =	ssyncset.done $0x0;
	s13 =	sshll.u32 s14, $0x7  }
0x30: {  	[sflag:s5] =	ssyncadd.s32 $0xFFFFFF80;
	s15 =	sadd.s32 $0x0, s13  }
0x31: {  	v1 =	vld.msk [tilespmem:s15+$0x0 ss:$0x1], $0xffff;
	_ =	sdelay $0x2  }
0x32: {  	s15 =	ssub.s32 $0x800, s12  }
0x33: {  	p1 =	slt.s32 s15, $0x80  }
0x34: {  	s15 =	simm.s32 @!p1 $0x80;
	vm1 =	vgt.s32 v1, $0x0  }
0x35: {  	p1 =	sgt.s32 s15, $0x0;
	s16 =	smov.u32 s15;
	v1 =	vnsel vm1, $0x0, v1  }
0x36: {  	s16 =	simm.s32 @!p1 $0x0;
	v1 =	vmin.u32 v1, $0xF423F  }
0x37: {  	s16 =	smin.u32 s16, $0x10;
	v2 =	vshll.u32 v1, $0x1  }
0x38: {  	v3 =	vmov s16;
	v1 =	vand.u32 $0x7F, v1;
	v2 =	vand.u32 $0x1FFF00, v2  }
0x39: {  	vm1 =	vgt.u32 v3, v0;
	v1 =	vor.u32 v1, v2  }
0x3a: {  	v2 =	vnsel vm1, $0x7FFFFFFF, v1;
	_ =	sdelay $0x1  }
0x3b: {  	s14 =	sshll.u32 s14, $0x8;
	v1 =	vor.u32 $0x80, v1  }
0x3c: {  	(ifvalue) =	ssetifvalue $0x7FFFFFFF;
	s16 =	sadd.s32 $0x100, s14;
	v1 =	vnsel vm1, $0x7FFFFFFF, v1  }
0x3d: {  	s17 =	sand.u32 $0x1, s11;
	(ifvalue) =	ssetifvalue $0x7FFFFFFF;
	s14 =	sadd.s32 $0x0, s16  }
0x3e: {  	[tilespmem:s14], [sflag:$0x1] =	stream.indirect_vreg.gather [hbm4b:s2+s10], $0x1, v2, vm0, $0x4038;
	[tilespmem:$0x300] =	vst v63  }
0x3f: {  	s31 =	sshll.u32 s17, $0x8;
	(ifvalue) =	ssetifvalue $0x7FFFFFFF  }
0x40: {  	s18 =	sadd.s32 $0x10, s13;
	s14 =	sadd.s32 $0x80, s14;
	(ifvalue) =	ssetifvalue $0x7FFFFFFF  }
0x41: {  	[tilespmem:s14], [sflag:$0x1] =	stream.indirect_vreg.gather [hbm4b:s2+s10], $0x1, v1, vm0, $0x4038;
	[tilespmem:$0x300] =	vst v63  }
0x42: {  	s17 =	simm.s32 $0x10;
	s14 =	sadd.s32 $0x100, s31;
	v1 =	vld.msk [tilespmem:s18+$0x0 ss:$0x1], $0xffff;
	s18 =	simm.s32 $0x80  }
.LBB2_3:
0x43: {  	p1 =	sne.s32 s18, $0x1C0;
	_ =	sdelay $0x4  }
0x44: {  	vm1 =	vgt.s32 v1, $0x0;
	s15 =	sadd.s32 $0xFFFFFFF0, s15  }
0x45: {  	v1 =	vnsel vm1, $0x0, v1;
	p2 =	sgt.s32 s15, $0x0;
	s19 =	smov.u32 s15  }
0x46: {  	v1 =	vmin.u32 v1, $0xF423F;
	s19 =	simm.s32 @!p2 $0x0  }
0x47: {  	v2 =	vshll.u32 v1, $0x1;
	s19 =	smin.u32 s19, $0x10  }
0x48: {  	v1 =	vand.u32 $0x7F, v1;
	v2 =	vand.u32 $0x1FFF00, v2;
	v3 =	vmov s19  }
0x49: {  	v1 =	vor.u32 v1, v2;
	vm1 =	vgt.u32 v3, v0  }
0x4a: {  	v2 =	vnsel vm1, $0x7FFFFFFF, v1;
	_ =	sdelay $0x1  }
0x4b: {  	v1 =	vor.u32 $0x80, v1  }
0x4c: {  	v1 =	vnsel vm1, $0x7FFFFFFF, v1;
	(ifvalue) =	ssetifvalue $0x7FFFFFFF  }
0x4d: {  	s19 =	sadd.s32 s17, s16;
	(ifvalue) =	ssetifvalue $0x7FFFFFFF  }
0x4e: {  	[tilespmem:s19], [sflag:$0x1] =	stream.indirect_vreg.gather [hbm4b:s2+s10], $0x1, v2, vm0, $0x4038;
	[tilespmem:$0x300] =	vst v63  }
.Ltmp3:
0x4f: {  	_ = 	snop;
	(pc) =	sbr.rel @p1 .LBB2_3-.Ltmp3, $4  }
0x50: {  	s17 =	sshra.s32 s18, $0x2;
	(ifvalue) =	ssetifvalue $0x7FFFFFFF  }
0x51: {  	s20 =	sadd.s32 s17, s13;
	s19 =	sadd.s32 $0x80, s19;
	(ifvalue) =	ssetifvalue $0x7FFFFFFF  }
0x52: {  	[tilespmem:s19], [sflag:$0x1] =	stream.indirect_vreg.gather [hbm4b:s2+s10], $0x1, v1, vm0, $0x4038;
	[tilespmem:$0x300] =	vst v63  }
0x53: {  	s18 =	sadd.s32 $0x40, s18;
	v1 =	vld.msk [tilespmem:s20+$0x0 ss:$0x1], $0xffff  }
.Ltmp4:
0x54: {  	_ = 	snop;
	(pc) =	sbr.rel .LBB2_4-.Ltmp4, $1  }
0x55: {  	_ =	sdelay $0x3  }
.LBB2_6:
0x56: {  	_ =	sfence.sel $0x180000  }
0x57: {  	s2 =	simm.s32 $0x2;
	[bflag:$0x0] =	sbarrier.arrive $0xFFFF  }
0x58: {  	s30 =	simm.s32 $0x3;
	[sflag:s2] =	ssyncpa.u1 $0x1  }
0x59: {  	s31 =	simm.s32 $0x1;
	[sflag:s30] =	ssyncpa.u1 $0x1  }
0x5a: {  	[sflag:s31] =	ssyncpa.u1 $0x1  }
0x5b: {  	p0 =	sne.s32 s0, $0x0;
	_ =	strace $0x90000047  }
0x5c: {  	s0 =	sadd.s32 @!p0 $0x100000, s1;
	[bflag:$0x2] =	sbarrier.arrive $0xFFFF  }
0x5d: {  	[sflag:s0] =	ssyncadd.tile.s32 @!p0 $0x1;
	_ =	shalt  }
.Lfunc_end2:
_tile_overlayer_lowered:
.L_overlay_start_2:
0x5e: {  	(tag) =	ssettag $0x2  }
0x5f: {  	s0 =	rddreg [dreg:$0x0];
	s2 =	stileid.u32  }
0x60: {  	s1 =	rddreg [dreg:$0x1];
	p0 =	sne.s32 s2, $0x0  }
0x61: {  	s3 =	rddreg [dreg:$0x2];
	[bflag:$0x3] =	sbarrier.arrive $0xFFFF;
	s2 =	simm.s32 @!p0 $0x1C01  }
0x62: {  	[timem:s3], [sflag:s2] =	dma.local @!p0 [hbm:s0], s1  }
0x63: {  	s0 =	simm.s32 @!p0 $0x1  }
0x64: {  	_ =	swait.ge @!p0 [sflag:s0], s1  }
0x65: {  	s1 =	ssub.s32 @!p0 $0x0, s1;
	[sflag:s0] =	ssyncset.done @!p0 $0x0  }
0x66: {  	[sflag:s0] =	ssyncadd.s32 @!p0 s1  }
0x67: {  	[bflag:$0x3] =	sbarrier.arrive $0xFFFF  }
0x68: {  	_ =	shalt  }

// kernel: scatter_offload_async_start
scs
__scs_entry_jumppad:
0x0: {  	(pc) =	sbr.rel $0x88, $3  }
0x1: {  	(tag) =	ssettag $0x0;
	lr =	simm.s32 $0x1  }
0x2: {  	[smem:$0x3F9C] =	sst lr;
	_ =	strace $0xD0000000  }
0x3: {  	_ = 	snop  }
0x4: {  	_ = 	snop  }
0x5: {  	_ = 	snop  }
0x6: {  	_ = 	snop  }
0x7: {  	_ = 	snop  }
__scs_overlays_trampoline_lowered:
0x8: {  	[smem:$0x3FAB] =	sst s0  }
0x9: {  	[smem:$0x3FAC] =	sst s1  }
0xa: {  	[smem:$0x3FAD] =	sst s2  }
0xb: {  	[smem:$0x3FAE] =	sst s3  }
0xc: {  	[smem:$0x3FAF] =	sst s4  }
0xd: {  	[smem:$0x3FB0] =	sst s5  }
0xe: {  	[smem:$0x3FB1] =	sst s6  }
0xf: {  	[smem:$0x3FB2] =	sst s7  }
0x10: {  	[smem:$0x3FB3] =	sst s8  }
0x11: {  	[smem:$0x3FB4] =	sst s9;
	s0 =	simm.s32 @!p0 $0x0  }
0x12: {  	s1 =	sld [smem:$0x3F9A];
	s0 =	simm.s32 @p0 $0x1  }
0x13: {  	[smem:$0x3FB5] =	sst s0;
	s0 =	simm.s32 @!p1 $0x0  }
0x14: {  	s2 =	sld [smem:$0x3F99];
	s0 =	simm.s32 @p1 $0x1  }
0x15: {  	[smem:$0x3FB6] =	sst s0;
	s0 =	simm.s32 @!p2 $0x0  }
0x16: {  	s3 =	sld [smem:$0x3FDB];
	s0 =	simm.s32 @p2 $0x1  }
0x17: {  	s4 =	simm.s32 $0x1BF5;
	[smem:$0x3FB8] =	sst s0  }
0x18: {  	s0 =	sld [smem:$0x3F9B];
	_ =	swait.ge [sflag:s4], $0x0  }
0x19: {  	s7 =	sld [smem:$0x3F9C]  }
0x1a: {  	s8 =	sadd.s32 $0xFFFFE003, lr  }
0x1b: {  	s9 =	sadd.s32 $0xFFFFFEF7, lr;
	s5 =	simm.s32 $0xFFFFFFFF;
	p2 =	slt.u32 s8, $0xFFFFF086  }
0x1c: {  	p1 =	slt.u32 s9, $0xF7A;
	s5 =	simm.s32 @!p2 $0x0  }
0x1d: {  	s5 =	simm.s32 @p1 $0x1;
	p0 =	seq.s32 s7, s2  }
0x1e: {  	s7 =	smul.u32 @!p0 $0xF7A, s2;
	p2 =	seq.s32 @!p0 s5, $0x0  }
0x1f: {  	s9 =	smul.u32 $0xF7A, s1;
	s8 =	simm.s32 @!p0 $0x1BF5;
	p2 =	por !p2, p0  }
0x20: {  	[sflag:s8] =	ssyncset.s32 @!p0 $0xFFFFF086;
	s6 =	sadd.s32 @!p0 s3, s7;
	s7 =	simm.s32 @!p0 $0x108  }
0x21: {  	s3 =	sadd.s32 s3, s9;
	s6 =	sadd.s32 @!p0 $0x88, s6;
	s7 =	simm.s32 @p2 $0x1082  }
0x22: {  	[simem:s7], [sflag:s8] =	dma.local @!p0 [hbm:s6], $0xF7A  }
0x23: {  	s9 =	sor.u32 $0xD0000000, s2;
	s6 =	simm.s32 $0x108;
	_ =	swait.ge @!p0 [sflag:s8], $0x0  }
0x24: {  	s3 =	sadd.s32 $0x88, s3;
	s6 =	simm.s32 @!p1 $0x1082;
	[sflag:s4] =	ssyncset.s32 $0xFFFFF086  }
0x25: {  	[simem:s6], [sflag:s4] =	dma.local [hbm:s3], $0xF7A  }
0x26: {  	[smem:$0x3F9C] =	sst s1;
	(tag) =	ssettag s2;
	_ =	strace s9  }
0x27: {  	s1 =	sld [smem:$0x3FAC]  }
0x28: {  	s2 =	sld [smem:$0x3FAD]  }
0x29: {  	s4 =	sld [smem:$0x3FAF]  }
0x2a: {  	p0 =	seq.s32 s5, $0x0;
	s5 =	sld [smem:$0x3FB0]  }
0x2b: {  	s6 =	sld [smem:$0x3FB1]  }
0x2c: {  	s7 =	sld [smem:$0x3FB2]  }
0x2d: {  	s3 =	simm.s32 $0x108;
	s8 =	sld [smem:$0x3FB3]  }
0x2e: {  	s3 =	simm.s32 @!p0 $0x1082;
	s9 =	sld [smem:$0x3FB4]  }
0x2f: {  	lr =	sadd.s32 s0, s3;
	s0 =	sld [smem:$0x3FAB]  }
0x30: {  	s3 =	sld [smem:$0x3FAE]  }
0x31: {  	[smem:$0x3FB7] =	sst s10  }
0x32: {  	s10 =	sld [smem:$0x3FB5];
	_ =	sdelay $0x3  }
0x33: {  	p0 =	seq.s32 s10, $0x1;
	s10 =	sld [smem:$0x3FB7];
	_ =	sdelay $0x3  }
0x34: {  	[smem:$0x3FB7] =	sst s10  }
0x35: {  	s10 =	sld [smem:$0x3FB6];
	_ =	sdelay $0x3  }
0x36: {  	p1 =	seq.s32 s10, $0x1;
	s10 =	sld [smem:$0x3FB7];
	_ =	sdelay $0x3  }
0x37: {  	[smem:$0x3FB7] =	sst s10  }
0x38: {  	s10 =	sld [smem:$0x3FB8]  }
0x39: {  	_ = 	snop;
	(pc) =	sbr.ind lr, $3  }
0x3a: {  	_ = 	snop  }
0x3b: {  	_ = 	snop  }
0x3c: {  	p2 =	seq.s32 s10, $0x1;
	s10 =	sld [smem:$0x3FB7]  }
0x3d: {  	_ =	shalt  }
0x3e: {  	_ =	shalt  }
0x3f: {  	_ =	shalt  }
0x40: {  	_ =	shalt  }
0x41: {  	_ =	shalt  }
0x42: {  	_ =	shalt  }
0x43: {  	_ =	shalt  }
0x44: {  	_ =	shalt  }
0x45: {  	_ =	shalt  }
0x46: {  	_ =	shalt  }
0x47: {  	_ =	shalt  }
0x48: {  	_ =	shalt  }
0x49: {  	_ =	shalt  }
0x4a: {  	_ =	shalt  }
0x4b: {  	_ =	shalt  }
0x4c: {  	_ =	shalt  }
0x4d: {  	_ =	shalt  }
0x4e: {  	_ =	shalt  }
0x4f: {  	_ =	shalt  }
0x50: {  	_ =	shalt  }
0x51: {  	_ =	shalt  }
0x52: {  	_ =	shalt  }
0x53: {  	_ =	shalt  }
0x54: {  	_ =	shalt  }
0x55: {  	_ =	shalt  }
0x56: {  	_ =	shalt  }
0x57: {  	_ =	shalt  }
0x58: {  	_ =	shalt  }
0x59: {  	_ =	shalt  }
0x5a: {  	_ =	shalt  }
0x5b: {  	_ =	shalt  }
0x5c: {  	_ =	shalt  }
0x5d: {  	_ =	shalt  }
0x5e: {  	_ =	shalt  }
0x5f: {  	_ =	shalt  }
0x60: {  	_ =	shalt  }
0x61: {  	_ =	shalt  }
0x62: {  	_ =	shalt  }
0x63: {  	_ =	shalt  }
0x64: {  	_ =	shalt  }
0x65: {  	_ =	shalt  }
0x66: {  	_ =	shalt  }
0x67: {  	_ =	shalt  }
0x68: {  	_ =	shalt  }
0x69: {  	_ =	shalt  }
0x6a: {  	_ =	shalt  }
0x6b: {  	_ =	shalt  }
0x6c: {  	_ =	shalt  }
0x6d: {  	_ =	shalt  }
0x6e: {  	_ =	shalt  }
0x6f: {  	_ =	shalt  }
0x70: {  	_ =	shalt  }
0x71: {  	_ =	shalt  }
0x72: {  	_ =	shalt  }
0x73: {  	_ =	shalt  }
0x74: {  	_ =	shalt  }
0x75: {  	_ =	shalt  }
0x76: {  	_ =	shalt  }
0x77: {  	_ =	shalt  }
0x78: {  	_ =	shalt  }
0x79: {  	_ =	shalt  }
0x7a: {  	_ =	shalt  }
0x7b: {  	_ =	shalt  }
0x7c: {  	_ =	shalt  }
0x7d: {  	_ =	shalt  }
0x7e: {  	_ =	shalt  }
0x7f: {  	_ =	shalt  }
0x80: {  	_ =	shalt  }
0x81: {  	_ =	shalt  }
0x82: {  	_ =	shalt  }
0x83: {  	_ =	shalt  }
0x84: {  	_ =	shalt  }
0x85: {  	_ =	shalt  }
0x86: {  	_ =	shalt  }
0x87: {  	_ =	shalt  }
.Lfunc_end0:
.L_simem_size_0:
called_computation_lowered:
.L_overlay_start_0:
0x88: {  	s0 =	sld [smem:$0x3FD9]  }
0x89: {  	s1 =	sld [smem:$0x3FFE];
	_ =	sdelay $0x3  }
0x8a: {  	s0 =	sadd.s32 s1, s0  }
0x8b: {  	[smem:$0x3FC3] =	sst s0  }
0x8c: {  	_ = 	snop  }
0x8d: {  	s0 =	sld [smem:$0x3FD0];
	_ =	sdelay $0x2  }
0x8e: {  	s13 =	simm.s32 $0xB;
	s2 =	simm.s32 $0x10  }
0x8f: {  	[smem:s2], [sflag:s13] =	dma.local [hbm:s0], $0x1  }
0x90: {  	_ =	swait.eq [sflag:s13], $0x1  }
0x91: {  	[sflag:s13] =	ssyncset.done $0x0  }
0x92: {  	s14 =	sld [smem:$0x11];
	[sflag:s13] =	ssyncadd.s32 $0xFFFFFFFF  }
0x93: {  	s15 =	sld [smem:$0x12];
	(tm) =	ssettm $0x1  }
0x94: {  	s16 =	sld [smem:$0x3FFB];
	_ =	sdelay $0x3  }
0x95: {  	_ =	strace s16  }
0x96: {  	s2 =	sld [smem:$0x3FFC];
	_ =	sdelay $0x3  }
0x97: {  	_ =	strace s2  }
0x98: {  	s2 =	sld [smem:$0x3FFD];
	_ =	sdelay $0x3  }
0x99: {  	_ =	strace s2  }
0x9a: {  	_ =	strace $0x8FFFFFFF  }
0x9b: {  	s17 =	sld [smem:$0x3FDB];
	_ =	sdelay $0x1  }
0x9c: {  	s3 =	simm.s32 $_scs_section_size  }
0x9d: {  	s4 =	simm.s32 $_size__tile_overlayer_lowered;
	s5 =	simm.s32 $_tile_overlayer_lowered  }
0x9e: {  	s20 =	simm.s32 $0x1BFF;
	s19 =	sshll.u32 s5, $0x1;
	s2 =	sadd.s32 s3, s17  }
0x9f: {  	s6 =	simm.s32 $0x0;
	s18 =	sshll.u32 s4, $0x1;
	s4 =	sadd.s32 s19, s2  }
0xa0: {  	[timem:s6], [sflag:s20] =	dma.local [hbm:s4], s18  }
0xa1: {  	_ =	swait.ge [sflag:s20], s18  }
0xa2: {  	s3 =	ssub.s32 $0x0, s18;
	[sflag:s20] =	ssyncset.done $0x0  }
0xa3: {  	[sflag:s20] =	ssyncadd.s32 s3;
	_ =	sdelay $0x1  }
0xa4: {  	s21 =	simm.s32 $0x1B8B  }
0xa5: {  	_ =	swait.ge [sflag:s21], $0x1  }
0xa6: {  	[sflag:s21] =	ssyncset.done $0x0  }
0xa7: {  	s23 =	simm.s32 $0x1B8E;
	s22 =	sld [smem:$0x3FFE];
	[sflag:s21] =	ssyncadd.s32 $0xFFFFFFFF  }
0xa8: {  	s24 =	simm.s32 $execute0_lowered;
	[smem:$0x3FD2] =	sst s23  }
0xa9: {  	s4 =	sshll.u32 s24, $0x1;
	_ =	strace $0x8000004C;
	[dreg:$0x1] =	wrdreg $0xFFFFFFFF  }
0xaa: {  	s25 =	simm.s32 $_size_execute0_lowered;
	s2 =	sadd.s32 s2, s4;
	[dreg:$0x0] =	wrdreg $0x0  }
0xab: {  	s4 =	sshll.u32 s25, $0x1;
	[dreg:$0x2] =	wrdreg s2  }
0xac: {  	[dreg:$0x3] =	wrdreg s4  }
0xad: {  	[dreg:$0x4] =	wrdreg $0xC0  }
0xae: {  	_ =	task [dreg:s6], $0x5FFFF  }
0xaf: {  	[dreg:$0x1] =	wrdreg $0xFFFFFFFF  }
0xb0: {  	[dreg:$0x0] =	wrdreg $0x60  }
0xb1: {  	[dreg:$0x2] =	wrdreg s22  }
0xb2: {  	[dreg:$0x3] =	wrdreg s15  }
0xb3: {  	[dreg:$0x4] =	wrdreg s14  }
0xb4: {  	[dreg:$0x5] =	wrdreg $0x9  }
0xb5: {  	_ =	task.clear_ibuf [dreg:s6], $0x6FFFF;
	_ =	strace $0x9000004C  }
0xb6: {  	s26 =	simm.s32 $0x9;
	_ =	strace $0x8000004E  }
0xb7: {  	_ =	swait.ge [sflag:s26], $0x1  }
0xb8: {  	[sflag:s26] =	ssyncadd.s32 $0xFFFFFFFF  }
0xb9: {  	_ =	strace $0x9000004E  }
0xba: {  	_ =	sfence  }
0xbb: {  	s28 =	sld [smem:$0x0];
	_ =	sdelay $0x1  }
0xbc: {  	s29 =	srdreg.scid  }
0xbd: {  	s30 =	sshll.u32 s29, $0xD;
	s31 =	sshrl.u32 s29, $0x2  }
0xbe: {  	s1 =	sand.u32 $0x1, s29;
	s2 =	sand.u32 $0x4000, s30;
	s0 =	sadd.s32 s31, s28  }
0xbf: {  	s1 =	sor.u32 s2, s1;
	s0 =	sshll.u32 s0, $0x11  }
0xc0: {  	s0 =	sor.u32 s0, s1  }
0xc1: {  	s0 =	sadd.s32 $0x8F2B, s0  }
0xc2: {  	[sflag:s0] =	ssyncadd.remote.s32 $0x1  }
0xc3: {  	_ =	sfence.sel $0xFFFF  }
0xc4: {  	[dreg:$0x0] =	wrdreg $0xFFFFFFFF;
	(pc) =	sbr.abs _section_cstart, $3  }
0xc5: {  	[dreg:$0x1] =	wrdreg $0xFFFFFFFF  }
0xc6: {  	_ =	task.clear_ibuf [dreg:s6], $0x2FFFF;
	_ =	strace $0x9FFFFFFF  }
0xc7: {  	(tm) =	ssettm $0x7FFFFFFF  }
tec
execute0_lowered:
.L_overlay_start_1:
0x0: {  	(tag) =	ssettag $0x1  }
0x1: {  	s0 =	rddreg [dreg:$0x0]  }
0x2: {  	s2 =	rddreg [dreg:$0x1]  }
0x3: {  	s3 =	rddreg [dreg:$0x2];
	_ =	strace $0x8000004D;
	s4 =	simm.s32 $0x1  }
0x4: {  	v1 =	vimm.s32 $0xFFFFFFFF;
	[sflag:s4] =	ssyncpa.u1 $0x0  }
0x5: {  	[tilespmem:$0x10] =	vst v1  }
0x6: {  	v0 =	vimm.s32 $0x7FFFFFFF;
	[tilespmem:$0x20] =	vst v1  }
0x7: {  	[tilespmem:$0x30] =	vst v0  }
0x8: {  	[tilespmem:$0x40] =	vst v0  }
0x9: {  	[tilespmem:$0x50] =	vst v0  }
0xa: {  	s1 =	simm.s32 $0x2;
	s5 =	stileid.u32;
	s6 =	simm.s32 $0x7;
	[tilespmem:$0x60] =	vst v1  }
0xb: {  	s8 =	simm.s32 $0x8;
	s31 =	simm.s32 $0x9;
	s14 =	simm.s32 $0x0;
	[tilespmem:$0x70] =	vst v1  }
0xc: {  	s15 =	simm.s32 $0xFF;
	p0 =	por $0x0, $0x0;
	s16 =	simm.s32 $0xFFFFC4C0;
	[tilespmem:$0x80] =	vst v1  }
0xd: {  	s17 =	simm.s32 $0xFFFFFFFE;
	s18 =	simm.s32 $0xF;
	s19 =	simm.s32 $0x30;
	v1 =	vimm.s32 $0x0;
	[tilespmem:$0xB0] =	vst v0  }
.Ltmp0:
0xe: {  	s22 =	simm.s32 $0x0;
	s20 =	simm.s32 $0x0;
	[tilespmem:$0x90] =	vst v1;
	(pc) =	sbr.rel .LBB2_1-.Ltmp0, $4  }
0xf: {  	s7 =	smul.u32 $0x187A0, s5;
	s10 =	sshll.u32 s5, $0x1;
	[tilespmem:$0xA0] =	vst v1;
	[sflag:s1] =	ssyncpa.u1 $0x0  }
0x10: {  	s12 =	sshllo.u32 s5, $0x1;
	s11 =	sor.u32 $0x81, s10;
	[sflag:s6] =	ssyncpa.u1 $0x0  }
0x11: {  	vm0 =	vmmov $0xffff;
	v2 =	vlaneseq.u32;
	s13 =	sor.u32 $0x80, s10;
	s1 =	sadd.s32 $0x3200, s0;
	[sflag:s8] =	ssyncpa.u1 $0x0  }
0x12: {  	vm1 =	vmxor vm1, vm1;
	vm2 =	vmmov $0x1;
	vm3 =	vcmask $0x3F3C;
	s9 =	sadd.s32 $0x187A0, s7;
	s21 =	smov.u32 s7;
	[sflag:s31] =	ssyncpa.u1 $0x0  }
.LBB2_10:
0x13: {  	p1 =	slt.u32 s20, $0x3  }
0x14: {  	s0 =	simm.s32 @!p1 $0x2  }
0x15: {  	_ =	swait.ge @!p1 [sflag:s0], $0x1E20  }
0x16: {  	[sflag:s0] =	ssyncset.done @!p1 $0x0  }
0x17: {  	[sflag:s0] =	ssyncadd.s32 @!p1 $0xFFFFE1E0;
	s0 =	simm.s32 @!p1 $0x9  }
0x18: {  	_ =	swait.ge @!p1 [sflag:s0], $0x10  }
0x19: {  	s5 =	sadd.s32 $0x1E20, s21;
	s20 =	sadd.s32 $0x1, s20;
	[sflag:s0] =	ssyncset.done @!p1 $0x0  }
0x1a: {  	[sflag:s0] =	ssyncadd.s32 @!p1 $0xFFFFFFF0;
	p1 =	slt.s32 s5, s9;
	s0 =	smov.u32 s7  }
0x1b: {  	s0 =	smov.u32 @p1 s5;
	p1 =	sne.s32 s20, $0x10  }
.Ltmp1:
0x1c: {  	_ = 	snop;
	(pc) =	sbr.rel @!p1 .LBB2_11-.Ltmp1, $3  }
0x1d: {  	_ =	sdelay $0x1  }
0x1e: {  	s15 =	sadd.s32 $0x1, s15;
	s22 =	smov.u32 s21;
	p0 =	por !p0, !p0  }
0x1f: {  	s16 =	sadd.s32 $0x1E20, s16;
	s17 =	sadd.s32 $0x1, s17;
	s21 =	smov.u32 s0  }
.LBB2_1:
0x20: {  	p1 =	sgt.u32 s20, $0xC  }
0x21: {  	s0 =	smul.u32 @!p1 $0xAB, s20;
	_ =	sdelay $0x1  }
0x22: {  	s0 =	sshrl.u32 @!p1 s0, $0x9  }
0x23: {  	s0 =	sand.u32 @!p1 $0x7F, s0  }
0x24: {  	s0 =	smul.u32 @!p1 $0x3, s0;
	_ =	sdelay $0x1  }
0x25: {  	s0 =	ssub.s32 @!p1 s20, s0  }
0x26: {  	s0 =	sand.u32 @!p1 $0xFF, s0  }
0x27: {  	s0 =	smul.u32 @!p1 $0x7880, s0;
	_ =	sdelay $0x1  }
0x28: {  	s23 =	sshrl.u32 @!p1 s21, $0x3;
	s0 =	sshrl.u32 @!p1 s0, $0x2  }
0x29: {  	s24 =	sand.u32 @!p1 $0x7, s21;
	s23 =	sadd.s32 @!p1 s2, s23;
	s0 =	sadd.s32 @!p1 $0x100, s0  }
0x2a: {  	[tilespmem:s0], [sflag:$0x7] =	stream.linear.gather @!p1 [hbm4b:s23+s24], $0x1E20, $0x38;
	[tilespmem:$0x11040] =	vst v63  }
0x2b: {  	s0 =	sadd.s32 $0xFFFFFFFF, s20  }
0x2c: {  	p1 =	sgt.u32 s0, $0xC  }
.Ltmp2:
0x2d: {  	_ = 	snop;
	(pc) =	sbr.rel @p1 .LBB2_5-.Ltmp2, $1  }
0x2e: {  	_ =	sdelay $0x3  }
0x2f: {  	s23 =	smul.u32 $0xAB, s0;
	_ =	sdelay $0x1  }
0x30: {  	s23 =	sshrl.u32 s23, $0x9  }
0x31: {  	s23 =	sand.u32 $0x7F, s23  }
0x32: {  	s23 =	smul.u32 $0x3, s23;
	_ =	sdelay $0x1  }
0x33: {  	s23 =	ssub.s32 s0, s23  }
0x34: {  	s23 =	sand.u32 $0xFF, s23  }
0x35: {  	s23 =	smul.u32 $0x7880, s23  }
0x36: {  	_ =	swait.ge [sflag:s6], $0x1E20  }
0x37: {  	[sflag:s6] =	ssyncset.done $0x0;
	s23 =	sshrl.u32 s23, $0x2  }
0x38: {  	[sflag:s6] =	ssyncadd.s32 $0xFFFFE1E0;
	(ifvalue) =	ssetifvalue $0xFFFFFFFF;
	v3 =	vld.msk [tilespmem:s23+$0x100 ss:$0x1], $0xffff  }
0x39: {  	s29 =	sand.u32 $0xFF, s15  }
0x3a: {  	s24 =	smulhi.u32 $0x55555556, s29  }
0x3b: {  	p1 =	sne.s32 s20, $0x1  }
0x3c: {  	v4 =	vimm.s32 @!p1 $0x0;
	s24 =	smul.u32 $0x16980, s24  }
0x3d: {  	s23 =	smul.u32 $0x7880, s29;
	v4 =	vperm.xlane @!p1 v3, v4  }
0x3e: {  	s25 =	sshll.u32 s20, $0x4;
	vm4 =	vlt.u32 v3, $0x187C00  }
0x3f: {  	s30 =	sand.u32 $0x10, s25;
	s23 =	ssub.s32 s23, s24;
	v3 =	vnsel vm4, $0xFFFFFFFE, v3;
	vm4 =	vlt.u32 @!p1 v4, $0x187C00  }
0x40: {  	s23 =	sshra.s32 s23, $0x2;
	[tilespmem:s30+$0x60] =	vst v3;
	v3 =	vnsel @!p1 vm4, $0xFFFFFFFE, v4  }
0x41: {  	s26 =	sadd.s32 $0x1F10, s23;
	[tilespmem:$0x80] =	vst @!p1 v3  }
0x42: {  	v3 =	vld.msk [tilespmem:s26+$0x0 ss:$0x1], $0xffff;
	_ =	sdelay $0x4  }
0x43: {  	(xrf1) =	vunique.msk.u32 $0xffff, v3;
	_ =	sdelay $0xd  }
0x44: {  	v4 =	vimm.s32 $0xFFFFFFFF;
	v5, _, _ =	vpop (xrf1)  }
0x45: {  	vm5 =	vne.s32 v3, v4;
	vm4 =	veq.s32 v5, v2  }
0x46: {  	vm6 =	vlt.u32 v3, $0x187C00;
	vm4 =	vmand vm5, vm4  }
0x47: {  	vm4 =	vmand vm6, vm4  }
0x48: {  	v4 =	vnsel vm4, $0xFFFFFFFF, v3  }
0x49: {  	s31 =	sand.u32 $0x1, s0  }
0x4a: {  	s23 =	simm.s32 $0x1E20;
	p1 =	seq.s32 s31, $0x1  }
0x4b: {  	s23 =	simm.s32 @!p1 $0x0  }
0x4c: {  	s24 =	sadd.s32 $0x7970, s23;
	(ifvalue) =	ssetifvalue $0xFFFFFFFF  }
0x4d: {  	v3 =	vperm.xlane v3, v1;
	[tilespmem:s24], [sflag:$0x8] =	stream.indirect_vreg.gather [hbm4b:s1+s14], $0x1, v4, vm0, $0x4038;
	v4 =	vnsel vm6, $0xFFFFFFFE, v4;
	[tilespmem:$0x11040] =	vst v63  }
0x4e: {  	s0 =	simm.s32 $0x0;
	s25 =	sadd.s32 $0xFFFFFFF0, s26;
	[tilespmem:s26+$0x0] =	vst v4  }
.LBB2_3:
0x4f: {  	v4 =	vld.msk [tilespmem:s25+$0x0 ss:$0x1], $0xffff;
	s0 =	sadd.s32 $0x10, s0;
	v5 =	vmov v3;
	s26 =	smov.u32 s25  }
0x50: {  	p1 =	slt.u32 s0, $0x1E10;
	_ =	sdelay $0x4  }
0x51: {  	v3 =	vperm.xlane v4, v1;
	(xrf1) =	vunique.msk.u32 $0xffff, v4;
	_ =	sdelay $0xd  }
0x52: {  	v6, _, _ =	vpop (xrf1)  }
0x53: {  	vm5 =	vne.s32 v4, v5;
	vm4 =	veq.s32 v6, v2  }
0x54: {  	vm6 =	vlt.u32 v4, $0x187C00;
	vm4 =	vmand vm5, vm4  }
0x55: {  	vm4 =	vmand vm6, vm4  }
0x56: {  	v4 =	vnsel vm4, $0xFFFFFFFF, v4  }
.Ltmp3:
0x57: {  	v5 =	vnsel vm6, $0xFFFFFFFE, v4;
	(pc) =	sbr.rel @p1 .LBB2_3-.Ltmp3, $3  }
0x58: {  	_ =	sdelay $0x1  }
0x59: {  	s25 =	sadd.s32 $0xFFFFFFF0, s25;
	s24 =	sadd.s32 $0xFFFFFFF0, s24;
	(ifvalue) =	ssetifvalue $0xFFFFFFFF  }
0x5a: {  	[tilespmem:s24], [sflag:$0x8] =	stream.indirect_vreg.gather [hbm4b:s1+s14], $0x1, v4, vm0, $0x4038;
	[tilespmem:s26+$0x0] =	vst v5  }
0x5b: {  	s0 =	sshrl.u32 s22, $0x3  }
0x5c: {  	s31 =	sadd.s32 $0x97A0, s23;
	s0 =	sadd.s32 s3, s0  }
0x5d: {  	[tilespmem:s31], [sflag:$0x8] =	stream.linear.gather [hbm:s0], $0x1E20, $0x38;
	[tilespmem:$0x11040] =	vst v63  }
.LBB2_5:
0x5e: {  	p1 =	sgt.u32 s20, $0xF  }
.Ltmp4:
0x5f: {  	_ = 	snop;
	(pc) =	sbr.rel @p1 .LBB2_7-.Ltmp4, $1  }
0x60: {  	_ =	sdelay $0x3  }
0x61: {  	s0 =	sshll.u32 s4, s20  }
0x62: {  	s0 =	sand.u32 $0x8003, s0  }
0x63: {  	p1 =	sne.s32 s0, $0x0  }
.Ltmp5:
0x64: {  	_ = 	snop;
	(pc) =	sbr.rel @p1 .LBB2_10-.Ltmp5, $1  }
0x65: {  	_ =	sdelay $0x3  }
.LBB2_7:
0x66: {  	s0 =	sadd.s32 $0xFFFFFFFE, s20  }
0x67: {  	s22 =	smulhi.u32 $0xAAAAAAAB, s0;
	_ =	sdelay $0x1  }
0x68: {  	s22 =	sshrl.u32 s22, $0x1  }
0x69: {  	s22 =	smul.u32 $0x3, s22;
	_ =	sdelay $0x1  }
0x6a: {  	s0 =	ssub.s32 s0, s22  }
0x6b: {  	_ =	swait.ge [sflag:s8], $0x3C40;
	s0 =	smul.u32 $0x1E20, s0  }
0x6c: {  	p1 =	sne.s32 s20, $0xE;
	[sflag:s8] =	ssyncset.done $0x0  }
0x6d: {  	[sflag:s8] =	ssyncadd.s32 $0xFFFFC3C0;
	s22 =	sadd.s32 @!p1 $0x1F1F, s0  }
0x6e: {  	[spmem:s11] =	stream.linear.scatter @!p1 [tilespmem:s22], [sflag:$0x1], $0x1, $0x38;
	[tilespmem:$0x11040] =	vst v63  }
0x6f: {  	s22 =	simm.s32 @!p1 $0x1  }
0x70: {  	_ =	swait.ge @!p1 [sflag:s22], $0x1  }
0x71: {  	s23 =	sshll.u32 s20, $0x4;
	[sflag:s22] =	ssyncset.done @!p1 $0x0  }
0x72: {  	[sflag:s22] =	ssyncadd.s32 @!p1 $0xFFFFFFFF;
	s22 =	sand.u32 $0x10, s23  }
0x73: {  	v4 =	vld [tilespmem:s22+$0x10];
	s26 =	sxor.u32 $0x10, s22  }
0x74: {  	v5 =	vld [tilespmem:s26+$0x60]  }
0x75: {  	v3 =	vld [tilespmem:$0x80];
	_ =	sdelay $0x2  }
0x76: {  	(v2sf) =	vpush v4, $0x0  }
0x77: {  	(v2sf) =	vpush v5, $0x0  }
0x78: {  	(v2sf) =	vpush v3, $0x0;
	_ =	sdelay $0xc  }
0x79: {  	s5 =	spop (v2sf)  }
0x7a: {  	s25 =	spop (v2sf)  }
0x7b: {  	s24 =	spop (v2sf)  }
0x7c: {  	p3 =	seq.s32 s5, s25;
	p2 =	seq.s32 s24, s5  }
0x7d: {  	p2 =	por p3, p2  }
0x7e: {  	s5 =	sand.u32 $0x1, s20;
	v4 =	vpsel p2, $0xFFFFFFFF, v4  }
0x7f: {  	s25 =	smul.u32 $0x1E20, s5;
	[tilespmem:s22+$0x10] =	vst.msk $0x1, v4  }
0x80: {  	v4 =	vld [tilespmem:$0x30]  }
0x81: {  	v5 =	vld [tilespmem:s25+$0x97A0]  }
0x82: {  	v6 =	vld [tilespmem:s22+$0x40];
	_ =	sdelay $0x3  }
0x83: {  	vm4 =	vmmov vm1;
	vm6 =	vmmov vm2;
	vm5 =	vlt.s32 v4, v5  }
0x84: {  	vm4 =	vmmov @p3 vm2;
	s23 =	sshll.u32 s5, $0x4;
	v5 =	vsel vm5, v4, v5;
	vm5 =	vlt.s32 v4, v6  }
0x85: {  	vm6 =	vmmov @p2 vm1;
	s23 =	sor.u32 $0x11020, s23;
	v4 =	vsel vm5, v4, v6;
	[tilespmem:s25+$0x97A0] =	vst.msk vm4, v5  }
0x86: {  	[tilespmem:s23+$0x0] =	vst.msk vm6, v4  }
0x87: {  	v4 =	vld [tilespmem:s25+$0x7970];
	_ =	sdelay $0x4  }
0x88: {  	v4 =	vshift.insert v4, v1, s18  }
0x89: {  	s28 =	sor.u32 $0x40, s26  }
0x8a: {  	v5 =	vimm.s32 $0x7FFFFFFF;
	[tilespmem:s28+$0x0] =	vst.msk $0x1, v4  }
0x8b: {  	[tilespmem:s25+$0x797F] =	vst.msk $0x1, v5  }
0x8c: {  	v4 =	vld [tilespmem:s0+$0x1F10];
	_ =	sdelay $0x1  }
0x8d: {  	s0 =	simm.s32 $0x1  }
0x8e: {  	s28 =	smulhi.u32 $0xAAAAAAAB, s17;
	s0 =	simm.s32 @!p0 $0x0  }
0x8f: {  	s0 =	smul.u32 $0x7880, s0  }
0x90: {  	s28 =	sshrl.u32 s28, $0x1;
	v4 =	vshift.insert v4, v1, s18  }
0x91: {  	s28 =	smul.u32 $0xFFFE9680, s28;
	s0 =	sshrl.u32 s0, $0x2  }
0x92: {  	s29 =	sadd.s32 $0x97A0, s0;
	[tilespmem:s26+$0x10] =	vst.msk $0x1, v4  }
0x93: {  	s5 =	sshra.s32 s28, $0x2;
	v6 =	vld [tilespmem:s29+$0x0]  }
0x94: {  	s30 =	sadd.s32 s5, s16  }
0x95: {  	v7 =	vld [tilespmem:s30+$0x0];
	_ =	sdelay $0x2  }
0x96: {  	vm4 =	vlt.s32 v6, v5  }
0x97: {  	v5 =	vsel vm4, v6, v5  }
0x98: {  	vm4 =	vne.s32 v7, $0xFFFFFFFF;
	v5 =	vxor.u32 $0x80000000, v5  }
0x99: {  	(xrf0) =	vmin.seg.scan.u32 vm4, v5  }
0x9a: {  	s5 =	sadd.s32 $0x5B60, s0  }
0x9b: {  	v8 =	vld [tilespmem:s5+$0x0]  }
0x9c: {  	v6 =	vld [tilespmem:$0xA0];
	_ =	sdelay $0x2  }
0x9d: {  	v5 =	vperm.xlane v4, v1;
	v9, _, _ =	vpop (xrf0)  }
0x9e: {  	vm6 =	veq.s32 v7, v3;
	v9 =	vxor.u32 $0x80000000, v9  }
0x9f: {  	vm8 =	veq.s32 v7, v5;
	vm5 =	veq.s32 v6, $0x1;
	vm7 =	vlt.s32 v9, v8  }
0xa0: {  	vm8 =	vmor vm8, vm6;
	v6 =	vsel vm7, v9, v8;
	vm7 =	vgt.u32 v7, $0xFFFFFFFD  }
0xa1: {  	v10 =	vld [tilespmem:$0x90];
	vm9 =	vmand vm4, vm3;
	vm4 =	vmor vm5, vm6;
	vm5 =	vmor vm8, vm7  }
0xa2: {  	v8 =	vsel vm5, $0xFFFFFFFF, v7;
	_ =	sdelay $0x1  }
0xa3: {  	s28 =	simm.s32 $0x0  }
0xa4: {  	s26 =	sadd.s32 $0xD3E0, s0;
	s0 =	sadd.s32 $0x10, s5;
	s29 =	sadd.s32 $0x10, s29;
	v11 =	vsel vm9, $0x7FFFFFFF, v9;
	v6 =	vsel vm6, v9, v6  }
0xa5: {  	s30 =	sadd.s32 $0x10, s30;
	s31 =	sadd.s32 $0x10, s26;
	[tilespmem:s26+$0x0] =	vst v6;
	v6 =	vsel vm6, v9, v10;
	v7 =	vshift.insert v11, v0, s18;
	(ifvalue) =	ssetifvalue $0xFFFFFFFF  }
.LBB2_8:
0xa6: {  	[hbm4b:s1+s14] =	stream.indirect_vreg.scatter [tilespmem:s26], [sflag:$0x2], $0x1, v8, vm0, $0x4038;
	[tilespmem:$0x11040] =	vst v63  }
0xa7: {  	s28 =	sadd.s32 $0x10, s28;
	s26 =	smov.u32 s31;
	v8 =	vld [tilespmem:s29+$0x0]  }
0xa8: {  	p2 =	slt.u32 s28, $0x1E10  }
0xa9: {  	v9 =	vld [tilespmem:s30+$0x0];
	_ =	sdelay $0x2  }
0xaa: {  	vm5 =	vlt.s32 v8, v7  }
0xab: {  	v7 =	vsel vm5, v8, v7  }
0xac: {  	vm5 =	vne.s32 v9, $0xFFFFFFFF;
	v7 =	vxor.u32 $0x80000000, v7  }
0xad: {  	(xrf0) =	vmin.seg.scan.u32 vm5, v7;
	_ =	sdelay $0x2  }
0xae: {  	v7 =	vld [tilespmem:s0+$0x0];
	_ =	sdelay $0x1  }
0xaf: {  	vm6 =	veq.s32 v9, v3;
	vm7 =	veq.s32 v9, v5  }
0xb0: {  	vm8 =	vgt.u32 v9, $0xFFFFFFFD;
	vm4 =	vmor vm4, vm6;
	vm7 =	vmor vm7, vm6;
	v8, _, _ =	vpop (xrf0)  }
0xb1: {  	vm5 =	vmand vm5, vm3;
	vm7 =	vmor vm7, vm8;
	v10 =	vxor.u32 $0x80000000, v8  }
.Ltmp6:
0xb2: {  	v8 =	vsel vm7, $0xFFFFFFFF, v9;
	vm7 =	vlt.s32 v10, v7;
	v9 =	vsel vm5, $0x7FFFFFFF, v10;
	(pc) =	sbr.rel @p2 .LBB2_8-.Ltmp6, $4  }
0xb3: {  	v6 =	vsel vm6, v10, v6;
	v11 =	vsel vm7, v10, v7;
	v7 =	vshift.insert v9, v0, s18  }
0xb4: {  	v9 =	vsel vm6, v10, v11  }
0xb5: {  	s29 =	sadd.s32 $0x10, s29;
	s30 =	sadd.s32 $0x10, s30;
	[tilespmem:s31+$0x0] =	vst v9  }
0xb6: {  	s0 =	sadd.s32 $0x10, s0;
	s31 =	sadd.s32 $0x10, s31;
	(ifvalue) =	ssetifvalue $0xFFFFFFFF  }
0xb7: {  	_ =	sdelay $0x3  }
0xb8: {  	[hbm4b:s1+s14] =	stream.indirect_vreg.scatter [tilespmem:s26], [sflag:$0x2], $0x1, v8, vm0, $0x4038;
	[tilespmem:$0x11040] =	vst v63  }
0xb9: {  	v3 =	vld [tilespmem:s25+$0xF1F0];
	_ =	sdelay $0x4  }
0xba: {  	v3 =	vshift.insert v3, v1, s18;
	_ =	sdelay $0x1  }
0xbb: {  	[tilespmem:s19+$0x0] =	vst.msk $0x1, v3  }
0xbc: {  	v3 =	vsel vm4, $0x1, v1;
	[tilespmem:$0x90] =	vst v6  }
0xbd: {  	s0 =	sadd.s32 @!p1 $0xF1FF, s25;
	[tilespmem:$0xA0] =	vst v3  }
0xbe: {  	[spmem:s12] =	stream.linear.scatter @!p1 [tilespmem:s0], [sflag:$0x1], $0x1, $0x38;
	[tilespmem:$0x11040] =	vst v63  }
0xbf: {  	s0 =	simm.s32 @!p1 $0x1  }
0xc0: {  	v3 =	vmctz.xlane @!p1 vm4;
	_ =	swait.ge @!p1 [sflag:s0], $0x1  }
0xc1: {  	(v2sf) =	vpush @!p1 v4, $0x0  }
0xc2: {  	(v2sf) =	vpush @!p1 v3, $0x0;
	_ =	sdelay $0xd  }
0xc3: {  	s5 =	spop @!p1 (v2sf)  }
0xc4: {  	s25 =	spop @!p1 (v2sf)  }
0xc5: {  	p2 =	sne.s32 @!p1 s24, s5;
	p3 =	slt.s32 @!p1 s25, $0xF  }
0xc6: {  	[sflag:s0] =	ssyncset.done @!p1 $0x0;
	p2 =	por p2, p1;
	p3 =	por !p3, p1  }
0xc7: {  	[sflag:s0] =	ssyncadd.s32 @!p1 $0xFFFFFFFF;
	v3 =	vimm.s32 @!p2 $0xFFFFFFFF;
	s25 =	simm.s32 @p3 $0xF  }
0xc8: {  	[tilespmem:$0x80] =	vst @!p2 v3;
	s5 =	sadd.s32 @!p1 $0x90, s25  }
0xc9: {  	[spmem:s10] =	stream.linear.scatter @!p1 [tilespmem:s5], [sflag:$0x1], $0x1, $0x38;
	[tilespmem:$0x11040] =	vst v63  }
0xca: {  	_ =	swait.ge @!p1 [sflag:s0], $0x1  }
0xcb: {  	[sflag:s0] =	ssyncset.done @!p1 $0x0  }
0xcc: {  	s5 =	simm.s32 @!p1 $0x80;
	[sflag:s0] =	ssyncadd.s32 @!p1 $0xFFFFFFFF  }
0xcd: {  	[spmem:s13] =	stream.linear.scatter @!p1 [tilespmem:s5], [sflag:$0x1], $0x1, $0x38;
	[tilespmem:$0x11040] =	vst v63  }
0xce: {  	_ =	swait.ge @!p1 [sflag:s0], $0x1  }
0xcf: {  	[sflag:s0] =	ssyncset.done @!p1 $0x0  }
0xd0: {  	[sflag:s0] =	ssyncadd.s32 @!p1 $0xFFFFFFFF;
	(ifvalue) =	ssetifvalue $0xFFFFFFFF;
	v3 =	vld [tilespmem:s22+$0x10];
	_ =	sdelay $0x3  }
.Ltmp7:
0xd1: {  	_ = 	snop;
	(pc) =	sbr.rel .LBB2_10-.Ltmp7, $3  }
0xd2: {  	_ =	sdelay $0x1  }
0xd3: {  	(ifvalue) =	ssetifvalue $0xFFFFFFFF  }
0xd4: {  	[hbm4b:s1+s14] =	stream.indirect_vreg.scatter [tilespmem:s23], [sflag:$0x9], $0x1, v3, vm0, $0x4038;
	[tilespmem:$0x11040] =	vst v63  }
.LBB2_11:
0xd5: {  	_ =	sfence.sel $0x180000  }
0xd6: {  	s0 =	simm.s32 $0x7;
	[bflag:$0x0] =	sbarrier.arrive $0xFFFF  }
0xd7: {  	s26 =	simm.s32 $0x8;
	[sflag:s0] =	ssyncpa.u1 $0x1  }
0xd8: {  	s28 =	simm.s32 $0x9;
	[sflag:s26] =	ssyncpa.u1 $0x1  }
0xd9: {  	[sflag:s28] =	ssyncpa.u1 $0x1  }
0xda: {  	_ =	sfence.stream.spmem  }
0xdb: {  	s29 =	simm.s32 $0x3;
	[bflag:$0x0] =	sbarrier.arrive $0xFFFF  }
0xdc: {  	s30 =	simm.s32 $0x4;
	[sflag:s29] =	ssyncpa.u1 $0x1  }
0xdd: {  	s31 =	simm.s32 $0x3C;
	s2 =	stileid.u32;
	[sflag:s30] =	ssyncpa.u1 $0x1  }
0xde: {  	p0 =	sne.s32 s2, $0x0;
	[sflag:s31] =	ssyncpa.u1 $0x1  }
0xdf: {  	s0 =	simm.s32 @p0 $0x1;
	_ =	sfence @p0  }
0xe0: {  	[sflag:s0] =	ssyncpa.u1 @p0 $0x1;
	s0 =	simm.s32 @p0 $0x2  }
0xe1: {  	[sflag:s0] =	ssyncpa.u1 @p0 $0x1  }
0xe2: {  	_ =	strace @p0 $0x9000004D  }
0xe3: {  	[bflag:$0x2] =	sbarrier.arrive @p0 $0xFFFF  }
0xe4: {  	_ =	shalt @p0  }
.LBB2_12:
0xe5: {  	_ =	sfence.stream.spmem;
	s0 =	simm.s32 $0x5  }
0xe6: {  	s2 =	simm.s32 $0x80;
	s3 =	simm.s32 $0xC0;
	[sflag:s0] =	ssyncpa.u1 $0x0  }
0xe7: {  	[tilespmem:s3], [sflag:$0x5] =	stream.linear.gather [spmem:s2], $0x20, $0x38;
	[tilespmem:$0x11040] =	vst v63  }
0xe8: {  	s30 =	simm.s32 $0xE0;
	s2 =	simm.s32 $0x0  }
0xe9: {  	[tilespmem:s30], [sflag:$0x5] =	stream.linear.gather [spmem:s2], $0x20, $0x38;
	[tilespmem:$0x11040] =	vst v63  }
.Ltmp8:
0xea: {  	_ = 	snop;
	(pc) =	sbr.rel .LBB2_13-.Ltmp8, $4  }
0xeb: {  	_ =	swait.ge [sflag:s0], $0x40  }
0xec: {  	[sflag:s0] =	ssyncset.done $0x0  }
0xed: {  	s31 =	simm.s32 $0x6;
	[sflag:s0] =	ssyncadd.s32 $0xFFFFFFC0  }
0xee: {  	s3 =	simm.s32 $0x0;
	[sflag:s31] =	ssyncpa.u1 $0x0  }
.LBB2_18:
0xef: {  	p0 =	sgt.u32 s4, $0x187BFF  }
0xf0: {  	s0 =	sshrl.u32 @!p0 s4, $0x3  }
0xf1: {  	s4 =	sand.u32 @!p0 $0x7, s4;
	s5 =	simm.s32 @!p0 $0xB0;
	s0 =	sadd.s32 @!p0 s1, s0  }
0xf2: {  	[tilespmem:s5], [sflag:$0x6] =	stream.linear.gather @!p0 [hbm4b:s0+s4], $0x1, $0x38;
	[tilespmem:$0x11040] =	vst v63  }
0xf3: {  	s0 =	simm.s32 @!p0 $0x6  }
0xf4: {  	_ =	swait.ge @!p0 [sflag:s0], $0x1  }
0xf5: {  	[sflag:s0] =	ssyncset.done @!p0 $0x0  }
0xf6: {  	[sflag:s0] =	ssyncadd.s32 @!p0 $0xFFFFFFFF  }
0xf7: {  	v1 =	vld.msk @!p0 [tilespmem:$0xB0], $0x1  }
0xf8: {  	v2 =	vld.msk @!p0 [tilespmem:s3+$0xE0], $0x1;
	_ =	sdelay $0x4  }
0xf9: {  	vm0 =	vlt.s32 @!p0 v2, v1  }
0xfa: {  	v1 =	vsel @!p0 vm0, v2, v1  }
0xfb: {  	[tilespmem:s3+$0xE0] =	vst.msk @!p0 $0x1, v1  }
0xfc: {  	[tilespmem:s2+$0xC0] =	vst.msk $0x1, v0  }
0xfd: {  	v0 =	vld.msk [tilespmem:s3+$0xE0], $0x1;
	_ =	sdelay $0x4  }
0xfe: {  	[tilespmem:s2+$0xE0] =	vst.msk $0x1, v0;
	s2 =	sadd.s32 $0x1, s2  }
.LBB2_20:
0xff: {  	s3 =	sadd.s32 $0x1, s3  }
0x100: {  	p0 =	sne.s32 s3, $0x20  }
.Ltmp9:
0x101: {  	_ = 	snop;
	(pc) =	sbr.rel @!p0 .LBB2_21-.Ltmp9, $1  }
0x102: {  	_ =	sdelay $0x3  }
.LBB2_13:
0x103: {  	v0 =	vld.msk [tilespmem:s3+$0xC0], $0x1;
	_ =	sdelay $0x4  }
0x104: {  	(v2sf) =	vpush v0, $0x0;
	_ =	sdelay $0xe  }
0x105: {  	s4 =	spop (v2sf)  }
0x106: {  	p0 =	seq.s32 s4, $0xFFFFFFFF  }
.Ltmp10:
0x107: {  	_ = 	snop;
	(pc) =	sbr.rel @p0 .LBB2_20-.Ltmp10, $1  }
0x108: {  	_ =	sdelay $0x3  }
0x109: {  	p0 =	slt.s32 s2, $0x1  }
.Ltmp11:
0x10a: {  	_ = 	snop;
	(pc) =	sbr.rel @p0 .LBB2_18-.Ltmp11, $1  }
0x10b: {  	_ =	sdelay $0x3  }
0x10c: {  	s0 =	simm.s32 $0xC0;
	p0 =	por $0x0, $0x0  }
0x10d: {  	v1 =	vld.msk @!p0 [tilespmem:s0+$0x0], $0x1;
	_ =	sdelay $0x4  }
0x10e: {  	(v2sf) =	vpush @!p0 v1, $0x0;
	_ =	sdelay $0xd  }
0x10f: {  	p2 =	sne.s32 s2, $0x1  }
.Ltmp12:
0x110: {  	s5 =	spop @!p0 (v2sf);
	(pc) =	sbr.rel @!p2 .LBB2_17-.Ltmp12, $4  }
0x111: {  	p1 =	seq.s32 @!p0 s4, s5  }
0x112: {  	s5 =	simm.s32 $0x0;
	p1 =	por !p1, p0  }
0x113: {  	s7 =	simm.s32 $0xFFFFFFFF;
	s5 =	simm.s32 @p1 $0xFFFFFFFF  }
0x114: {  	s6 =	simm.s32 $0x1;
	s5 =	smov.u32 @p0 s7  }
.LBB2_16:
0x115: {  	s7 =	smov.u32 s5;
	p0 =	sne.s32 s5, $0xFFFFFFFF  }
0x116: {  	s0 =	sadd.s32 $0x1, s0;
	s5 =	smov.u32 s6;
	s6 =	sadd.s32 $0x1, s6  }
0x117: {  	p1 =	sne.s32 s2, s6;
	v1 =	vld.msk @!p0 [tilespmem:s0+$0x0], $0x1;
	_ =	sdelay $0x4  }
0x118: {  	(v2sf) =	vpush @!p0 v1, $0x0;
	_ =	sdelay $0xe  }
.Ltmp13:
0x119: {  	s8 =	spop @!p0 (v2sf);
	(pc) =	sbr.rel @p1 .LBB2_16-.Ltmp13, $4  }
0x11a: {  	p2 =	seq.s32 @!p0 s4, s8  }
0x11b: {  	p2 =	por !p2, p0  }
0x11c: {  	s5 =	simm.s32 @p2 $0xFFFFFFFF  }
0x11d: {  	s5 =	smov.u32 @p0 s7  }
.LBB2_17:
0x11e: {  	p0 =	sne.s32 s5, $0xFFFFFFFF  }
.Ltmp14:
0x11f: {  	_ = 	snop;
	(pc) =	sbr.rel @!p0 .LBB2_18-.Ltmp14, $1  }
0x120: {  	_ =	sdelay $0x3  }
0x121: {  	v0 =	vld.msk [tilespmem:s3+$0xE0], $0x1  }
0x122: {  	v1 =	vld.msk [tilespmem:s5+$0xE0], $0x1;
	_ =	sdelay $0x2  }
.Ltmp15:
0x123: {  	_ = 	snop;
	(pc) =	sbr.rel .LBB2_20-.Ltmp15, $4  }
0x124: {  	_ = 	snop  }
0x125: {  	vm0 =	vlt.s32 v1, v0  }
0x126: {  	v0 =	vsel vm0, v1, v0  }
0x127: {  	[tilespmem:s5+$0xE0] =	vst.msk $0x1, v0  }
.LBB2_21:
0x128: {  	p0 =	slt.s32 s2, $0x1  }
.Ltmp16:
0x129: {  	_ = 	snop;
	(pc) =	sbr.rel @p0 .LBB2_25-.Ltmp16, $3  }
0x12a: {  	_ =	sdelay $0x1  }
0x12b: {  	s0 =	simm.s32 $0x6  }
0x12c: {  	s3 =	simm.s32 $0x0;
	[sflag:s0] =	ssyncpa.u1 $0x1  }
0x12d: {  	s0 =	simm.s32 $0xC0  }
0x12e: {  	v0 =	vld.msk [tilespmem:s0+$0x0], $0x1;
	_ =	sdelay $0x4  }
0x12f: {  	(v2sf) =	vpush v0, $0x0;
	_ =	sdelay $0xe  }
0x130: {  	s2 =	sadd.s32 $0xFFFFFFFF, s2;
	s4 =	spop (v2sf)  }
0x131: {  	p1 =	sne.s32 s2, $0x0;
	p0 =	sgt.u32 s4, $0x187BFF  }
.Ltmp17:
0x132: {  	s5 =	sshrl.u32 @!p0 s4, $0x3;
	(pc) =	sbr.rel @!p1 .LBB2_24-.Ltmp17, $4  }
0x133: {  	s0 =	simm.s32 $0xE0;
	s4 =	sand.u32 @!p0 $0x7, s4;
	s5 =	sadd.s32 @!p0 s1, s5  }
0x134: {  	[hbm4b:s5+s4] =	stream.linear.scatter @!p0 [tilespmem:s0], [sflag:$0x5], $0x1, $0x38;
	[tilespmem:$0x11040] =	vst v63  }
0x135: {  	s5 =	simm.s32 $0x0  }
0x136: {  	s4 =	simm.s32 $0xC1;
	s5 =	simm.s32 @!p0 $0x4  }
.LBB2_23:
0x137: {  	v0 =	vld.msk [tilespmem:s4+$0x0], $0x1;
	s2 =	sadd.s32 $0xFFFFFFFF, s2;
	s3 =	sadd.s32 s3, s5  }
0x138: {  	p0 =	sne.s32 s2, $0x0;
	_ =	sdelay $0x3  }
0x139: {  	(v2sf) =	vpush v0, $0x0;
	_ =	sdelay $0xe  }
.Ltmp18:
0x13a: {  	s6 =	spop (v2sf);
	(pc) =	sbr.rel @p0 .LBB2_23-.Ltmp18, $4  }
0x13b: {  	s5 =	simm.s32 $0x0;
	p1 =	sgt.u32 s6, $0x187BFF  }
0x13c: {  	s0 =	sadd.s32 $0x1, s0;
	s5 =	simm.s32 @!p1 $0x4;
	s7 =	sshrl.u32 @!p1 s6, $0x3  }
0x13d: {  	s4 =	sadd.s32 $0x1, s4;
	s6 =	sand.u32 @!p1 $0x7, s6;
	s7 =	sadd.s32 @!p1 s1, s7  }
0x13e: {  	[hbm4b:s7+s6] =	stream.linear.scatter @!p1 [tilespmem:s0], [sflag:$0x5], $0x1, $0x38;
	[tilespmem:$0x11040] =	vst v63  }
.LBB2_24:
0x13f: {  	s0 =	sadd.s32 s3, s5  }
0x140: {  	s3 =	sshrl.u32 s0, $0x2  }
.LBB2_25:
0x141: {  	s0 =	simm.s32 $0x5  }
0x142: {  	_ =	swait.ge [sflag:s0], s3  }
0x143: {  	s1 =	ssub.s32 $0x0, s3;
	[sflag:s0] =	ssyncset.done $0x0  }
0x144: {  	[sflag:s0] =	ssyncadd.s32 s1  }
0x145: {  	[sflag:s0] =	ssyncpa.u1 $0x1  }
0x146: {  	s29 =	simm.s32 $0x1;
	_ =	sfence  }
0x147: {  	s30 =	simm.s32 $0x2;
	[sflag:s29] =	ssyncpa.u1 $0x1  }
0x148: {  	[sflag:s30] =	ssyncpa.u1 $0x1  }
0x149: {  	_ =	strace $0x9000004D  }
0x14a: {  	[bflag:$0x2] =	sbarrier.arrive $0xFFFF  }
0x14b: {  	s31 =	rddreg [dreg:$0x3]  }
0x14c: {  	s0 =	sadd.s32 $0x100000, s31  }
0x14d: {  	[sflag:s0] =	ssyncadd.tile.s32 $0x1;
	_ =	shalt  }
.Lfunc_end2:
_tile_overlayer_lowered:
.L_overlay_start_2:
0x14e: {  	(tag) =	ssettag $0x2  }
0x14f: {  	s0 =	rddreg [dreg:$0x0];
	s2 =	stileid.u32  }
0x150: {  	s1 =	rddreg [dreg:$0x1];
	p0 =	sne.s32 s2, $0x0  }
0x151: {  	s3 =	rddreg [dreg:$0x2];
	[bflag:$0x3] =	sbarrier.arrive $0xFFFF;
	s2 =	simm.s32 @!p0 $0x1C01  }
0x152: {  	[timem:s3], [sflag:s2] =	dma.local @!p0 [hbm:s0], s1  }
0x153: {  	s0 =	simm.s32 @!p0 $0x1  }
0x154: {  	_ =	swait.ge @!p0 [sflag:s0], s1  }
0x155: {  	s1 =	ssub.s32 @!p0 $0x0, s1;
	[sflag:s0] =	ssyncset.done @!p0 $0x0  }
0x156: {  	[sflag:s0] =	ssyncadd.s32 @!p0 s1  }
0x157: {  	[bflag:$0x3] =	sbarrier.arrive $0xFFFF  }
0x158: {  	_ =	shalt  }

</sc_bundles>
